<compile_context>
chip_gen: v7x
topology: tpu7x:2x2x1
jax: 0.10.2.dev20260603
libtpu: 0.0.44.dev20260713+nightly
codegen_flags: <defaults>
</compile_context>

<pallas_src>
import functools

import jax
import jax.numpy as jnp
from jax import lax
from jax.experimental import pallas as pl
from jax.experimental.pallas import tpu as pltpu
from jax.experimental.pallas import tpu_sc as plsc

VOCAB = 100000
EMB = 64
HID = 64
B = 4096
S = 200

NC = 2
NS = 16
NW = NC * NS
TOK = B * S
TPW = TOK // NW
SUB = 128
KSUB = 4
CHUNK = SUB * KSUB

VTILE = 2000

SEGS = (8, 16, 24, 36, 52, 64)


def _project_kernel(emb_ref, wt_ref, b_ref, out_ref):
    out_ref[...] = jnp.dot(
        emb_ref[...], wt_ref[...], preferred_element_type=jnp.float32
    ) + b_ref[...]


@functools.cache
def _sc_gather_fn(ntok):
    assert ntok % (NW * CHUNK) == 0, ntok
    tpw = ntok // NW
    nchunk = tpw // CHUNK
    mesh = plsc.VectorSubcoreMesh(
        core_axis_name="c", subcore_axis_name="s", num_cores=NC, num_subcores=NS
    )

    @functools.partial(
        pl.kernel,
        out_type=jax.ShapeDtypeStruct((ntok, HID), jnp.float32),
        mesh=mesh,
        scratch_types=[
            pltpu.VMEM((2 * KSUB, SUB), jnp.int32),
            pltpu.VMEM((2 * CHUNK, HID), jnp.float32),
            pltpu.SemaphoreType.DMA((2,)),
            pltpu.SemaphoreType.DMA((2,)),
            pltpu.SemaphoreType.DMA((2,)),
        ],
        compiler_params=pltpu.CompilerParams(use_tc_tiling_on_sc=False),
    )
    def _sc_gather(table_hbm, idx_hbm, out_hbm, idx_v, rows_v, isem, gsem, osem):
        wid = lax.axis_index("s") * NC + lax.axis_index("c")
        row_base = wid * (tpw // SUB)
        NCHUNK = nchunk

        def fire_idx(i, b):
            pltpu.async_copy(
                idx_hbm.at[pl.ds(row_base + i * KSUB, KSUB)],
                idx_v.at[pl.ds(b * KSUB, KSUB)],
                isem.at[b],
            )

        def wait_idx(b):
            pltpu.make_async_copy(
                idx_hbm.at[pl.ds(row_base, KSUB)],
                idx_v.at[pl.ds(b * KSUB, KSUB)],
                isem.at[b],
            ).wait()

        def fire_gathers(b):
            for j in range(KSUB):
                pltpu.async_copy(
                    table_hbm.at[idx_v.at[b * KSUB + j]],
                    rows_v.at[pl.ds((b * KSUB + j) * SUB, SUB)],
                    gsem.at[b],
                )

        def wait_gathers(b):
            pltpu.make_async_copy(
                out_hbm.at[pl.ds(0, CHUNK)],
                rows_v.at[pl.ds(b * CHUNK, CHUNK)],
                gsem.at[b],
            ).wait()

        def fire_scatter(i, b):
            pltpu.async_copy(
                rows_v.at[pl.ds(b * CHUNK, CHUNK)],
                out_hbm.at[pl.ds((row_base + i * KSUB) * SUB, CHUNK)],
                osem.at[b],
            )

        def wait_scatter(b):
            pltpu.make_async_copy(
                rows_v.at[pl.ds(b * CHUNK, CHUNK)],
                out_hbm.at[pl.ds(0, CHUNK)],
                osem.at[b],
            ).wait()

        fire_idx(0, 0)
        fire_idx(1, 1)
        wait_idx(0)
        fire_gathers(0)

        @pl.loop(0, NCHUNK)
        def _chunk(i):
            b = lax.rem(i, 2)
            nxt = 1 - b

            @pl.when(i + 1 < NCHUNK)
            def _():
                @pl.when(i >= 1)
                def _():
                    wait_scatter(nxt)

                wait_idx(nxt)
                fire_gathers(nxt)

            wait_gathers(b)

            @pl.when(i + 2 < NCHUNK)
            def _():
                fire_idx(i + 2, b)

            fire_scatter(i, b)

        wait_scatter(0)
        wait_scatter(1)

    return _sc_gather


def _scan_seg_kernel(g_ref, w2_ref, b2_ref, hin_ref, hout_ref, h_ref):
    t = pl.program_id(0)
    nt = pl.num_programs(0)

    @pl.when(t == 0)
    def _():
        h_ref[...] = hin_ref[...]

    h_new = jnp.tanh(
        g_ref[...]
        + jnp.dot(h_ref[...], w2_ref[...], preferred_element_type=jnp.float32)
        + b2_ref[...]
    )
    h_ref[...] = h_new

    @pl.when(t == nt - 1)
    def _():
        hout_ref[...] = h_new


def _classifier_kernel(h_ref, flo_ref, fhi_ref, fcb_ref, out_ref):
    h = h_ref[...]
    lo = jnp.sum(h * flo_ref[...], axis=1, keepdims=True)
    hi = jnp.sum(h * fhi_ref[...], axis=1, keepdims=True)
    logits = jnp.concatenate([lo, hi], axis=1) + fcb_ref[...]
    out_ref[...] = jax.nn.sigmoid(logits)


def _dup_diag(wt):
    z = jnp.zeros_like(wt)
    return jnp.concatenate(
        [jnp.concatenate([wt, z], axis=1), jnp.concatenate([z, wt], axis=1)],
        axis=0,
    )


def kernel(x, emb, W_ih, W_hh, b_ih, b_hh, fc_W, fc_b):
    emb2 = emb.reshape(VOCAB // 2, 2 * EMB)
    w2ih = _dup_diag(W_ih.T)
    b2ih = jnp.concatenate([b_ih, b_ih]).reshape(1, 2 * HID)

    proj2 = pl.pallas_call(
        _project_kernel,
        grid=(VOCAB // 2 // VTILE,),
        in_specs=[
            pl.BlockSpec((VTILE, 2 * EMB), lambda i: (i, 0)),
            pl.BlockSpec((2 * EMB, 2 * HID), lambda i: (0, 0)),
            pl.BlockSpec((1, 2 * HID), lambda i: (0, 0)),
        ],
        out_specs=pl.BlockSpec((VTILE, 2 * HID), lambda i: (i, 0)),
        out_shape=jax.ShapeDtypeStruct((VOCAB // 2, 2 * HID), jnp.float32),
    )(emb2, w2ih, b2ih)

    table = proj2.reshape(VOCAB, HID)
    w2hh = _dup_diag(W_hh.T)
    b2hh = jnp.concatenate([b_hh, b_hh]).reshape(1, 2 * HID)
    zf = jnp.zeros((HID,), jnp.float32)
    flo = jnp.concatenate([fc_W[0], zf]).reshape(1, 2 * HID)
    fhi = jnp.concatenate([zf, fc_W[0]]).reshape(1, 2 * HID)
    fcb2 = jnp.broadcast_to(fc_b.reshape(1, 1), (1, 2))

    bounds = [0]
    for seg in SEGS:
        bounds.append(bounds[-1] + seg)
    gs = []
    for s, seg in enumerate(SEGS):
        idx_s = jnp.transpose(
            lax.slice_in_dim(x, bounds[s], bounds[s + 1], axis=1)
        ).reshape(seg * B // SUB, SUB)
        gs.append(_sc_gather_fn(seg * B)(table, idx_s))

    h = jnp.zeros((B // 2, 2 * HID), jnp.float32)
    for s, seg in enumerate(SEGS):
        toks = seg * B
        g2 = gs[s].reshape(toks // 2, 2 * HID)
        h = pl.pallas_call(
            _scan_seg_kernel,
            grid=(seg,),
            in_specs=[
                pl.BlockSpec((B // 2, 2 * HID), lambda t: (t, 0)),
                pl.BlockSpec((2 * HID, 2 * HID), lambda t: (0, 0)),
                pl.BlockSpec((1, 2 * HID), lambda t: (0, 0)),
                pl.BlockSpec((B // 2, 2 * HID), lambda t: (0, 0)),
            ],
            out_specs=pl.BlockSpec((B // 2, 2 * HID), lambda t: (0, 0)),
            out_shape=jax.ShapeDtypeStruct((B // 2, 2 * HID), jnp.float32),
            scratch_shapes=[pltpu.VMEM((B // 2, 2 * HID), jnp.float32)],
        )(g2, w2hh, b2hh, h)

    out = pl.pallas_call(
        _classifier_kernel,
        grid=(1,),
        in_specs=[
            pl.BlockSpec((B // 2, 2 * HID), lambda i: (0, 0)),
            pl.BlockSpec((1, 2 * HID), lambda i: (0, 0)),
            pl.BlockSpec((1, 2 * HID), lambda i: (0, 0)),
            pl.BlockSpec((1, 2), lambda i: (0, 0)),
        ],
        out_specs=pl.BlockSpec((B // 2, 2), lambda i: (0, 0)),
        out_shape=jax.ShapeDtypeStruct((B // 2, 2), jnp.float32),
    )(h, flo, fhi, fcb2)
    return out.reshape(B)

# --- scband reference (transcript-rebuilt; emitter-appended) ---
"""Pipeline reference for scband-simple-rnnclassifier-61246233640989 (READ-ONLY COPY).

The authoritative reference and input builder live on the scoring server;
editing this copy changes nothing except your own understanding.
"""

import jax, jax.numpy as jnp
import numpy as np

VOCAB = 100000
EMB = 64
HID = 64
OUT = 1
B = 4096
S = 200


def setup_inputs(seed: int = 0) -> dict:
    key = jax.random.key(seed)
    ks = jax.random.split(key, 8)
    x = jax.random.randint(ks[0], (B, S), 0, VOCAB, dtype=jnp.int32)
    emb = jax.random.normal(ks[1], (VOCAB, EMB), dtype=jnp.float32) * 0.02
    emb = emb.at[0].set(0.0)  # padding_idx=0 row is zeros
    s = 1.0 / np.sqrt(HID)
    W_ih = jax.random.uniform(ks[2], (HID, EMB), minval=-s, maxval=s, dtype=jnp.float32)
    W_hh = jax.random.uniform(ks[3], (HID, HID), minval=-s, maxval=s, dtype=jnp.float32)
    b_ih = jax.random.uniform(ks[4], (HID,), minval=-s, maxval=s, dtype=jnp.float32)
    b_hh = jax.random.uniform(ks[5], (HID,), minval=-s, maxval=s, dtype=jnp.float32)
    sf = 1.0 / np.sqrt(HID)
    fc_W = jax.random.uniform(ks[6], (OUT, HID), minval=-sf, maxval=sf, dtype=jnp.float32)
    fc_b = jax.random.uniform(ks[7], (OUT,), minval=-sf, maxval=sf, dtype=jnp.float32)
    return {"x": x, "emb": emb, "W_ih": W_ih, "W_hh": W_hh, "b_ih": b_ih, "b_hh": b_hh, "fc_W": fc_W, "fc_b": fc_b}


def reference(x, emb, W_ih, W_hh, b_ih, b_hh, fc_W, fc_b):
    # embedding lookup (gather)
    embedded = jnp.take(emb, x, axis=0)  # [B, S, EMB]
    h0 = jnp.zeros((x.shape[0], HID), dtype=jnp.float32)

    def step(h, xt):
        h_new = jnp.tanh(xt @ W_ih.T + b_ih + h @ W_hh.T + b_hh)
        return h_new, h_new

    xs = jnp.transpose(embedded, (1, 0, 2))  # [S, B, EMB]
    h_last, _ = jax.lax.scan(step, h0, xs)
    # dropout in eval mode = identity
    out = jax.nn.sigmoid(h_last @ fc_W.T + fc_b)  # [B, 1]
    return jnp.squeeze(out)

if __name__ == "__main__":
    import jax
    _d = setup_inputs()
    print(jax.jit(kernel)(*tuple(_d.values())))

</pallas_src>

<mosaic_0001>
#map = affine_map<(d0, d1) -> (0, 0)>
module attributes {stable_mosaic.version = 14 : i64} {
  func.func @_sc_gather(%arg0: i32, %arg1: i32, %arg2: memref<100000x64xf32, #tpu.memory_space<hbm>>, %arg3: memref<256x128xi32, #tpu.memory_space<hbm>>, %arg4: memref<32768x64xf32, #tpu.memory_space<hbm>>, %arg5: memref<8x128xi32, #tpu.memory_space<vmem>>, %arg6: memref<1024x64xf32, #tpu.memory_space<vmem>>, %arg7: memref<2x!tpu.dma_semaphore, #tpu.memory_space<semaphore_mem>>, %arg8: memref<2x!tpu.dma_semaphore, #tpu.memory_space<semaphore_mem>>, %arg9: memref<2x!tpu.dma_semaphore, #tpu.memory_space<semaphore_mem>>) attributes {dimension_semantics = [#tpu.dimension_semantics<core_parallel>, #tpu.dimension_semantics<subcore_parallel>], iteration_bounds = array<i64: 2, 16>, scalar_prefetch = 0 : i64, scratch_operands = 5 : i64, tpu.core_type = #tpu.core_type<sc_vector_subcore>, window_params = [{transform_indices = #map}, {transform_indices = #map}, {transform_indices = #map}]} {
    %mul3A = arith.constant 2 : i32
    %mul3A_0 = arith.muli %arg1, %mul3A : i32
    %add3A = arith.addi %mul3A_0, %arg0 : i32
    %mul3A_1 = arith.constant 8 : i32
    %mul3A_2 = arith.muli %add3A, %mul3A_1 : i32
    %add3A_3 = arith.constant 0 : i32
    %add3A_4 = arith.addi %mul3A_2, %add3A_3 : i32
    %dma_start3A = arith.constant 0 : i32
    %dma_start3A_5 = arith.constant 0 : i32
    %dma_start3A_6 = arith.constant 0 : i32
    %dma_start3A_7 = tpu.memref_slice %arg5[%dma_start3A_5, %dma_start3A_6] : memref<8x128xi32, #tpu.memory_space<vmem>> -> memref<4x128xi32, #tpu.memory_space<vmem>>
    %dma_start3A_8 = arith.constant 0 : i32
    %dma_start3A_9 = tpu.memref_slice %arg3[%add3A_4, %dma_start3A_8] : memref<256x128xi32, #tpu.memory_space<hbm>> -> memref<4x128xi32, #tpu.memory_space<hbm>>
    %dma_start3A_10 = tpu.memref_slice %arg7[%dma_start3A] : memref<2x!tpu.dma_semaphore, #tpu.memory_space<semaphore_mem>> -> memref<1x!tpu.dma_semaphore, #tpu.memory_space<semaphore_mem>>
    %dma_start3A_11 = tpu.memref_squeeze %dma_start3A_10 : memref<1x!tpu.dma_semaphore, #tpu.memory_space<semaphore_mem>> -> memref<!tpu.dma_semaphore, #tpu.memory_space<semaphore_mem>>
    %dma_start3A_12 = arith.constant 0 : i32
    %dma_start3A_13 = arith.constant 0 : i32
    %dma_start3A_14 = tpu.memref_slice %arg5[%dma_start3A_12, %dma_start3A_13] : memref<8x128xi32, #tpu.memory_space<vmem>> -> memref<4x128xi32, #tpu.memory_space<vmem>>
    %dma_start3A_15 = arith.constant 0 : i32
    %dma_start3A_16 = tpu.memref_slice %arg3[%add3A_4, %dma_start3A_15] : memref<256x128xi32, #tpu.memory_space<hbm>> -> memref<4x128xi32, #tpu.memory_space<hbm>>
    tpu.enqueue_dma source(%dma_start3A_16 : memref<4x128xi32, #tpu.memory_space<hbm>>) target(%dma_start3A_14 : memref<4x128xi32, #tpu.memory_space<vmem>>) target_semaphore(%dma_start3A_11 : memref<!tpu.dma_semaphore, #tpu.memory_space<semaphore_mem>>)
    %add3A_17 = arith.constant 4 : i32
    %add3A_18 = arith.addi %mul3A_2, %add3A_17 : i32
    %dma_start3A_19 = arith.constant 1 : i32
    %dma_start3A_20 = arith.constant 4 : i32
    %dma_start3A_21 = arith.constant 0 : i32
    %dma_start3A_22 = tpu.memref_slice %arg5[%dma_start3A_20, %dma_start3A_21] : memref<8x128xi32, #tpu.memory_space<vmem>> -> memref<4x128xi32, #tpu.memory_space<vmem>>
    %dma_start3A_23 = arith.constant 0 : i32
    %dma_start3A_24 = tpu.memref_slice %arg3[%add3A_18, %dma_start3A_23] : memref<256x128xi32, #tpu.memory_space<hbm>> -> memref<4x128xi32, #tpu.memory_space<hbm>>
    %dma_start3A_25 = tpu.memref_slice %arg7[%dma_start3A_19] : memref<2x!tpu.dma_semaphore, #tpu.memory_space<semaphore_mem>> -> memref<1x!tpu.dma_semaphore, #tpu.memory_space<semaphore_mem>>
    %dma_start3A_26 = tpu.memref_squeeze %dma_start3A_25 : memref<1x!tpu.dma_semaphore, #tpu.memory_space<semaphore_mem>> -> memref<!tpu.dma_semaphore, #tpu.memory_space<semaphore_mem>>
    %dma_start3A_27 = arith.constant 4 : i32
    %dma_start3A_28 = arith.constant 0 : i32
    %dma_start3A_29 = tpu.memref_slice %arg5[%dma_start3A_27, %dma_start3A_28] : memref<8x128xi32, #tpu.memory_space<vmem>> -> memref<4x128xi32, #tpu.memory_space<vmem>>
    %dma_start3A_30 = arith.constant 0 : i32
    %dma_start3A_31 = tpu.memref_slice %arg3[%add3A_18, %dma_start3A_30] : memref<256x128xi32, #tpu.memory_space<hbm>> -> memref<4x128xi32, #tpu.memory_space<hbm>>
    tpu.enqueue_dma source(%dma_start3A_31 : memref<4x128xi32, #tpu.memory_space<hbm>>) target(%dma_start3A_29 : memref<4x128xi32, #tpu.memory_space<vmem>>) target_semaphore(%dma_start3A_26 : memref<!tpu.dma_semaphore, #tpu.memory_space<semaphore_mem>>)
    %dma_wait3A = arith.constant 0 : i32
    %dma_wait3A_32 = arith.constant 0 : i32
    %dma_wait3A_33 = arith.constant 0 : i32
    %dma_wait3A_34 = tpu.memref_slice %arg5[%dma_wait3A_32, %dma_wait3A_33] : memref<8x128xi32, #tpu.memory_space<vmem>> -> memref<4x128xi32, #tpu.memory_space<vmem>>
    %dma_wait3A_35 = arith.constant 0 : i32
    %dma_wait3A_36 = tpu.memref_slice %arg3[%mul3A_2, %dma_wait3A_35] : memref<256x128xi32, #tpu.memory_space<hbm>> -> memref<4x128xi32, #tpu.memory_space<hbm>>
    %dma_wait3A_37 = tpu.memref_slice %arg7[%dma_wait3A] : memref<2x!tpu.dma_semaphore, #tpu.memory_space<semaphore_mem>> -> memref<1x!tpu.dma_semaphore, #tpu.memory_space<semaphore_mem>>
    %dma_wait3A_38 = tpu.memref_squeeze %dma_wait3A_37 : memref<1x!tpu.dma_semaphore, #tpu.memory_space<semaphore_mem>> -> memref<!tpu.dma_semaphore, #tpu.memory_space<semaphore_mem>>
    %dma_wait3A_39 = arith.constant 0 : i32
    %dma_wait3A_40 = arith.constant 0 : i32
    %dma_wait3A_41 = tpu.memref_slice %arg5[%dma_wait3A_39, %dma_wait3A_40] : memref<8x128xi32, #tpu.memory_space<vmem>> -> memref<4x128xi32, #tpu.memory_space<vmem>>
    %dma_wait3A_42 = arith.constant 0 : i32
    %dma_wait3A_43 = tpu.memref_slice %arg3[%mul3A_2, %dma_wait3A_42] : memref<256x128xi32, #tpu.memory_space<hbm>> -> memref<4x128xi32, #tpu.memory_space<hbm>>
    tpu.wait_dma2 semaphore(%dma_wait3A_38 : memref<!tpu.dma_semaphore, #tpu.memory_space<semaphore_mem>>) src(%dma_wait3A_43 : memref<4x128xi32, #tpu.memory_space<hbm>>) dst(%dma_wait3A_41 : memref<4x128xi32, #tpu.memory_space<vmem>>)
    %dma_start3A_44 = arith.constant 0 : i32
    %dma_start3A_45 = arith.constant 0 : i32
    %dma_start3A_46 = arith.constant 0 : i32
    %dma_start3A_47 = arith.constant 0 : i32
    %dma_start3A_48 = tpu.memref_slice %arg6[%dma_start3A_46, %dma_start3A_47] : memref<1024x64xf32, #tpu.memory_space<vmem>> -> memref<128x64xf32, #tpu.memory_space<vmem>>
    %dma_start3A_49 = arith.constant 0 : i32
    %dma_start3A_50 = tpu.memref_slice %arg5[%dma_start3A_44, %dma_start3A_49] : memref<8x128xi32, #tpu.memory_space<vmem>> -> memref<1x128xi32, #tpu.memory_space<vmem>>
    %dma_start3A_51 = tpu.memref_squeeze %dma_start3A_50 : memref<1x128xi32, #tpu.memory_space<vmem>> -> memref<128xi32, #tpu.memory_space<vmem>>
    %dma_start3A_52 = arith.constant 0 : i32
    %dma_start3A_53 = arith.constant 0 : i32
    %dma_start3A_54 = tpu.memref_slice %arg2[%dma_start3A_52, %dma_start3A_53] : memref<100000x64xf32, #tpu.memory_space<hbm>> -> memref<100000x64xf32, #tpu.memory_space<hbm>>
    %dma_start3A_55 = tpu.memref_slice %arg8[%dma_start3A_45] : memref<2x!tpu.dma_semaphore, #tpu.memory_space<semaphore_mem>> -> memref<1x!tpu.dma_semaphore, #tpu.memory_space<semaphore_mem>>
    %dma_start3A_56 = tpu.memref_squeeze %dma_start3A_55 : memref<1x!tpu.dma_semaphore, #tpu.memory_space<semaphore_mem>> -> memref<!tpu.dma_semaphore, #tpu.memory_space<semaphore_mem>>
    tpu.enqueue_indirect_dma source(%dma_start3A_54 : memref<100000x64xf32, #tpu.memory_space<hbm>>) target(%dma_start3A_48 : memref<128x64xf32, #tpu.memory_space<vmem>>) offsets(%dma_start3A_51 : memref<128xi32, #tpu.memory_space<vmem>>) semaphore(%dma_start3A_56 : memref<!tpu.dma_semaphore, #tpu.memory_space<semaphore_mem>>)
    %dma_start3A_57 = arith.constant 1 : i32
    %dma_start3A_58 = arith.constant 0 : i32
    %dma_start3A_59 = arith.constant 128 : i32
    %dma_start3A_60 = arith.constant 0 : i32
    %dma_start3A_61 = tpu.memref_slice %arg6[%dma_start3A_59, %dma_start3A_60] : memref<1024x64xf32, #tpu.memory_space<vmem>> -> memref<128x64xf32, #tpu.memory_space<vmem>>
    %dma_start3A_62 = arith.constant 0 : i32
    %dma_start3A_63 = tpu.memref_slice %arg5[%dma_start3A_57, %dma_start3A_62] : memref<8x128xi32, #tpu.memory_space<vmem>> -> memref<1x128xi32, #tpu.memory_space<vmem>>
    %dma_start3A_64 = tpu.memref_squeeze %dma_start3A_63 : memref<1x128xi32, #tpu.memory_space<vmem>> -> memref<128xi32, #tpu.memory_space<vmem>>
    %dma_start3A_65 = arith.constant 0 : i32
    %dma_start3A_66 = arith.constant 0 : i32
    %dma_start3A_67 = tpu.memref_slice %arg2[%dma_start3A_65, %dma_start3A_66] : memref<100000x64xf32, #tpu.memory_space<hbm>> -> memref<100000x64xf32, #tpu.memory_space<hbm>>
    %dma_start3A_68 = tpu.memref_slice %arg8[%dma_start3A_58] : memref<2x!tpu.dma_semaphore, #tpu.memory_space<semaphore_mem>> -> memref<1x!tpu.dma_semaphore, #tpu.memory_space<semaphore_mem>>
    %dma_start3A_69 = tpu.memref_squeeze %dma_start3A_68 : memref<1x!tpu.dma_semaphore, #tpu.memory_space<semaphore_mem>> -> memref<!tpu.dma_semaphore, #tpu.memory_space<semaphore_mem>>
    tpu.enqueue_indirect_dma source(%dma_start3A_67 : memref<100000x64xf32, #tpu.memory_space<hbm>>) target(%dma_start3A_61 : memref<128x64xf32, #tpu.memory_space<vmem>>) offsets(%dma_start3A_64 : memref<128xi32, #tpu.memory_space<vmem>>) semaphore(%dma_start3A_69 : memref<!tpu.dma_semaphore, #tpu.memory_space<semaphore_mem>>)
    %dma_start3A_70 = arith.constant 2 : i32
    %dma_start3A_71 = arith.constant 0 : i32
    %dma_start3A_72 = arith.constant 256 : i32
    %dma_start3A_73 = arith.constant 0 : i32
    %dma_start3A_74 = tpu.memref_slice %arg6[%dma_start3A_72, %dma_start3A_73] : memref<1024x64xf32, #tpu.memory_space<vmem>> -> memref<128x64xf32, #tpu.memory_space<vmem>>
    %dma_start3A_75 = arith.constant 0 : i32
    %dma_start3A_76 = tpu.memref_slice %arg5[%dma_start3A_70, %dma_start3A_75] : memref<8x128xi32, #tpu.memory_space<vmem>> -> memref<1x128xi32, #tpu.memory_space<vmem>>
    %dma_start3A_77 = tpu.memref_squeeze %dma_start3A_76 : memref<1x128xi32, #tpu.memory_space<vmem>> -> memref<128xi32, #tpu.memory_space<vmem>>
    %dma_start3A_78 = arith.constant 0 : i32
    %dma_start3A_79 = arith.constant 0 : i32
    %dma_start3A_80 = tpu.memref_slice %arg2[%dma_start3A_78, %dma_start3A_79] : memref<100000x64xf32, #tpu.memory_space<hbm>> -> memref<100000x64xf32, #tpu.memory_space<hbm>>
    %dma_start3A_81 = tpu.memref_slice %arg8[%dma_start3A_71] : memref<2x!tpu.dma_semaphore, #tpu.memory_space<semaphore_mem>> -> memref<1x!tpu.dma_semaphore, #tpu.memory_space<semaphore_mem>>
    %dma_start3A_82 = tpu.memref_squeeze %dma_start3A_81 : memref<1x!tpu.dma_semaphore, #tpu.memory_space<semaphore_mem>> -> memref<!tpu.dma_semaphore, #tpu.memory_space<semaphore_mem>>
    tpu.enqueue_indirect_dma source(%dma_start3A_80 : memref<100000x64xf32, #tpu.memory_space<hbm>>) target(%dma_start3A_74 : memref<128x64xf32, #tpu.memory_space<vmem>>) offsets(%dma_start3A_77 : memref<128xi32, #tpu.memory_space<vmem>>) semaphore(%dma_start3A_82 : memref<!tpu.dma_semaphore, #tpu.memory_space<semaphore_mem>>)
    %dma_start3A_83 = arith.constant 3 : i32
    %dma_start3A_84 = arith.constant 0 : i32
    %dma_start3A_85 = arith.constant 384 : i32
    %dma_start3A_86 = arith.constant 0 : i32
    %dma_start3A_87 = tpu.memref_slice %arg6[%dma_start3A_85, %dma_start3A_86] : memref<1024x64xf32, #tpu.memory_space<vmem>> -> memref<128x64xf32, #tpu.memory_space<vmem>>
    %dma_start3A_88 = arith.constant 0 : i32
    %dma_start3A_89 = tpu.memref_slice %arg5[%dma_start3A_83, %dma_start3A_88] : memref<8x128xi32, #tpu.memory_space<vmem>> -> memref<1x128xi32, #tpu.memory_space<vmem>>
    %dma_start3A_90 = tpu.memref_squeeze %dma_start3A_89 : memref<1x128xi32, #tpu.memory_space<vmem>> -> memref<128xi32, #tpu.memory_space<vmem>>
    %dma_start3A_91 = arith.constant 0 : i32
    %dma_start3A_92 = arith.constant 0 : i32
    %dma_start3A_93 = tpu.memref_slice %arg2[%dma_start3A_91, %dma_start3A_92] : memref<100000x64xf32, #tpu.memory_space<hbm>> -> memref<100000x64xf32, #tpu.memory_space<hbm>>
    %dma_start3A_94 = tpu.memref_slice %arg8[%dma_start3A_84] : memref<2x!tpu.dma_semaphore, #tpu.memory_space<semaphore_mem>> -> memref<1x!tpu.dma_semaphore, #tpu.memory_space<semaphore_mem>>
    %dma_start3A_95 = tpu.memref_squeeze %dma_start3A_94 : memref<1x!tpu.dma_semaphore, #tpu.memory_space<semaphore_mem>> -> memref<!tpu.dma_semaphore, #tpu.memory_space<semaphore_mem>>
    tpu.enqueue_indirect_dma source(%dma_start3A_93 : memref<100000x64xf32, #tpu.memory_space<hbm>>) target(%dma_start3A_87 : memref<128x64xf32, #tpu.memory_space<vmem>>) offsets(%dma_start3A_90 : memref<128xi32, #tpu.memory_space<vmem>>) semaphore(%dma_start3A_95 : memref<!tpu.dma_semaphore, #tpu.memory_space<semaphore_mem>>)
    %scan3A = arith.constant 0 : i32
    %scan3A_96 = arith.constant 2 : i32
    %scan3A_97 = arith.addi %scan3A, %scan3A_96 : i32
    %scan3A_98 = arith.constant 1 : i32
    scf.for %scan3A_130 = %scan3A to %scan3A_97 step %scan3A_98  : i32 {
      %mul3A_131 = arith.constant 1 : i32
      %mul3A_132 = arith.muli %scan3A_130, %mul3A_131 : i32
      %add3A_133 = arith.constant 0 : i32
      %add3A_134 = arith.addi %add3A_133, %mul3A_132 : i32
      %rem3A = arith.constant 2 : i32
      %rem3A_135 = arith.remsi %add3A_134, %rem3A : i32
      %sub3A = arith.constant 1 : i32
      %sub3A_136 = arith.subi %sub3A, %rem3A_135 : i32
      %add3A_137 = arith.constant 1 : i32
      %add3A_138 = arith.addi %add3A_134, %add3A_137 : i32
      %lt3A = arith.constant 2 : i32
      %lt3A_139 = arith.cmpi slt, %add3A_138, %lt3A : i32
      %convert_element_type3A = arith.extui %lt3A_139 : i1 to i32
      %cond3A = arith.constant 0 : i32
      %cond3A_140 = arith.cmpi ne, %convert_element_type3A, %cond3A : i32
      scf.if %cond3A_140 {
        %ge3A = arith.constant 1 : i32
        %ge3A_179 = arith.cmpi sge, %add3A_134, %ge3A : i32
        %convert_element_type3A_180 = arith.extui %ge3A_179 : i1 to i32
        %cond3A_181 = arith.constant 0 : i32
        %cond3A_182 = arith.cmpi ne, %convert_element_type3A_180, %cond3A_181 : i32
        scf.if %cond3A_182 {
          %mul3A_275 = arith.constant 512 : i32
          %mul3A_276 = arith.muli %sub3A_136, %mul3A_275 : i32
          %dma_wait3A_277 = arith.constant 0 : i32
          %dma_wait3A_278 = tpu.memref_slice %arg6[%mul3A_276, %dma_wait3A_277] : memref<1024x64xf32, #tpu.memory_space<vmem>> -> memref<512x64xf32, #tpu.memory_space<vmem>>
          %dma_wait3A_279 = arith.constant 0 : i32
          %dma_wait3A_280 = arith.constant 0 : i32
          %dma_wait3A_281 = tpu.memref_slice %arg4[%dma_wait3A_279, %dma_wait3A_280] : memref<32768x64xf32, #tpu.memory_space<hbm>> -> memref<512x64xf32, #tpu.memory_space<hbm>>
          %dma_wait3A_282 = tpu.memref_slice %arg9[%sub3A_136] : memref<2x!tpu.dma_semaphore, #tpu.memory_space<semaphore_mem>> -> memref<1x!tpu.dma_semaphore, #tpu.memory_space<semaphore_mem>>
          %dma_wait3A_283 = tpu.memref_squeeze %dma_wait3A_282 : memref<1x!tpu.dma_semaphore, #tpu.memory_space<semaphore_mem>> -> memref<!tpu.dma_semaphore, #tpu.memory_space<semaphore_mem>>
          %dma_wait3A_284 = arith.constant 0 : i32
          %dma_wait3A_285 = arith.constant 0 : i32
          %dma_wait3A_286 = tpu.memref_slice %arg4[%dma_wait3A_284, %dma_wait3A_285] : memref<32768x64xf32, #tpu.memory_space<hbm>> -> memref<512x64xf32, #tpu.memory_space<hbm>>
          %dma_wait3A_287 = arith.constant 0 : i32
          %dma_wait3A_288 = tpu.memref_slice %arg6[%mul3A_276, %dma_wait3A_287] : memref<1024x64xf32, #tpu.memory_space<vmem>> -> memref<512x64xf32, #tpu.memory_space<vmem>>
          tpu.wait_dma2 semaphore(%dma_wait3A_283 : memref<!tpu.dma_semaphore, #tpu.memory_space<semaphore_mem>>) src(%dma_wait3A_288 : memref<512x64xf32, #tpu.memory_space<vmem>>) dst(%dma_wait3A_286 : memref<512x64xf32, #tpu.memory_space<hbm>>)
        } else {
        }
        %mul3A_183 = arith.constant 4 : i32
        %mul3A_184 = arith.muli %sub3A_136, %mul3A_183 : i32
        %dma_wait3A_185 = arith.constant 0 : i32
        %dma_wait3A_186 = tpu.memref_slice %arg5[%mul3A_184, %dma_wait3A_185] : memref<8x128xi32, #tpu.memory_space<vmem>> -> memref<4x128xi32, #tpu.memory_space<vmem>>
        %dma_wait3A_187 = arith.constant 0 : i32
        %dma_wait3A_188 = tpu.memref_slice %arg3[%mul3A_2, %dma_wait3A_187] : memref<256x128xi32, #tpu.memory_space<hbm>> -> memref<4x128xi32, #tpu.memory_space<hbm>>
        %dma_wait3A_189 = tpu.memref_slice %arg7[%sub3A_136] : memref<2x!tpu.dma_semaphore, #tpu.memory_space<semaphore_mem>> -> memref<1x!tpu.dma_semaphore, #tpu.memory_space<semaphore_mem>>
        %dma_wait3A_190 = tpu.memref_squeeze %dma_wait3A_189 : memref<1x!tpu.dma_semaphore, #tpu.memory_space<semaphore_mem>> -> memref<!tpu.dma_semaphore, #tpu.memory_space<semaphore_mem>>
        %dma_wait3A_191 = arith.constant 0 : i32
        %dma_wait3A_192 = tpu.memref_slice %arg5[%mul3A_184, %dma_wait3A_191] : memref<8x128xi32, #tpu.memory_space<vmem>> -> memref<4x128xi32, #tpu.memory_space<vmem>>
        %dma_wait3A_193 = arith.constant 0 : i32
        %dma_wait3A_194 = tpu.memref_slice %arg3[%mul3A_2, %dma_wait3A_193] : memref<256x128xi32, #tpu.memory_space<hbm>> -> memref<4x128xi32, #tpu.memory_space<hbm>>
        tpu.wait_dma2 semaphore(%dma_wait3A_190 : memref<!tpu.dma_semaphore, #tpu.memory_space<semaphore_mem>>) src(%dma_wait3A_194 : memref<4x128xi32, #tpu.memory_space<hbm>>) dst(%dma_wait3A_192 : memref<4x128xi32, #tpu.memory_space<vmem>>)
        %mul3A_195 = arith.constant 4 : i32
        %mul3A_196 = arith.muli %sub3A_136, %mul3A_195 : i32
        %add3A_197 = arith.constant 0 : i32
        %add3A_198 = arith.addi %mul3A_196, %add3A_197 : i32
        %mul3A_199 = arith.constant 4 : i32
        %mul3A_200 = arith.muli %sub3A_136, %mul3A_199 : i32
        %add3A_201 = arith.constant 0 : i32
        %add3A_202 = arith.addi %mul3A_200, %add3A_201 : i32
        %mul3A_203 = arith.constant 128 : i32
        %mul3A_204 = arith.muli %add3A_202, %mul3A_203 : i32
        %dma_start3A_205 = arith.constant 0 : i32
        %dma_start3A_206 = tpu.memref_slice %arg6[%mul3A_204, %dma_start3A_205] : memref<1024x64xf32, #tpu.memory_space<vmem>> -> memref<128x64xf32, #tpu.memory_space<vmem>>
        %dma_start3A_207 = arith.constant 0 : i32
        %dma_start3A_208 = tpu.memref_slice %arg5[%add3A_198, %dma_start3A_207] : memref<8x128xi32, #tpu.memory_space<vmem>> -> memref<1x128xi32, #tpu.memory_space<vmem>>
        %dma_start3A_209 = tpu.memref_squeeze %dma_start3A_208 : memref<1x128xi32, #tpu.memory_space<vmem>> -> memref<128xi32, #tpu.memory_space<vmem>>
        %dma_start3A_210 = arith.constant 0 : i32
        %dma_start3A_211 = arith.constant 0 : i32
        %dma_start3A_212 = tpu.memref_slice %arg2[%dma_start3A_210, %dma_start3A_211] : memref<100000x64xf32, #tpu.memory_space<hbm>> -> memref<100000x64xf32, #tpu.memory_space<hbm>>
        %dma_start3A_213 = tpu.memref_slice %arg8[%sub3A_136] : memref<2x!tpu.dma_semaphore, #tpu.memory_space<semaphore_mem>> -> memref<1x!tpu.dma_semaphore, #tpu.memory_space<semaphore_mem>>
        %dma_start3A_214 = tpu.memref_squeeze %dma_start3A_213 : memref<1x!tpu.dma_semaphore, #tpu.memory_space<semaphore_mem>> -> memref<!tpu.dma_semaphore, #tpu.memory_space<semaphore_mem>>
        tpu.enqueue_indirect_dma source(%dma_start3A_212 : memref<100000x64xf32, #tpu.memory_space<hbm>>) target(%dma_start3A_206 : memref<128x64xf32, #tpu.memory_space<vmem>>) offsets(%dma_start3A_209 : memref<128xi32, #tpu.memory_space<vmem>>) semaphore(%dma_start3A_214 : memref<!tpu.dma_semaphore, #tpu.memory_space<semaphore_mem>>)
        %mul3A_215 = arith.constant 4 : i32
        %mul3A_216 = arith.muli %sub3A_136, %mul3A_215 : i32
        %add3A_217 = arith.constant 1 : i32
        %add3A_218 = arith.addi %mul3A_216, %add3A_217 : i32
        %mul3A_219 = arith.constant 4 : i32
        %mul3A_220 = arith.muli %sub3A_136, %mul3A_219 : i32
        %add3A_221 = arith.constant 1 : i32
        %add3A_222 = arith.addi %mul3A_220, %add3A_221 : i32
        %mul3A_223 = arith.constant 128 : i32
        %mul3A_224 = arith.muli %add3A_222, %mul3A_223 : i32
        %dma_start3A_225 = arith.constant 0 : i32
        %dma_start3A_226 = tpu.memref_slice %arg6[%mul3A_224, %dma_start3A_225] : memref<1024x64xf32, #tpu.memory_space<vmem>> -> memref<128x64xf32, #tpu.memory_space<vmem>>
        %dma_start3A_227 = arith.constant 0 : i32
        %dma_start3A_228 = tpu.memref_slice %arg5[%add3A_218, %dma_start3A_227] : memref<8x128xi32, #tpu.memory_space<vmem>> -> memref<1x128xi32, #tpu.memory_space<vmem>>
        %dma_start3A_229 = tpu.memref_squeeze %dma_start3A_228 : memref<1x128xi32, #tpu.memory_space<vmem>> -> memref<128xi32, #tpu.memory_space<vmem>>
        %dma_start3A_230 = arith.constant 0 : i32
        %dma_start3A_231 = arith.constant 0 : i32
        %dma_start3A_232 = tpu.memref_slice %arg2[%dma_start3A_230, %dma_start3A_231] : memref<100000x64xf32, #tpu.memory_space<hbm>> -> memref<100000x64xf32, #tpu.memory_space<hbm>>
        %dma_start3A_233 = tpu.memref_slice %arg8[%sub3A_136] : memref<2x!tpu.dma_semaphore, #tpu.memory_space<semaphore_mem>> -> memref<1x!tpu.dma_semaphore, #tpu.memory_space<semaphore_mem>>
        %dma_start3A_234 = tpu.memref_squeeze %dma_start3A_233 : memref<1x!tpu.dma_semaphore, #tpu.memory_space<semaphore_mem>> -> memref<!tpu.dma_semaphore, #tpu.memory_space<semaphore_mem>>
        tpu.enqueue_indirect_dma source(%dma_start3A_232 : memref<100000x64xf32, #tpu.memory_space<hbm>>) target(%dma_start3A_226 : memref<128x64xf32, #tpu.memory_space<vmem>>) offsets(%dma_start3A_229 : memref<128xi32, #tpu.memory_space<vmem>>) semaphore(%dma_start3A_234 : memref<!tpu.dma_semaphore, #tpu.memory_space<semaphore_mem>>)
        %mul3A_235 = arith.constant 4 : i32
        %mul3A_236 = arith.muli %sub3A_136, %mul3A_235 : i32
        %add3A_237 = arith.constant 2 : i32
        %add3A_238 = arith.addi %mul3A_236, %add3A_237 : i32
        %mul3A_239 = arith.constant 4 : i32
        %mul3A_240 = arith.muli %sub3A_136, %mul3A_239 : i32
        %add3A_241 = arith.constant 2 : i32
        %add3A_242 = arith.addi %mul3A_240, %add3A_241 : i32
        %mul3A_243 = arith.constant 128 : i32
        %mul3A_244 = arith.muli %add3A_242, %mul3A_243 : i32
        %dma_start3A_245 = arith.constant 0 : i32
        %dma_start3A_246 = tpu.memref_slice %arg6[%mul3A_244, %dma_start3A_245] : memref<1024x64xf32, #tpu.memory_space<vmem>> -> memref<128x64xf32, #tpu.memory_space<vmem>>
        %dma_start3A_247 = arith.constant 0 : i32
        %dma_start3A_248 = tpu.memref_slice %arg5[%add3A_238, %dma_start3A_247] : memref<8x128xi32, #tpu.memory_space<vmem>> -> memref<1x128xi32, #tpu.memory_space<vmem>>
        %dma_start3A_249 = tpu.memref_squeeze %dma_start3A_248 : memref<1x128xi32, #tpu.memory_space<vmem>> -> memref<128xi32, #tpu.memory_space<vmem>>
        %dma_start3A_250 = arith.constant 0 : i32
        %dma_start3A_251 = arith.constant 0 : i32
        %dma_start3A_252 = tpu.memref_slice %arg2[%dma_start3A_250, %dma_start3A_251] : memref<100000x64xf32, #tpu.memory_space<hbm>> -> memref<100000x64xf32, #tpu.memory_space<hbm>>
        %dma_start3A_253 = tpu.memref_slice %arg8[%sub3A_136] : memref<2x!tpu.dma_semaphore, #tpu.memory_space<semaphore_mem>> -> memref<1x!tpu.dma_semaphore, #tpu.memory_space<semaphore_mem>>
        %dma_start3A_254 = tpu.memref_squeeze %dma_start3A_253 : memref<1x!tpu.dma_semaphore, #tpu.memory_space<semaphore_mem>> -> memref<!tpu.dma_semaphore, #tpu.memory_space<semaphore_mem>>
        tpu.enqueue_indirect_dma source(%dma_start3A_252 : memref<100000x64xf32, #tpu.memory_space<hbm>>) target(%dma_start3A_246 : memref<128x64xf32, #tpu.memory_space<vmem>>) offsets(%dma_start3A_249 : memref<128xi32, #tpu.memory_space<vmem>>) semaphore(%dma_start3A_254 : memref<!tpu.dma_semaphore, #tpu.memory_space<semaphore_mem>>)
        %mul3A_255 = arith.constant 4 : i32
        %mul3A_256 = arith.muli %sub3A_136, %mul3A_255 : i32
        %add3A_257 = arith.constant 3 : i32
        %add3A_258 = arith.addi %mul3A_256, %add3A_257 : i32
        %mul3A_259 = arith.constant 4 : i32
        %mul3A_260 = arith.muli %sub3A_136, %mul3A_259 : i32
        %add3A_261 = arith.constant 3 : i32
        %add3A_262 = arith.addi %mul3A_260, %add3A_261 : i32
        %mul3A_263 = arith.constant 128 : i32
        %mul3A_264 = arith.muli %add3A_262, %mul3A_263 : i32
        %dma_start3A_265 = arith.constant 0 : i32
        %dma_start3A_266 = tpu.memref_slice %arg6[%mul3A_264, %dma_start3A_265] : memref<1024x64xf32, #tpu.memory_space<vmem>> -> memref<128x64xf32, #tpu.memory_space<vmem>>
        %dma_start3A_267 = arith.constant 0 : i32
        %dma_start3A_268 = tpu.memref_slice %arg5[%add3A_258, %dma_start3A_267] : memref<8x128xi32, #tpu.memory_space<vmem>> -> memref<1x128xi32, #tpu.memory_space<vmem>>
        %dma_start3A_269 = tpu.memref_squeeze %dma_start3A_268 : memref<1x128xi32, #tpu.memory_space<vmem>> -> memref<128xi32, #tpu.memory_space<vmem>>
        %dma_start3A_270 = arith.constant 0 : i32
        %dma_start3A_271 = arith.constant 0 : i32
        %dma_start3A_272 = tpu.memref_slice %arg2[%dma_start3A_270, %dma_start3A_271] : memref<100000x64xf32, #tpu.memory_space<hbm>> -> memref<100000x64xf32, #tpu.memory_space<hbm>>
        %dma_start3A_273 = tpu.memref_slice %arg8[%sub3A_136] : memref<2x!tpu.dma_semaphore, #tpu.memory_space<semaphore_mem>> -> memref<1x!tpu.dma_semaphore, #tpu.memory_space<semaphore_mem>>
        %dma_start3A_274 = tpu.memref_squeeze %dma_start3A_273 : memref<1x!tpu.dma_semaphore, #tpu.memory_space<semaphore_mem>> -> memref<!tpu.dma_semaphore, #tpu.memory_space<semaphore_mem>>
        tpu.enqueue_indirect_dma source(%dma_start3A_272 : memref<100000x64xf32, #tpu.memory_space<hbm>>) target(%dma_start3A_266 : memref<128x64xf32, #tpu.memory_space<vmem>>) offsets(%dma_start3A_269 : memref<128xi32, #tpu.memory_space<vmem>>) semaphore(%dma_start3A_274 : memref<!tpu.dma_semaphore, #tpu.memory_space<semaphore_mem>>)
      } else {
      }
      %mul3A_141 = arith.constant 512 : i32
      %mul3A_142 = arith.muli %rem3A_135, %mul3A_141 : i32
      %dma_wait3A_143 = arith.constant 0 : i32
      %dma_wait3A_144 = tpu.memref_slice %arg6[%mul3A_142, %dma_wait3A_143] : memref<1024x64xf32, #tpu.memory_space<vmem>> -> memref<512x64xf32, #tpu.memory_space<vmem>>
      %dma_wait3A_145 = arith.constant 0 : i32
      %dma_wait3A_146 = arith.constant 0 : i32
      %dma_wait3A_147 = tpu.memref_slice %arg4[%dma_wait3A_145, %dma_wait3A_146] : memref<32768x64xf32, #tpu.memory_space<hbm>> -> memref<512x64xf32, #tpu.memory_space<hbm>>
      %dma_wait3A_148 = tpu.memref_slice %arg8[%rem3A_135] : memref<2x!tpu.dma_semaphore, #tpu.memory_space<semaphore_mem>> -> memref<1x!tpu.dma_semaphore, #tpu.memory_space<semaphore_mem>>
      %dma_wait3A_149 = tpu.memref_squeeze %dma_wait3A_148 : memref<1x!tpu.dma_semaphore, #tpu.memory_space<semaphore_mem>> -> memref<!tpu.dma_semaphore, #tpu.memory_space<semaphore_mem>>
      %dma_wait3A_150 = arith.constant 0 : i32
      %dma_wait3A_151 = tpu.memref_slice %arg6[%mul3A_142, %dma_wait3A_150] : memref<1024x64xf32, #tpu.memory_space<vmem>> -> memref<512x64xf32, #tpu.memory_space<vmem>>
      %dma_wait3A_152 = arith.constant 0 : i32
      %dma_wait3A_153 = arith.constant 0 : i32
      %dma_wait3A_154 = tpu.memref_slice %arg4[%dma_wait3A_152, %dma_wait3A_153] : memref<32768x64xf32, #tpu.memory_space<hbm>> -> memref<512x64xf32, #tpu.memory_space<hbm>>
      tpu.wait_dma2 semaphore(%dma_wait3A_149 : memref<!tpu.dma_semaphore, #tpu.memory_space<semaphore_mem>>) src(%dma_wait3A_154 : memref<512x64xf32, #tpu.memory_space<hbm>>) dst(%dma_wait3A_151 : memref<512x64xf32, #tpu.memory_space<vmem>>)
      %add3A_155 = arith.constant 2 : i32
      %add3A_156 = arith.addi %add3A_134, %add3A_155 : i32
      %lt3A_157 = arith.constant 2 : i32
      %lt3A_158 = arith.cmpi slt, %add3A_156, %lt3A_157 : i32
      %convert_element_type3A_159 = arith.extui %lt3A_158 : i1 to i32
      %cond3A_160 = arith.constant 0 : i32
      %cond3A_161 = arith.cmpi ne, %convert_element_type3A_159, %cond3A_160 : i32
      scf.if %cond3A_161 {
        %add3A_179 = arith.constant 2 : i32
        %add3A_180 = arith.addi %add3A_134, %add3A_179 : i32
        %mul3A_181 = arith.constant 4 : i32
        %mul3A_182 = arith.muli %add3A_180, %mul3A_181 : i32
        %add3A_183 = arith.addi %mul3A_2, %mul3A_182 : i32
        %mul3A_184 = arith.constant 4 : i32
        %mul3A_185 = arith.muli %rem3A_135, %mul3A_184 : i32
        %dma_start3A_186 = arith.constant 0 : i32
        %dma_start3A_187 = tpu.memref_slice %arg5[%mul3A_185, %dma_start3A_186] : memref<8x128xi32, #tpu.memory_space<vmem>> -> memref<4x128xi32, #tpu.memory_space<vmem>>
        %dma_start3A_188 = arith.constant 0 : i32
        %dma_start3A_189 = tpu.memref_slice %arg3[%add3A_183, %dma_start3A_188] : memref<256x128xi32, #tpu.memory_space<hbm>> -> memref<4x128xi32, #tpu.memory_space<hbm>>
        %dma_start3A_190 = tpu.memref_slice %arg7[%rem3A_135] : memref<2x!tpu.dma_semaphore, #tpu.memory_space<semaphore_mem>> -> memref<1x!tpu.dma_semaphore, #tpu.memory_space<semaphore_mem>>
        %dma_start3A_191 = tpu.memref_squeeze %dma_start3A_190 : memref<1x!tpu.dma_semaphore, #tpu.memory_space<semaphore_mem>> -> memref<!tpu.dma_semaphore, #tpu.memory_space<semaphore_mem>>
        %dma_start3A_192 = arith.constant 0 : i32
        %dma_start3A_193 = tpu.memref_slice %arg5[%mul3A_185, %dma_start3A_192] : memref<8x128xi32, #tpu.memory_space<vmem>> -> memref<4x128xi32, #tpu.memory_space<vmem>>
        %dma_start3A_194 = arith.constant 0 : i32
        %dma_start3A_195 = tpu.memref_slice %arg3[%add3A_183, %dma_start3A_194] : memref<256x128xi32, #tpu.memory_space<hbm>> -> memref<4x128xi32, #tpu.memory_space<hbm>>
        tpu.enqueue_dma source(%dma_start3A_195 : memref<4x128xi32, #tpu.memory_space<hbm>>) target(%dma_start3A_193 : memref<4x128xi32, #tpu.memory_space<vmem>>) target_semaphore(%dma_start3A_191 : memref<!tpu.dma_semaphore, #tpu.memory_space<semaphore_mem>>)
      } else {
      }
      %mul3A_162 = arith.constant 512 : i32
      %mul3A_163 = arith.muli %rem3A_135, %mul3A_162 : i32
      %mul3A_164 = arith.constant 4 : i32
      %mul3A_165 = arith.muli %add3A_134, %mul3A_164 : i32
      %add3A_166 = arith.addi %mul3A_2, %mul3A_165 : i32
      %mul3A_167 = arith.constant 128 : i32
      %mul3A_168 = arith.muli %add3A_166, %mul3A_167 : i32
      %dma_start3A_169 = arith.constant 0 : i32
      %dma_start3A_170 = tpu.memref_slice %arg6[%mul3A_163, %dma_start3A_169] : memref<1024x64xf32, #tpu.memory_space<vmem>> -> memref<512x64xf32, #tpu.memory_space<vmem>>
      %dma_start3A_171 = arith.constant 0 : i32
      %dma_start3A_172 = tpu.memref_slice %arg4[%mul3A_168, %dma_start3A_171] : memref<32768x64xf32, #tpu.memory_space<hbm>> -> memref<512x64xf32, #tpu.memory_space<hbm>>
      %dma_start3A_173 = tpu.memref_slice %arg9[%rem3A_135] : memref<2x!tpu.dma_semaphore, #tpu.memory_space<semaphore_mem>> -> memref<1x!tpu.dma_semaphore, #tpu.memory_space<semaphore_mem>>
      %dma_start3A_174 = tpu.memref_squeeze %dma_start3A_173 : memref<1x!tpu.dma_semaphore, #tpu.memory_space<semaphore_mem>> -> memref<!tpu.dma_semaphore, #tpu.memory_space<semaphore_mem>>
      %dma_start3A_175 = arith.constant 0 : i32
      %dma_start3A_176 = tpu.memref_slice %arg4[%mul3A_168, %dma_start3A_175] : memref<32768x64xf32, #tpu.memory_space<hbm>> -> memref<512x64xf32, #tpu.memory_space<hbm>>
      %dma_start3A_177 = arith.constant 0 : i32
      %dma_start3A_178 = tpu.memref_slice %arg6[%mul3A_163, %dma_start3A_177] : memref<1024x64xf32, #tpu.memory_space<vmem>> -> memref<512x64xf32, #tpu.memory_space<vmem>>
      tpu.enqueue_dma source(%dma_start3A_178 : memref<512x64xf32, #tpu.memory_space<vmem>>) target(%dma_start3A_176 : memref<512x64xf32, #tpu.memory_space<hbm>>) target_semaphore(%dma_start3A_174 : memref<!tpu.dma_semaphore, #tpu.memory_space<semaphore_mem>>)
    }
    %scan3A_99 = arith.constant 2 : i32
    %dma_wait3A_100 = arith.constant 0 : i32
    %dma_wait3A_101 = arith.constant 0 : i32
    %dma_wait3A_102 = arith.constant 0 : i32
    %dma_wait3A_103 = tpu.memref_slice %arg6[%dma_wait3A_101, %dma_wait3A_102] : memref<1024x64xf32, #tpu.memory_space<vmem>> -> memref<512x64xf32, #tpu.memory_space<vmem>>
    %dma_wait3A_104 = arith.constant 0 : i32
    %dma_wait3A_105 = arith.constant 0 : i32
    %dma_wait3A_106 = tpu.memref_slice %arg4[%dma_wait3A_104, %dma_wait3A_105] : memref<32768x64xf32, #tpu.memory_space<hbm>> -> memref<512x64xf32, #tpu.memory_space<hbm>>
    %dma_wait3A_107 = tpu.memref_slice %arg9[%dma_wait3A_100] : memref<2x!tpu.dma_semaphore, #tpu.memory_space<semaphore_mem>> -> memref<1x!tpu.dma_semaphore, #tpu.memory_space<semaphore_mem>>
    %dma_wait3A_108 = tpu.memref_squeeze %dma_wait3A_107 : memref<1x!tpu.dma_semaphore, #tpu.memory_space<semaphore_mem>> -> memref<!tpu.dma_semaphore, #tpu.memory_space<semaphore_mem>>
    %dma_wait3A_109 = arith.constant 0 : i32
    %dma_wait3A_110 = arith.constant 0 : i32
    %dma_wait3A_111 = tpu.memref_slice %arg4[%dma_wait3A_109, %dma_wait3A_110] : memref<32768x64xf32, #tpu.memory_space<hbm>> -> memref<512x64xf32, #tpu.memory_space<hbm>>
    %dma_wait3A_112 = arith.constant 0 : i32
    %dma_wait3A_113 = arith.constant 0 : i32
    %dma_wait3A_114 = tpu.memref_slice %arg6[%dma_wait3A_112, %dma_wait3A_113] : memref<1024x64xf32, #tpu.memory_space<vmem>> -> memref<512x64xf32, #tpu.memory_space<vmem>>
    tpu.wait_dma2 semaphore(%dma_wait3A_108 : memref<!tpu.dma_semaphore, #tpu.memory_space<semaphore_mem>>) src(%dma_wait3A_114 : memref<512x64xf32, #tpu.memory_space<vmem>>) dst(%dma_wait3A_111 : memref<512x64xf32, #tpu.memory_space<hbm>>)
    %dma_wait3A_115 = arith.constant 1 : i32
    %dma_wait3A_116 = arith.constant 512 : i32
    %dma_wait3A_117 = arith.constant 0 : i32
    %dma_wait3A_118 = tpu.memref_slice %arg6[%dma_wait3A_116, %dma_wait3A_117] : memref<1024x64xf32, #tpu.memory_space<vmem>> -> memref<512x64xf32, #tpu.memory_space<vmem>>
    %dma_wait3A_119 = arith.constant 0 : i32
    %dma_wait3A_120 = arith.constant 0 : i32
    %dma_wait3A_121 = tpu.memref_slice %arg4[%dma_wait3A_119, %dma_wait3A_120] : memref<32768x64xf32, #tpu.memory_space<hbm>> -> memref<512x64xf32, #tpu.memory_space<hbm>>
    %dma_wait3A_122 = tpu.memref_slice %arg9[%dma_wait3A_115] : memref<2x!tpu.dma_semaphore, #tpu.memory_space<semaphore_mem>> -> memref<1x!tpu.dma_semaphore, #tpu.memory_space<semaphore_mem>>
    %dma_wait3A_123 = tpu.memref_squeeze %dma_wait3A_122 : memref<1x!tpu.dma_semaphore, #tpu.memory_space<semaphore_mem>> -> memref<!tpu.dma_semaphore, #tpu.memory_space<semaphore_mem>>
    %dma_wait3A_124 = arith.constant 0 : i32
    %dma_wait3A_125 = arith.constant 0 : i32
    %dma_wait3A_126 = tpu.memref_slice %arg4[%dma_wait3A_124, %dma_wait3A_125] : memref<32768x64xf32, #tpu.memory_space<hbm>> -> memref<512x64xf32, #tpu.memory_space<hbm>>
    %dma_wait3A_127 = arith.constant 512 : i32
    %dma_wait3A_128 = arith.constant 0 : i32
    %dma_wait3A_129 = tpu.memref_slice %arg6[%dma_wait3A_127, %dma_wait3A_128] : memref<1024x64xf32, #tpu.memory_space<vmem>> -> memref<512x64xf32, #tpu.memory_space<vmem>>
    tpu.wait_dma2 semaphore(%dma_wait3A_123 : memref<!tpu.dma_semaphore, #tpu.memory_space<semaphore_mem>>) src(%dma_wait3A_129 : memref<512x64xf32, #tpu.memory_space<vmem>>) dst(%dma_wait3A_126 : memref<512x64xf32, #tpu.memory_space<hbm>>)
    return
  }
}

#map = affine_map<(d0, d1) -> (0, 0)>
module attributes {stable_mosaic.version = 14 : i64} {
  func.func @_sc_gather(%arg0: i32, %arg1: i32, %arg2: memref<100000x64xf32, #tpu.memory_space<hbm>>, %arg3: memref<768x128xi32, #tpu.memory_space<hbm>>, %arg4: memref<98304x64xf32, #tpu.memory_space<hbm>>, %arg5: memref<8x128xi32, #tpu.memory_space<vmem>>, %arg6: memref<1024x64xf32, #tpu.memory_space<vmem>>, %arg7: memref<2x!tpu.dma_semaphore, #tpu.memory_space<semaphore_mem>>, %arg8: memref<2x!tpu.dma_semaphore, #tpu.memory_space<semaphore_mem>>, %arg9: memref<2x!tpu.dma_semaphore, #tpu.memory_space<semaphore_mem>>) attributes {dimension_semantics = [#tpu.dimension_semantics<core_parallel>, #tpu.dimension_semantics<subcore_parallel>], iteration_bounds = array<i64: 2, 16>, scalar_prefetch = 0 : i64, scratch_operands = 5 : i64, tpu.core_type = #tpu.core_type<sc_vector_subcore>, window_params = [{transform_indices = #map}, {transform_indices = #map}, {transform_indices = #map}]} {
    %mul3A = arith.constant 2 : i32
    %mul3A_0 = arith.muli %arg1, %mul3A : i32
    %add3A = arith.addi %mul3A_0, %arg0 : i32
    %mul3A_1 = arith.constant 24 : i32
    %mul3A_2 = arith.muli %add3A, %mul3A_1 : i32
    %add3A_3 = arith.constant 0 : i32
    %add3A_4 = arith.addi %mul3A_2, %add3A_3 : i32
    %dma_start3A = arith.constant 0 : i32
    %dma_start3A_5 = arith.constant 0 : i32
    %dma_start3A_6 = arith.constant 0 : i32
    %dma_start3A_7 = tpu.memref_slice %arg5[%dma_start3A_5, %dma_start3A_6] : memref<8x128xi32, #tpu.memory_space<vmem>> -> memref<4x128xi32, #tpu.memory_space<vmem>>
    %dma_start3A_8 = arith.constant 0 : i32
    %dma_start3A_9 = tpu.memref_slice %arg3[%add3A_4, %dma_start3A_8] : memref<768x128xi32, #tpu.memory_space<hbm>> -> memref<4x128xi32, #tpu.memory_space<hbm>>
    %dma_start3A_10 = tpu.memref_slice %arg7[%dma_start3A] : memref<2x!tpu.dma_semaphore, #tpu.memory_space<semaphore_mem>> -> memref<1x!tpu.dma_semaphore, #tpu.memory_space<semaphore_mem>>
    %dma_start3A_11 = tpu.memref_squeeze %dma_start3A_10 : memref<1x!tpu.dma_semaphore, #tpu.memory_space<semaphore_mem>> -> memref<!tpu.dma_semaphore, #tpu.memory_space<semaphore_mem>>
    %dma_start3A_12 = arith.constant 0 : i32
    %dma_start3A_13 = arith.constant 0 : i32
    %dma_start3A_14 = tpu.memref_slice %arg5[%dma_start3A_12, %dma_start3A_13] : memref<8x128xi32, #tpu.memory_space<vmem>> -> memref<4x128xi32, #tpu.memory_space<vmem>>
    %dma_start3A_15 = arith.constant 0 : i32
    %dma_start3A_16 = tpu.memref_slice %arg3[%add3A_4, %dma_start3A_15] : memref<768x128xi32, #tpu.memory_space<hbm>> -> memref<4x128xi32, #tpu.memory_space<hbm>>
    tpu.enqueue_dma source(%dma_start3A_16 : memref<4x128xi32, #tpu.memory_space<hbm>>) target(%dma_start3A_14 : memref<4x128xi32, #tpu.memory_space<vmem>>) target_semaphore(%dma_start3A_11 : memref<!tpu.dma_semaphore, #tpu.memory_space<semaphore_mem>>)
    %add3A_17 = arith.constant 4 : i32
    %add3A_18 = arith.addi %mul3A_2, %add3A_17 : i32
    %dma_start3A_19 = arith.constant 1 : i32
    %dma_start3A_20 = arith.constant 4 : i32
    %dma_start3A_21 = arith.constant 0 : i32
    %dma_start3A_22 = tpu.memref_slice %arg5[%dma_start3A_20, %dma_start3A_21] : memref<8x128xi32, #tpu.memory_space<vmem>> -> memref<4x128xi32, #tpu.memory_space<vmem>>
    %dma_start3A_23 = arith.constant 0 : i32
    %dma_start3A_24 = tpu.memref_slice %arg3[%add3A_18, %dma_start3A_23] : memref<768x128xi32, #tpu.memory_space<hbm>> -> memref<4x128xi32, #tpu.memory_space<hbm>>
    %dma_start3A_25 = tpu.memref_slice %arg7[%dma_start3A_19] : memref<2x!tpu.dma_semaphore, #tpu.memory_space<semaphore_mem>> -> memref<1x!tpu.dma_semaphore, #tpu.memory_space<semaphore_mem>>
    %dma_start3A_26 = tpu.memref_squeeze %dma_start3A_25 : memref<1x!tpu.dma_semaphore, #tpu.memory_space<semaphore_mem>> -> memref<!tpu.dma_semaphore, #tpu.memory_space<semaphore_mem>>
    %dma_start3A_27 = arith.constant 4 : i32
    %dma_start3A_28 = arith.constant 0 : i32
    %dma_start3A_29 = tpu.memref_slice %arg5[%dma_start3A_27, %dma_start3A_28] : memref<8x128xi32, #tpu.memory_space<vmem>> -> memref<4x128xi32, #tpu.memory_space<vmem>>
    %dma_start3A_30 = arith.constant 0 : i32
    %dma_start3A_31 = tpu.memref_slice %arg3[%add3A_18, %dma_start3A_30] : memref<768x128xi32, #tpu.memory_space<hbm>> -> memref<4x128xi32, #tpu.memory_space<hbm>>
    tpu.enqueue_dma source(%dma_start3A_31 : memref<4x128xi32, #tpu.memory_space<hbm>>) target(%dma_start3A_29 : memref<4x128xi32, #tpu.memory_space<vmem>>) target_semaphore(%dma_start3A_26 : memref<!tpu.dma_semaphore, #tpu.memory_space<semaphore_mem>>)
    %dma_wait3A = arith.constant 0 : i32
    %dma_wait3A_32 = arith.constant 0 : i32
    %dma_wait3A_33 = arith.constant 0 : i32
    %dma_wait3A_34 = tpu.memref_slice %arg5[%dma_wait3A_32, %dma_wait3A_33] : memref<8x128xi32, #tpu.memory_space<vmem>> -> memref<4x128xi32, #tpu.memory_space<vmem>>
    %dma_wait3A_35 = arith.constant 0 : i32
    %dma_wait3A_36 = tpu.memref_slice %arg3[%mul3A_2, %dma_wait3A_35] : memref<768x128xi32, #tpu.memory_space<hbm>> -> memref<4x128xi32, #tpu.memory_space<hbm>>
    %dma_wait3A_37 = tpu.memref_slice %arg7[%dma_wait3A] : memref<2x!tpu.dma_semaphore, #tpu.memory_space<semaphore_mem>> -> memref<1x!tpu.dma_semaphore, #tpu.memory_space<semaphore_mem>>
    %dma_wait3A_38 = tpu.memref_squeeze %dma_wait3A_37 : memref<1x!tpu.dma_semaphore, #tpu.memory_space<semaphore_mem>> -> memref<!tpu.dma_semaphore, #tpu.memory_space<semaphore_mem>>
    %dma_wait3A_39 = arith.constant 0 : i32
    %dma_wait3A_40 = arith.constant 0 : i32
    %dma_wait3A_41 = tpu.memref_slice %arg5[%dma_wait3A_39, %dma_wait3A_40] : memref<8x128xi32, #tpu.memory_space<vmem>> -> memref<4x128xi32, #tpu.memory_space<vmem>>
    %dma_wait3A_42 = arith.constant 0 : i32
    %dma_wait3A_43 = tpu.memref_slice %arg3[%mul3A_2, %dma_wait3A_42] : memref<768x128xi32, #tpu.memory_space<hbm>> -> memref<4x128xi32, #tpu.memory_space<hbm>>
    tpu.wait_dma2 semaphore(%dma_wait3A_38 : memref<!tpu.dma_semaphore, #tpu.memory_space<semaphore_mem>>) src(%dma_wait3A_43 : memref<4x128xi32, #tpu.memory_space<hbm>>) dst(%dma_wait3A_41 : memref<4x128xi32, #tpu.memory_space<vmem>>)
    %dma_start3A_44 = arith.constant 0 : i32
    %dma_start3A_45 = arith.constant 0 : i32
    %dma_start3A_46 = arith.constant 0 : i32
    %dma_start3A_47 = arith.constant 0 : i32
    %dma_start3A_48 = tpu.memref_slice %arg6[%dma_start3A_46, %dma_start3A_47] : memref<1024x64xf32, #tpu.memory_space<vmem>> -> memref<128x64xf32, #tpu.memory_space<vmem>>
    %dma_start3A_49 = arith.constant 0 : i32
    %dma_start3A_50 = tpu.memref_slice %arg5[%dma_start3A_44, %dma_start3A_49] : memref<8x128xi32, #tpu.memory_space<vmem>> -> memref<1x128xi32, #tpu.memory_space<vmem>>
    %dma_start3A_51 = tpu.memref_squeeze %dma_start3A_50 : memref<1x128xi32, #tpu.memory_space<vmem>> -> memref<128xi32, #tpu.memory_space<vmem>>
    %dma_start3A_52 = arith.constant 0 : i32
    %dma_start3A_53 = arith.constant 0 : i32
    %dma_start3A_54 = tpu.memref_slice %arg2[%dma_start3A_52, %dma_start3A_53] : memref<100000x64xf32, #tpu.memory_space<hbm>> -> memref<100000x64xf32, #tpu.memory_space<hbm>>
    %dma_start3A_55 = tpu.memref_slice %arg8[%dma_start3A_45] : memref<2x!tpu.dma_semaphore, #tpu.memory_space<semaphore_mem>> -> memref<1x!tpu.dma_semaphore, #tpu.memory_space<semaphore_mem>>
    %dma_start3A_56 = tpu.memref_squeeze %dma_start3A_55 : memref<1x!tpu.dma_semaphore, #tpu.memory_space<semaphore_mem>> -> memref<!tpu.dma_semaphore, #tpu.memory_space<semaphore_mem>>
    tpu.enqueue_indirect_dma source(%dma_start3A_54 : memref<100000x64xf32, #tpu.memory_space<hbm>>) target(%dma_start3A_48 : memref<128x64xf32, #tpu.memory_space<vmem>>) offsets(%dma_start3A_51 : memref<128xi32, #tpu.memory_space<vmem>>) semaphore(%dma_start3A_56 : memref<!tpu.dma_semaphore, #tpu.memory_space<semaphore_mem>>)
    %dma_start3A_57 = arith.constant 1 : i32
    %dma_start3A_58 = arith.constant 0 : i32
    %dma_start3A_59 = arith.constant 128 : i32
    %dma_start3A_60 = arith.constant 0 : i32
    %dma_start3A_61 = tpu.memref_slice %arg6[%dma_start3A_59, %dma_start3A_60] : memref<1024x64xf32, #tpu.memory_space<vmem>> -> memref<128x64xf32, #tpu.memory_space<vmem>>
    %dma_start3A_62 = arith.constant 0 : i32
    %dma_start3A_63 = tpu.memref_slice %arg5[%dma_start3A_57, %dma_start3A_62] : memref<8x128xi32, #tpu.memory_space<vmem>> -> memref<1x128xi32, #tpu.memory_space<vmem>>
    %dma_start3A_64 = tpu.memref_squeeze %dma_start3A_63 : memref<1x128xi32, #tpu.memory_space<vmem>> -> memref<128xi32, #tpu.memory_space<vmem>>
    %dma_start3A_65 = arith.constant 0 : i32
    %dma_start3A_66 = arith.constant 0 : i32
    %dma_start3A_67 = tpu.memref_slice %arg2[%dma_start3A_65, %dma_start3A_66] : memref<100000x64xf32, #tpu.memory_space<hbm>> -> memref<100000x64xf32, #tpu.memory_space<hbm>>
    %dma_start3A_68 = tpu.memref_slice %arg8[%dma_start3A_58] : memref<2x!tpu.dma_semaphore, #tpu.memory_space<semaphore_mem>> -> memref<1x!tpu.dma_semaphore, #tpu.memory_space<semaphore_mem>>
    %dma_start3A_69 = tpu.memref_squeeze %dma_start3A_68 : memref<1x!tpu.dma_semaphore, #tpu.memory_space<semaphore_mem>> -> memref<!tpu.dma_semaphore, #tpu.memory_space<semaphore_mem>>
    tpu.enqueue_indirect_dma source(%dma_start3A_67 : memref<100000x64xf32, #tpu.memory_space<hbm>>) target(%dma_start3A_61 : memref<128x64xf32, #tpu.memory_space<vmem>>) offsets(%dma_start3A_64 : memref<128xi32, #tpu.memory_space<vmem>>) semaphore(%dma_start3A_69 : memref<!tpu.dma_semaphore, #tpu.memory_space<semaphore_mem>>)
    %dma_start3A_70 = arith.constant 2 : i32
    %dma_start3A_71 = arith.constant 0 : i32
    %dma_start3A_72 = arith.constant 256 : i32
    %dma_start3A_73 = arith.constant 0 : i32
    %dma_start3A_74 = tpu.memref_slice %arg6[%dma_start3A_72, %dma_start3A_73] : memref<1024x64xf32, #tpu.memory_space<vmem>> -> memref<128x64xf32, #tpu.memory_space<vmem>>
    %dma_start3A_75 = arith.constant 0 : i32
    %dma_start3A_76 = tpu.memref_slice %arg5[%dma_start3A_70, %dma_start3A_75] : memref<8x128xi32, #tpu.memory_space<vmem>> -> memref<1x128xi32, #tpu.memory_space<vmem>>
    %dma_start3A_77 = tpu.memref_squeeze %dma_start3A_76 : memref<1x128xi32, #tpu.memory_space<vmem>> -> memref<128xi32, #tpu.memory_space<vmem>>
    %dma_start3A_78 = arith.constant 0 : i32
    %dma_start3A_79 = arith.constant 0 : i32
    %dma_start3A_80 = tpu.memref_slice %arg2[%dma_start3A_78, %dma_start3A_79] : memref<100000x64xf32, #tpu.memory_space<hbm>> -> memref<100000x64xf32, #tpu.memory_space<hbm>>
    %dma_start3A_81 = tpu.memref_slice %arg8[%dma_start3A_71] : memref<2x!tpu.dma_semaphore, #tpu.memory_space<semaphore_mem>> -> memref<1x!tpu.dma_semaphore, #tpu.memory_space<semaphore_mem>>
    %dma_start3A_82 = tpu.memref_squeeze %dma_start3A_81 : memref<1x!tpu.dma_semaphore, #tpu.memory_space<semaphore_mem>> -> memref<!tpu.dma_semaphore, #tpu.memory_space<semaphore_mem>>
    tpu.enqueue_indirect_dma source(%dma_start3A_80 : memref<100000x64xf32, #tpu.memory_space<hbm>>) target(%dma_start3A_74 : memref<128x64xf32, #tpu.memory_space<vmem>>) offsets(%dma_start3A_77 : memref<128xi32, #tpu.memory_space<vmem>>) semaphore(%dma_start3A_82 : memref<!tpu.dma_semaphore, #tpu.memory_space<semaphore_mem>>)
    %dma_start3A_83 = arith.constant 3 : i32
    %dma_start3A_84 = arith.constant 0 : i32
    %dma_start3A_85 = arith.constant 384 : i32
    %dma_start3A_86 = arith.constant 0 : i32
    %dma_start3A_87 = tpu.memref_slice %arg6[%dma_start3A_85, %dma_start3A_86] : memref<1024x64xf32, #tpu.memory_space<vmem>> -> memref<128x64xf32, #tpu.memory_space<vmem>>
    %dma_start3A_88 = arith.constant 0 : i32
    %dma_start3A_89 = tpu.memref_slice %arg5[%dma_start3A_83, %dma_start3A_88] : memref<8x128xi32, #tpu.memory_space<vmem>> -> memref<1x128xi32, #tpu.memory_space<vmem>>
    %dma_start3A_90 = tpu.memref_squeeze %dma_start3A_89 : memref<1x128xi32, #tpu.memory_space<vmem>> -> memref<128xi32, #tpu.memory_space<vmem>>
    %dma_start3A_91 = arith.constant 0 : i32
    %dma_start3A_92 = arith.constant 0 : i32
    %dma_start3A_93 = tpu.memref_slice %arg2[%dma_start3A_91, %dma_start3A_92] : memref<100000x64xf32, #tpu.memory_space<hbm>> -> memref<100000x64xf32, #tpu.memory_space<hbm>>
    %dma_start3A_94 = tpu.memref_slice %arg8[%dma_start3A_84] : memref<2x!tpu.dma_semaphore, #tpu.memory_space<semaphore_mem>> -> memref<1x!tpu.dma_semaphore, #tpu.memory_space<semaphore_mem>>
    %dma_start3A_95 = tpu.memref_squeeze %dma_start3A_94 : memref<1x!tpu.dma_semaphore, #tpu.memory_space<semaphore_mem>> -> memref<!tpu.dma_semaphore, #tpu.memory_space<semaphore_mem>>
    tpu.enqueue_indirect_dma source(%dma_start3A_93 : memref<100000x64xf32, #tpu.memory_space<hbm>>) target(%dma_start3A_87 : memref<128x64xf32, #tpu.memory_space<vmem>>) offsets(%dma_start3A_90 : memref<128xi32, #tpu.memory_space<vmem>>) semaphore(%dma_start3A_95 : memref<!tpu.dma_semaphore, #tpu.memory_space<semaphore_mem>>)
    %scan3A = arith.constant 0 : i32
    %scan3A_96 = arith.constant 6 : i32
    %scan3A_97 = arith.addi %scan3A, %scan3A_96 : i32
    %scan3A_98 = arith.constant 1 : i32
    scf.for %scan3A_130 = %scan3A to %scan3A_97 step %scan3A_98  : i32 {
      %mul3A_131 = arith.constant 1 : i32
      %mul3A_132 = arith.muli %scan3A_130, %mul3A_131 : i32
      %add3A_133 = arith.constant 0 : i32
      %add3A_134 = arith.addi %add3A_133, %mul3A_132 : i32
      %rem3A = arith.constant 2 : i32
      %rem3A_135 = arith.remsi %add3A_134, %rem3A : i32
      %sub3A = arith.constant 1 : i32
      %sub3A_136 = arith.subi %sub3A, %rem3A_135 : i32
      %add3A_137 = arith.constant 1 : i32
      %add3A_138 = arith.addi %add3A_134, %add3A_137 : i32
      %lt3A = arith.constant 6 : i32
      %lt3A_139 = arith.cmpi slt, %add3A_138, %lt3A : i32
      %convert_element_type3A = arith.extui %lt3A_139 : i1 to i32
      %cond3A = arith.constant 0 : i32
      %cond3A_140 = arith.cmpi ne, %convert_element_type3A, %cond3A : i32
      scf.if %cond3A_140 {
        %ge3A = arith.constant 1 : i32
        %ge3A_179 = arith.cmpi sge, %add3A_134, %ge3A : i32
        %convert_element_type3A_180 = arith.extui %ge3A_179 : i1 to i32
        %cond3A_181 = arith.constant 0 : i32
        %cond3A_182 = arith.cmpi ne, %convert_element_type3A_180, %cond3A_181 : i32
        scf.if %cond3A_182 {
          %mul3A_275 = arith.constant 512 : i32
          %mul3A_276 = arith.muli %sub3A_136, %mul3A_275 : i32
          %dma_wait3A_277 = arith.constant 0 : i32
          %dma_wait3A_278 = tpu.memref_slice %arg6[%mul3A_276, %dma_wait3A_277] : memref<1024x64xf32, #tpu.memory_space<vmem>> -> memref<512x64xf32, #tpu.memory_space<vmem>>
          %dma_wait3A_279 = arith.constant 0 : i32
          %dma_wait3A_280 = arith.constant 0 : i32
          %dma_wait3A_281 = tpu.memref_slice %arg4[%dma_wait3A_279, %dma_wait3A_280] : memref<98304x64xf32, #tpu.memory_space<hbm>> -> memref<512x64xf32, #tpu.memory_space<hbm>>
          %dma_wait3A_282 = tpu.memref_slice %arg9[%sub3A_136] : memref<2x!tpu.dma_semaphore, #tpu.memory_space<semaphore_mem>> -> memref<1x!tpu.dma_semaphore, #tpu.memory_space<semaphore_mem>>
          %dma_wait3A_283 = tpu.memref_squeeze %dma_wait3A_282 : memref<1x!tpu.dma_semaphore, #tpu.memory_space<semaphore_mem>> -> memref<!tpu.dma_semaphore, #tpu.memory_space<semaphore_mem>>
          %dma_wait3A_284 = arith.constant 0 : i32
          %dma_wait3A_285 = arith.constant 0 : i32
          %dma_wait3A_286 = tpu.memref_slice %arg4[%dma_wait3A_284, %dma_wait3A_285] : memref<98304x64xf32, #tpu.memory_space<hbm>> -> memref<512x64xf32, #tpu.memory_space<hbm>>
          %dma_wait3A_287 = arith.constant 0 : i32
          %dma_wait3A_288 = tpu.memref_slice %arg6[%mul3A_276, %dma_wait3A_287] : memref<1024x64xf32, #tpu.memory_space<vmem>> -> memref<512x64xf32, #tpu.memory_space<vmem>>
          tpu.wait_dma2 semaphore(%dma_wait3A_283 : memref<!tpu.dma_semaphore, #tpu.memory_space<semaphore_mem>>) src(%dma_wait3A_288 : memref<512x64xf32, #tpu.memory_space<vmem>>) dst(%dma_wait3A_286 : memref<512x64xf32, #tpu.memory_space<hbm>>)
        } else {
        }
        %mul3A_183 = arith.constant 4 : i32
        %mul3A_184 = arith.muli %sub3A_136, %mul3A_183 : i32
        %dma_wait3A_185 = arith.constant 0 : i32
        %dma_wait3A_186 = tpu.memref_slice %arg5[%mul3A_184, %dma_wait3A_185] : memref<8x128xi32, #tpu.memory_space<vmem>> -> memref<4x128xi32, #tpu.memory_space<vmem>>
        %dma_wait3A_187 = arith.constant 0 : i32
        %dma_wait3A_188 = tpu.memref_slice %arg3[%mul3A_2, %dma_wait3A_187] : memref<768x128xi32, #tpu.memory_space<hbm>> -> memref<4x128xi32, #tpu.memory_space<hbm>>
        %dma_wait3A_189 = tpu.memref_slice %arg7[%sub3A_136] : memref<2x!tpu.dma_semaphore, #tpu.memory_space<semaphore_mem>> -> memref<1x!tpu.dma_semaphore, #tpu.memory_space<semaphore_mem>>
        %dma_wait3A_190 = tpu.memref_squeeze %dma_wait3A_189 : memref<1x!tpu.dma_semaphore, #tpu.memory_space<semaphore_mem>> -> memref<!tpu.dma_semaphore, #tpu.memory_space<semaphore_mem>>
        %dma_wait3A_191 = arith.constant 0 : i32
        %dma_wait3A_192 = tpu.memref_slice %arg5[%mul3A_184, %dma_wait3A_191] : memref<8x128xi32, #tpu.memory_space<vmem>> -> memref<4x128xi32, #tpu.memory_space<vmem>>
        %dma_wait3A_193 = arith.constant 0 : i32
        %dma_wait3A_194 = tpu.memref_slice %arg3[%mul3A_2, %dma_wait3A_193] : memref<768x128xi32, #tpu.memory_space<hbm>> -> memref<4x128xi32, #tpu.memory_space<hbm>>
        tpu.wait_dma2 semaphore(%dma_wait3A_190 : memref<!tpu.dma_semaphore, #tpu.memory_space<semaphore_mem>>) src(%dma_wait3A_194 : memref<4x128xi32, #tpu.memory_space<hbm>>) dst(%dma_wait3A_192 : memref<4x128xi32, #tpu.memory_space<vmem>>)
        %mul3A_195 = arith.constant 4 : i32
        %mul3A_196 = arith.muli %sub3A_136, %mul3A_195 : i32
        %add3A_197 = arith.constant 0 : i32
        %add3A_198 = arith.addi %mul3A_196, %add3A_197 : i32
        %mul3A_199 = arith.constant 4 : i32
        %mul3A_200 = arith.muli %sub3A_136, %mul3A_199 : i32
        %add3A_201 = arith.constant 0 : i32
        %add3A_202 = arith.addi %mul3A_200, %add3A_201 : i32
        %mul3A_203 = arith.constant 128 : i32
        %mul3A_204 = arith.muli %add3A_202, %mul3A_203 : i32
        %dma_start3A_205 = arith.constant 0 : i32
        %dma_start3A_206 = tpu.memref_slice %arg6[%mul3A_204, %dma_start3A_205] : memref<1024x64xf32, #tpu.memory_space<vmem>> -> memref<128x64xf32, #tpu.memory_space<vmem>>
        %dma_start3A_207 = arith.constant 0 : i32
        %dma_start3A_208 = tpu.memref_slice %arg5[%add3A_198, %dma_start3A_207] : memref<8x128xi32, #tpu.memory_space<vmem>> -> memref<1x128xi32, #tpu.memory_space<vmem>>
        %dma_start3A_209 = tpu.memref_squeeze %dma_start3A_208 : memref<1x128xi32, #tpu.memory_space<vmem>> -> memref<128xi32, #tpu.memory_space<vmem>>
        %dma_start3A_210 = arith.constant 0 : i32
        %dma_start3A_211 = arith.constant 0 : i32
        %dma_start3A_212 = tpu.memref_slice %arg2[%dma_start3A_210, %dma_start3A_211] : memref<100000x64xf32, #tpu.memory_space<hbm>> -> memref<100000x64xf32, #tpu.memory_space<hbm>>
        %dma_start3A_213 = tpu.memref_slice %arg8[%sub3A_136] : memref<2x!tpu.dma_semaphore, #tpu.memory_space<semaphore_mem>> -> memref<1x!tpu.dma_semaphore, #tpu.memory_space<semaphore_mem>>
        %dma_start3A_214 = tpu.memref_squeeze %dma_start3A_213 : memref<1x!tpu.dma_semaphore, #tpu.memory_space<semaphore_mem>> -> memref<!tpu.dma_semaphore, #tpu.memory_space<semaphore_mem>>
        tpu.enqueue_indirect_dma source(%dma_start3A_212 : memref<100000x64xf32, #tpu.memory_space<hbm>>) target(%dma_start3A_206 : memref<128x64xf32, #tpu.memory_space<vmem>>) offsets(%dma_start3A_209 : memref<128xi32, #tpu.memory_space<vmem>>) semaphore(%dma_start3A_214 : memref<!tpu.dma_semaphore, #tpu.memory_space<semaphore_mem>>)
        %mul3A_215 = arith.constant 4 : i32
        %mul3A_216 = arith.muli %sub3A_136, %mul3A_215 : i32
        %add3A_217 = arith.constant 1 : i32
        %add3A_218 = arith.addi %mul3A_216, %add3A_217 : i32
        %mul3A_219 = arith.constant 4 : i32
        %mul3A_220 = arith.muli %sub3A_136, %mul3A_219 : i32
        %add3A_221 = arith.constant 1 : i32
        %add3A_222 = arith.addi %mul3A_220, %add3A_221 : i32
        %mul3A_223 = arith.constant 128 : i32
        %mul3A_224 = arith.muli %add3A_222, %mul3A_223 : i32
        %dma_start3A_225 = arith.constant 0 : i32
        %dma_start3A_226 = tpu.memref_slice %arg6[%mul3A_224, %dma_start3A_225] : memref<1024x64xf32, #tpu.memory_space<vmem>> -> memref<128x64xf32, #tpu.memory_space<vmem>>
        %dma_start3A_227 = arith.constant 0 : i32
        %dma_start3A_228 = tpu.memref_slice %arg5[%add3A_218, %dma_start3A_227] : memref<8x128xi32, #tpu.memory_space<vmem>> -> memref<1x128xi32, #tpu.memory_space<vmem>>
        %dma_start3A_229 = tpu.memref_squeeze %dma_start3A_228 : memref<1x128xi32, #tpu.memory_space<vmem>> -> memref<128xi32, #tpu.memory_space<vmem>>
        %dma_start3A_230 = arith.constant 0 : i32
        %dma_start3A_231 = arith.constant 0 : i32
        %dma_start3A_232 = tpu.memref_slice %arg2[%dma_start3A_230, %dma_start3A_231] : memref<100000x64xf32, #tpu.memory_space<hbm>> -> memref<100000x64xf32, #tpu.memory_space<hbm>>
        %dma_start3A_233 = tpu.memref_slice %arg8[%sub3A_136] : memref<2x!tpu.dma_semaphore, #tpu.memory_space<semaphore_mem>> -> memref<1x!tpu.dma_semaphore, #tpu.memory_space<semaphore_mem>>
        %dma_start3A_234 = tpu.memref_squeeze %dma_start3A_233 : memref<1x!tpu.dma_semaphore, #tpu.memory_space<semaphore_mem>> -> memref<!tpu.dma_semaphore, #tpu.memory_space<semaphore_mem>>
        tpu.enqueue_indirect_dma source(%dma_start3A_232 : memref<100000x64xf32, #tpu.memory_space<hbm>>) target(%dma_start3A_226 : memref<128x64xf32, #tpu.memory_space<vmem>>) offsets(%dma_start3A_229 : memref<128xi32, #tpu.memory_space<vmem>>) semaphore(%dma_start3A_234 : memref<!tpu.dma_semaphore, #tpu.memory_space<semaphore_mem>>)
        %mul3A_235 = arith.constant 4 : i32
        %mul3A_236 = arith.muli %sub3A_136, %mul3A_235 : i32
        %add3A_237 = arith.constant 2 : i32
        %add3A_238 = arith.addi %mul3A_236, %add3A_237 : i32
        %mul3A_239 = arith.constant 4 : i32
        %mul3A_240 = arith.muli %sub3A_136, %mul3A_239 : i32
        %add3A_241 = arith.constant 2 : i32
        %add3A_242 = arith.addi %mul3A_240, %add3A_241 : i32
        %mul3A_243 = arith.constant 128 : i32
        %mul3A_244 = arith.muli %add3A_242, %mul3A_243 : i32
        %dma_start3A_245 = arith.constant 0 : i32
        %dma_start3A_246 = tpu.memref_slice %arg6[%mul3A_244, %dma_start3A_245] : memref<1024x64xf32, #tpu.memory_space<vmem>> -> memref<128x64xf32, #tpu.memory_space<vmem>>
        %dma_start3A_247 = arith.constant 0 : i32
        %dma_start3A_248 = tpu.memref_slice %arg5[%add3A_238, %dma_start3A_247] : memref<8x128xi32, #tpu.memory_space<vmem>> -> memref<1x128xi32, #tpu.memory_space<vmem>>
        %dma_start3A_249 = tpu.memref_squeeze %dma_start3A_248 : memref<1x128xi32, #tpu.memory_space<vmem>> -> memref<128xi32, #tpu.memory_space<vmem>>
        %dma_start3A_250 = arith.constant 0 : i32
        %dma_start3A_251 = arith.constant 0 : i32
        %dma_start3A_252 = tpu.memref_slice %arg2[%dma_start3A_250, %dma_start3A_251] : memref<100000x64xf32, #tpu.memory_space<hbm>> -> memref<100000x64xf32, #tpu.memory_space<hbm>>
        %dma_start3A_253 = tpu.memref_slice %arg8[%sub3A_136] : memref<2x!tpu.dma_semaphore, #tpu.memory_space<semaphore_mem>> -> memref<1x!tpu.dma_semaphore, #tpu.memory_space<semaphore_mem>>
        %dma_start3A_254 = tpu.memref_squeeze %dma_start3A_253 : memref<1x!tpu.dma_semaphore, #tpu.memory_space<semaphore_mem>> -> memref<!tpu.dma_semaphore, #tpu.memory_space<semaphore_mem>>
        tpu.enqueue_indirect_dma source(%dma_start3A_252 : memref<100000x64xf32, #tpu.memory_space<hbm>>) target(%dma_start3A_246 : memref<128x64xf32, #tpu.memory_space<vmem>>) offsets(%dma_start3A_249 : memref<128xi32, #tpu.memory_space<vmem>>) semaphore(%dma_start3A_254 : memref<!tpu.dma_semaphore, #tpu.memory_space<semaphore_mem>>)
        %mul3A_255 = arith.constant 4 : i32
        %mul3A_256 = arith.muli %sub3A_136, %mul3A_255 : i32
        %add3A_257 = arith.constant 3 : i32
        %add3A_258 = arith.addi %mul3A_256, %add3A_257 : i32
        %mul3A_259 = arith.constant 4 : i32
        %mul3A_260 = arith.muli %sub3A_136, %mul3A_259 : i32
        %add3A_261 = arith.constant 3 : i32
        %add3A_262 = arith.addi %mul3A_260, %add3A_261 : i32
        %mul3A_263 = arith.constant 128 : i32
        %mul3A_264 = arith.muli %add3A_262, %mul3A_263 : i32
        %dma_start3A_265 = arith.constant 0 : i32
        %dma_start3A_266 = tpu.memref_slice %arg6[%mul3A_264, %dma_start3A_265] : memref<1024x64xf32, #tpu.memory_space<vmem>> -> memref<128x64xf32, #tpu.memory_space<vmem>>
        %dma_start3A_267 = arith.constant 0 : i32
        %dma_start3A_268 = tpu.memref_slice %arg5[%add3A_258, %dma_start3A_267] : memref<8x128xi32, #tpu.memory_space<vmem>> -> memref<1x128xi32, #tpu.memory_space<vmem>>
        %dma_start3A_269 = tpu.memref_squeeze %dma_start3A_268 : memref<1x128xi32, #tpu.memory_space<vmem>> -> memref<128xi32, #tpu.memory_space<vmem>>
        %dma_start3A_270 = arith.constant 0 : i32
        %dma_start3A_271 = arith.constant 0 : i32
        %dma_start3A_272 = tpu.memref_slice %arg2[%dma_start3A_270, %dma_start3A_271] : memref<100000x64xf32, #tpu.memory_space<hbm>> -> memref<100000x64xf32, #tpu.memory_space<hbm>>
        %dma_start3A_273 = tpu.memref_slice %arg8[%sub3A_136] : memref<2x!tpu.dma_semaphore, #tpu.memory_space<semaphore_mem>> -> memref<1x!tpu.dma_semaphore, #tpu.memory_space<semaphore_mem>>
        %dma_start3A_274 = tpu.memref_squeeze %dma_start3A_273 : memref<1x!tpu.dma_semaphore, #tpu.memory_space<semaphore_mem>> -> memref<!tpu.dma_semaphore, #tpu.memory_space<semaphore_mem>>
        tpu.enqueue_indirect_dma source(%dma_start3A_272 : memref<100000x64xf32, #tpu.memory_space<hbm>>) target(%dma_start3A_266 : memref<128x64xf32, #tpu.memory_space<vmem>>) offsets(%dma_start3A_269 : memref<128xi32, #tpu.memory_space<vmem>>) semaphore(%dma_start3A_274 : memref<!tpu.dma_semaphore, #tpu.memory_space<semaphore_mem>>)
      } else {
      }
      %mul3A_141 = arith.constant 512 : i32
      %mul3A_142 = arith.muli %rem3A_135, %mul3A_141 : i32
      %dma_wait3A_143 = arith.constant 0 : i32
      %dma_wait3A_144 = tpu.memref_slice %arg6[%mul3A_142, %dma_wait3A_143] : memref<1024x64xf32, #tpu.memory_space<vmem>> -> memref<512x64xf32, #tpu.memory_space<vmem>>
      %dma_wait3A_145 = arith.constant 0 : i32
      %dma_wait3A_146 = arith.constant 0 : i32
      %dma_wait3A_147 = tpu.memref_slice %arg4[%dma_wait3A_145, %dma_wait3A_146] : memref<98304x64xf32, #tpu.memory_space<hbm>> -> memref<512x64xf32, #tpu.memory_space<hbm>>
      %dma_wait3A_148 = tpu.memref_slice %arg8[%rem3A_135] : memref<2x!tpu.dma_semaphore, #tpu.memory_space<semaphore_mem>> -> memref<1x!tpu.dma_semaphore, #tpu.memory_space<semaphore_mem>>
      %dma_wait3A_149 = tpu.memref_squeeze %dma_wait3A_148 : memref<1x!tpu.dma_semaphore, #tpu.memory_space<semaphore_mem>> -> memref<!tpu.dma_semaphore, #tpu.memory_space<semaphore_mem>>
      %dma_wait3A_150 = arith.constant 0 : i32
      %dma_wait3A_151 = tpu.memref_slice %arg6[%mul3A_142, %dma_wait3A_150] : memref<1024x64xf32, #tpu.memory_space<vmem>> -> memref<512x64xf32, #tpu.memory_space<vmem>>
      %dma_wait3A_152 = arith.constant 0 : i32
      %dma_wait3A_153 = arith.constant 0 : i32
      %dma_wait3A_154 = tpu.memref_slice %arg4[%dma_wait3A_152, %dma_wait3A_153] : memref<98304x64xf32, #tpu.memory_space<hbm>> -> memref<512x64xf32, #tpu.memory_space<hbm>>
      tpu.wait_dma2 semaphore(%dma_wait3A_149 : memref<!tpu.dma_semaphore, #tpu.memory_space<semaphore_mem>>) src(%dma_wait3A_154 : memref<512x64xf32, #tpu.memory_space<hbm>>) dst(%dma_wait3A_151 : memref<512x64xf32, #tpu.memory_space<vmem>>)
      %add3A_155 = arith.constant 2 : i32
      %add3A_156 = arith.addi %add3A_134, %add3A_155 : i32
      %lt3A_157 = arith.constant 6 : i32
      %lt3A_158 = arith.cmpi slt, %add3A_156, %lt3A_157 : i32
      %convert_element_type3A_159 = arith.extui %lt3A_158 : i1 to i32
      %cond3A_160 = arith.constant 0 : i32
      %cond3A_161 = arith.cmpi ne, %convert_element_type3A_159, %cond3A_160 : i32
      scf.if %cond3A_161 {
        %add3A_179 = arith.constant 2 : i32
        %add3A_180 = arith.addi %add3A_134, %add3A_179 : i32
        %mul3A_181 = arith.constant 4 : i32
        %mul3A_182 = arith.muli %add3A_180, %mul3A_181 : i32
        %add3A_183 = arith.addi %mul3A_2, %mul3A_182 : i32
        %mul3A_184 = arith.constant 4 : i32
        %mul3A_185 = arith.muli %rem3A_135, %mul3A_184 : i32
        %dma_start3A_186 = arith.constant 0 : i32
        %dma_start3A_187 = tpu.memref_slice %arg5[%mul3A_185, %dma_start3A_186] : memref<8x128xi32, #tpu.memory_space<vmem>> -> memref<4x128xi32, #tpu.memory_space<vmem>>
        %dma_start3A_188 = arith.constant 0 : i32
        %dma_start3A_189 = tpu.memref_slice %arg3[%add3A_183, %dma_start3A_188] : memref<768x128xi32, #tpu.memory_space<hbm>> -> memref<4x128xi32, #tpu.memory_space<hbm>>
        %dma_start3A_190 = tpu.memref_slice %arg7[%rem3A_135] : memref<2x!tpu.dma_semaphore, #tpu.memory_space<semaphore_mem>> -> memref<1x!tpu.dma_semaphore, #tpu.memory_space<semaphore_mem>>
        %dma_start3A_191 = tpu.memref_squeeze %dma_start3A_190 : memref<1x!tpu.dma_semaphore, #tpu.memory_space<semaphore_mem>> -> memref<!tpu.dma_semaphore, #tpu.memory_space<semaphore_mem>>
        %dma_start3A_192 = arith.constant 0 : i32
        %dma_start3A_193 = tpu.memref_slice %arg5[%mul3A_185, %dma_start3A_192] : memref<8x128xi32, #tpu.memory_space<vmem>> -> memref<4x128xi32, #tpu.memory_space<vmem>>
        %dma_start3A_194 = arith.constant 0 : i32
        %dma_start3A_195 = tpu.memref_slice %arg3[%add3A_183, %dma_start3A_194] : memref<768x128xi32, #tpu.memory_space<hbm>> -> memref<4x128xi32, #tpu.memory_space<hbm>>
        tpu.enqueue_dma source(%dma_start3A_195 : memref<4x128xi32, #tpu.memory_space<hbm>>) target(%dma_start3A_193 : memref<4x128xi32, #tpu.memory_space<vmem>>) target_semaphore(%dma_start3A_191 : memref<!tpu.dma_semaphore, #tpu.memory_space<semaphore_mem>>)
      } else {
      }
      %mul3A_162 = arith.constant 512 : i32
      %mul3A_163 = arith.muli %rem3A_135, %mul3A_162 : i32
      %mul3A_164 = arith.constant 4 : i32
      %mul3A_165 = arith.muli %add3A_134, %mul3A_164 : i32
      %add3A_166 = arith.addi %mul3A_2, %mul3A_165 : i32
      %mul3A_167 = arith.constant 128 : i32
      %mul3A_168 = arith.muli %add3A_166, %mul3A_167 : i32
      %dma_start3A_169 = arith.constant 0 : i32
      %dma_start3A_170 = tpu.memref_slice %arg6[%mul3A_163, %dma_start3A_169] : memref<1024x64xf32, #tpu.memory_space<vmem>> -> memref<512x64xf32, #tpu.memory_space<vmem>>
      %dma_start3A_171 = arith.constant 0 : i32
      %dma_start3A_172 = tpu.memref_slice %arg4[%mul3A_168, %dma_start3A_171] : memref<98304x64xf32, #tpu.memory_space<hbm>> -> memref<512x64xf32, #tpu.memory_space<hbm>>
      %dma_start3A_173 = tpu.memref_slice %arg9[%rem3A_135] : memref<2x!tpu.dma_semaphore, #tpu.memory_space<semaphore_mem>> -> memref<1x!tpu.dma_semaphore, #tpu.memory_space<semaphore_mem>>
      %dma_start3A_174 = tpu.memref_squeeze %dma_start3A_173 : memref<1x!tpu.dma_semaphore, #tpu.memory_space<semaphore_mem>> -> memref<!tpu.dma_semaphore, #tpu.memory_space<semaphore_mem>>
      %dma_start3A_175 = arith.constant 0 : i32
      %dma_start3A_176 = tpu.memref_slice %arg4[%mul3A_168, %dma_start3A_175] : memref<98304x64xf32, #tpu.memory_space<hbm>> -> memref<512x64xf32, #tpu.memory_space<hbm>>
      %dma_start3A_177 = arith.constant 0 : i32
      %dma_start3A_178 = tpu.memref_slice %arg6[%mul3A_163, %dma_start3A_177] : memref<1024x64xf32, #tpu.memory_space<vmem>> -> memref<512x64xf32, #tpu.memory_space<vmem>>
      tpu.enqueue_dma source(%dma_start3A_178 : memref<512x64xf32, #tpu.memory_space<vmem>>) target(%dma_start3A_176 : memref<512x64xf32, #tpu.memory_space<hbm>>) target_semaphore(%dma_start3A_174 : memref<!tpu.dma_semaphore, #tpu.memory_space<semaphore_mem>>)
    }
    %scan3A_99 = arith.constant 6 : i32
    %dma_wait3A_100 = arith.constant 0 : i32
    %dma_wait3A_101 = arith.constant 0 : i32
    %dma_wait3A_102 = arith.constant 0 : i32
    %dma_wait3A_103 = tpu.memref_slice %arg6[%dma_wait3A_101, %dma_wait3A_102] : memref<1024x64xf32, #tpu.memory_space<vmem>> -> memref<512x64xf32, #tpu.memory_space<vmem>>
    %dma_wait3A_104 = arith.constant 0 : i32
    %dma_wait3A_105 = arith.constant 0 : i32
    %dma_wait3A_106 = tpu.memref_slice %arg4[%dma_wait3A_104, %dma_wait3A_105] : memref<98304x64xf32, #tpu.memory_space<hbm>> -> memref<512x64xf32, #tpu.memory_space<hbm>>
    %dma_wait3A_107 = tpu.memref_slice %arg9[%dma_wait3A_100] : memref<2x!tpu.dma_semaphore, #tpu.memory_space<semaphore_mem>> -> memref<1x!tpu.dma_semaphore, #tpu.memory_space<semaphore_mem>>
    %dma_wait3A_108 = tpu.memref_squeeze %dma_wait3A_107 : memref<1x!tpu.dma_semaphore, #tpu.memory_space<semaphore_mem>> -> memref<!tpu.dma_semaphore, #tpu.memory_space<semaphore_mem>>
    %dma_wait3A_109 = arith.constant 0 : i32
    %dma_wait3A_110 = arith.constant 0 : i32
    %dma_wait3A_111 = tpu.memref_slice %arg4[%dma_wait3A_109, %dma_wait3A_110] : memref<98304x64xf32, #tpu.memory_space<hbm>> -> memref<512x64xf32, #tpu.memory_space<hbm>>
    %dma_wait3A_112 = arith.constant 0 : i32
    %dma_wait3A_113 = arith.constant 0 : i32
    %dma_wait3A_114 = tpu.memref_slice %arg6[%dma_wait3A_112, %dma_wait3A_113] : memref<1024x64xf32, #tpu.memory_space<vmem>> -> memref<512x64xf32, #tpu.memory_space<vmem>>
    tpu.wait_dma2 semaphore(%dma_wait3A_108 : memref<!tpu.dma_semaphore, #tpu.memory_space<semaphore_mem>>) src(%dma_wait3A_114 : memref<512x64xf32, #tpu.memory_space<vmem>>) dst(%dma_wait3A_111 : memref<512x64xf32, #tpu.memory_space<hbm>>)
    %dma_wait3A_115 = arith.constant 1 : i32
    %dma_wait3A_116 = arith.constant 512 : i32
    %dma_wait3A_117 = arith.constant 0 : i32
    %dma_wait3A_118 = tpu.memref_slice %arg6[%dma_wait3A_116, %dma_wait3A_117] : memref<1024x64xf32, #tpu.memory_space<vmem>> -> memref<512x64xf32, #tpu.memory_space<vmem>>
    %dma_wait3A_119 = arith.constant 0 : i32
    %dma_wait3A_120 = arith.constant 0 : i32
    %dma_wait3A_121 = tpu.memref_slice %arg4[%dma_wait3A_119, %dma_wait3A_120] : memref<98304x64xf32, #tpu.memory_space<hbm>> -> memref<512x64xf32, #tpu.memory_space<hbm>>
    %dma_wait3A_122 = tpu.memref_slice %arg9[%dma_wait3A_115] : memref<2x!tpu.dma_semaphore, #tpu.memory_space<semaphore_mem>> -> memref<1x!tpu.dma_semaphore, #tpu.memory_space<semaphore_mem>>
    %dma_wait3A_123 = tpu.memref_squeeze %dma_wait3A_122 : memref<1x!tpu.dma_semaphore, #tpu.memory_space<semaphore_mem>> -> memref<!tpu.dma_semaphore, #tpu.memory_space<semaphore_mem>>
    %dma_wait3A_124 = arith.constant 0 : i32
    %dma_wait3A_125 = arith.constant 0 : i32
    %dma_wait3A_126 = tpu.memref_slice %arg4[%dma_wait3A_124, %dma_wait3A_125] : memref<98304x64xf32, #tpu.memory_space<hbm>> -> memref<512x64xf32, #tpu.memory_space<hbm>>
    %dma_wait3A_127 = arith.constant 512 : i32
    %dma_wait3A_128 = arith.constant 0 : i32
    %dma_wait3A_129 = tpu.memref_slice %arg6[%dma_wait3A_127, %dma_wait3A_128] : memref<1024x64xf32, #tpu.memory_space<vmem>> -> memref<512x64xf32, #tpu.memory_space<vmem>>
    tpu.wait_dma2 semaphore(%dma_wait3A_123 : memref<!tpu.dma_semaphore, #tpu.memory_space<semaphore_mem>>) src(%dma_wait3A_129 : memref<512x64xf32, #tpu.memory_space<vmem>>) dst(%dma_wait3A_126 : memref<512x64xf32, #tpu.memory_space<hbm>>)
    return
  }
}

#map = affine_map<(d0, d1) -> (0, 0)>
module attributes {stable_mosaic.version = 14 : i64} {
  func.func @_sc_gather(%arg0: i32, %arg1: i32, %arg2: memref<100000x64xf32, #tpu.memory_space<hbm>>, %arg3: memref<1152x128xi32, #tpu.memory_space<hbm>>, %arg4: memref<147456x64xf32, #tpu.memory_space<hbm>>, %arg5: memref<8x128xi32, #tpu.memory_space<vmem>>, %arg6: memref<1024x64xf32, #tpu.memory_space<vmem>>, %arg7: memref<2x!tpu.dma_semaphore, #tpu.memory_space<semaphore_mem>>, %arg8: memref<2x!tpu.dma_semaphore, #tpu.memory_space<semaphore_mem>>, %arg9: memref<2x!tpu.dma_semaphore, #tpu.memory_space<semaphore_mem>>) attributes {dimension_semantics = [#tpu.dimension_semantics<core_parallel>, #tpu.dimension_semantics<subcore_parallel>], iteration_bounds = array<i64: 2, 16>, scalar_prefetch = 0 : i64, scratch_operands = 5 : i64, tpu.core_type = #tpu.core_type<sc_vector_subcore>, window_params = [{transform_indices = #map}, {transform_indices = #map}, {transform_indices = #map}]} {
    %mul3A = arith.constant 2 : i32
    %mul3A_0 = arith.muli %arg1, %mul3A : i32
    %add3A = arith.addi %mul3A_0, %arg0 : i32
    %mul3A_1 = arith.constant 36 : i32
    %mul3A_2 = arith.muli %add3A, %mul3A_1 : i32
    %add3A_3 = arith.constant 0 : i32
    %add3A_4 = arith.addi %mul3A_2, %add3A_3 : i32
    %dma_start3A = arith.constant 0 : i32
    %dma_start3A_5 = arith.constant 0 : i32
    %dma_start3A_6 = arith.constant 0 : i32
    %dma_start3A_7 = tpu.memref_slice %arg5[%dma_start3A_5, %dma_start3A_6] : memref<8x128xi32, #tpu.memory_space<vmem>> -> memref<4x128xi32, #tpu.memory_space<vmem>>
    %dma_start3A_8 = arith.constant 0 : i32
    %dma_start3A_9 = tpu.memref_slice %arg3[%add3A_4, %dma_start3A_8] : memref<1152x128xi32, #tpu.memory_space<hbm>> -> memref<4x128xi32, #tpu.memory_space<hbm>>
    %dma_start3A_10 = tpu.memref_slice %arg7[%dma_start3A] : memref<2x!tpu.dma_semaphore, #tpu.memory_space<semaphore_mem>> -> memref<1x!tpu.dma_semaphore, #tpu.memory_space<semaphore_mem>>
    %dma_start3A_11 = tpu.memref_squeeze %dma_start3A_10 : memref<1x!tpu.dma_semaphore, #tpu.memory_space<semaphore_mem>> -> memref<!tpu.dma_semaphore, #tpu.memory_space<semaphore_mem>>
    %dma_start3A_12 = arith.constant 0 : i32
    %dma_start3A_13 = arith.constant 0 : i32
    %dma_start3A_14 = tpu.memref_slice %arg5[%dma_start3A_12, %dma_start3A_13] : memref<8x128xi32, #tpu.memory_space<vmem>> -> memref<4x128xi32, #tpu.memory_space<vmem>>
    %dma_start3A_15 = arith.constant 0 : i32
    %dma_start3A_16 = tpu.memref_slice %arg3[%add3A_4, %dma_start3A_15] : memref<1152x128xi32, #tpu.memory_space<hbm>> -> memref<4x128xi32, #tpu.memory_space<hbm>>
    tpu.enqueue_dma source(%dma_start3A_16 : memref<4x128xi32, #tpu.memory_space<hbm>>) target(%dma_start3A_14 : memref<4x128xi32, #tpu.memory_space<vmem>>) target_semaphore(%dma_start3A_11 : memref<!tpu.dma_semaphore, #tpu.memory_space<semaphore_mem>>)
    %add3A_17 = arith.constant 4 : i32
    %add3A_18 = arith.addi %mul3A_2, %add3A_17 : i32
    %dma_start3A_19 = arith.constant 1 : i32
    %dma_start3A_20 = arith.constant 4 : i32
    %dma_start3A_21 = arith.constant 0 : i32
    %dma_start3A_22 = tpu.memref_slice %arg5[%dma_start3A_20, %dma_start3A_21] : memref<8x128xi32, #tpu.memory_space<vmem>> -> memref<4x128xi32, #tpu.memory_space<vmem>>
    %dma_start3A_23 = arith.constant 0 : i32
    %dma_start3A_24 = tpu.memref_slice %arg3[%add3A_18, %dma_start3A_23] : memref<1152x128xi32, #tpu.memory_space<hbm>> -> memref<4x128xi32, #tpu.memory_space<hbm>>
    %dma_start3A_25 = tpu.memref_slice %arg7[%dma_start3A_19] : memref<2x!tpu.dma_semaphore, #tpu.memory_space<semaphore_mem>> -> memref<1x!tpu.dma_semaphore, #tpu.memory_space<semaphore_mem>>
    %dma_start3A_26 = tpu.memref_squeeze %dma_start3A_25 : memref<1x!tpu.dma_semaphore, #tpu.memory_space<semaphore_mem>> -> memref<!tpu.dma_semaphore, #tpu.memory_space<semaphore_mem>>
    %dma_start3A_27 = arith.constant 4 : i32
    %dma_start3A_28 = arith.constant 0 : i32
    %dma_start3A_29 = tpu.memref_slice %arg5[%dma_start3A_27, %dma_start3A_28] : memref<8x128xi32, #tpu.memory_space<vmem>> -> memref<4x128xi32, #tpu.memory_space<vmem>>
    %dma_start3A_30 = arith.constant 0 : i32
    %dma_start3A_31 = tpu.memref_slice %arg3[%add3A_18, %dma_start3A_30] : memref<1152x128xi32, #tpu.memory_space<hbm>> -> memref<4x128xi32, #tpu.memory_space<hbm>>
    tpu.enqueue_dma source(%dma_start3A_31 : memref<4x128xi32, #tpu.memory_space<hbm>>) target(%dma_start3A_29 : memref<4x128xi32, #tpu.memory_space<vmem>>) target_semaphore(%dma_start3A_26 : memref<!tpu.dma_semaphore, #tpu.memory_space<semaphore_mem>>)
    %dma_wait3A = arith.constant 0 : i32
    %dma_wait3A_32 = arith.constant 0 : i32
    %dma_wait3A_33 = arith.constant 0 : i32
    %dma_wait3A_34 = tpu.memref_slice %arg5[%dma_wait3A_32, %dma_wait3A_33] : memref<8x128xi32, #tpu.memory_space<vmem>> -> memref<4x128xi32, #tpu.memory_space<vmem>>
    %dma_wait3A_35 = arith.constant 0 : i32
    %dma_wait3A_36 = tpu.memref_slice %arg3[%mul3A_2, %dma_wait3A_35] : memref<1152x128xi32, #tpu.memory_space<hbm>> -> memref<4x128xi32, #tpu.memory_space<hbm>>
    %dma_wait3A_37 = tpu.memref_slice %arg7[%dma_wait3A] : memref<2x!tpu.dma_semaphore, #tpu.memory_space<semaphore_mem>> -> memref<1x!tpu.dma_semaphore, #tpu.memory_space<semaphore_mem>>
    %dma_wait3A_38 = tpu.memref_squeeze %dma_wait3A_37 : memref<1x!tpu.dma_semaphore, #tpu.memory_space<semaphore_mem>> -> memref<!tpu.dma_semaphore, #tpu.memory_space<semaphore_mem>>
    %dma_wait3A_39 = arith.constant 0 : i32
    %dma_wait3A_40 = arith.constant 0 : i32
    %dma_wait3A_41 = tpu.memref_slice %arg5[%dma_wait3A_39, %dma_wait3A_40] : memref<8x128xi32, #tpu.memory_space<vmem>> -> memref<4x128xi32, #tpu.memory_space<vmem>>
    %dma_wait3A_42 = arith.constant 0 : i32
    %dma_wait3A_43 = tpu.memref_slice %arg3[%mul3A_2, %dma_wait3A_42] : memref<1152x128xi32, #tpu.memory_space<hbm>> -> memref<4x128xi32, #tpu.memory_space<hbm>>
    tpu.wait_dma2 semaphore(%dma_wait3A_38 : memref<!tpu.dma_semaphore, #tpu.memory_space<semaphore_mem>>) src(%dma_wait3A_43 : memref<4x128xi32, #tpu.memory_space<hbm>>) dst(%dma_wait3A_41 : memref<4x128xi32, #tpu.memory_space<vmem>>)
    %dma_start3A_44 = arith.constant 0 : i32
    %dma_start3A_45 = arith.constant 0 : i32
    %dma_start3A_46 = arith.constant 0 : i32
    %dma_start3A_47 = arith.constant 0 : i32
    %dma_start3A_48 = tpu.memref_slice %arg6[%dma_start3A_46, %dma_start3A_47] : memref<1024x64xf32, #tpu.memory_space<vmem>> -> memref<128x64xf32, #tpu.memory_space<vmem>>
    %dma_start3A_49 = arith.constant 0 : i32
    %dma_start3A_50 = tpu.memref_slice %arg5[%dma_start3A_44, %dma_start3A_49] : memref<8x128xi32, #tpu.memory_space<vmem>> -> memref<1x128xi32, #tpu.memory_space<vmem>>
    %dma_start3A_51 = tpu.memref_squeeze %dma_start3A_50 : memref<1x128xi32, #tpu.memory_space<vmem>> -> memref<128xi32, #tpu.memory_space<vmem>>
    %dma_start3A_52 = arith.constant 0 : i32
    %dma_start3A_53 = arith.constant 0 : i32
    %dma_start3A_54 = tpu.memref_slice %arg2[%dma_start3A_52, %dma_start3A_53] : memref<100000x64xf32, #tpu.memory_space<hbm>> -> memref<100000x64xf32, #tpu.memory_space<hbm>>
    %dma_start3A_55 = tpu.memref_slice %arg8[%dma_start3A_45] : memref<2x!tpu.dma_semaphore, #tpu.memory_space<semaphore_mem>> -> memref<1x!tpu.dma_semaphore, #tpu.memory_space<semaphore_mem>>
    %dma_start3A_56 = tpu.memref_squeeze %dma_start3A_55 : memref<1x!tpu.dma_semaphore, #tpu.memory_space<semaphore_mem>> -> memref<!tpu.dma_semaphore, #tpu.memory_space<semaphore_mem>>
    tpu.enqueue_indirect_dma source(%dma_start3A_54 : memref<100000x64xf32, #tpu.memory_space<hbm>>) target(%dma_start3A_48 : memref<128x64xf32, #tpu.memory_space<vmem>>) offsets(%dma_start3A_51 : memref<128xi32, #tpu.memory_space<vmem>>) semaphore(%dma_start3A_56 : memref<!tpu.dma_semaphore, #tpu.memory_space<semaphore_mem>>)
    %dma_start3A_57 = arith.constant 1 : i32
    %dma_start3A_58 = arith.constant 0 : i32
    %dma_start3A_59 = arith.constant 128 : i32
    %dma_start3A_60 = arith.constant 0 : i32
    %dma_start3A_61 = tpu.memref_slice %arg6[%dma_start3A_59, %dma_start3A_60] : memref<1024x64xf32, #tpu.memory_space<vmem>> -> memref<128x64xf32, #tpu.memory_space<vmem>>
    %dma_start3A_62 = arith.constant 0 : i32
    %dma_start3A_63 = tpu.memref_slice %arg5[%dma_start3A_57, %dma_start3A_62] : memref<8x128xi32, #tpu.memory_space<vmem>> -> memref<1x128xi32, #tpu.memory_space<vmem>>
    %dma_start3A_64 = tpu.memref_squeeze %dma_start3A_63 : memref<1x128xi32, #tpu.memory_space<vmem>> -> memref<128xi32, #tpu.memory_space<vmem>>
    %dma_start3A_65 = arith.constant 0 : i32
    %dma_start3A_66 = arith.constant 0 : i32
    %dma_start3A_67 = tpu.memref_slice %arg2[%dma_start3A_65, %dma_start3A_66] : memref<100000x64xf32, #tpu.memory_space<hbm>> -> memref<100000x64xf32, #tpu.memory_space<hbm>>
    %dma_start3A_68 = tpu.memref_slice %arg8[%dma_start3A_58] : memref<2x!tpu.dma_semaphore, #tpu.memory_space<semaphore_mem>> -> memref<1x!tpu.dma_semaphore, #tpu.memory_space<semaphore_mem>>
    %dma_start3A_69 = tpu.memref_squeeze %dma_start3A_68 : memref<1x!tpu.dma_semaphore, #tpu.memory_space<semaphore_mem>> -> memref<!tpu.dma_semaphore, #tpu.memory_space<semaphore_mem>>
    tpu.enqueue_indirect_dma source(%dma_start3A_67 : memref<100000x64xf32, #tpu.memory_space<hbm>>) target(%dma_start3A_61 : memref<128x64xf32, #tpu.memory_space<vmem>>) offsets(%dma_start3A_64 : memref<128xi32, #tpu.memory_space<vmem>>) semaphore(%dma_start3A_69 : memref<!tpu.dma_semaphore, #tpu.memory_space<semaphore_mem>>)
    %dma_start3A_70 = arith.constant 2 : i32
    %dma_start3A_71 = arith.constant 0 : i32
    %dma_start3A_72 = arith.constant 256 : i32
    %dma_start3A_73 = arith.constant 0 : i32
    %dma_start3A_74 = tpu.memref_slice %arg6[%dma_start3A_72, %dma_start3A_73] : memref<1024x64xf32, #tpu.memory_space<vmem>> -> memref<128x64xf32, #tpu.memory_space<vmem>>
    %dma_start3A_75 = arith.constant 0 : i32
    %dma_start3A_76 = tpu.memref_slice %arg5[%dma_start3A_70, %dma_start3A_75] : memref<8x128xi32, #tpu.memory_space<vmem>> -> memref<1x128xi32, #tpu.memory_space<vmem>>
    %dma_start3A_77 = tpu.memref_squeeze %dma_start3A_76 : memref<1x128xi32, #tpu.memory_space<vmem>> -> memref<128xi32, #tpu.memory_space<vmem>>
    %dma_start3A_78 = arith.constant 0 : i32
    %dma_start3A_79 = arith.constant 0 : i32
    %dma_start3A_80 = tpu.memref_slice %arg2[%dma_start3A_78, %dma_start3A_79] : memref<100000x64xf32, #tpu.memory_space<hbm>> -> memref<100000x64xf32, #tpu.memory_space<hbm>>
    %dma_start3A_81 = tpu.memref_slice %arg8[%dma_start3A_71] : memref<2x!tpu.dma_semaphore, #tpu.memory_space<semaphore_mem>> -> memref<1x!tpu.dma_semaphore, #tpu.memory_space<semaphore_mem>>
    %dma_start3A_82 = tpu.memref_squeeze %dma_start3A_81 : memref<1x!tpu.dma_semaphore, #tpu.memory_space<semaphore_mem>> -> memref<!tpu.dma_semaphore, #tpu.memory_space<semaphore_mem>>
    tpu.enqueue_indirect_dma source(%dma_start3A_80 : memref<100000x64xf32, #tpu.memory_space<hbm>>) target(%dma_start3A_74 : memref<128x64xf32, #tpu.memory_space<vmem>>) offsets(%dma_start3A_77 : memref<128xi32, #tpu.memory_space<vmem>>) semaphore(%dma_start3A_82 : memref<!tpu.dma_semaphore, #tpu.memory_space<semaphore_mem>>)
    %dma_start3A_83 = arith.constant 3 : i32
    %dma_start3A_84 = arith.constant 0 : i32
    %dma_start3A_85 = arith.constant 384 : i32
    %dma_start3A_86 = arith.constant 0 : i32
    %dma_start3A_87 = tpu.memref_slice %arg6[%dma_start3A_85, %dma_start3A_86] : memref<1024x64xf32, #tpu.memory_space<vmem>> -> memref<128x64xf32, #tpu.memory_space<vmem>>
    %dma_start3A_88 = arith.constant 0 : i32
    %dma_start3A_89 = tpu.memref_slice %arg5[%dma_start3A_83, %dma_start3A_88] : memref<8x128xi32, #tpu.memory_space<vmem>> -> memref<1x128xi32, #tpu.memory_space<vmem>>
    %dma_start3A_90 = tpu.memref_squeeze %dma_start3A_89 : memref<1x128xi32, #tpu.memory_space<vmem>> -> memref<128xi32, #tpu.memory_space<vmem>>
    %dma_start3A_91 = arith.constant 0 : i32
    %dma_start3A_92 = arith.constant 0 : i32
    %dma_start3A_93 = tpu.memref_slice %arg2[%dma_start3A_91, %dma_start3A_92] : memref<100000x64xf32, #tpu.memory_space<hbm>> -> memref<100000x64xf32, #tpu.memory_space<hbm>>
    %dma_start3A_94 = tpu.memref_slice %arg8[%dma_start3A_84] : memref<2x!tpu.dma_semaphore, #tpu.memory_space<semaphore_mem>> -> memref<1x!tpu.dma_semaphore, #tpu.memory_space<semaphore_mem>>
    %dma_start3A_95 = tpu.memref_squeeze %dma_start3A_94 : memref<1x!tpu.dma_semaphore, #tpu.memory_space<semaphore_mem>> -> memref<!tpu.dma_semaphore, #tpu.memory_space<semaphore_mem>>
    tpu.enqueue_indirect_dma source(%dma_start3A_93 : memref<100000x64xf32, #tpu.memory_space<hbm>>) target(%dma_start3A_87 : memref<128x64xf32, #tpu.memory_space<vmem>>) offsets(%dma_start3A_90 : memref<128xi32, #tpu.memory_space<vmem>>) semaphore(%dma_start3A_95 : memref<!tpu.dma_semaphore, #tpu.memory_space<semaphore_mem>>)
    %scan3A = arith.constant 0 : i32
    %scan3A_96 = arith.constant 9 : i32
    %scan3A_97 = arith.addi %scan3A, %scan3A_96 : i32
    %scan3A_98 = arith.constant 1 : i32
    scf.for %scan3A_130 = %scan3A to %scan3A_97 step %scan3A_98  : i32 {
      %mul3A_131 = arith.constant 1 : i32
      %mul3A_132 = arith.muli %scan3A_130, %mul3A_131 : i32
      %add3A_133 = arith.constant 0 : i32
      %add3A_134 = arith.addi %add3A_133, %mul3A_132 : i32
      %rem3A = arith.constant 2 : i32
      %rem3A_135 = arith.remsi %add3A_134, %rem3A : i32
      %sub3A = arith.constant 1 : i32
      %sub3A_136 = arith.subi %sub3A, %rem3A_135 : i32
      %add3A_137 = arith.constant 1 : i32
      %add3A_138 = arith.addi %add3A_134, %add3A_137 : i32
      %lt3A = arith.constant 9 : i32
      %lt3A_139 = arith.cmpi slt, %add3A_138, %lt3A : i32
      %convert_element_type3A = arith.extui %lt3A_139 : i1 to i32
      %cond3A = arith.constant 0 : i32
      %cond3A_140 = arith.cmpi ne, %convert_element_type3A, %cond3A : i32
      scf.if %cond3A_140 {
        %ge3A = arith.constant 1 : i32
        %ge3A_179 = arith.cmpi sge, %add3A_134, %ge3A : i32
        %convert_element_type3A_180 = arith.extui %ge3A_179 : i1 to i32
        %cond3A_181 = arith.constant 0 : i32
        %cond3A_182 = arith.cmpi ne, %convert_element_type3A_180, %cond3A_181 : i32
        scf.if %cond3A_182 {
          %mul3A_275 = arith.constant 512 : i32
          %mul3A_276 = arith.muli %sub3A_136, %mul3A_275 : i32
          %dma_wait3A_277 = arith.constant 0 : i32
          %dma_wait3A_278 = tpu.memref_slice %arg6[%mul3A_276, %dma_wait3A_277] : memref<1024x64xf32, #tpu.memory_space<vmem>> -> memref<512x64xf32, #tpu.memory_space<vmem>>
          %dma_wait3A_279 = arith.constant 0 : i32
          %dma_wait3A_280 = arith.constant 0 : i32
          %dma_wait3A_281 = tpu.memref_slice %arg4[%dma_wait3A_279, %dma_wait3A_280] : memref<147456x64xf32, #tpu.memory_space<hbm>> -> memref<512x64xf32, #tpu.memory_space<hbm>>
          %dma_wait3A_282 = tpu.memref_slice %arg9[%sub3A_136] : memref<2x!tpu.dma_semaphore, #tpu.memory_space<semaphore_mem>> -> memref<1x!tpu.dma_semaphore, #tpu.memory_space<semaphore_mem>>
          %dma_wait3A_283 = tpu.memref_squeeze %dma_wait3A_282 : memref<1x!tpu.dma_semaphore, #tpu.memory_space<semaphore_mem>> -> memref<!tpu.dma_semaphore, #tpu.memory_space<semaphore_mem>>
          %dma_wait3A_284 = arith.constant 0 : i32
          %dma_wait3A_285 = arith.constant 0 : i32
          %dma_wait3A_286 = tpu.memref_slice %arg4[%dma_wait3A_284, %dma_wait3A_285] : memref<147456x64xf32, #tpu.memory_space<hbm>> -> memref<512x64xf32, #tpu.memory_space<hbm>>
          %dma_wait3A_287 = arith.constant 0 : i32
          %dma_wait3A_288 = tpu.memref_slice %arg6[%mul3A_276, %dma_wait3A_287] : memref<1024x64xf32, #tpu.memory_space<vmem>> -> memref<512x64xf32, #tpu.memory_space<vmem>>
          tpu.wait_dma2 semaphore(%dma_wait3A_283 : memref<!tpu.dma_semaphore, #tpu.memory_space<semaphore_mem>>) src(%dma_wait3A_288 : memref<512x64xf32, #tpu.memory_space<vmem>>) dst(%dma_wait3A_286 : memref<512x64xf32, #tpu.memory_space<hbm>>)
        } else {
        }
        %mul3A_183 = arith.constant 4 : i32
        %mul3A_184 = arith.muli %sub3A_136, %mul3A_183 : i32
        %dma_wait3A_185 = arith.constant 0 : i32
        %dma_wait3A_186 = tpu.memref_slice %arg5[%mul3A_184, %dma_wait3A_185] : memref<8x128xi32, #tpu.memory_space<vmem>> -> memref<4x128xi32, #tpu.memory_space<vmem>>
        %dma_wait3A_187 = arith.constant 0 : i32
        %dma_wait3A_188 = tpu.memref_slice %arg3[%mul3A_2, %dma_wait3A_187] : memref<1152x128xi32, #tpu.memory_space<hbm>> -> memref<4x128xi32, #tpu.memory_space<hbm>>
        %dma_wait3A_189 = tpu.memref_slice %arg7[%sub3A_136] : memref<2x!tpu.dma_semaphore, #tpu.memory_space<semaphore_mem>> -> memref<1x!tpu.dma_semaphore, #tpu.memory_space<semaphore_mem>>
        %dma_wait3A_190 = tpu.memref_squeeze %dma_wait3A_189 : memref<1x!tpu.dma_semaphore, #tpu.memory_space<semaphore_mem>> -> memref<!tpu.dma_semaphore, #tpu.memory_space<semaphore_mem>>
        %dma_wait3A_191 = arith.constant 0 : i32
        %dma_wait3A_192 = tpu.memref_slice %arg5[%mul3A_184, %dma_wait3A_191] : memref<8x128xi32, #tpu.memory_space<vmem>> -> memref<4x128xi32, #tpu.memory_space<vmem>>
        %dma_wait3A_193 = arith.constant 0 : i32
        %dma_wait3A_194 = tpu.memref_slice %arg3[%mul3A_2, %dma_wait3A_193] : memref<1152x128xi32, #tpu.memory_space<hbm>> -> memref<4x128xi32, #tpu.memory_space<hbm>>
        tpu.wait_dma2 semaphore(%dma_wait3A_190 : memref<!tpu.dma_semaphore, #tpu.memory_space<semaphore_mem>>) src(%dma_wait3A_194 : memref<4x128xi32, #tpu.memory_space<hbm>>) dst(%dma_wait3A_192 : memref<4x128xi32, #tpu.memory_space<vmem>>)
        %mul3A_195 = arith.constant 4 : i32
        %mul3A_196 = arith.muli %sub3A_136, %mul3A_195 : i32
        %add3A_197 = arith.constant 0 : i32
        %add3A_198 = arith.addi %mul3A_196, %add3A_197 : i32
        %mul3A_199 = arith.constant 4 : i32
        %mul3A_200 = arith.muli %sub3A_136, %mul3A_199 : i32
        %add3A_201 = arith.constant 0 : i32
        %add3A_202 = arith.addi %mul3A_200, %add3A_201 : i32
        %mul3A_203 = arith.constant 128 : i32
        %mul3A_204 = arith.muli %add3A_202, %mul3A_203 : i32
        %dma_start3A_205 = arith.constant 0 : i32
        %dma_start3A_206 = tpu.memref_slice %arg6[%mul3A_204, %dma_start3A_205] : memref<1024x64xf32, #tpu.memory_space<vmem>> -> memref<128x64xf32, #tpu.memory_space<vmem>>
        %dma_start3A_207 = arith.constant 0 : i32
        %dma_start3A_208 = tpu.memref_slice %arg5[%add3A_198, %dma_start3A_207] : memref<8x128xi32, #tpu.memory_space<vmem>> -> memref<1x128xi32, #tpu.memory_space<vmem>>
        %dma_start3A_209 = tpu.memref_squeeze %dma_start3A_208 : memref<1x128xi32, #tpu.memory_space<vmem>> -> memref<128xi32, #tpu.memory_space<vmem>>
        %dma_start3A_210 = arith.constant 0 : i32
        %dma_start3A_211 = arith.constant 0 : i32
        %dma_start3A_212 = tpu.memref_slice %arg2[%dma_start3A_210, %dma_start3A_211] : memref<100000x64xf32, #tpu.memory_space<hbm>> -> memref<100000x64xf32, #tpu.memory_space<hbm>>
        %dma_start3A_213 = tpu.memref_slice %arg8[%sub3A_136] : memref<2x!tpu.dma_semaphore, #tpu.memory_space<semaphore_mem>> -> memref<1x!tpu.dma_semaphore, #tpu.memory_space<semaphore_mem>>
        %dma_start3A_214 = tpu.memref_squeeze %dma_start3A_213 : memref<1x!tpu.dma_semaphore, #tpu.memory_space<semaphore_mem>> -> memref<!tpu.dma_semaphore, #tpu.memory_space<semaphore_mem>>
        tpu.enqueue_indirect_dma source(%dma_start3A_212 : memref<100000x64xf32, #tpu.memory_space<hbm>>) target(%dma_start3A_206 : memref<128x64xf32, #tpu.memory_space<vmem>>) offsets(%dma_start3A_209 : memref<128xi32, #tpu.memory_space<vmem>>) semaphore(%dma_start3A_214 : memref<!tpu.dma_semaphore, #tpu.memory_space<semaphore_mem>>)
        %mul3A_215 = arith.constant 4 : i32
        %mul3A_216 = arith.muli %sub3A_136, %mul3A_215 : i32
        %add3A_217 = arith.constant 1 : i32
        %add3A_218 = arith.addi %mul3A_216, %add3A_217 : i32
        %mul3A_219 = arith.constant 4 : i32
        %mul3A_220 = arith.muli %sub3A_136, %mul3A_219 : i32
        %add3A_221 = arith.constant 1 : i32
        %add3A_222 = arith.addi %mul3A_220, %add3A_221 : i32
        %mul3A_223 = arith.constant 128 : i32
        %mul3A_224 = arith.muli %add3A_222, %mul3A_223 : i32
        %dma_start3A_225 = arith.constant 0 : i32
        %dma_start3A_226 = tpu.memref_slice %arg6[%mul3A_224, %dma_start3A_225] : memref<1024x64xf32, #tpu.memory_space<vmem>> -> memref<128x64xf32, #tpu.memory_space<vmem>>
        %dma_start3A_227 = arith.constant 0 : i32
        %dma_start3A_228 = tpu.memref_slice %arg5[%add3A_218, %dma_start3A_227] : memref<8x128xi32, #tpu.memory_space<vmem>> -> memref<1x128xi32, #tpu.memory_space<vmem>>
        %dma_start3A_229 = tpu.memref_squeeze %dma_start3A_228 : memref<1x128xi32, #tpu.memory_space<vmem>> -> memref<128xi32, #tpu.memory_space<vmem>>
        %dma_start3A_230 = arith.constant 0 : i32
        %dma_start3A_231 = arith.constant 0 : i32
        %dma_start3A_232 = tpu.memref_slice %arg2[%dma_start3A_230, %dma_start3A_231] : memref<100000x64xf32, #tpu.memory_space<hbm>> -> memref<100000x64xf32, #tpu.memory_space<hbm>>
        %dma_start3A_233 = tpu.memref_slice %arg8[%sub3A_136] : memref<2x!tpu.dma_semaphore, #tpu.memory_space<semaphore_mem>> -> memref<1x!tpu.dma_semaphore, #tpu.memory_space<semaphore_mem>>
        %dma_start3A_234 = tpu.memref_squeeze %dma_start3A_233 : memref<1x!tpu.dma_semaphore, #tpu.memory_space<semaphore_mem>> -> memref<!tpu.dma_semaphore, #tpu.memory_space<semaphore_mem>>
        tpu.enqueue_indirect_dma source(%dma_start3A_232 : memref<100000x64xf32, #tpu.memory_space<hbm>>) target(%dma_start3A_226 : memref<128x64xf32, #tpu.memory_space<vmem>>) offsets(%dma_start3A_229 : memref<128xi32, #tpu.memory_space<vmem>>) semaphore(%dma_start3A_234 : memref<!tpu.dma_semaphore, #tpu.memory_space<semaphore_mem>>)
        %mul3A_235 = arith.constant 4 : i32
        %mul3A_236 = arith.muli %sub3A_136, %mul3A_235 : i32
        %add3A_237 = arith.constant 2 : i32
        %add3A_238 = arith.addi %mul3A_236, %add3A_237 : i32
        %mul3A_239 = arith.constant 4 : i32
        %mul3A_240 = arith.muli %sub3A_136, %mul3A_239 : i32
        %add3A_241 = arith.constant 2 : i32
        %add3A_242 = arith.addi %mul3A_240, %add3A_241 : i32
        %mul3A_243 = arith.constant 128 : i32
        %mul3A_244 = arith.muli %add3A_242, %mul3A_243 : i32
        %dma_start3A_245 = arith.constant 0 : i32
        %dma_start3A_246 = tpu.memref_slice %arg6[%mul3A_244, %dma_start3A_245] : memref<1024x64xf32, #tpu.memory_space<vmem>> -> memref<128x64xf32, #tpu.memory_space<vmem>>
        %dma_start3A_247 = arith.constant 0 : i32
        %dma_start3A_248 = tpu.memref_slice %arg5[%add3A_238, %dma_start3A_247] : memref<8x128xi32, #tpu.memory_space<vmem>> -> memref<1x128xi32, #tpu.memory_space<vmem>>
        %dma_start3A_249 = tpu.memref_squeeze %dma_start3A_248 : memref<1x128xi32, #tpu.memory_space<vmem>> -> memref<128xi32, #tpu.memory_space<vmem>>
        %dma_start3A_250 = arith.constant 0 : i32
        %dma_start3A_251 = arith.constant 0 : i32
        %dma_start3A_252 = tpu.memref_slice %arg2[%dma_start3A_250, %dma_start3A_251] : memref<100000x64xf32, #tpu.memory_space<hbm>> -> memref<100000x64xf32, #tpu.memory_space<hbm>>
        %dma_start3A_253 = tpu.memref_slice %arg8[%sub3A_136] : memref<2x!tpu.dma_semaphore, #tpu.memory_space<semaphore_mem>> -> memref<1x!tpu.dma_semaphore, #tpu.memory_space<semaphore_mem>>
        %dma_start3A_254 = tpu.memref_squeeze %dma_start3A_253 : memref<1x!tpu.dma_semaphore, #tpu.memory_space<semaphore_mem>> -> memref<!tpu.dma_semaphore, #tpu.memory_space<semaphore_mem>>
        tpu.enqueue_indirect_dma source(%dma_start3A_252 : memref<100000x64xf32, #tpu.memory_space<hbm>>) target(%dma_start3A_246 : memref<128x64xf32, #tpu.memory_space<vmem>>) offsets(%dma_start3A_249 : memref<128xi32, #tpu.memory_space<vmem>>) semaphore(%dma_start3A_254 : memref<!tpu.dma_semaphore, #tpu.memory_space<semaphore_mem>>)
        %mul3A_255 = arith.constant 4 : i32
        %mul3A_256 = arith.muli %sub3A_136, %mul3A_255 : i32
        %add3A_257 = arith.constant 3 : i32
        %add3A_258 = arith.addi %mul3A_256, %add3A_257 : i32
        %mul3A_259 = arith.constant 4 : i32
        %mul3A_260 = arith.muli %sub3A_136, %mul3A_259 : i32
        %add3A_261 = arith.constant 3 : i32
        %add3A_262 = arith.addi %mul3A_260, %add3A_261 : i32
        %mul3A_263 = arith.constant 128 : i32
        %mul3A_264 = arith.muli %add3A_262, %mul3A_263 : i32
        %dma_start3A_265 = arith.constant 0 : i32
        %dma_start3A_266 = tpu.memref_slice %arg6[%mul3A_264, %dma_start3A_265] : memref<1024x64xf32, #tpu.memory_space<vmem>> -> memref<128x64xf32, #tpu.memory_space<vmem>>
        %dma_start3A_267 = arith.constant 0 : i32
        %dma_start3A_268 = tpu.memref_slice %arg5[%add3A_258, %dma_start3A_267] : memref<8x128xi32, #tpu.memory_space<vmem>> -> memref<1x128xi32, #tpu.memory_space<vmem>>
        %dma_start3A_269 = tpu.memref_squeeze %dma_start3A_268 : memref<1x128xi32, #tpu.memory_space<vmem>> -> memref<128xi32, #tpu.memory_space<vmem>>
        %dma_start3A_270 = arith.constant 0 : i32
        %dma_start3A_271 = arith.constant 0 : i32
        %dma_start3A_272 = tpu.memref_slice %arg2[%dma_start3A_270, %dma_start3A_271] : memref<100000x64xf32, #tpu.memory_space<hbm>> -> memref<100000x64xf32, #tpu.memory_space<hbm>>
        %dma_start3A_273 = tpu.memref_slice %arg8[%sub3A_136] : memref<2x!tpu.dma_semaphore, #tpu.memory_space<semaphore_mem>> -> memref<1x!tpu.dma_semaphore, #tpu.memory_space<semaphore_mem>>
        %dma_start3A_274 = tpu.memref_squeeze %dma_start3A_273 : memref<1x!tpu.dma_semaphore, #tpu.memory_space<semaphore_mem>> -> memref<!tpu.dma_semaphore, #tpu.memory_space<semaphore_mem>>
        tpu.enqueue_indirect_dma source(%dma_start3A_272 : memref<100000x64xf32, #tpu.memory_space<hbm>>) target(%dma_start3A_266 : memref<128x64xf32, #tpu.memory_space<vmem>>) offsets(%dma_start3A_269 : memref<128xi32, #tpu.memory_space<vmem>>) semaphore(%dma_start3A_274 : memref<!tpu.dma_semaphore, #tpu.memory_space<semaphore_mem>>)
      } else {
      }
      %mul3A_141 = arith.constant 512 : i32
      %mul3A_142 = arith.muli %rem3A_135, %mul3A_141 : i32
      %dma_wait3A_143 = arith.constant 0 : i32
      %dma_wait3A_144 = tpu.memref_slice %arg6[%mul3A_142, %dma_wait3A_143] : memref<1024x64xf32, #tpu.memory_space<vmem>> -> memref<512x64xf32, #tpu.memory_space<vmem>>
      %dma_wait3A_145 = arith.constant 0 : i32
      %dma_wait3A_146 = arith.constant 0 : i32
      %dma_wait3A_147 = tpu.memref_slice %arg4[%dma_wait3A_145, %dma_wait3A_146] : memref<147456x64xf32, #tpu.memory_space<hbm>> -> memref<512x64xf32, #tpu.memory_space<hbm>>
      %dma_wait3A_148 = tpu.memref_slice %arg8[%rem3A_135] : memref<2x!tpu.dma_semaphore, #tpu.memory_space<semaphore_mem>> -> memref<1x!tpu.dma_semaphore, #tpu.memory_space<semaphore_mem>>
      %dma_wait3A_149 = tpu.memref_squeeze %dma_wait3A_148 : memref<1x!tpu.dma_semaphore, #tpu.memory_space<semaphore_mem>> -> memref<!tpu.dma_semaphore, #tpu.memory_space<semaphore_mem>>
      %dma_wait3A_150 = arith.constant 0 : i32
      %dma_wait3A_151 = tpu.memref_slice %arg6[%mul3A_142, %dma_wait3A_150] : memref<1024x64xf32, #tpu.memory_space<vmem>> -> memref<512x64xf32, #tpu.memory_space<vmem>>
      %dma_wait3A_152 = arith.constant 0 : i32
      %dma_wait3A_153 = arith.constant 0 : i32
      %dma_wait3A_154 = tpu.memref_slice %arg4[%dma_wait3A_152, %dma_wait3A_153] : memref<147456x64xf32, #tpu.memory_space<hbm>> -> memref<512x64xf32, #tpu.memory_space<hbm>>
      tpu.wait_dma2 semaphore(%dma_wait3A_149 : memref<!tpu.dma_semaphore, #tpu.memory_space<semaphore_mem>>) src(%dma_wait3A_154 : memref<512x64xf32, #tpu.memory_space<hbm>>) dst(%dma_wait3A_151 : memref<512x64xf32, #tpu.memory_space<vmem>>)
      %add3A_155 = arith.constant 2 : i32
      %add3A_156 = arith.addi %add3A_134, %add3A_155 : i32
      %lt3A_157 = arith.constant 9 : i32
      %lt3A_158 = arith.cmpi slt, %add3A_156, %lt3A_157 : i32
      %convert_element_type3A_159 = arith.extui %lt3A_158 : i1 to i32
      %cond3A_160 = arith.constant 0 : i32
      %cond3A_161 = arith.cmpi ne, %convert_element_type3A_159, %cond3A_160 : i32
      scf.if %cond3A_161 {
        %add3A_179 = arith.constant 2 : i32
        %add3A_180 = arith.addi %add3A_134, %add3A_179 : i32
        %mul3A_181 = arith.constant 4 : i32
        %mul3A_182 = arith.muli %add3A_180, %mul3A_181 : i32
        %add3A_183 = arith.addi %mul3A_2, %mul3A_182 : i32
        %mul3A_184 = arith.constant 4 : i32
        %mul3A_185 = arith.muli %rem3A_135, %mul3A_184 : i32
        %dma_start3A_186 = arith.constant 0 : i32
        %dma_start3A_187 = tpu.memref_slice %arg5[%mul3A_185, %dma_start3A_186] : memref<8x128xi32, #tpu.memory_space<vmem>> -> memref<4x128xi32, #tpu.memory_space<vmem>>
        %dma_start3A_188 = arith.constant 0 : i32
        %dma_start3A_189 = tpu.memref_slice %arg3[%add3A_183, %dma_start3A_188] : memref<1152x128xi32, #tpu.memory_space<hbm>> -> memref<4x128xi32, #tpu.memory_space<hbm>>
        %dma_start3A_190 = tpu.memref_slice %arg7[%rem3A_135] : memref<2x!tpu.dma_semaphore, #tpu.memory_space<semaphore_mem>> -> memref<1x!tpu.dma_semaphore, #tpu.memory_space<semaphore_mem>>
        %dma_start3A_191 = tpu.memref_squeeze %dma_start3A_190 : memref<1x!tpu.dma_semaphore, #tpu.memory_space<semaphore_mem>> -> memref<!tpu.dma_semaphore, #tpu.memory_space<semaphore_mem>>
        %dma_start3A_192 = arith.constant 0 : i32
        %dma_start3A_193 = tpu.memref_slice %arg5[%mul3A_185, %dma_start3A_192] : memref<8x128xi32, #tpu.memory_space<vmem>> -> memref<4x128xi32, #tpu.memory_space<vmem>>
        %dma_start3A_194 = arith.constant 0 : i32
        %dma_start3A_195 = tpu.memref_slice %arg3[%add3A_183, %dma_start3A_194] : memref<1152x128xi32, #tpu.memory_space<hbm>> -> memref<4x128xi32, #tpu.memory_space<hbm>>
        tpu.enqueue_dma source(%dma_start3A_195 : memref<4x128xi32, #tpu.memory_space<hbm>>) target(%dma_start3A_193 : memref<4x128xi32, #tpu.memory_space<vmem>>) target_semaphore(%dma_start3A_191 : memref<!tpu.dma_semaphore, #tpu.memory_space<semaphore_mem>>)
      } else {
      }
      %mul3A_162 = arith.constant 512 : i32
      %mul3A_163 = arith.muli %rem3A_135, %mul3A_162 : i32
      %mul3A_164 = arith.constant 4 : i32
      %mul3A_165 = arith.muli %add3A_134, %mul3A_164 : i32
      %add3A_166 = arith.addi %mul3A_2, %mul3A_165 : i32
      %mul3A_167 = arith.constant 128 : i32
      %mul3A_168 = arith.muli %add3A_166, %mul3A_167 : i32
      %dma_start3A_169 = arith.constant 0 : i32
      %dma_start3A_170 = tpu.memref_slice %arg6[%mul3A_163, %dma_start3A_169] : memref<1024x64xf32, #tpu.memory_space<vmem>> -> memref<512x64xf32, #tpu.memory_space<vmem>>
      %dma_start3A_171 = arith.constant 0 : i32
      %dma_start3A_172 = tpu.memref_slice %arg4[%mul3A_168, %dma_start3A_171] : memref<147456x64xf32, #tpu.memory_space<hbm>> -> memref<512x64xf32, #tpu.memory_space<hbm>>
      %dma_start3A_173 = tpu.memref_slice %arg9[%rem3A_135] : memref<2x!tpu.dma_semaphore, #tpu.memory_space<semaphore_mem>> -> memref<1x!tpu.dma_semaphore, #tpu.memory_space<semaphore_mem>>
      %dma_start3A_174 = tpu.memref_squeeze %dma_start3A_173 : memref<1x!tpu.dma_semaphore, #tpu.memory_space<semaphore_mem>> -> memref<!tpu.dma_semaphore, #tpu.memory_space<semaphore_mem>>
      %dma_start3A_175 = arith.constant 0 : i32
      %dma_start3A_176 = tpu.memref_slice %arg4[%mul3A_168, %dma_start3A_175] : memref<147456x64xf32, #tpu.memory_space<hbm>> -> memref<512x64xf32, #tpu.memory_space<hbm>>
      %dma_start3A_177 = arith.constant 0 : i32
      %dma_start3A_178 = tpu.memref_slice %arg6[%mul3A_163, %dma_start3A_177] : memref<1024x64xf32, #tpu.memory_space<vmem>> -> memref<512x64xf32, #tpu.memory_space<vmem>>
      tpu.enqueue_dma source(%dma_start3A_178 : memref<512x64xf32, #tpu.memory_space<vmem>>) target(%dma_start3A_176 : memref<512x64xf32, #tpu.memory_space<hbm>>) target_semaphore(%dma_start3A_174 : memref<!tpu.dma_semaphore, #tpu.memory_space<semaphore_mem>>)
    }
    %scan3A_99 = arith.constant 9 : i32
    %dma_wait3A_100 = arith.constant 0 : i32
    %dma_wait3A_101 = arith.constant 0 : i32
    %dma_wait3A_102 = arith.constant 0 : i32
    %dma_wait3A_103 = tpu.memref_slice %arg6[%dma_wait3A_101, %dma_wait3A_102] : memref<1024x64xf32, #tpu.memory_space<vmem>> -> memref<512x64xf32, #tpu.memory_space<vmem>>
    %dma_wait3A_104 = arith.constant 0 : i32
    %dma_wait3A_105 = arith.constant 0 : i32
    %dma_wait3A_106 = tpu.memref_slice %arg4[%dma_wait3A_104, %dma_wait3A_105] : memref<147456x64xf32, #tpu.memory_space<hbm>> -> memref<512x64xf32, #tpu.memory_space<hbm>>
    %dma_wait3A_107 = tpu.memref_slice %arg9[%dma_wait3A_100] : memref<2x!tpu.dma_semaphore, #tpu.memory_space<semaphore_mem>> -> memref<1x!tpu.dma_semaphore, #tpu.memory_space<semaphore_mem>>
    %dma_wait3A_108 = tpu.memref_squeeze %dma_wait3A_107 : memref<1x!tpu.dma_semaphore, #tpu.memory_space<semaphore_mem>> -> memref<!tpu.dma_semaphore, #tpu.memory_space<semaphore_mem>>
    %dma_wait3A_109 = arith.constant 0 : i32
    %dma_wait3A_110 = arith.constant 0 : i32
    %dma_wait3A_111 = tpu.memref_slice %arg4[%dma_wait3A_109, %dma_wait3A_110] : memref<147456x64xf32, #tpu.memory_space<hbm>> -> memref<512x64xf32, #tpu.memory_space<hbm>>
    %dma_wait3A_112 = arith.constant 0 : i32
    %dma_wait3A_113 = arith.constant 0 : i32
    %dma_wait3A_114 = tpu.memref_slice %arg6[%dma_wait3A_112, %dma_wait3A_113] : memref<1024x64xf32, #tpu.memory_space<vmem>> -> memref<512x64xf32, #tpu.memory_space<vmem>>
    tpu.wait_dma2 semaphore(%dma_wait3A_108 : memref<!tpu.dma_semaphore, #tpu.memory_space<semaphore_mem>>) src(%dma_wait3A_114 : memref<512x64xf32, #tpu.memory_space<vmem>>) dst(%dma_wait3A_111 : memref<512x64xf32, #tpu.memory_space<hbm>>)
    %dma_wait3A_115 = arith.constant 1 : i32
    %dma_wait3A_116 = arith.constant 512 : i32
    %dma_wait3A_117 = arith.constant 0 : i32
    %dma_wait3A_118 = tpu.memref_slice %arg6[%dma_wait3A_116, %dma_wait3A_117] : memref<1024x64xf32, #tpu.memory_space<vmem>> -> memref<512x64xf32, #tpu.memory_space<vmem>>
    %dma_wait3A_119 = arith.constant 0 : i32
    %dma_wait3A_120 = arith.constant 0 : i32
    %dma_wait3A_121 = tpu.memref_slice %arg4[%dma_wait3A_119, %dma_wait3A_120] : memref<147456x64xf32, #tpu.memory_space<hbm>> -> memref<512x64xf32, #tpu.memory_space<hbm>>
    %dma_wait3A_122 = tpu.memref_slice %arg9[%dma_wait3A_115] : memref<2x!tpu.dma_semaphore, #tpu.memory_space<semaphore_mem>> -> memref<1x!tpu.dma_semaphore, #tpu.memory_space<semaphore_mem>>
    %dma_wait3A_123 = tpu.memref_squeeze %dma_wait3A_122 : memref<1x!tpu.dma_semaphore, #tpu.memory_space<semaphore_mem>> -> memref<!tpu.dma_semaphore, #tpu.memory_space<semaphore_mem>>
    %dma_wait3A_124 = arith.constant 0 : i32
    %dma_wait3A_125 = arith.constant 0 : i32
    %dma_wait3A_126 = tpu.memref_slice %arg4[%dma_wait3A_124, %dma_wait3A_125] : memref<147456x64xf32, #tpu.memory_space<hbm>> -> memref<512x64xf32, #tpu.memory_space<hbm>>
    %dma_wait3A_127 = arith.constant 512 : i32
    %dma_wait3A_128 = arith.constant 0 : i32
    %dma_wait3A_129 = tpu.memref_slice %arg6[%dma_wait3A_127, %dma_wait3A_128] : memref<1024x64xf32, #tpu.memory_space<vmem>> -> memref<512x64xf32, #tpu.memory_space<vmem>>
    tpu.wait_dma2 semaphore(%dma_wait3A_123 : memref<!tpu.dma_semaphore, #tpu.memory_space<semaphore_mem>>) src(%dma_wait3A_129 : memref<512x64xf32, #tpu.memory_space<vmem>>) dst(%dma_wait3A_126 : memref<512x64xf32, #tpu.memory_space<hbm>>)
    return
  }
}

#map = affine_map<(d0, d1) -> (0, 0)>
module attributes {stable_mosaic.version = 14 : i64} {
  func.func @_sc_gather(%arg0: i32, %arg1: i32, %arg2: memref<100000x64xf32, #tpu.memory_space<hbm>>, %arg3: memref<512x128xi32, #tpu.memory_space<hbm>>, %arg4: memref<65536x64xf32, #tpu.memory_space<hbm>>, %arg5: memref<8x128xi32, #tpu.memory_space<vmem>>, %arg6: memref<1024x64xf32, #tpu.memory_space<vmem>>, %arg7: memref<2x!tpu.dma_semaphore, #tpu.memory_space<semaphore_mem>>, %arg8: memref<2x!tpu.dma_semaphore, #tpu.memory_space<semaphore_mem>>, %arg9: memref<2x!tpu.dma_semaphore, #tpu.memory_space<semaphore_mem>>) attributes {dimension_semantics = [#tpu.dimension_semantics<core_parallel>, #tpu.dimension_semantics<subcore_parallel>], iteration_bounds = array<i64: 2, 16>, scalar_prefetch = 0 : i64, scratch_operands = 5 : i64, tpu.core_type = #tpu.core_type<sc_vector_subcore>, window_params = [{transform_indices = #map}, {transform_indices = #map}, {transform_indices = #map}]} {
    %mul3A = arith.constant 2 : i32
    %mul3A_0 = arith.muli %arg1, %mul3A : i32
    %add3A = arith.addi %mul3A_0, %arg0 : i32
    %mul3A_1 = arith.constant 16 : i32
    %mul3A_2 = arith.muli %add3A, %mul3A_1 : i32
    %add3A_3 = arith.constant 0 : i32
    %add3A_4 = arith.addi %mul3A_2, %add3A_3 : i32
    %dma_start3A = arith.constant 0 : i32
    %dma_start3A_5 = arith.constant 0 : i32
    %dma_start3A_6 = arith.constant 0 : i32
    %dma_start3A_7 = tpu.memref_slice %arg5[%dma_start3A_5, %dma_start3A_6] : memref<8x128xi32, #tpu.memory_space<vmem>> -> memref<4x128xi32, #tpu.memory_space<vmem>>
    %dma_start3A_8 = arith.constant 0 : i32
    %dma_start3A_9 = tpu.memref_slice %arg3[%add3A_4, %dma_start3A_8] : memref<512x128xi32, #tpu.memory_space<hbm>> -> memref<4x128xi32, #tpu.memory_space<hbm>>
    %dma_start3A_10 = tpu.memref_slice %arg7[%dma_start3A] : memref<2x!tpu.dma_semaphore, #tpu.memory_space<semaphore_mem>> -> memref<1x!tpu.dma_semaphore, #tpu.memory_space<semaphore_mem>>
    %dma_start3A_11 = tpu.memref_squeeze %dma_start3A_10 : memref<1x!tpu.dma_semaphore, #tpu.memory_space<semaphore_mem>> -> memref<!tpu.dma_semaphore, #tpu.memory_space<semaphore_mem>>
    %dma_start3A_12 = arith.constant 0 : i32
    %dma_start3A_13 = arith.constant 0 : i32
    %dma_start3A_14 = tpu.memref_slice %arg5[%dma_start3A_12, %dma_start3A_13] : memref<8x128xi32, #tpu.memory_space<vmem>> -> memref<4x128xi32, #tpu.memory_space<vmem>>
    %dma_start3A_15 = arith.constant 0 : i32
    %dma_start3A_16 = tpu.memref_slice %arg3[%add3A_4, %dma_start3A_15] : memref<512x128xi32, #tpu.memory_space<hbm>> -> memref<4x128xi32, #tpu.memory_space<hbm>>
    tpu.enqueue_dma source(%dma_start3A_16 : memref<4x128xi32, #tpu.memory_space<hbm>>) target(%dma_start3A_14 : memref<4x128xi32, #tpu.memory_space<vmem>>) target_semaphore(%dma_start3A_11 : memref<!tpu.dma_semaphore, #tpu.memory_space<semaphore_mem>>)
    %add3A_17 = arith.constant 4 : i32
    %add3A_18 = arith.addi %mul3A_2, %add3A_17 : i32
    %dma_start3A_19 = arith.constant 1 : i32
    %dma_start3A_20 = arith.constant 4 : i32
    %dma_start3A_21 = arith.constant 0 : i32
    %dma_start3A_22 = tpu.memref_slice %arg5[%dma_start3A_20, %dma_start3A_21] : memref<8x128xi32, #tpu.memory_space<vmem>> -> memref<4x128xi32, #tpu.memory_space<vmem>>
    %dma_start3A_23 = arith.constant 0 : i32
    %dma_start3A_24 = tpu.memref_slice %arg3[%add3A_18, %dma_start3A_23] : memref<512x128xi32, #tpu.memory_space<hbm>> -> memref<4x128xi32, #tpu.memory_space<hbm>>
    %dma_start3A_25 = tpu.memref_slice %arg7[%dma_start3A_19] : memref<2x!tpu.dma_semaphore, #tpu.memory_space<semaphore_mem>> -> memref<1x!tpu.dma_semaphore, #tpu.memory_space<semaphore_mem>>
    %dma_start3A_26 = tpu.memref_squeeze %dma_start3A_25 : memref<1x!tpu.dma_semaphore, #tpu.memory_space<semaphore_mem>> -> memref<!tpu.dma_semaphore, #tpu.memory_space<semaphore_mem>>
    %dma_start3A_27 = arith.constant 4 : i32
    %dma_start3A_28 = arith.constant 0 : i32
    %dma_start3A_29 = tpu.memref_slice %arg5[%dma_start3A_27, %dma_start3A_28] : memref<8x128xi32, #tpu.memory_space<vmem>> -> memref<4x128xi32, #tpu.memory_space<vmem>>
    %dma_start3A_30 = arith.constant 0 : i32
    %dma_start3A_31 = tpu.memref_slice %arg3[%add3A_18, %dma_start3A_30] : memref<512x128xi32, #tpu.memory_space<hbm>> -> memref<4x128xi32, #tpu.memory_space<hbm>>
    tpu.enqueue_dma source(%dma_start3A_31 : memref<4x128xi32, #tpu.memory_space<hbm>>) target(%dma_start3A_29 : memref<4x128xi32, #tpu.memory_space<vmem>>) target_semaphore(%dma_start3A_26 : memref<!tpu.dma_semaphore, #tpu.memory_space<semaphore_mem>>)
    %dma_wait3A = arith.constant 0 : i32
    %dma_wait3A_32 = arith.constant 0 : i32
    %dma_wait3A_33 = arith.constant 0 : i32
    %dma_wait3A_34 = tpu.memref_slice %arg5[%dma_wait3A_32, %dma_wait3A_33] : memref<8x128xi32, #tpu.memory_space<vmem>> -> memref<4x128xi32, #tpu.memory_space<vmem>>
    %dma_wait3A_35 = arith.constant 0 : i32
    %dma_wait3A_36 = tpu.memref_slice %arg3[%mul3A_2, %dma_wait3A_35] : memref<512x128xi32, #tpu.memory_space<hbm>> -> memref<4x128xi32, #tpu.memory_space<hbm>>
    %dma_wait3A_37 = tpu.memref_slice %arg7[%dma_wait3A] : memref<2x!tpu.dma_semaphore, #tpu.memory_space<semaphore_mem>> -> memref<1x!tpu.dma_semaphore, #tpu.memory_space<semaphore_mem>>
    %dma_wait3A_38 = tpu.memref_squeeze %dma_wait3A_37 : memref<1x!tpu.dma_semaphore, #tpu.memory_space<semaphore_mem>> -> memref<!tpu.dma_semaphore, #tpu.memory_space<semaphore_mem>>
    %dma_wait3A_39 = arith.constant 0 : i32
    %dma_wait3A_40 = arith.constant 0 : i32
    %dma_wait3A_41 = tpu.memref_slice %arg5[%dma_wait3A_39, %dma_wait3A_40] : memref<8x128xi32, #tpu.memory_space<vmem>> -> memref<4x128xi32, #tpu.memory_space<vmem>>
    %dma_wait3A_42 = arith.constant 0 : i32
    %dma_wait3A_43 = tpu.memref_slice %arg3[%mul3A_2, %dma_wait3A_42] : memref<512x128xi32, #tpu.memory_space<hbm>> -> memref<4x128xi32, #tpu.memory_space<hbm>>
    tpu.wait_dma2 semaphore(%dma_wait3A_38 : memref<!tpu.dma_semaphore, #tpu.memory_space<semaphore_mem>>) src(%dma_wait3A_43 : memref<4x128xi32, #tpu.memory_space<hbm>>) dst(%dma_wait3A_41 : memref<4x128xi32, #tpu.memory_space<vmem>>)
    %dma_start3A_44 = arith.constant 0 : i32
    %dma_start3A_45 = arith.constant 0 : i32
    %dma_start3A_46 = arith.constant 0 : i32
    %dma_start3A_47 = arith.constant 0 : i32
    %dma_start3A_48 = tpu.memref_slice %arg6[%dma_start3A_46, %dma_start3A_47] : memref<1024x64xf32, #tpu.memory_space<vmem>> -> memref<128x64xf32, #tpu.memory_space<vmem>>
    %dma_start3A_49 = arith.constant 0 : i32
    %dma_start3A_50 = tpu.memref_slice %arg5[%dma_start3A_44, %dma_start3A_49] : memref<8x128xi32, #tpu.memory_space<vmem>> -> memref<1x128xi32, #tpu.memory_space<vmem>>
    %dma_start3A_51 = tpu.memref_squeeze %dma_start3A_50 : memref<1x128xi32, #tpu.memory_space<vmem>> -> memref<128xi32, #tpu.memory_space<vmem>>
    %dma_start3A_52 = arith.constant 0 : i32
    %dma_start3A_53 = arith.constant 0 : i32
    %dma_start3A_54 = tpu.memref_slice %arg2[%dma_start3A_52, %dma_start3A_53] : memref<100000x64xf32, #tpu.memory_space<hbm>> -> memref<100000x64xf32, #tpu.memory_space<hbm>>
    %dma_start3A_55 = tpu.memref_slice %arg8[%dma_start3A_45] : memref<2x!tpu.dma_semaphore, #tpu.memory_space<semaphore_mem>> -> memref<1x!tpu.dma_semaphore, #tpu.memory_space<semaphore_mem>>
    %dma_start3A_56 = tpu.memref_squeeze %dma_start3A_55 : memref<1x!tpu.dma_semaphore, #tpu.memory_space<semaphore_mem>> -> memref<!tpu.dma_semaphore, #tpu.memory_space<semaphore_mem>>
    tpu.enqueue_indirect_dma source(%dma_start3A_54 : memref<100000x64xf32, #tpu.memory_space<hbm>>) target(%dma_start3A_48 : memref<128x64xf32, #tpu.memory_space<vmem>>) offsets(%dma_start3A_51 : memref<128xi32, #tpu.memory_space<vmem>>) semaphore(%dma_start3A_56 : memref<!tpu.dma_semaphore, #tpu.memory_space<semaphore_mem>>)
    %dma_start3A_57 = arith.constant 1 : i32
    %dma_start3A_58 = arith.constant 0 : i32
    %dma_start3A_59 = arith.constant 128 : i32
    %dma_start3A_60 = arith.constant 0 : i32
    %dma_start3A_61 = tpu.memref_slice %arg6[%dma_start3A_59, %dma_start3A_60] : memref<1024x64xf32, #tpu.memory_space<vmem>> -> memref<128x64xf32, #tpu.memory_space<vmem>>
    %dma_start3A_62 = arith.constant 0 : i32
    %dma_start3A_63 = tpu.memref_slice %arg5[%dma_start3A_57, %dma_start3A_62] : memref<8x128xi32, #tpu.memory_space<vmem>> -> memref<1x128xi32, #tpu.memory_space<vmem>>
    %dma_start3A_64 = tpu.memref_squeeze %dma_start3A_63 : memref<1x128xi32, #tpu.memory_space<vmem>> -> memref<128xi32, #tpu.memory_space<vmem>>
    %dma_start3A_65 = arith.constant 0 : i32
    %dma_start3A_66 = arith.constant 0 : i32
    %dma_start3A_67 = tpu.memref_slice %arg2[%dma_start3A_65, %dma_start3A_66] : memref<100000x64xf32, #tpu.memory_space<hbm>> -> memref<100000x64xf32, #tpu.memory_space<hbm>>
    %dma_start3A_68 = tpu.memref_slice %arg8[%dma_start3A_58] : memref<2x!tpu.dma_semaphore, #tpu.memory_space<semaphore_mem>> -> memref<1x!tpu.dma_semaphore, #tpu.memory_space<semaphore_mem>>
    %dma_start3A_69 = tpu.memref_squeeze %dma_start3A_68 : memref<1x!tpu.dma_semaphore, #tpu.memory_space<semaphore_mem>> -> memref<!tpu.dma_semaphore, #tpu.memory_space<semaphore_mem>>
    tpu.enqueue_indirect_dma source(%dma_start3A_67 : memref<100000x64xf32, #tpu.memory_space<hbm>>) target(%dma_start3A_61 : memref<128x64xf32, #tpu.memory_space<vmem>>) offsets(%dma_start3A_64 : memref<128xi32, #tpu.memory_space<vmem>>) semaphore(%dma_start3A_69 : memref<!tpu.dma_semaphore, #tpu.memory_space<semaphore_mem>>)
    %dma_start3A_70 = arith.constant 2 : i32
    %dma_start3A_71 = arith.constant 0 : i32
    %dma_start3A_72 = arith.constant 256 : i32
    %dma_start3A_73 = arith.constant 0 : i32
    %dma_start3A_74 = tpu.memref_slice %arg6[%dma_start3A_72, %dma_start3A_73] : memref<1024x64xf32, #tpu.memory_space<vmem>> -> memref<128x64xf32, #tpu.memory_space<vmem>>
    %dma_start3A_75 = arith.constant 0 : i32
    %dma_start3A_76 = tpu.memref_slice %arg5[%dma_start3A_70, %dma_start3A_75] : memref<8x128xi32, #tpu.memory_space<vmem>> -> memref<1x128xi32, #tpu.memory_space<vmem>>
    %dma_start3A_77 = tpu.memref_squeeze %dma_start3A_76 : memref<1x128xi32, #tpu.memory_space<vmem>> -> memref<128xi32, #tpu.memory_space<vmem>>
    %dma_start3A_78 = arith.constant 0 : i32
    %dma_start3A_79 = arith.constant 0 : i32
    %dma_start3A_80 = tpu.memref_slice %arg2[%dma_start3A_78, %dma_start3A_79] : memref<100000x64xf32, #tpu.memory_space<hbm>> -> memref<100000x64xf32, #tpu.memory_space<hbm>>
    %dma_start3A_81 = tpu.memref_slice %arg8[%dma_start3A_71] : memref<2x!tpu.dma_semaphore, #tpu.memory_space<semaphore_mem>> -> memref<1x!tpu.dma_semaphore, #tpu.memory_space<semaphore_mem>>
    %dma_start3A_82 = tpu.memref_squeeze %dma_start3A_81 : memref<1x!tpu.dma_semaphore, #tpu.memory_space<semaphore_mem>> -> memref<!tpu.dma_semaphore, #tpu.memory_space<semaphore_mem>>
    tpu.enqueue_indirect_dma source(%dma_start3A_80 : memref<100000x64xf32, #tpu.memory_space<hbm>>) target(%dma_start3A_74 : memref<128x64xf32, #tpu.memory_space<vmem>>) offsets(%dma_start3A_77 : memref<128xi32, #tpu.memory_space<vmem>>) semaphore(%dma_start3A_82 : memref<!tpu.dma_semaphore, #tpu.memory_space<semaphore_mem>>)
    %dma_start3A_83 = arith.constant 3 : i32
    %dma_start3A_84 = arith.constant 0 : i32
    %dma_start3A_85 = arith.constant 384 : i32
    %dma_start3A_86 = arith.constant 0 : i32
    %dma_start3A_87 = tpu.memref_slice %arg6[%dma_start3A_85, %dma_start3A_86] : memref<1024x64xf32, #tpu.memory_space<vmem>> -> memref<128x64xf32, #tpu.memory_space<vmem>>
    %dma_start3A_88 = arith.constant 0 : i32
    %dma_start3A_89 = tpu.memref_slice %arg5[%dma_start3A_83, %dma_start3A_88] : memref<8x128xi32, #tpu.memory_space<vmem>> -> memref<1x128xi32, #tpu.memory_space<vmem>>
    %dma_start3A_90 = tpu.memref_squeeze %dma_start3A_89 : memref<1x128xi32, #tpu.memory_space<vmem>> -> memref<128xi32, #tpu.memory_space<vmem>>
    %dma_start3A_91 = arith.constant 0 : i32
    %dma_start3A_92 = arith.constant 0 : i32
    %dma_start3A_93 = tpu.memref_slice %arg2[%dma_start3A_91, %dma_start3A_92] : memref<100000x64xf32, #tpu.memory_space<hbm>> -> memref<100000x64xf32, #tpu.memory_space<hbm>>
    %dma_start3A_94 = tpu.memref_slice %arg8[%dma_start3A_84] : memref<2x!tpu.dma_semaphore, #tpu.memory_space<semaphore_mem>> -> memref<1x!tpu.dma_semaphore, #tpu.memory_space<semaphore_mem>>
    %dma_start3A_95 = tpu.memref_squeeze %dma_start3A_94 : memref<1x!tpu.dma_semaphore, #tpu.memory_space<semaphore_mem>> -> memref<!tpu.dma_semaphore, #tpu.memory_space<semaphore_mem>>
    tpu.enqueue_indirect_dma source(%dma_start3A_93 : memref<100000x64xf32, #tpu.memory_space<hbm>>) target(%dma_start3A_87 : memref<128x64xf32, #tpu.memory_space<vmem>>) offsets(%dma_start3A_90 : memref<128xi32, #tpu.memory_space<vmem>>) semaphore(%dma_start3A_95 : memref<!tpu.dma_semaphore, #tpu.memory_space<semaphore_mem>>)
    %scan3A = arith.constant 0 : i32
    %scan3A_96 = arith.constant 4 : i32
    %scan3A_97 = arith.addi %scan3A, %scan3A_96 : i32
    %scan3A_98 = arith.constant 1 : i32
    scf.for %scan3A_130 = %scan3A to %scan3A_97 step %scan3A_98  : i32 {
      %mul3A_131 = arith.constant 1 : i32
      %mul3A_132 = arith.muli %scan3A_130, %mul3A_131 : i32
      %add3A_133 = arith.constant 0 : i32
      %add3A_134 = arith.addi %add3A_133, %mul3A_132 : i32
      %rem3A = arith.constant 2 : i32
      %rem3A_135 = arith.remsi %add3A_134, %rem3A : i32
      %sub3A = arith.constant 1 : i32
      %sub3A_136 = arith.subi %sub3A, %rem3A_135 : i32
      %add3A_137 = arith.constant 1 : i32
      %add3A_138 = arith.addi %add3A_134, %add3A_137 : i32
      %lt3A = arith.constant 4 : i32
      %lt3A_139 = arith.cmpi slt, %add3A_138, %lt3A : i32
      %convert_element_type3A = arith.extui %lt3A_139 : i1 to i32
      %cond3A = arith.constant 0 : i32
      %cond3A_140 = arith.cmpi ne, %convert_element_type3A, %cond3A : i32
      scf.if %cond3A_140 {
        %ge3A = arith.constant 1 : i32
        %ge3A_179 = arith.cmpi sge, %add3A_134, %ge3A : i32
        %convert_element_type3A_180 = arith.extui %ge3A_179 : i1 to i32
        %cond3A_181 = arith.constant 0 : i32
        %cond3A_182 = arith.cmpi ne, %convert_element_type3A_180, %cond3A_181 : i32
        scf.if %cond3A_182 {
          %mul3A_275 = arith.constant 512 : i32
          %mul3A_276 = arith.muli %sub3A_136, %mul3A_275 : i32
          %dma_wait3A_277 = arith.constant 0 : i32
          %dma_wait3A_278 = tpu.memref_slice %arg6[%mul3A_276, %dma_wait3A_277] : memref<1024x64xf32, #tpu.memory_space<vmem>> -> memref<512x64xf32, #tpu.memory_space<vmem>>
          %dma_wait3A_279 = arith.constant 0 : i32
          %dma_wait3A_280 = arith.constant 0 : i32
          %dma_wait3A_281 = tpu.memref_slice %arg4[%dma_wait3A_279, %dma_wait3A_280] : memref<65536x64xf32, #tpu.memory_space<hbm>> -> memref<512x64xf32, #tpu.memory_space<hbm>>
          %dma_wait3A_282 = tpu.memref_slice %arg9[%sub3A_136] : memref<2x!tpu.dma_semaphore, #tpu.memory_space<semaphore_mem>> -> memref<1x!tpu.dma_semaphore, #tpu.memory_space<semaphore_mem>>
          %dma_wait3A_283 = tpu.memref_squeeze %dma_wait3A_282 : memref<1x!tpu.dma_semaphore, #tpu.memory_space<semaphore_mem>> -> memref<!tpu.dma_semaphore, #tpu.memory_space<semaphore_mem>>
          %dma_wait3A_284 = arith.constant 0 : i32
          %dma_wait3A_285 = arith.constant 0 : i32
          %dma_wait3A_286 = tpu.memref_slice %arg4[%dma_wait3A_284, %dma_wait3A_285] : memref<65536x64xf32, #tpu.memory_space<hbm>> -> memref<512x64xf32, #tpu.memory_space<hbm>>
          %dma_wait3A_287 = arith.constant 0 : i32
          %dma_wait3A_288 = tpu.memref_slice %arg6[%mul3A_276, %dma_wait3A_287] : memref<1024x64xf32, #tpu.memory_space<vmem>> -> memref<512x64xf32, #tpu.memory_space<vmem>>
          tpu.wait_dma2 semaphore(%dma_wait3A_283 : memref<!tpu.dma_semaphore, #tpu.memory_space<semaphore_mem>>) src(%dma_wait3A_288 : memref<512x64xf32, #tpu.memory_space<vmem>>) dst(%dma_wait3A_286 : memref<512x64xf32, #tpu.memory_space<hbm>>)
        } else {
        }
        %mul3A_183 = arith.constant 4 : i32
        %mul3A_184 = arith.muli %sub3A_136, %mul3A_183 : i32
        %dma_wait3A_185 = arith.constant 0 : i32
        %dma_wait3A_186 = tpu.memref_slice %arg5[%mul3A_184, %dma_wait3A_185] : memref<8x128xi32, #tpu.memory_space<vmem>> -> memref<4x128xi32, #tpu.memory_space<vmem>>
        %dma_wait3A_187 = arith.constant 0 : i32
        %dma_wait3A_188 = tpu.memref_slice %arg3[%mul3A_2, %dma_wait3A_187] : memref<512x128xi32, #tpu.memory_space<hbm>> -> memref<4x128xi32, #tpu.memory_space<hbm>>
        %dma_wait3A_189 = tpu.memref_slice %arg7[%sub3A_136] : memref<2x!tpu.dma_semaphore, #tpu.memory_space<semaphore_mem>> -> memref<1x!tpu.dma_semaphore, #tpu.memory_space<semaphore_mem>>
        %dma_wait3A_190 = tpu.memref_squeeze %dma_wait3A_189 : memref<1x!tpu.dma_semaphore, #tpu.memory_space<semaphore_mem>> -> memref<!tpu.dma_semaphore, #tpu.memory_space<semaphore_mem>>
        %dma_wait3A_191 = arith.constant 0 : i32
        %dma_wait3A_192 = tpu.memref_slice %arg5[%mul3A_184, %dma_wait3A_191] : memref<8x128xi32, #tpu.memory_space<vmem>> -> memref<4x128xi32, #tpu.memory_space<vmem>>
        %dma_wait3A_193 = arith.constant 0 : i32
        %dma_wait3A_194 = tpu.memref_slice %arg3[%mul3A_2, %dma_wait3A_193] : memref<512x128xi32, #tpu.memory_space<hbm>> -> memref<4x128xi32, #tpu.memory_space<hbm>>
        tpu.wait_dma2 semaphore(%dma_wait3A_190 : memref<!tpu.dma_semaphore, #tpu.memory_space<semaphore_mem>>) src(%dma_wait3A_194 : memref<4x128xi32, #tpu.memory_space<hbm>>) dst(%dma_wait3A_192 : memref<4x128xi32, #tpu.memory_space<vmem>>)
        %mul3A_195 = arith.constant 4 : i32
        %mul3A_196 = arith.muli %sub3A_136, %mul3A_195 : i32
        %add3A_197 = arith.constant 0 : i32
        %add3A_198 = arith.addi %mul3A_196, %add3A_197 : i32
        %mul3A_199 = arith.constant 4 : i32
        %mul3A_200 = arith.muli %sub3A_136, %mul3A_199 : i32
        %add3A_201 = arith.constant 0 : i32
        %add3A_202 = arith.addi %mul3A_200, %add3A_201 : i32
        %mul3A_203 = arith.constant 128 : i32
        %mul3A_204 = arith.muli %add3A_202, %mul3A_203 : i32
        %dma_start3A_205 = arith.constant 0 : i32
        %dma_start3A_206 = tpu.memref_slice %arg6[%mul3A_204, %dma_start3A_205] : memref<1024x64xf32, #tpu.memory_space<vmem>> -> memref<128x64xf32, #tpu.memory_space<vmem>>
        %dma_start3A_207 = arith.constant 0 : i32
        %dma_start3A_208 = tpu.memref_slice %arg5[%add3A_198, %dma_start3A_207] : memref<8x128xi32, #tpu.memory_space<vmem>> -> memref<1x128xi32, #tpu.memory_space<vmem>>
        %dma_start3A_209 = tpu.memref_squeeze %dma_start3A_208 : memref<1x128xi32, #tpu.memory_space<vmem>> -> memref<128xi32, #tpu.memory_space<vmem>>
        %dma_start3A_210 = arith.constant 0 : i32
        %dma_start3A_211 = arith.constant 0 : i32
        %dma_start3A_212 = tpu.memref_slice %arg2[%dma_start3A_210, %dma_start3A_211] : memref<100000x64xf32, #tpu.memory_space<hbm>> -> memref<100000x64xf32, #tpu.memory_space<hbm>>
        %dma_start3A_213 = tpu.memref_slice %arg8[%sub3A_136] : memref<2x!tpu.dma_semaphore, #tpu.memory_space<semaphore_mem>> -> memref<1x!tpu.dma_semaphore, #tpu.memory_space<semaphore_mem>>
        %dma_start3A_214 = tpu.memref_squeeze %dma_start3A_213 : memref<1x!tpu.dma_semaphore, #tpu.memory_space<semaphore_mem>> -> memref<!tpu.dma_semaphore, #tpu.memory_space<semaphore_mem>>
        tpu.enqueue_indirect_dma source(%dma_start3A_212 : memref<100000x64xf32, #tpu.memory_space<hbm>>) target(%dma_start3A_206 : memref<128x64xf32, #tpu.memory_space<vmem>>) offsets(%dma_start3A_209 : memref<128xi32, #tpu.memory_space<vmem>>) semaphore(%dma_start3A_214 : memref<!tpu.dma_semaphore, #tpu.memory_space<semaphore_mem>>)
        %mul3A_215 = arith.constant 4 : i32
        %mul3A_216 = arith.muli %sub3A_136, %mul3A_215 : i32
        %add3A_217 = arith.constant 1 : i32
        %add3A_218 = arith.addi %mul3A_216, %add3A_217 : i32
        %mul3A_219 = arith.constant 4 : i32
        %mul3A_220 = arith.muli %sub3A_136, %mul3A_219 : i32
        %add3A_221 = arith.constant 1 : i32
        %add3A_222 = arith.addi %mul3A_220, %add3A_221 : i32
        %mul3A_223 = arith.constant 128 : i32
        %mul3A_224 = arith.muli %add3A_222, %mul3A_223 : i32
        %dma_start3A_225 = arith.constant 0 : i32
        %dma_start3A_226 = tpu.memref_slice %arg6[%mul3A_224, %dma_start3A_225] : memref<1024x64xf32, #tpu.memory_space<vmem>> -> memref<128x64xf32, #tpu.memory_space<vmem>>
        %dma_start3A_227 = arith.constant 0 : i32
        %dma_start3A_228 = tpu.memref_slice %arg5[%add3A_218, %dma_start3A_227] : memref<8x128xi32, #tpu.memory_space<vmem>> -> memref<1x128xi32, #tpu.memory_space<vmem>>
        %dma_start3A_229 = tpu.memref_squeeze %dma_start3A_228 : memref<1x128xi32, #tpu.memory_space<vmem>> -> memref<128xi32, #tpu.memory_space<vmem>>
        %dma_start3A_230 = arith.constant 0 : i32
        %dma_start3A_231 = arith.constant 0 : i32
        %dma_start3A_232 = tpu.memref_slice %arg2[%dma_start3A_230, %dma_start3A_231] : memref<100000x64xf32, #tpu.memory_space<hbm>> -> memref<100000x64xf32, #tpu.memory_space<hbm>>
        %dma_start3A_233 = tpu.memref_slice %arg8[%sub3A_136] : memref<2x!tpu.dma_semaphore, #tpu.memory_space<semaphore_mem>> -> memref<1x!tpu.dma_semaphore, #tpu.memory_space<semaphore_mem>>
        %dma_start3A_234 = tpu.memref_squeeze %dma_start3A_233 : memref<1x!tpu.dma_semaphore, #tpu.memory_space<semaphore_mem>> -> memref<!tpu.dma_semaphore, #tpu.memory_space<semaphore_mem>>
        tpu.enqueue_indirect_dma source(%dma_start3A_232 : memref<100000x64xf32, #tpu.memory_space<hbm>>) target(%dma_start3A_226 : memref<128x64xf32, #tpu.memory_space<vmem>>) offsets(%dma_start3A_229 : memref<128xi32, #tpu.memory_space<vmem>>) semaphore(%dma_start3A_234 : memref<!tpu.dma_semaphore, #tpu.memory_space<semaphore_mem>>)
        %mul3A_235 = arith.constant 4 : i32
        %mul3A_236 = arith.muli %sub3A_136, %mul3A_235 : i32
        %add3A_237 = arith.constant 2 : i32
        %add3A_238 = arith.addi %mul3A_236, %add3A_237 : i32
        %mul3A_239 = arith.constant 4 : i32
        %mul3A_240 = arith.muli %sub3A_136, %mul3A_239 : i32
        %add3A_241 = arith.constant 2 : i32
        %add3A_242 = arith.addi %mul3A_240, %add3A_241 : i32
        %mul3A_243 = arith.constant 128 : i32
        %mul3A_244 = arith.muli %add3A_242, %mul3A_243 : i32
        %dma_start3A_245 = arith.constant 0 : i32
        %dma_start3A_246 = tpu.memref_slice %arg6[%mul3A_244, %dma_start3A_245] : memref<1024x64xf32, #tpu.memory_space<vmem>> -> memref<128x64xf32, #tpu.memory_space<vmem>>
        %dma_start3A_247 = arith.constant 0 : i32
        %dma_start3A_248 = tpu.memref_slice %arg5[%add3A_238, %dma_start3A_247] : memref<8x128xi32, #tpu.memory_space<vmem>> -> memref<1x128xi32, #tpu.memory_space<vmem>>
        %dma_start3A_249 = tpu.memref_squeeze %dma_start3A_248 : memref<1x128xi32, #tpu.memory_space<vmem>> -> memref<128xi32, #tpu.memory_space<vmem>>
        %dma_start3A_250 = arith.constant 0 : i32
        %dma_start3A_251 = arith.constant 0 : i32
        %dma_start3A_252 = tpu.memref_slice %arg2[%dma_start3A_250, %dma_start3A_251] : memref<100000x64xf32, #tpu.memory_space<hbm>> -> memref<100000x64xf32, #tpu.memory_space<hbm>>
        %dma_start3A_253 = tpu.memref_slice %arg8[%sub3A_136] : memref<2x!tpu.dma_semaphore, #tpu.memory_space<semaphore_mem>> -> memref<1x!tpu.dma_semaphore, #tpu.memory_space<semaphore_mem>>
        %dma_start3A_254 = tpu.memref_squeeze %dma_start3A_253 : memref<1x!tpu.dma_semaphore, #tpu.memory_space<semaphore_mem>> -> memref<!tpu.dma_semaphore, #tpu.memory_space<semaphore_mem>>
        tpu.enqueue_indirect_dma source(%dma_start3A_252 : memref<100000x64xf32, #tpu.memory_space<hbm>>) target(%dma_start3A_246 : memref<128x64xf32, #tpu.memory_space<vmem>>) offsets(%dma_start3A_249 : memref<128xi32, #tpu.memory_space<vmem>>) semaphore(%dma_start3A_254 : memref<!tpu.dma_semaphore, #tpu.memory_space<semaphore_mem>>)
        %mul3A_255 = arith.constant 4 : i32
        %mul3A_256 = arith.muli %sub3A_136, %mul3A_255 : i32
        %add3A_257 = arith.constant 3 : i32
        %add3A_258 = arith.addi %mul3A_256, %add3A_257 : i32
        %mul3A_259 = arith.constant 4 : i32
        %mul3A_260 = arith.muli %sub3A_136, %mul3A_259 : i32
        %add3A_261 = arith.constant 3 : i32
        %add3A_262 = arith.addi %mul3A_260, %add3A_261 : i32
        %mul3A_263 = arith.constant 128 : i32
        %mul3A_264 = arith.muli %add3A_262, %mul3A_263 : i32
        %dma_start3A_265 = arith.constant 0 : i32
        %dma_start3A_266 = tpu.memref_slice %arg6[%mul3A_264, %dma_start3A_265] : memref<1024x64xf32, #tpu.memory_space<vmem>> -> memref<128x64xf32, #tpu.memory_space<vmem>>
        %dma_start3A_267 = arith.constant 0 : i32
        %dma_start3A_268 = tpu.memref_slice %arg5[%add3A_258, %dma_start3A_267] : memref<8x128xi32, #tpu.memory_space<vmem>> -> memref<1x128xi32, #tpu.memory_space<vmem>>
        %dma_start3A_269 = tpu.memref_squeeze %dma_start3A_268 : memref<1x128xi32, #tpu.memory_space<vmem>> -> memref<128xi32, #tpu.memory_space<vmem>>
        %dma_start3A_270 = arith.constant 0 : i32
        %dma_start3A_271 = arith.constant 0 : i32
        %dma_start3A_272 = tpu.memref_slice %arg2[%dma_start3A_270, %dma_start3A_271] : memref<100000x64xf32, #tpu.memory_space<hbm>> -> memref<100000x64xf32, #tpu.memory_space<hbm>>
        %dma_start3A_273 = tpu.memref_slice %arg8[%sub3A_136] : memref<2x!tpu.dma_semaphore, #tpu.memory_space<semaphore_mem>> -> memref<1x!tpu.dma_semaphore, #tpu.memory_space<semaphore_mem>>
        %dma_start3A_274 = tpu.memref_squeeze %dma_start3A_273 : memref<1x!tpu.dma_semaphore, #tpu.memory_space<semaphore_mem>> -> memref<!tpu.dma_semaphore, #tpu.memory_space<semaphore_mem>>
        tpu.enqueue_indirect_dma source(%dma_start3A_272 : memref<100000x64xf32, #tpu.memory_space<hbm>>) target(%dma_start3A_266 : memref<128x64xf32, #tpu.memory_space<vmem>>) offsets(%dma_start3A_269 : memref<128xi32, #tpu.memory_space<vmem>>) semaphore(%dma_start3A_274 : memref<!tpu.dma_semaphore, #tpu.memory_space<semaphore_mem>>)
      } else {
      }
      %mul3A_141 = arith.constant 512 : i32
      %mul3A_142 = arith.muli %rem3A_135, %mul3A_141 : i32
      %dma_wait3A_143 = arith.constant 0 : i32
      %dma_wait3A_144 = tpu.memref_slice %arg6[%mul3A_142, %dma_wait3A_143] : memref<1024x64xf32, #tpu.memory_space<vmem>> -> memref<512x64xf32, #tpu.memory_space<vmem>>
      %dma_wait3A_145 = arith.constant 0 : i32
      %dma_wait3A_146 = arith.constant 0 : i32
      %dma_wait3A_147 = tpu.memref_slice %arg4[%dma_wait3A_145, %dma_wait3A_146] : memref<65536x64xf32, #tpu.memory_space<hbm>> -> memref<512x64xf32, #tpu.memory_space<hbm>>
      %dma_wait3A_148 = tpu.memref_slice %arg8[%rem3A_135] : memref<2x!tpu.dma_semaphore, #tpu.memory_space<semaphore_mem>> -> memref<1x!tpu.dma_semaphore, #tpu.memory_space<semaphore_mem>>
      %dma_wait3A_149 = tpu.memref_squeeze %dma_wait3A_148 : memref<1x!tpu.dma_semaphore, #tpu.memory_space<semaphore_mem>> -> memref<!tpu.dma_semaphore, #tpu.memory_space<semaphore_mem>>
      %dma_wait3A_150 = arith.constant 0 : i32
      %dma_wait3A_151 = tpu.memref_slice %arg6[%mul3A_142, %dma_wait3A_150] : memref<1024x64xf32, #tpu.memory_space<vmem>> -> memref<512x64xf32, #tpu.memory_space<vmem>>
      %dma_wait3A_152 = arith.constant 0 : i32
      %dma_wait3A_153 = arith.constant 0 : i32
      %dma_wait3A_154 = tpu.memref_slice %arg4[%dma_wait3A_152, %dma_wait3A_153] : memref<65536x64xf32, #tpu.memory_space<hbm>> -> memref<512x64xf32, #tpu.memory_space<hbm>>
      tpu.wait_dma2 semaphore(%dma_wait3A_149 : memref<!tpu.dma_semaphore, #tpu.memory_space<semaphore_mem>>) src(%dma_wait3A_154 : memref<512x64xf32, #tpu.memory_space<hbm>>) dst(%dma_wait3A_151 : memref<512x64xf32, #tpu.memory_space<vmem>>)
      %add3A_155 = arith.constant 2 : i32
      %add3A_156 = arith.addi %add3A_134, %add3A_155 : i32
      %lt3A_157 = arith.constant 4 : i32
      %lt3A_158 = arith.cmpi slt, %add3A_156, %lt3A_157 : i32
      %convert_element_type3A_159 = arith.extui %lt3A_158 : i1 to i32
      %cond3A_160 = arith.constant 0 : i32
      %cond3A_161 = arith.cmpi ne, %convert_element_type3A_159, %cond3A_160 : i32
      scf.if %cond3A_161 {
        %add3A_179 = arith.constant 2 : i32
        %add3A_180 = arith.addi %add3A_134, %add3A_179 : i32
        %mul3A_181 = arith.constant 4 : i32
        %mul3A_182 = arith.muli %add3A_180, %mul3A_181 : i32
        %add3A_183 = arith.addi %mul3A_2, %mul3A_182 : i32
        %mul3A_184 = arith.constant 4 : i32
        %mul3A_185 = arith.muli %rem3A_135, %mul3A_184 : i32
        %dma_start3A_186 = arith.constant 0 : i32
        %dma_start3A_187 = tpu.memref_slice %arg5[%mul3A_185, %dma_start3A_186] : memref<8x128xi32, #tpu.memory_space<vmem>> -> memref<4x128xi32, #tpu.memory_space<vmem>>
        %dma_start3A_188 = arith.constant 0 : i32
        %dma_start3A_189 = tpu.memref_slice %arg3[%add3A_183, %dma_start3A_188] : memref<512x128xi32, #tpu.memory_space<hbm>> -> memref<4x128xi32, #tpu.memory_space<hbm>>
        %dma_start3A_190 = tpu.memref_slice %arg7[%rem3A_135] : memref<2x!tpu.dma_semaphore, #tpu.memory_space<semaphore_mem>> -> memref<1x!tpu.dma_semaphore, #tpu.memory_space<semaphore_mem>>
        %dma_start3A_191 = tpu.memref_squeeze %dma_start3A_190 : memref<1x!tpu.dma_semaphore, #tpu.memory_space<semaphore_mem>> -> memref<!tpu.dma_semaphore, #tpu.memory_space<semaphore_mem>>
        %dma_start3A_192 = arith.constant 0 : i32
        %dma_start3A_193 = tpu.memref_slice %arg5[%mul3A_185, %dma_start3A_192] : memref<8x128xi32, #tpu.memory_space<vmem>> -> memref<4x128xi32, #tpu.memory_space<vmem>>
        %dma_start3A_194 = arith.constant 0 : i32
        %dma_start3A_195 = tpu.memref_slice %arg3[%add3A_183, %dma_start3A_194] : memref<512x128xi32, #tpu.memory_space<hbm>> -> memref<4x128xi32, #tpu.memory_space<hbm>>
        tpu.enqueue_dma source(%dma_start3A_195 : memref<4x128xi32, #tpu.memory_space<hbm>>) target(%dma_start3A_193 : memref<4x128xi32, #tpu.memory_space<vmem>>) target_semaphore(%dma_start3A_191 : memref<!tpu.dma_semaphore, #tpu.memory_space<semaphore_mem>>)
      } else {
      }
      %mul3A_162 = arith.constant 512 : i32
      %mul3A_163 = arith.muli %rem3A_135, %mul3A_162 : i32
      %mul3A_164 = arith.constant 4 : i32
      %mul3A_165 = arith.muli %add3A_134, %mul3A_164 : i32
      %add3A_166 = arith.addi %mul3A_2, %mul3A_165 : i32
      %mul3A_167 = arith.constant 128 : i32
      %mul3A_168 = arith.muli %add3A_166, %mul3A_167 : i32
      %dma_start3A_169 = arith.constant 0 : i32
      %dma_start3A_170 = tpu.memref_slice %arg6[%mul3A_163, %dma_start3A_169] : memref<1024x64xf32, #tpu.memory_space<vmem>> -> memref<512x64xf32, #tpu.memory_space<vmem>>
      %dma_start3A_171 = arith.constant 0 : i32
      %dma_start3A_172 = tpu.memref_slice %arg4[%mul3A_168, %dma_start3A_171] : memref<65536x64xf32, #tpu.memory_space<hbm>> -> memref<512x64xf32, #tpu.memory_space<hbm>>
      %dma_start3A_173 = tpu.memref_slice %arg9[%rem3A_135] : memref<2x!tpu.dma_semaphore, #tpu.memory_space<semaphore_mem>> -> memref<1x!tpu.dma_semaphore, #tpu.memory_space<semaphore_mem>>
      %dma_start3A_174 = tpu.memref_squeeze %dma_start3A_173 : memref<1x!tpu.dma_semaphore, #tpu.memory_space<semaphore_mem>> -> memref<!tpu.dma_semaphore, #tpu.memory_space<semaphore_mem>>
      %dma_start3A_175 = arith.constant 0 : i32
      %dma_start3A_176 = tpu.memref_slice %arg4[%mul3A_168, %dma_start3A_175] : memref<65536x64xf32, #tpu.memory_space<hbm>> -> memref<512x64xf32, #tpu.memory_space<hbm>>
      %dma_start3A_177 = arith.constant 0 : i32
      %dma_start3A_178 = tpu.memref_slice %arg6[%mul3A_163, %dma_start3A_177] : memref<1024x64xf32, #tpu.memory_space<vmem>> -> memref<512x64xf32, #tpu.memory_space<vmem>>
      tpu.enqueue_dma source(%dma_start3A_178 : memref<512x64xf32, #tpu.memory_space<vmem>>) target(%dma_start3A_176 : memref<512x64xf32, #tpu.memory_space<hbm>>) target_semaphore(%dma_start3A_174 : memref<!tpu.dma_semaphore, #tpu.memory_space<semaphore_mem>>)
    }
    %scan3A_99 = arith.constant 4 : i32
    %dma_wait3A_100 = arith.constant 0 : i32
    %dma_wait3A_101 = arith.constant 0 : i32
    %dma_wait3A_102 = arith.constant 0 : i32
    %dma_wait3A_103 = tpu.memref_slice %arg6[%dma_wait3A_101, %dma_wait3A_102] : memref<1024x64xf32, #tpu.memory_space<vmem>> -> memref<512x64xf32, #tpu.memory_space<vmem>>
    %dma_wait3A_104 = arith.constant 0 : i32
    %dma_wait3A_105 = arith.constant 0 : i32
    %dma_wait3A_106 = tpu.memref_slice %arg4[%dma_wait3A_104, %dma_wait3A_105] : memref<65536x64xf32, #tpu.memory_space<hbm>> -> memref<512x64xf32, #tpu.memory_space<hbm>>
    %dma_wait3A_107 = tpu.memref_slice %arg9[%dma_wait3A_100] : memref<2x!tpu.dma_semaphore, #tpu.memory_space<semaphore_mem>> -> memref<1x!tpu.dma_semaphore, #tpu.memory_space<semaphore_mem>>
    %dma_wait3A_108 = tpu.memref_squeeze %dma_wait3A_107 : memref<1x!tpu.dma_semaphore, #tpu.memory_space<semaphore_mem>> -> memref<!tpu.dma_semaphore, #tpu.memory_space<semaphore_mem>>
    %dma_wait3A_109 = arith.constant 0 : i32
    %dma_wait3A_110 = arith.constant 0 : i32
    %dma_wait3A_111 = tpu.memref_slice %arg4[%dma_wait3A_109, %dma_wait3A_110] : memref<65536x64xf32, #tpu.memory_space<hbm>> -> memref<512x64xf32, #tpu.memory_space<hbm>>
    %dma_wait3A_112 = arith.constant 0 : i32
    %dma_wait3A_113 = arith.constant 0 : i32
    %dma_wait3A_114 = tpu.memref_slice %arg6[%dma_wait3A_112, %dma_wait3A_113] : memref<1024x64xf32, #tpu.memory_space<vmem>> -> memref<512x64xf32, #tpu.memory_space<vmem>>
    tpu.wait_dma2 semaphore(%dma_wait3A_108 : memref<!tpu.dma_semaphore, #tpu.memory_space<semaphore_mem>>) src(%dma_wait3A_114 : memref<512x64xf32, #tpu.memory_space<vmem>>) dst(%dma_wait3A_111 : memref<512x64xf32, #tpu.memory_space<hbm>>)
    %dma_wait3A_115 = arith.constant 1 : i32
    %dma_wait3A_116 = arith.constant 512 : i32
    %dma_wait3A_117 = arith.constant 0 : i32
    %dma_wait3A_118 = tpu.memref_slice %arg6[%dma_wait3A_116, %dma_wait3A_117] : memref<1024x64xf32, #tpu.memory_space<vmem>> -> memref<512x64xf32, #tpu.memory_space<vmem>>
    %dma_wait3A_119 = arith.constant 0 : i32
    %dma_wait3A_120 = arith.constant 0 : i32
    %dma_wait3A_121 = tpu.memref_slice %arg4[%dma_wait3A_119, %dma_wait3A_120] : memref<65536x64xf32, #tpu.memory_space<hbm>> -> memref<512x64xf32, #tpu.memory_space<hbm>>
    %dma_wait3A_122 = tpu.memref_slice %arg9[%dma_wait3A_115] : memref<2x!tpu.dma_semaphore, #tpu.memory_space<semaphore_mem>> -> memref<1x!tpu.dma_semaphore, #tpu.memory_space<semaphore_mem>>
    %dma_wait3A_123 = tpu.memref_squeeze %dma_wait3A_122 : memref<1x!tpu.dma_semaphore, #tpu.memory_space<semaphore_mem>> -> memref<!tpu.dma_semaphore, #tpu.memory_space<semaphore_mem>>
    %dma_wait3A_124 = arith.constant 0 : i32
    %dma_wait3A_125 = arith.constant 0 : i32
    %dma_wait3A_126 = tpu.memref_slice %arg4[%dma_wait3A_124, %dma_wait3A_125] : memref<65536x64xf32, #tpu.memory_space<hbm>> -> memref<512x64xf32, #tpu.memory_space<hbm>>
    %dma_wait3A_127 = arith.constant 512 : i32
    %dma_wait3A_128 = arith.constant 0 : i32
    %dma_wait3A_129 = tpu.memref_slice %arg6[%dma_wait3A_127, %dma_wait3A_128] : memref<1024x64xf32, #tpu.memory_space<vmem>> -> memref<512x64xf32, #tpu.memory_space<vmem>>
    tpu.wait_dma2 semaphore(%dma_wait3A_123 : memref<!tpu.dma_semaphore, #tpu.memory_space<semaphore_mem>>) src(%dma_wait3A_129 : memref<512x64xf32, #tpu.memory_space<vmem>>) dst(%dma_wait3A_126 : memref<512x64xf32, #tpu.memory_space<hbm>>)
    return
  }
}

#map = affine_map<(d0, d1) -> (0, 0)>
module attributes {stable_mosaic.version = 14 : i64} {
  func.func @_sc_gather(%arg0: i32, %arg1: i32, %arg2: memref<100000x64xf32, #tpu.memory_space<hbm>>, %arg3: memref<1664x128xi32, #tpu.memory_space<hbm>>, %arg4: memref<212992x64xf32, #tpu.memory_space<hbm>>, %arg5: memref<8x128xi32, #tpu.memory_space<vmem>>, %arg6: memref<1024x64xf32, #tpu.memory_space<vmem>>, %arg7: memref<2x!tpu.dma_semaphore, #tpu.memory_space<semaphore_mem>>, %arg8: memref<2x!tpu.dma_semaphore, #tpu.memory_space<semaphore_mem>>, %arg9: memref<2x!tpu.dma_semaphore, #tpu.memory_space<semaphore_mem>>) attributes {dimension_semantics = [#tpu.dimension_semantics<core_parallel>, #tpu.dimension_semantics<subcore_parallel>], iteration_bounds = array<i64: 2, 16>, scalar_prefetch = 0 : i64, scratch_operands = 5 : i64, tpu.core_type = #tpu.core_type<sc_vector_subcore>, window_params = [{transform_indices = #map}, {transform_indices = #map}, {transform_indices = #map}]} {
    %mul3A = arith.constant 2 : i32
    %mul3A_0 = arith.muli %arg1, %mul3A : i32
    %add3A = arith.addi %mul3A_0, %arg0 : i32
    %mul3A_1 = arith.constant 52 : i32
    %mul3A_2 = arith.muli %add3A, %mul3A_1 : i32
    %add3A_3 = arith.constant 0 : i32
    %add3A_4 = arith.addi %mul3A_2, %add3A_3 : i32
    %dma_start3A = arith.constant 0 : i32
    %dma_start3A_5 = arith.constant 0 : i32
    %dma_start3A_6 = arith.constant 0 : i32
    %dma_start3A_7 = tpu.memref_slice %arg5[%dma_start3A_5, %dma_start3A_6] : memref<8x128xi32, #tpu.memory_space<vmem>> -> memref<4x128xi32, #tpu.memory_space<vmem>>
    %dma_start3A_8 = arith.constant 0 : i32
    %dma_start3A_9 = tpu.memref_slice %arg3[%add3A_4, %dma_start3A_8] : memref<1664x128xi32, #tpu.memory_space<hbm>> -> memref<4x128xi32, #tpu.memory_space<hbm>>
    %dma_start3A_10 = tpu.memref_slice %arg7[%dma_start3A] : memref<2x!tpu.dma_semaphore, #tpu.memory_space<semaphore_mem>> -> memref<1x!tpu.dma_semaphore, #tpu.memory_space<semaphore_mem>>
    %dma_start3A_11 = tpu.memref_squeeze %dma_start3A_10 : memref<1x!tpu.dma_semaphore, #tpu.memory_space<semaphore_mem>> -> memref<!tpu.dma_semaphore, #tpu.memory_space<semaphore_mem>>
    %dma_start3A_12 = arith.constant 0 : i32
    %dma_start3A_13 = arith.constant 0 : i32
    %dma_start3A_14 = tpu.memref_slice %arg5[%dma_start3A_12, %dma_start3A_13] : memref<8x128xi32, #tpu.memory_space<vmem>> -> memref<4x128xi32, #tpu.memory_space<vmem>>
    %dma_start3A_15 = arith.constant 0 : i32
    %dma_start3A_16 = tpu.memref_slice %arg3[%add3A_4, %dma_start3A_15] : memref<1664x128xi32, #tpu.memory_space<hbm>> -> memref<4x128xi32, #tpu.memory_space<hbm>>
    tpu.enqueue_dma source(%dma_start3A_16 : memref<4x128xi32, #tpu.memory_space<hbm>>) target(%dma_start3A_14 : memref<4x128xi32, #tpu.memory_space<vmem>>) target_semaphore(%dma_start3A_11 : memref<!tpu.dma_semaphore, #tpu.memory_space<semaphore_mem>>)
    %add3A_17 = arith.constant 4 : i32
    %add3A_18 = arith.addi %mul3A_2, %add3A_17 : i32
    %dma_start3A_19 = arith.constant 1 : i32
    %dma_start3A_20 = arith.constant 4 : i32
    %dma_start3A_21 = arith.constant 0 : i32
    %dma_start3A_22 = tpu.memref_slice %arg5[%dma_start3A_20, %dma_start3A_21] : memref<8x128xi32, #tpu.memory_space<vmem>> -> memref<4x128xi32, #tpu.memory_space<vmem>>
    %dma_start3A_23 = arith.constant 0 : i32
    %dma_start3A_24 = tpu.memref_slice %arg3[%add3A_18, %dma_start3A_23] : memref<1664x128xi32, #tpu.memory_space<hbm>> -> memref<4x128xi32, #tpu.memory_space<hbm>>
    %dma_start3A_25 = tpu.memref_slice %arg7[%dma_start3A_19] : memref<2x!tpu.dma_semaphore, #tpu.memory_space<semaphore_mem>> -> memref<1x!tpu.dma_semaphore, #tpu.memory_space<semaphore_mem>>
    %dma_start3A_26 = tpu.memref_squeeze %dma_start3A_25 : memref<1x!tpu.dma_semaphore, #tpu.memory_space<semaphore_mem>> -> memref<!tpu.dma_semaphore, #tpu.memory_space<semaphore_mem>>
    %dma_start3A_27 = arith.constant 4 : i32
    %dma_start3A_28 = arith.constant 0 : i32
    %dma_start3A_29 = tpu.memref_slice %arg5[%dma_start3A_27, %dma_start3A_28] : memref<8x128xi32, #tpu.memory_space<vmem>> -> memref<4x128xi32, #tpu.memory_space<vmem>>
    %dma_start3A_30 = arith.constant 0 : i32
    %dma_start3A_31 = tpu.memref_slice %arg3[%add3A_18, %dma_start3A_30] : memref<1664x128xi32, #tpu.memory_space<hbm>> -> memref<4x128xi32, #tpu.memory_space<hbm>>
    tpu.enqueue_dma source(%dma_start3A_31 : memref<4x128xi32, #tpu.memory_space<hbm>>) target(%dma_start3A_29 : memref<4x128xi32, #tpu.memory_space<vmem>>) target_semaphore(%dma_start3A_26 : memref<!tpu.dma_semaphore, #tpu.memory_space<semaphore_mem>>)
    %dma_wait3A = arith.constant 0 : i32
    %dma_wait3A_32 = arith.constant 0 : i32
    %dma_wait3A_33 = arith.constant 0 : i32
    %dma_wait3A_34 = tpu.memref_slice %arg5[%dma_wait3A_32, %dma_wait3A_33] : memref<8x128xi32, #tpu.memory_space<vmem>> -> memref<4x128xi32, #tpu.memory_space<vmem>>
    %dma_wait3A_35 = arith.constant 0 : i32
    %dma_wait3A_36 = tpu.memref_slice %arg3[%mul3A_2, %dma_wait3A_35] : memref<1664x128xi32, #tpu.memory_space<hbm>> -> memref<4x128xi32, #tpu.memory_space<hbm>>
    %dma_wait3A_37 = tpu.memref_slice %arg7[%dma_wait3A] : memref<2x!tpu.dma_semaphore, #tpu.memory_space<semaphore_mem>> -> memref<1x!tpu.dma_semaphore, #tpu.memory_space<semaphore_mem>>
    %dma_wait3A_38 = tpu.memref_squeeze %dma_wait3A_37 : memref<1x!tpu.dma_semaphore, #tpu.memory_space<semaphore_mem>> -> memref<!tpu.dma_semaphore, #tpu.memory_space<semaphore_mem>>
    %dma_wait3A_39 = arith.constant 0 : i32
    %dma_wait3A_40 = arith.constant 0 : i32
    %dma_wait3A_41 = tpu.memref_slice %arg5[%dma_wait3A_39, %dma_wait3A_40] : memref<8x128xi32, #tpu.memory_space<vmem>> -> memref<4x128xi32, #tpu.memory_space<vmem>>
    %dma_wait3A_42 = arith.constant 0 : i32
    %dma_wait3A_43 = tpu.memref_slice %arg3[%mul3A_2, %dma_wait3A_42] : memref<1664x128xi32, #tpu.memory_space<hbm>> -> memref<4x128xi32, #tpu.memory_space<hbm>>
    tpu.wait_dma2 semaphore(%dma_wait3A_38 : memref<!tpu.dma_semaphore, #tpu.memory_space<semaphore_mem>>) src(%dma_wait3A_43 : memref<4x128xi32, #tpu.memory_space<hbm>>) dst(%dma_wait3A_41 : memref<4x128xi32, #tpu.memory_space<vmem>>)
    %dma_start3A_44 = arith.constant 0 : i32
    %dma_start3A_45 = arith.constant 0 : i32
    %dma_start3A_46 = arith.constant 0 : i32
    %dma_start3A_47 = arith.constant 0 : i32
    %dma_start3A_48 = tpu.memref_slice %arg6[%dma_start3A_46, %dma_start3A_47] : memref<1024x64xf32, #tpu.memory_space<vmem>> -> memref<128x64xf32, #tpu.memory_space<vmem>>
    %dma_start3A_49 = arith.constant 0 : i32
    %dma_start3A_50 = tpu.memref_slice %arg5[%dma_start3A_44, %dma_start3A_49] : memref<8x128xi32, #tpu.memory_space<vmem>> -> memref<1x128xi32, #tpu.memory_space<vmem>>
    %dma_start3A_51 = tpu.memref_squeeze %dma_start3A_50 : memref<1x128xi32, #tpu.memory_space<vmem>> -> memref<128xi32, #tpu.memory_space<vmem>>
    %dma_start3A_52 = arith.constant 0 : i32
    %dma_start3A_53 = arith.constant 0 : i32
    %dma_start3A_54 = tpu.memref_slice %arg2[%dma_start3A_52, %dma_start3A_53] : memref<100000x64xf32, #tpu.memory_space<hbm>> -> memref<100000x64xf32, #tpu.memory_space<hbm>>
    %dma_start3A_55 = tpu.memref_slice %arg8[%dma_start3A_45] : memref<2x!tpu.dma_semaphore, #tpu.memory_space<semaphore_mem>> -> memref<1x!tpu.dma_semaphore, #tpu.memory_space<semaphore_mem>>
    %dma_start3A_56 = tpu.memref_squeeze %dma_start3A_55 : memref<1x!tpu.dma_semaphore, #tpu.memory_space<semaphore_mem>> -> memref<!tpu.dma_semaphore, #tpu.memory_space<semaphore_mem>>
    tpu.enqueue_indirect_dma source(%dma_start3A_54 : memref<100000x64xf32, #tpu.memory_space<hbm>>) target(%dma_start3A_48 : memref<128x64xf32, #tpu.memory_space<vmem>>) offsets(%dma_start3A_51 : memref<128xi32, #tpu.memory_space<vmem>>) semaphore(%dma_start3A_56 : memref<!tpu.dma_semaphore, #tpu.memory_space<semaphore_mem>>)
    %dma_start3A_57 = arith.constant 1 : i32
    %dma_start3A_58 = arith.constant 0 : i32
    %dma_start3A_59 = arith.constant 128 : i32
    %dma_start3A_60 = arith.constant 0 : i32
    %dma_start3A_61 = tpu.memref_slice %arg6[%dma_start3A_59, %dma_start3A_60] : memref<1024x64xf32, #tpu.memory_space<vmem>> -> memref<128x64xf32, #tpu.memory_space<vmem>>
    %dma_start3A_62 = arith.constant 0 : i32
    %dma_start3A_63 = tpu.memref_slice %arg5[%dma_start3A_57, %dma_start3A_62] : memref<8x128xi32, #tpu.memory_space<vmem>> -> memref<1x128xi32, #tpu.memory_space<vmem>>
    %dma_start3A_64 = tpu.memref_squeeze %dma_start3A_63 : memref<1x128xi32, #tpu.memory_space<vmem>> -> memref<128xi32, #tpu.memory_space<vmem>>
    %dma_start3A_65 = arith.constant 0 : i32
    %dma_start3A_66 = arith.constant 0 : i32
    %dma_start3A_67 = tpu.memref_slice %arg2[%dma_start3A_65, %dma_start3A_66] : memref<100000x64xf32, #tpu.memory_space<hbm>> -> memref<100000x64xf32, #tpu.memory_space<hbm>>
    %dma_start3A_68 = tpu.memref_slice %arg8[%dma_start3A_58] : memref<2x!tpu.dma_semaphore, #tpu.memory_space<semaphore_mem>> -> memref<1x!tpu.dma_semaphore, #tpu.memory_space<semaphore_mem>>
    %dma_start3A_69 = tpu.memref_squeeze %dma_start3A_68 : memref<1x!tpu.dma_semaphore, #tpu.memory_space<semaphore_mem>> -> memref<!tpu.dma_semaphore, #tpu.memory_space<semaphore_mem>>
    tpu.enqueue_indirect_dma source(%dma_start3A_67 : memref<100000x64xf32, #tpu.memory_space<hbm>>) target(%dma_start3A_61 : memref<128x64xf32, #tpu.memory_space<vmem>>) offsets(%dma_start3A_64 : memref<128xi32, #tpu.memory_space<vmem>>) semaphore(%dma_start3A_69 : memref<!tpu.dma_semaphore, #tpu.memory_space<semaphore_mem>>)
    %dma_start3A_70 = arith.constant 2 : i32
    %dma_start3A_71 = arith.constant 0 : i32
    %dma_start3A_72 = arith.constant 256 : i32
    %dma_start3A_73 = arith.constant 0 : i32
    %dma_start3A_74 = tpu.memref_slice %arg6[%dma_start3A_72, %dma_start3A_73] : memref<1024x64xf32, #tpu.memory_space<vmem>> -> memref<128x64xf32, #tpu.memory_space<vmem>>
    %dma_start3A_75 = arith.constant 0 : i32
    %dma_start3A_76 = tpu.memref_slice %arg5[%dma_start3A_70, %dma_start3A_75] : memref<8x128xi32, #tpu.memory_space<vmem>> -> memref<1x128xi32, #tpu.memory_space<vmem>>
    %dma_start3A_77 = tpu.memref_squeeze %dma_start3A_76 : memref<1x128xi32, #tpu.memory_space<vmem>> -> memref<128xi32, #tpu.memory_space<vmem>>
    %dma_start3A_78 = arith.constant 0 : i32
    %dma_start3A_79 = arith.constant 0 : i32
    %dma_start3A_80 = tpu.memref_slice %arg2[%dma_start3A_78, %dma_start3A_79] : memref<100000x64xf32, #tpu.memory_space<hbm>> -> memref<100000x64xf32, #tpu.memory_space<hbm>>
    %dma_start3A_81 = tpu.memref_slice %arg8[%dma_start3A_71] : memref<2x!tpu.dma_semaphore, #tpu.memory_space<semaphore_mem>> -> memref<1x!tpu.dma_semaphore, #tpu.memory_space<semaphore_mem>>
    %dma_start3A_82 = tpu.memref_squeeze %dma_start3A_81 : memref<1x!tpu.dma_semaphore, #tpu.memory_space<semaphore_mem>> -> memref<!tpu.dma_semaphore, #tpu.memory_space<semaphore_mem>>
    tpu.enqueue_indirect_dma source(%dma_start3A_80 : memref<100000x64xf32, #tpu.memory_space<hbm>>) target(%dma_start3A_74 : memref<128x64xf32, #tpu.memory_space<vmem>>) offsets(%dma_start3A_77 : memref<128xi32, #tpu.memory_space<vmem>>) semaphore(%dma_start3A_82 : memref<!tpu.dma_semaphore, #tpu.memory_space<semaphore_mem>>)
    %dma_start3A_83 = arith.constant 3 : i32
    %dma_start3A_84 = arith.constant 0 : i32
    %dma_start3A_85 = arith.constant 384 : i32
    %dma_start3A_86 = arith.constant 0 : i32
    %dma_start3A_87 = tpu.memref_slice %arg6[%dma_start3A_85, %dma_start3A_86] : memref<1024x64xf32, #tpu.memory_space<vmem>> -> memref<128x64xf32, #tpu.memory_space<vmem>>
    %dma_start3A_88 = arith.constant 0 : i32
    %dma_start3A_89 = tpu.memref_slice %arg5[%dma_start3A_83, %dma_start3A_88] : memref<8x128xi32, #tpu.memory_space<vmem>> -> memref<1x128xi32, #tpu.memory_space<vmem>>
    %dma_start3A_90 = tpu.memref_squeeze %dma_start3A_89 : memref<1x128xi32, #tpu.memory_space<vmem>> -> memref<128xi32, #tpu.memory_space<vmem>>
    %dma_start3A_91 = arith.constant 0 : i32
    %dma_start3A_92 = arith.constant 0 : i32
    %dma_start3A_93 = tpu.memref_slice %arg2[%dma_start3A_91, %dma_start3A_92] : memref<100000x64xf32, #tpu.memory_space<hbm>> -> memref<100000x64xf32, #tpu.memory_space<hbm>>
    %dma_start3A_94 = tpu.memref_slice %arg8[%dma_start3A_84] : memref<2x!tpu.dma_semaphore, #tpu.memory_space<semaphore_mem>> -> memref<1x!tpu.dma_semaphore, #tpu.memory_space<semaphore_mem>>
    %dma_start3A_95 = tpu.memref_squeeze %dma_start3A_94 : memref<1x!tpu.dma_semaphore, #tpu.memory_space<semaphore_mem>> -> memref<!tpu.dma_semaphore, #tpu.memory_space<semaphore_mem>>
    tpu.enqueue_indirect_dma source(%dma_start3A_93 : memref<100000x64xf32, #tpu.memory_space<hbm>>) target(%dma_start3A_87 : memref<128x64xf32, #tpu.memory_space<vmem>>) offsets(%dma_start3A_90 : memref<128xi32, #tpu.memory_space<vmem>>) semaphore(%dma_start3A_95 : memref<!tpu.dma_semaphore, #tpu.memory_space<semaphore_mem>>)
    %scan3A = arith.constant 0 : i32
    %scan3A_96 = arith.constant 13 : i32
    %scan3A_97 = arith.addi %scan3A, %scan3A_96 : i32
    %scan3A_98 = arith.constant 1 : i32
    scf.for %scan3A_130 = %scan3A to %scan3A_97 step %scan3A_98  : i32 {
      %mul3A_131 = arith.constant 1 : i32
      %mul3A_132 = arith.muli %scan3A_130, %mul3A_131 : i32
      %add3A_133 = arith.constant 0 : i32
      %add3A_134 = arith.addi %add3A_133, %mul3A_132 : i32
      %rem3A = arith.constant 2 : i32
      %rem3A_135 = arith.remsi %add3A_134, %rem3A : i32
      %sub3A = arith.constant 1 : i32
      %sub3A_136 = arith.subi %sub3A, %rem3A_135 : i32
      %add3A_137 = arith.constant 1 : i32
      %add3A_138 = arith.addi %add3A_134, %add3A_137 : i32
      %lt3A = arith.constant 13 : i32
      %lt3A_139 = arith.cmpi slt, %add3A_138, %lt3A : i32
      %convert_element_type3A = arith.extui %lt3A_139 : i1 to i32
      %cond3A = arith.constant 0 : i32
      %cond3A_140 = arith.cmpi ne, %convert_element_type3A, %cond3A : i32
      scf.if %cond3A_140 {
        %ge3A = arith.constant 1 : i32
        %ge3A_179 = arith.cmpi sge, %add3A_134, %ge3A : i32
        %convert_element_type3A_180 = arith.extui %ge3A_179 : i1 to i32
        %cond3A_181 = arith.constant 0 : i32
        %cond3A_182 = arith.cmpi ne, %convert_element_type3A_180, %cond3A_181 : i32
        scf.if %cond3A_182 {
          %mul3A_275 = arith.constant 512 : i32
          %mul3A_276 = arith.muli %sub3A_136, %mul3A_275 : i32
          %dma_wait3A_277 = arith.constant 0 : i32
          %dma_wait3A_278 = tpu.memref_slice %arg6[%mul3A_276, %dma_wait3A_277] : memref<1024x64xf32, #tpu.memory_space<vmem>> -> memref<512x64xf32, #tpu.memory_space<vmem>>
          %dma_wait3A_279 = arith.constant 0 : i32
          %dma_wait3A_280 = arith.constant 0 : i32
          %dma_wait3A_281 = tpu.memref_slice %arg4[%dma_wait3A_279, %dma_wait3A_280] : memref<212992x64xf32, #tpu.memory_space<hbm>> -> memref<512x64xf32, #tpu.memory_space<hbm>>
          %dma_wait3A_282 = tpu.memref_slice %arg9[%sub3A_136] : memref<2x!tpu.dma_semaphore, #tpu.memory_space<semaphore_mem>> -> memref<1x!tpu.dma_semaphore, #tpu.memory_space<semaphore_mem>>
          %dma_wait3A_283 = tpu.memref_squeeze %dma_wait3A_282 : memref<1x!tpu.dma_semaphore, #tpu.memory_space<semaphore_mem>> -> memref<!tpu.dma_semaphore, #tpu.memory_space<semaphore_mem>>
          %dma_wait3A_284 = arith.constant 0 : i32
          %dma_wait3A_285 = arith.constant 0 : i32
          %dma_wait3A_286 = tpu.memref_slice %arg4[%dma_wait3A_284, %dma_wait3A_285] : memref<212992x64xf32, #tpu.memory_space<hbm>> -> memref<512x64xf32, #tpu.memory_space<hbm>>
          %dma_wait3A_287 = arith.constant 0 : i32
          %dma_wait3A_288 = tpu.memref_slice %arg6[%mul3A_276, %dma_wait3A_287] : memref<1024x64xf32, #tpu.memory_space<vmem>> -> memref<512x64xf32, #tpu.memory_space<vmem>>
          tpu.wait_dma2 semaphore(%dma_wait3A_283 : memref<!tpu.dma_semaphore, #tpu.memory_space<semaphore_mem>>) src(%dma_wait3A_288 : memref<512x64xf32, #tpu.memory_space<vmem>>) dst(%dma_wait3A_286 : memref<512x64xf32, #tpu.memory_space<hbm>>)
        } else {
        }
        %mul3A_183 = arith.constant 4 : i32
        %mul3A_184 = arith.muli %sub3A_136, %mul3A_183 : i32
        %dma_wait3A_185 = arith.constant 0 : i32
        %dma_wait3A_186 = tpu.memref_slice %arg5[%mul3A_184, %dma_wait3A_185] : memref<8x128xi32, #tpu.memory_space<vmem>> -> memref<4x128xi32, #tpu.memory_space<vmem>>
        %dma_wait3A_187 = arith.constant 0 : i32
        %dma_wait3A_188 = tpu.memref_slice %arg3[%mul3A_2, %dma_wait3A_187] : memref<1664x128xi32, #tpu.memory_space<hbm>> -> memref<4x128xi32, #tpu.memory_space<hbm>>
        %dma_wait3A_189 = tpu.memref_slice %arg7[%sub3A_136] : memref<2x!tpu.dma_semaphore, #tpu.memory_space<semaphore_mem>> -> memref<1x!tpu.dma_semaphore, #tpu.memory_space<semaphore_mem>>
        %dma_wait3A_190 = tpu.memref_squeeze %dma_wait3A_189 : memref<1x!tpu.dma_semaphore, #tpu.memory_space<semaphore_mem>> -> memref<!tpu.dma_semaphore, #tpu.memory_space<semaphore_mem>>
        %dma_wait3A_191 = arith.constant 0 : i32
        %dma_wait3A_192 = tpu.memref_slice %arg5[%mul3A_184, %dma_wait3A_191] : memref<8x128xi32, #tpu.memory_space<vmem>> -> memref<4x128xi32, #tpu.memory_space<vmem>>
        %dma_wait3A_193 = arith.constant 0 : i32
        %dma_wait3A_194 = tpu.memref_slice %arg3[%mul3A_2, %dma_wait3A_193] : memref<1664x128xi32, #tpu.memory_space<hbm>> -> memref<4x128xi32, #tpu.memory_space<hbm>>
        tpu.wait_dma2 semaphore(%dma_wait3A_190 : memref<!tpu.dma_semaphore, #tpu.memory_space<semaphore_mem>>) src(%dma_wait3A_194 : memref<4x128xi32, #tpu.memory_space<hbm>>) dst(%dma_wait3A_192 : memref<4x128xi32, #tpu.memory_space<vmem>>)
        %mul3A_195 = arith.constant 4 : i32
        %mul3A_196 = arith.muli %sub3A_136, %mul3A_195 : i32
        %add3A_197 = arith.constant 0 : i32
        %add3A_198 = arith.addi %mul3A_196, %add3A_197 : i32
        %mul3A_199 = arith.constant 4 : i32
        %mul3A_200 = arith.muli %sub3A_136, %mul3A_199 : i32
        %add3A_201 = arith.constant 0 : i32
        %add3A_202 = arith.addi %mul3A_200, %add3A_201 : i32
        %mul3A_203 = arith.constant 128 : i32
        %mul3A_204 = arith.muli %add3A_202, %mul3A_203 : i32
        %dma_start3A_205 = arith.constant 0 : i32
        %dma_start3A_206 = tpu.memref_slice %arg6[%mul3A_204, %dma_start3A_205] : memref<1024x64xf32, #tpu.memory_space<vmem>> -> memref<128x64xf32, #tpu.memory_space<vmem>>
        %dma_start3A_207 = arith.constant 0 : i32
        %dma_start3A_208 = tpu.memref_slice %arg5[%add3A_198, %dma_start3A_207] : memref<8x128xi32, #tpu.memory_space<vmem>> -> memref<1x128xi32, #tpu.memory_space<vmem>>
        %dma_start3A_209 = tpu.memref_squeeze %dma_start3A_208 : memref<1x128xi32, #tpu.memory_space<vmem>> -> memref<128xi32, #tpu.memory_space<vmem>>
        %dma_start3A_210 = arith.constant 0 : i32
        %dma_start3A_211 = arith.constant 0 : i32
        %dma_start3A_212 = tpu.memref_slice %arg2[%dma_start3A_210, %dma_start3A_211] : memref<100000x64xf32, #tpu.memory_space<hbm>> -> memref<100000x64xf32, #tpu.memory_space<hbm>>
        %dma_start3A_213 = tpu.memref_slice %arg8[%sub3A_136] : memref<2x!tpu.dma_semaphore, #tpu.memory_space<semaphore_mem>> -> memref<1x!tpu.dma_semaphore, #tpu.memory_space<semaphore_mem>>
        %dma_start3A_214 = tpu.memref_squeeze %dma_start3A_213 : memref<1x!tpu.dma_semaphore, #tpu.memory_space<semaphore_mem>> -> memref<!tpu.dma_semaphore, #tpu.memory_space<semaphore_mem>>
        tpu.enqueue_indirect_dma source(%dma_start3A_212 : memref<100000x64xf32, #tpu.memory_space<hbm>>) target(%dma_start3A_206 : memref<128x64xf32, #tpu.memory_space<vmem>>) offsets(%dma_start3A_209 : memref<128xi32, #tpu.memory_space<vmem>>) semaphore(%dma_start3A_214 : memref<!tpu.dma_semaphore, #tpu.memory_space<semaphore_mem>>)
        %mul3A_215 = arith.constant 4 : i32
        %mul3A_216 = arith.muli %sub3A_136, %mul3A_215 : i32
        %add3A_217 = arith.constant 1 : i32
        %add3A_218 = arith.addi %mul3A_216, %add3A_217 : i32
        %mul3A_219 = arith.constant 4 : i32
        %mul3A_220 = arith.muli %sub3A_136, %mul3A_219 : i32
        %add3A_221 = arith.constant 1 : i32
        %add3A_222 = arith.addi %mul3A_220, %add3A_221 : i32
        %mul3A_223 = arith.constant 128 : i32
        %mul3A_224 = arith.muli %add3A_222, %mul3A_223 : i32
        %dma_start3A_225 = arith.constant 0 : i32
        %dma_start3A_226 = tpu.memref_slice %arg6[%mul3A_224, %dma_start3A_225] : memref<1024x64xf32, #tpu.memory_space<vmem>> -> memref<128x64xf32, #tpu.memory_space<vmem>>
        %dma_start3A_227 = arith.constant 0 : i32
        %dma_start3A_228 = tpu.memref_slice %arg5[%add3A_218, %dma_start3A_227] : memref<8x128xi32, #tpu.memory_space<vmem>> -> memref<1x128xi32, #tpu.memory_space<vmem>>
        %dma_start3A_229 = tpu.memref_squeeze %dma_start3A_228 : memref<1x128xi32, #tpu.memory_space<vmem>> -> memref<128xi32, #tpu.memory_space<vmem>>
        %dma_start3A_230 = arith.constant 0 : i32
        %dma_start3A_231 = arith.constant 0 : i32
        %dma_start3A_232 = tpu.memref_slice %arg2[%dma_start3A_230, %dma_start3A_231] : memref<100000x64xf32, #tpu.memory_space<hbm>> -> memref<100000x64xf32, #tpu.memory_space<hbm>>
        %dma_start3A_233 = tpu.memref_slice %arg8[%sub3A_136] : memref<2x!tpu.dma_semaphore, #tpu.memory_space<semaphore_mem>> -> memref<1x!tpu.dma_semaphore, #tpu.memory_space<semaphore_mem>>
        %dma_start3A_234 = tpu.memref_squeeze %dma_start3A_233 : memref<1x!tpu.dma_semaphore, #tpu.memory_space<semaphore_mem>> -> memref<!tpu.dma_semaphore, #tpu.memory_space<semaphore_mem>>
        tpu.enqueue_indirect_dma source(%dma_start3A_232 : memref<100000x64xf32, #tpu.memory_space<hbm>>) target(%dma_start3A_226 : memref<128x64xf32, #tpu.memory_space<vmem>>) offsets(%dma_start3A_229 : memref<128xi32, #tpu.memory_space<vmem>>) semaphore(%dma_start3A_234 : memref<!tpu.dma_semaphore, #tpu.memory_space<semaphore_mem>>)
        %mul3A_235 = arith.constant 4 : i32
        %mul3A_236 = arith.muli %sub3A_136, %mul3A_235 : i32
        %add3A_237 = arith.constant 2 : i32
        %add3A_238 = arith.addi %mul3A_236, %add3A_237 : i32
        %mul3A_239 = arith.constant 4 : i32
        %mul3A_240 = arith.muli %sub3A_136, %mul3A_239 : i32
        %add3A_241 = arith.constant 2 : i32
        %add3A_242 = arith.addi %mul3A_240, %add3A_241 : i32
        %mul3A_243 = arith.constant 128 : i32
        %mul3A_244 = arith.muli %add3A_242, %mul3A_243 : i32
        %dma_start3A_245 = arith.constant 0 : i32
        %dma_start3A_246 = tpu.memref_slice %arg6[%mul3A_244, %dma_start3A_245] : memref<1024x64xf32, #tpu.memory_space<vmem>> -> memref<128x64xf32, #tpu.memory_space<vmem>>
        %dma_start3A_247 = arith.constant 0 : i32
        %dma_start3A_248 = tpu.memref_slice %arg5[%add3A_238, %dma_start3A_247] : memref<8x128xi32, #tpu.memory_space<vmem>> -> memref<1x128xi32, #tpu.memory_space<vmem>>
        %dma_start3A_249 = tpu.memref_squeeze %dma_start3A_248 : memref<1x128xi32, #tpu.memory_space<vmem>> -> memref<128xi32, #tpu.memory_space<vmem>>
        %dma_start3A_250 = arith.constant 0 : i32
        %dma_start3A_251 = arith.constant 0 : i32
        %dma_start3A_252 = tpu.memref_slice %arg2[%dma_start3A_250, %dma_start3A_251] : memref<100000x64xf32, #tpu.memory_space<hbm>> -> memref<100000x64xf32, #tpu.memory_space<hbm>>
        %dma_start3A_253 = tpu.memref_slice %arg8[%sub3A_136] : memref<2x!tpu.dma_semaphore, #tpu.memory_space<semaphore_mem>> -> memref<1x!tpu.dma_semaphore, #tpu.memory_space<semaphore_mem>>
        %dma_start3A_254 = tpu.memref_squeeze %dma_start3A_253 : memref<1x!tpu.dma_semaphore, #tpu.memory_space<semaphore_mem>> -> memref<!tpu.dma_semaphore, #tpu.memory_space<semaphore_mem>>
        tpu.enqueue_indirect_dma source(%dma_start3A_252 : memref<100000x64xf32, #tpu.memory_space<hbm>>) target(%dma_start3A_246 : memref<128x64xf32, #tpu.memory_space<vmem>>) offsets(%dma_start3A_249 : memref<128xi32, #tpu.memory_space<vmem>>) semaphore(%dma_start3A_254 : memref<!tpu.dma_semaphore, #tpu.memory_space<semaphore_mem>>)
        %mul3A_255 = arith.constant 4 : i32
        %mul3A_256 = arith.muli %sub3A_136, %mul3A_255 : i32
        %add3A_257 = arith.constant 3 : i32
        %add3A_258 = arith.addi %mul3A_256, %add3A_257 : i32
        %mul3A_259 = arith.constant 4 : i32
        %mul3A_260 = arith.muli %sub3A_136, %mul3A_259 : i32
        %add3A_261 = arith.constant 3 : i32
        %add3A_262 = arith.addi %mul3A_260, %add3A_261 : i32
        %mul3A_263 = arith.constant 128 : i32
        %mul3A_264 = arith.muli %add3A_262, %mul3A_263 : i32
        %dma_start3A_265 = arith.constant 0 : i32
        %dma_start3A_266 = tpu.memref_slice %arg6[%mul3A_264, %dma_start3A_265] : memref<1024x64xf32, #tpu.memory_space<vmem>> -> memref<128x64xf32, #tpu.memory_space<vmem>>
        %dma_start3A_267 = arith.constant 0 : i32
        %dma_start3A_268 = tpu.memref_slice %arg5[%add3A_258, %dma_start3A_267] : memref<8x128xi32, #tpu.memory_space<vmem>> -> memref<1x128xi32, #tpu.memory_space<vmem>>
        %dma_start3A_269 = tpu.memref_squeeze %dma_start3A_268 : memref<1x128xi32, #tpu.memory_space<vmem>> -> memref<128xi32, #tpu.memory_space<vmem>>
        %dma_start3A_270 = arith.constant 0 : i32
        %dma_start3A_271 = arith.constant 0 : i32
        %dma_start3A_272 = tpu.memref_slice %arg2[%dma_start3A_270, %dma_start3A_271] : memref<100000x64xf32, #tpu.memory_space<hbm>> -> memref<100000x64xf32, #tpu.memory_space<hbm>>
        %dma_start3A_273 = tpu.memref_slice %arg8[%sub3A_136] : memref<2x!tpu.dma_semaphore, #tpu.memory_space<semaphore_mem>> -> memref<1x!tpu.dma_semaphore, #tpu.memory_space<semaphore_mem>>
        %dma_start3A_274 = tpu.memref_squeeze %dma_start3A_273 : memref<1x!tpu.dma_semaphore, #tpu.memory_space<semaphore_mem>> -> memref<!tpu.dma_semaphore, #tpu.memory_space<semaphore_mem>>
        tpu.enqueue_indirect_dma source(%dma_start3A_272 : memref<100000x64xf32, #tpu.memory_space<hbm>>) target(%dma_start3A_266 : memref<128x64xf32, #tpu.memory_space<vmem>>) offsets(%dma_start3A_269 : memref<128xi32, #tpu.memory_space<vmem>>) semaphore(%dma_start3A_274 : memref<!tpu.dma_semaphore, #tpu.memory_space<semaphore_mem>>)
      } else {
      }
      %mul3A_141 = arith.constant 512 : i32
      %mul3A_142 = arith.muli %rem3A_135, %mul3A_141 : i32
      %dma_wait3A_143 = arith.constant 0 : i32
      %dma_wait3A_144 = tpu.memref_slice %arg6[%mul3A_142, %dma_wait3A_143] : memref<1024x64xf32, #tpu.memory_space<vmem>> -> memref<512x64xf32, #tpu.memory_space<vmem>>
      %dma_wait3A_145 = arith.constant 0 : i32
      %dma_wait3A_146 = arith.constant 0 : i32
      %dma_wait3A_147 = tpu.memref_slice %arg4[%dma_wait3A_145, %dma_wait3A_146] : memref<212992x64xf32, #tpu.memory_space<hbm>> -> memref<512x64xf32, #tpu.memory_space<hbm>>
      %dma_wait3A_148 = tpu.memref_slice %arg8[%rem3A_135] : memref<2x!tpu.dma_semaphore, #tpu.memory_space<semaphore_mem>> -> memref<1x!tpu.dma_semaphore, #tpu.memory_space<semaphore_mem>>
      %dma_wait3A_149 = tpu.memref_squeeze %dma_wait3A_148 : memref<1x!tpu.dma_semaphore, #tpu.memory_space<semaphore_mem>> -> memref<!tpu.dma_semaphore, #tpu.memory_space<semaphore_mem>>
      %dma_wait3A_150 = arith.constant 0 : i32
      %dma_wait3A_151 = tpu.memref_slice %arg6[%mul3A_142, %dma_wait3A_150] : memref<1024x64xf32, #tpu.memory_space<vmem>> -> memref<512x64xf32, #tpu.memory_space<vmem>>
      %dma_wait3A_152 = arith.constant 0 : i32
      %dma_wait3A_153 = arith.constant 0 : i32
      %dma_wait3A_154 = tpu.memref_slice %arg4[%dma_wait3A_152, %dma_wait3A_153] : memref<212992x64xf32, #tpu.memory_space<hbm>> -> memref<512x64xf32, #tpu.memory_space<hbm>>
      tpu.wait_dma2 semaphore(%dma_wait3A_149 : memref<!tpu.dma_semaphore, #tpu.memory_space<semaphore_mem>>) src(%dma_wait3A_154 : memref<512x64xf32, #tpu.memory_space<hbm>>) dst(%dma_wait3A_151 : memref<512x64xf32, #tpu.memory_space<vmem>>)
      %add3A_155 = arith.constant 2 : i32
      %add3A_156 = arith.addi %add3A_134, %add3A_155 : i32
      %lt3A_157 = arith.constant 13 : i32
      %lt3A_158 = arith.cmpi slt, %add3A_156, %lt3A_157 : i32
      %convert_element_type3A_159 = arith.extui %lt3A_158 : i1 to i32
      %cond3A_160 = arith.constant 0 : i32
      %cond3A_161 = arith.cmpi ne, %convert_element_type3A_159, %cond3A_160 : i32
      scf.if %cond3A_161 {
        %add3A_179 = arith.constant 2 : i32
        %add3A_180 = arith.addi %add3A_134, %add3A_179 : i32
        %mul3A_181 = arith.constant 4 : i32
        %mul3A_182 = arith.muli %add3A_180, %mul3A_181 : i32
        %add3A_183 = arith.addi %mul3A_2, %mul3A_182 : i32
        %mul3A_184 = arith.constant 4 : i32
        %mul3A_185 = arith.muli %rem3A_135, %mul3A_184 : i32
        %dma_start3A_186 = arith.constant 0 : i32
        %dma_start3A_187 = tpu.memref_slice %arg5[%mul3A_185, %dma_start3A_186] : memref<8x128xi32, #tpu.memory_space<vmem>> -> memref<4x128xi32, #tpu.memory_space<vmem>>
        %dma_start3A_188 = arith.constant 0 : i32
        %dma_start3A_189 = tpu.memref_slice %arg3[%add3A_183, %dma_start3A_188] : memref<1664x128xi32, #tpu.memory_space<hbm>> -> memref<4x128xi32, #tpu.memory_space<hbm>>
        %dma_start3A_190 = tpu.memref_slice %arg7[%rem3A_135] : memref<2x!tpu.dma_semaphore, #tpu.memory_space<semaphore_mem>> -> memref<1x!tpu.dma_semaphore, #tpu.memory_space<semaphore_mem>>
        %dma_start3A_191 = tpu.memref_squeeze %dma_start3A_190 : memref<1x!tpu.dma_semaphore, #tpu.memory_space<semaphore_mem>> -> memref<!tpu.dma_semaphore, #tpu.memory_space<semaphore_mem>>
        %dma_start3A_192 = arith.constant 0 : i32
        %dma_start3A_193 = tpu.memref_slice %arg5[%mul3A_185, %dma_start3A_192] : memref<8x128xi32, #tpu.memory_space<vmem>> -> memref<4x128xi32, #tpu.memory_space<vmem>>
        %dma_start3A_194 = arith.constant 0 : i32
        %dma_start3A_195 = tpu.memref_slice %arg3[%add3A_183, %dma_start3A_194] : memref<1664x128xi32, #tpu.memory_space<hbm>> -> memref<4x128xi32, #tpu.memory_space<hbm>>
        tpu.enqueue_dma source(%dma_start3A_195 : memref<4x128xi32, #tpu.memory_space<hbm>>) target(%dma_start3A_193 : memref<4x128xi32, #tpu.memory_space<vmem>>) target_semaphore(%dma_start3A_191 : memref<!tpu.dma_semaphore, #tpu.memory_space<semaphore_mem>>)
      } else {
      }
      %mul3A_162 = arith.constant 512 : i32
      %mul3A_163 = arith.muli %rem3A_135, %mul3A_162 : i32
      %mul3A_164 = arith.constant 4 : i32
      %mul3A_165 = arith.muli %add3A_134, %mul3A_164 : i32
      %add3A_166 = arith.addi %mul3A_2, %mul3A_165 : i32
      %mul3A_167 = arith.constant 128 : i32
      %mul3A_168 = arith.muli %add3A_166, %mul3A_167 : i32
      %dma_start3A_169 = arith.constant 0 : i32
      %dma_start3A_170 = tpu.memref_slice %arg6[%mul3A_163, %dma_start3A_169] : memref<1024x64xf32, #tpu.memory_space<vmem>> -> memref<512x64xf32, #tpu.memory_space<vmem>>
      %dma_start3A_171 = arith.constant 0 : i32
      %dma_start3A_172 = tpu.memref_slice %arg4[%mul3A_168, %dma_start3A_171] : memref<212992x64xf32, #tpu.memory_space<hbm>> -> memref<512x64xf32, #tpu.memory_space<hbm>>
      %dma_start3A_173 = tpu.memref_slice %arg9[%rem3A_135] : memref<2x!tpu.dma_semaphore, #tpu.memory_space<semaphore_mem>> -> memref<1x!tpu.dma_semaphore, #tpu.memory_space<semaphore_mem>>
      %dma_start3A_174 = tpu.memref_squeeze %dma_start3A_173 : memref<1x!tpu.dma_semaphore, #tpu.memory_space<semaphore_mem>> -> memref<!tpu.dma_semaphore, #tpu.memory_space<semaphore_mem>>
      %dma_start3A_175 = arith.constant 0 : i32
      %dma_start3A_176 = tpu.memref_slice %arg4[%mul3A_168, %dma_start3A_175] : memref<212992x64xf32, #tpu.memory_space<hbm>> -> memref<512x64xf32, #tpu.memory_space<hbm>>
      %dma_start3A_177 = arith.constant 0 : i32
      %dma_start3A_178 = tpu.memref_slice %arg6[%mul3A_163, %dma_start3A_177] : memref<1024x64xf32, #tpu.memory_space<vmem>> -> memref<512x64xf32, #tpu.memory_space<vmem>>
      tpu.enqueue_dma source(%dma_start3A_178 : memref<512x64xf32, #tpu.memory_space<vmem>>) target(%dma_start3A_176 : memref<512x64xf32, #tpu.memory_space<hbm>>) target_semaphore(%dma_start3A_174 : memref<!tpu.dma_semaphore, #tpu.memory_space<semaphore_mem>>)
    }
    %scan3A_99 = arith.constant 13 : i32
    %dma_wait3A_100 = arith.constant 0 : i32
    %dma_wait3A_101 = arith.constant 0 : i32
    %dma_wait3A_102 = arith.constant 0 : i32
    %dma_wait3A_103 = tpu.memref_slice %arg6[%dma_wait3A_101, %dma_wait3A_102] : memref<1024x64xf32, #tpu.memory_space<vmem>> -> memref<512x64xf32, #tpu.memory_space<vmem>>
    %dma_wait3A_104 = arith.constant 0 : i32
    %dma_wait3A_105 = arith.constant 0 : i32
    %dma_wait3A_106 = tpu.memref_slice %arg4[%dma_wait3A_104, %dma_wait3A_105] : memref<212992x64xf32, #tpu.memory_space<hbm>> -> memref<512x64xf32, #tpu.memory_space<hbm>>
    %dma_wait3A_107 = tpu.memref_slice %arg9[%dma_wait3A_100] : memref<2x!tpu.dma_semaphore, #tpu.memory_space<semaphore_mem>> -> memref<1x!tpu.dma_semaphore, #tpu.memory_space<semaphore_mem>>
    %dma_wait3A_108 = tpu.memref_squeeze %dma_wait3A_107 : memref<1x!tpu.dma_semaphore, #tpu.memory_space<semaphore_mem>> -> memref<!tpu.dma_semaphore, #tpu.memory_space<semaphore_mem>>
    %dma_wait3A_109 = arith.constant 0 : i32
    %dma_wait3A_110 = arith.constant 0 : i32
    %dma_wait3A_111 = tpu.memref_slice %arg4[%dma_wait3A_109, %dma_wait3A_110] : memref<212992x64xf32, #tpu.memory_space<hbm>> -> memref<512x64xf32, #tpu.memory_space<hbm>>
    %dma_wait3A_112 = arith.constant 0 : i32
    %dma_wait3A_113 = arith.constant 0 : i32
    %dma_wait3A_114 = tpu.memref_slice %arg6[%dma_wait3A_112, %dma_wait3A_113] : memref<1024x64xf32, #tpu.memory_space<vmem>> -> memref<512x64xf32, #tpu.memory_space<vmem>>
    tpu.wait_dma2 semaphore(%dma_wait3A_108 : memref<!tpu.dma_semaphore, #tpu.memory_space<semaphore_mem>>) src(%dma_wait3A_114 : memref<512x64xf32, #tpu.memory_space<vmem>>) dst(%dma_wait3A_111 : memref<512x64xf32, #tpu.memory_space<hbm>>)
    %dma_wait3A_115 = arith.constant 1 : i32
    %dma_wait3A_116 = arith.constant 512 : i32
    %dma_wait3A_117 = arith.constant 0 : i32
    %dma_wait3A_118 = tpu.memref_slice %arg6[%dma_wait3A_116, %dma_wait3A_117] : memref<1024x64xf32, #tpu.memory_space<vmem>> -> memref<512x64xf32, #tpu.memory_space<vmem>>
    %dma_wait3A_119 = arith.constant 0 : i32
    %dma_wait3A_120 = arith.constant 0 : i32
    %dma_wait3A_121 = tpu.memref_slice %arg4[%dma_wait3A_119, %dma_wait3A_120] : memref<212992x64xf32, #tpu.memory_space<hbm>> -> memref<512x64xf32, #tpu.memory_space<hbm>>
    %dma_wait3A_122 = tpu.memref_slice %arg9[%dma_wait3A_115] : memref<2x!tpu.dma_semaphore, #tpu.memory_space<semaphore_mem>> -> memref<1x!tpu.dma_semaphore, #tpu.memory_space<semaphore_mem>>
    %dma_wait3A_123 = tpu.memref_squeeze %dma_wait3A_122 : memref<1x!tpu.dma_semaphore, #tpu.memory_space<semaphore_mem>> -> memref<!tpu.dma_semaphore, #tpu.memory_space<semaphore_mem>>
    %dma_wait3A_124 = arith.constant 0 : i32
    %dma_wait3A_125 = arith.constant 0 : i32
    %dma_wait3A_126 = tpu.memref_slice %arg4[%dma_wait3A_124, %dma_wait3A_125] : memref<212992x64xf32, #tpu.memory_space<hbm>> -> memref<512x64xf32, #tpu.memory_space<hbm>>
    %dma_wait3A_127 = arith.constant 512 : i32
    %dma_wait3A_128 = arith.constant 0 : i32
    %dma_wait3A_129 = tpu.memref_slice %arg6[%dma_wait3A_127, %dma_wait3A_128] : memref<1024x64xf32, #tpu.memory_space<vmem>> -> memref<512x64xf32, #tpu.memory_space<vmem>>
    tpu.wait_dma2 semaphore(%dma_wait3A_123 : memref<!tpu.dma_semaphore, #tpu.memory_space<semaphore_mem>>) src(%dma_wait3A_129 : memref<512x64xf32, #tpu.memory_space<vmem>>) dst(%dma_wait3A_126 : memref<512x64xf32, #tpu.memory_space<hbm>>)
    return
  }
}

#map = affine_map<(d0, d1) -> (0, 0)>
module attributes {stable_mosaic.version = 14 : i64} {
  func.func @_sc_gather(%arg0: i32, %arg1: i32, %arg2: memref<100000x64xf32, #tpu.memory_space<hbm>>, %arg3: memref<2048x128xi32, #tpu.memory_space<hbm>>, %arg4: memref<262144x64xf32, #tpu.memory_space<hbm>>, %arg5: memref<8x128xi32, #tpu.memory_space<vmem>>, %arg6: memref<1024x64xf32, #tpu.memory_space<vmem>>, %arg7: memref<2x!tpu.dma_semaphore, #tpu.memory_space<semaphore_mem>>, %arg8: memref<2x!tpu.dma_semaphore, #tpu.memory_space<semaphore_mem>>, %arg9: memref<2x!tpu.dma_semaphore, #tpu.memory_space<semaphore_mem>>) attributes {dimension_semantics = [#tpu.dimension_semantics<core_parallel>, #tpu.dimension_semantics<subcore_parallel>], iteration_bounds = array<i64: 2, 16>, scalar_prefetch = 0 : i64, scratch_operands = 5 : i64, tpu.core_type = #tpu.core_type<sc_vector_subcore>, window_params = [{transform_indices = #map}, {transform_indices = #map}, {transform_indices = #map}]} {
    %mul3A = arith.constant 2 : i32
    %mul3A_0 = arith.muli %arg1, %mul3A : i32
    %add3A = arith.addi %mul3A_0, %arg0 : i32
    %mul3A_1 = arith.constant 64 : i32
    %mul3A_2 = arith.muli %add3A, %mul3A_1 : i32
    %add3A_3 = arith.constant 0 : i32
    %add3A_4 = arith.addi %mul3A_2, %add3A_3 : i32
    %dma_start3A = arith.constant 0 : i32
    %dma_start3A_5 = arith.constant 0 : i32
    %dma_start3A_6 = arith.constant 0 : i32
    %dma_start3A_7 = tpu.memref_slice %arg5[%dma_start3A_5, %dma_start3A_6] : memref<8x128xi32, #tpu.memory_space<vmem>> -> memref<4x128xi32, #tpu.memory_space<vmem>>
    %dma_start3A_8 = arith.constant 0 : i32
    %dma_start3A_9 = tpu.memref_slice %arg3[%add3A_4, %dma_start3A_8] : memref<2048x128xi32, #tpu.memory_space<hbm>> -> memref<4x128xi32, #tpu.memory_space<hbm>>
    %dma_start3A_10 = tpu.memref_slice %arg7[%dma_start3A] : memref<2x!tpu.dma_semaphore, #tpu.memory_space<semaphore_mem>> -> memref<1x!tpu.dma_semaphore, #tpu.memory_space<semaphore_mem>>
    %dma_start3A_11 = tpu.memref_squeeze %dma_start3A_10 : memref<1x!tpu.dma_semaphore, #tpu.memory_space<semaphore_mem>> -> memref<!tpu.dma_semaphore, #tpu.memory_space<semaphore_mem>>
    %dma_start3A_12 = arith.constant 0 : i32
    %dma_start3A_13 = arith.constant 0 : i32
    %dma_start3A_14 = tpu.memref_slice %arg5[%dma_start3A_12, %dma_start3A_13] : memref<8x128xi32, #tpu.memory_space<vmem>> -> memref<4x128xi32, #tpu.memory_space<vmem>>
    %dma_start3A_15 = arith.constant 0 : i32
    %dma_start3A_16 = tpu.memref_slice %arg3[%add3A_4, %dma_start3A_15] : memref<2048x128xi32, #tpu.memory_space<hbm>> -> memref<4x128xi32, #tpu.memory_space<hbm>>
    tpu.enqueue_dma source(%dma_start3A_16 : memref<4x128xi32, #tpu.memory_space<hbm>>) target(%dma_start3A_14 : memref<4x128xi32, #tpu.memory_space<vmem>>) target_semaphore(%dma_start3A_11 : memref<!tpu.dma_semaphore, #tpu.memory_space<semaphore_mem>>)
    %add3A_17 = arith.constant 4 : i32
    %add3A_18 = arith.addi %mul3A_2, %add3A_17 : i32
    %dma_start3A_19 = arith.constant 1 : i32
    %dma_start3A_20 = arith.constant 4 : i32
    %dma_start3A_21 = arith.constant 0 : i32
    %dma_start3A_22 = tpu.memref_slice %arg5[%dma_start3A_20, %dma_start3A_21] : memref<8x128xi32, #tpu.memory_space<vmem>> -> memref<4x128xi32, #tpu.memory_space<vmem>>
    %dma_start3A_23 = arith.constant 0 : i32
    %dma_start3A_24 = tpu.memref_slice %arg3[%add3A_18, %dma_start3A_23] : memref<2048x128xi32, #tpu.memory_space<hbm>> -> memref<4x128xi32, #tpu.memory_space<hbm>>
    %dma_start3A_25 = tpu.memref_slice %arg7[%dma_start3A_19] : memref<2x!tpu.dma_semaphore, #tpu.memory_space<semaphore_mem>> -> memref<1x!tpu.dma_semaphore, #tpu.memory_space<semaphore_mem>>
    %dma_start3A_26 = tpu.memref_squeeze %dma_start3A_25 : memref<1x!tpu.dma_semaphore, #tpu.memory_space<semaphore_mem>> -> memref<!tpu.dma_semaphore, #tpu.memory_space<semaphore_mem>>
    %dma_start3A_27 = arith.constant 4 : i32
    %dma_start3A_28 = arith.constant 0 : i32
    %dma_start3A_29 = tpu.memref_slice %arg5[%dma_start3A_27, %dma_start3A_28] : memref<8x128xi32, #tpu.memory_space<vmem>> -> memref<4x128xi32, #tpu.memory_space<vmem>>
    %dma_start3A_30 = arith.constant 0 : i32
    %dma_start3A_31 = tpu.memref_slice %arg3[%add3A_18, %dma_start3A_30] : memref<2048x128xi32, #tpu.memory_space<hbm>> -> memref<4x128xi32, #tpu.memory_space<hbm>>
    tpu.enqueue_dma source(%dma_start3A_31 : memref<4x128xi32, #tpu.memory_space<hbm>>) target(%dma_start3A_29 : memref<4x128xi32, #tpu.memory_space<vmem>>) target_semaphore(%dma_start3A_26 : memref<!tpu.dma_semaphore, #tpu.memory_space<semaphore_mem>>)
    %dma_wait3A = arith.constant 0 : i32
    %dma_wait3A_32 = arith.constant 0 : i32
    %dma_wait3A_33 = arith.constant 0 : i32
    %dma_wait3A_34 = tpu.memref_slice %arg5[%dma_wait3A_32, %dma_wait3A_33] : memref<8x128xi32, #tpu.memory_space<vmem>> -> memref<4x128xi32, #tpu.memory_space<vmem>>
    %dma_wait3A_35 = arith.constant 0 : i32
    %dma_wait3A_36 = tpu.memref_slice %arg3[%mul3A_2, %dma_wait3A_35] : memref<2048x128xi32, #tpu.memory_space<hbm>> -> memref<4x128xi32, #tpu.memory_space<hbm>>
    %dma_wait3A_37 = tpu.memref_slice %arg7[%dma_wait3A] : memref<2x!tpu.dma_semaphore, #tpu.memory_space<semaphore_mem>> -> memref<1x!tpu.dma_semaphore, #tpu.memory_space<semaphore_mem>>
    %dma_wait3A_38 = tpu.memref_squeeze %dma_wait3A_37 : memref<1x!tpu.dma_semaphore, #tpu.memory_space<semaphore_mem>> -> memref<!tpu.dma_semaphore, #tpu.memory_space<semaphore_mem>>
    %dma_wait3A_39 = arith.constant 0 : i32
    %dma_wait3A_40 = arith.constant 0 : i32
    %dma_wait3A_41 = tpu.memref_slice %arg5[%dma_wait3A_39, %dma_wait3A_40] : memref<8x128xi32, #tpu.memory_space<vmem>> -> memref<4x128xi32, #tpu.memory_space<vmem>>
    %dma_wait3A_42 = arith.constant 0 : i32
    %dma_wait3A_43 = tpu.memref_slice %arg3[%mul3A_2, %dma_wait3A_42] : memref<2048x128xi32, #tpu.memory_space<hbm>> -> memref<4x128xi32, #tpu.memory_space<hbm>>
    tpu.wait_dma2 semaphore(%dma_wait3A_38 : memref<!tpu.dma_semaphore, #tpu.memory_space<semaphore_mem>>) src(%dma_wait3A_43 : memref<4x128xi32, #tpu.memory_space<hbm>>) dst(%dma_wait3A_41 : memref<4x128xi32, #tpu.memory_space<vmem>>)
    %dma_start3A_44 = arith.constant 0 : i32
    %dma_start3A_45 = arith.constant 0 : i32
    %dma_start3A_46 = arith.constant 0 : i32
    %dma_start3A_47 = arith.constant 0 : i32
    %dma_start3A_48 = tpu.memref_slice %arg6[%dma_start3A_46, %dma_start3A_47] : memref<1024x64xf32, #tpu.memory_space<vmem>> -> memref<128x64xf32, #tpu.memory_space<vmem>>
    %dma_start3A_49 = arith.constant 0 : i32
    %dma_start3A_50 = tpu.memref_slice %arg5[%dma_start3A_44, %dma_start3A_49] : memref<8x128xi32, #tpu.memory_space<vmem>> -> memref<1x128xi32, #tpu.memory_space<vmem>>
    %dma_start3A_51 = tpu.memref_squeeze %dma_start3A_50 : memref<1x128xi32, #tpu.memory_space<vmem>> -> memref<128xi32, #tpu.memory_space<vmem>>
    %dma_start3A_52 = arith.constant 0 : i32
    %dma_start3A_53 = arith.constant 0 : i32
    %dma_start3A_54 = tpu.memref_slice %arg2[%dma_start3A_52, %dma_start3A_53] : memref<100000x64xf32, #tpu.memory_space<hbm>> -> memref<100000x64xf32, #tpu.memory_space<hbm>>
    %dma_start3A_55 = tpu.memref_slice %arg8[%dma_start3A_45] : memref<2x!tpu.dma_semaphore, #tpu.memory_space<semaphore_mem>> -> memref<1x!tpu.dma_semaphore, #tpu.memory_space<semaphore_mem>>
    %dma_start3A_56 = tpu.memref_squeeze %dma_start3A_55 : memref<1x!tpu.dma_semaphore, #tpu.memory_space<semaphore_mem>> -> memref<!tpu.dma_semaphore, #tpu.memory_space<semaphore_mem>>
    tpu.enqueue_indirect_dma source(%dma_start3A_54 : memref<100000x64xf32, #tpu.memory_space<hbm>>) target(%dma_start3A_48 : memref<128x64xf32, #tpu.memory_space<vmem>>) offsets(%dma_start3A_51 : memref<128xi32, #tpu.memory_space<vmem>>) semaphore(%dma_start3A_56 : memref<!tpu.dma_semaphore, #tpu.memory_space<semaphore_mem>>)
    %dma_start3A_57 = arith.constant 1 : i32
    %dma_start3A_58 = arith.constant 0 : i32
    %dma_start3A_59 = arith.constant 128 : i32
    %dma_start3A_60 = arith.constant 0 : i32
    %dma_start3A_61 = tpu.memref_slice %arg6[%dma_start3A_59, %dma_start3A_60] : memref<1024x64xf32, #tpu.memory_space<vmem>> -> memref<128x64xf32, #tpu.memory_space<vmem>>
    %dma_start3A_62 = arith.constant 0 : i32
    %dma_start3A_63 = tpu.memref_slice %arg5[%dma_start3A_57, %dma_start3A_62] : memref<8x128xi32, #tpu.memory_space<vmem>> -> memref<1x128xi32, #tpu.memory_space<vmem>>
    %dma_start3A_64 = tpu.memref_squeeze %dma_start3A_63 : memref<1x128xi32, #tpu.memory_space<vmem>> -> memref<128xi32, #tpu.memory_space<vmem>>
    %dma_start3A_65 = arith.constant 0 : i32
    %dma_start3A_66 = arith.constant 0 : i32
    %dma_start3A_67 = tpu.memref_slice %arg2[%dma_start3A_65, %dma_start3A_66] : memref<100000x64xf32, #tpu.memory_space<hbm>> -> memref<100000x64xf32, #tpu.memory_space<hbm>>
    %dma_start3A_68 = tpu.memref_slice %arg8[%dma_start3A_58] : memref<2x!tpu.dma_semaphore, #tpu.memory_space<semaphore_mem>> -> memref<1x!tpu.dma_semaphore, #tpu.memory_space<semaphore_mem>>
    %dma_start3A_69 = tpu.memref_squeeze %dma_start3A_68 : memref<1x!tpu.dma_semaphore, #tpu.memory_space<semaphore_mem>> -> memref<!tpu.dma_semaphore, #tpu.memory_space<semaphore_mem>>
    tpu.enqueue_indirect_dma source(%dma_start3A_67 : memref<100000x64xf32, #tpu.memory_space<hbm>>) target(%dma_start3A_61 : memref<128x64xf32, #tpu.memory_space<vmem>>) offsets(%dma_start3A_64 : memref<128xi32, #tpu.memory_space<vmem>>) semaphore(%dma_start3A_69 : memref<!tpu.dma_semaphore, #tpu.memory_space<semaphore_mem>>)
    %dma_start3A_70 = arith.constant 2 : i32
    %dma_start3A_71 = arith.constant 0 : i32
    %dma_start3A_72 = arith.constant 256 : i32
    %dma_start3A_73 = arith.constant 0 : i32
    %dma_start3A_74 = tpu.memref_slice %arg6[%dma_start3A_72, %dma_start3A_73] : memref<1024x64xf32, #tpu.memory_space<vmem>> -> memref<128x64xf32, #tpu.memory_space<vmem>>
    %dma_start3A_75 = arith.constant 0 : i32
    %dma_start3A_76 = tpu.memref_slice %arg5[%dma_start3A_70, %dma_start3A_75] : memref<8x128xi32, #tpu.memory_space<vmem>> -> memref<1x128xi32, #tpu.memory_space<vmem>>
    %dma_start3A_77 = tpu.memref_squeeze %dma_start3A_76 : memref<1x128xi32, #tpu.memory_space<vmem>> -> memref<128xi32, #tpu.memory_space<vmem>>
    %dma_start3A_78 = arith.constant 0 : i32
    %dma_start3A_79 = arith.constant 0 : i32
    %dma_start3A_80 = tpu.memref_slice %arg2[%dma_start3A_78, %dma_start3A_79] : memref<100000x64xf32, #tpu.memory_space<hbm>> -> memref<100000x64xf32, #tpu.memory_space<hbm>>
    %dma_start3A_81 = tpu.memref_slice %arg8[%dma_start3A_71] : memref<2x!tpu.dma_semaphore, #tpu.memory_space<semaphore_mem>> -> memref<1x!tpu.dma_semaphore, #tpu.memory_space<semaphore_mem>>
    %dma_start3A_82 = tpu.memref_squeeze %dma_start3A_81 : memref<1x!tpu.dma_semaphore, #tpu.memory_space<semaphore_mem>> -> memref<!tpu.dma_semaphore, #tpu.memory_space<semaphore_mem>>
    tpu.enqueue_indirect_dma source(%dma_start3A_80 : memref<100000x64xf32, #tpu.memory_space<hbm>>) target(%dma_start3A_74 : memref<128x64xf32, #tpu.memory_space<vmem>>) offsets(%dma_start3A_77 : memref<128xi32, #tpu.memory_space<vmem>>) semaphore(%dma_start3A_82 : memref<!tpu.dma_semaphore, #tpu.memory_space<semaphore_mem>>)
    %dma_start3A_83 = arith.constant 3 : i32
    %dma_start3A_84 = arith.constant 0 : i32
    %dma_start3A_85 = arith.constant 384 : i32
    %dma_start3A_86 = arith.constant 0 : i32
    %dma_start3A_87 = tpu.memref_slice %arg6[%dma_start3A_85, %dma_start3A_86] : memref<1024x64xf32, #tpu.memory_space<vmem>> -> memref<128x64xf32, #tpu.memory_space<vmem>>
    %dma_start3A_88 = arith.constant 0 : i32
    %dma_start3A_89 = tpu.memref_slice %arg5[%dma_start3A_83, %dma_start3A_88] : memref<8x128xi32, #tpu.memory_space<vmem>> -> memref<1x128xi32, #tpu.memory_space<vmem>>
    %dma_start3A_90 = tpu.memref_squeeze %dma_start3A_89 : memref<1x128xi32, #tpu.memory_space<vmem>> -> memref<128xi32, #tpu.memory_space<vmem>>
    %dma_start3A_91 = arith.constant 0 : i32
    %dma_start3A_92 = arith.constant 0 : i32
    %dma_start3A_93 = tpu.memref_slice %arg2[%dma_start3A_91, %dma_start3A_92] : memref<100000x64xf32, #tpu.memory_space<hbm>> -> memref<100000x64xf32, #tpu.memory_space<hbm>>
    %dma_start3A_94 = tpu.memref_slice %arg8[%dma_start3A_84] : memref<2x!tpu.dma_semaphore, #tpu.memory_space<semaphore_mem>> -> memref<1x!tpu.dma_semaphore, #tpu.memory_space<semaphore_mem>>
    %dma_start3A_95 = tpu.memref_squeeze %dma_start3A_94 : memref<1x!tpu.dma_semaphore, #tpu.memory_space<semaphore_mem>> -> memref<!tpu.dma_semaphore, #tpu.memory_space<semaphore_mem>>
    tpu.enqueue_indirect_dma source(%dma_start3A_93 : memref<100000x64xf32, #tpu.memory_space<hbm>>) target(%dma_start3A_87 : memref<128x64xf32, #tpu.memory_space<vmem>>) offsets(%dma_start3A_90 : memref<128xi32, #tpu.memory_space<vmem>>) semaphore(%dma_start3A_95 : memref<!tpu.dma_semaphore, #tpu.memory_space<semaphore_mem>>)
    %scan3A = arith.constant 0 : i32
    %scan3A_96 = arith.constant 16 : i32
    %scan3A_97 = arith.addi %scan3A, %scan3A_96 : i32
    %scan3A_98 = arith.constant 1 : i32
    scf.for %scan3A_130 = %scan3A to %scan3A_97 step %scan3A_98  : i32 {
      %mul3A_131 = arith.constant 1 : i32
      %mul3A_132 = arith.muli %scan3A_130, %mul3A_131 : i32
      %add3A_133 = arith.constant 0 : i32
      %add3A_134 = arith.addi %add3A_133, %mul3A_132 : i32
      %rem3A = arith.constant 2 : i32
      %rem3A_135 = arith.remsi %add3A_134, %rem3A : i32
      %sub3A = arith.constant 1 : i32
      %sub3A_136 = arith.subi %sub3A, %rem3A_135 : i32
      %add3A_137 = arith.constant 1 : i32
      %add3A_138 = arith.addi %add3A_134, %add3A_137 : i32
      %lt3A = arith.constant 16 : i32
      %lt3A_139 = arith.cmpi slt, %add3A_138, %lt3A : i32
      %convert_element_type3A = arith.extui %lt3A_139 : i1 to i32
      %cond3A = arith.constant 0 : i32
      %cond3A_140 = arith.cmpi ne, %convert_element_type3A, %cond3A : i32
      scf.if %cond3A_140 {
        %ge3A = arith.constant 1 : i32
        %ge3A_179 = arith.cmpi sge, %add3A_134, %ge3A : i32
        %convert_element_type3A_180 = arith.extui %ge3A_179 : i1 to i32
        %cond3A_181 = arith.constant 0 : i32
        %cond3A_182 = arith.cmpi ne, %convert_element_type3A_180, %cond3A_181 : i32
        scf.if %cond3A_182 {
          %mul3A_275 = arith.constant 512 : i32
          %mul3A_276 = arith.muli %sub3A_136, %mul3A_275 : i32
          %dma_wait3A_277 = arith.constant 0 : i32
          %dma_wait3A_278 = tpu.memref_slice %arg6[%mul3A_276, %dma_wait3A_277] : memref<1024x64xf32, #tpu.memory_space<vmem>> -> memref<512x64xf32, #tpu.memory_space<vmem>>
          %dma_wait3A_279 = arith.constant 0 : i32
          %dma_wait3A_280 = arith.constant 0 : i32
          %dma_wait3A_281 = tpu.memref_slice %arg4[%dma_wait3A_279, %dma_wait3A_280] : memref<262144x64xf32, #tpu.memory_space<hbm>> -> memref<512x64xf32, #tpu.memory_space<hbm>>
          %dma_wait3A_282 = tpu.memref_slice %arg9[%sub3A_136] : memref<2x!tpu.dma_semaphore, #tpu.memory_space<semaphore_mem>> -> memref<1x!tpu.dma_semaphore, #tpu.memory_space<semaphore_mem>>
          %dma_wait3A_283 = tpu.memref_squeeze %dma_wait3A_282 : memref<1x!tpu.dma_semaphore, #tpu.memory_space<semaphore_mem>> -> memref<!tpu.dma_semaphore, #tpu.memory_space<semaphore_mem>>
          %dma_wait3A_284 = arith.constant 0 : i32
          %dma_wait3A_285 = arith.constant 0 : i32
          %dma_wait3A_286 = tpu.memref_slice %arg4[%dma_wait3A_284, %dma_wait3A_285] : memref<262144x64xf32, #tpu.memory_space<hbm>> -> memref<512x64xf32, #tpu.memory_space<hbm>>
          %dma_wait3A_287 = arith.constant 0 : i32
          %dma_wait3A_288 = tpu.memref_slice %arg6[%mul3A_276, %dma_wait3A_287] : memref<1024x64xf32, #tpu.memory_space<vmem>> -> memref<512x64xf32, #tpu.memory_space<vmem>>
          tpu.wait_dma2 semaphore(%dma_wait3A_283 : memref<!tpu.dma_semaphore, #tpu.memory_space<semaphore_mem>>) src(%dma_wait3A_288 : memref<512x64xf32, #tpu.memory_space<vmem>>) dst(%dma_wait3A_286 : memref<512x64xf32, #tpu.memory_space<hbm>>)
        } else {
        }
        %mul3A_183 = arith.constant 4 : i32
        %mul3A_184 = arith.muli %sub3A_136, %mul3A_183 : i32
        %dma_wait3A_185 = arith.constant 0 : i32
        %dma_wait3A_186 = tpu.memref_slice %arg5[%mul3A_184, %dma_wait3A_185] : memref<8x128xi32, #tpu.memory_space<vmem>> -> memref<4x128xi32, #tpu.memory_space<vmem>>
        %dma_wait3A_187 = arith.constant 0 : i32
        %dma_wait3A_188 = tpu.memref_slice %arg3[%mul3A_2, %dma_wait3A_187] : memref<2048x128xi32, #tpu.memory_space<hbm>> -> memref<4x128xi32, #tpu.memory_space<hbm>>
        %dma_wait3A_189 = tpu.memref_slice %arg7[%sub3A_136] : memref<2x!tpu.dma_semaphore, #tpu.memory_space<semaphore_mem>> -> memref<1x!tpu.dma_semaphore, #tpu.memory_space<semaphore_mem>>
        %dma_wait3A_190 = tpu.memref_squeeze %dma_wait3A_189 : memref<1x!tpu.dma_semaphore, #tpu.memory_space<semaphore_mem>> -> memref<!tpu.dma_semaphore, #tpu.memory_space<semaphore_mem>>
        %dma_wait3A_191 = arith.constant 0 : i32
        %dma_wait3A_192 = tpu.memref_slice %arg5[%mul3A_184, %dma_wait3A_191] : memref<8x128xi32, #tpu.memory_space<vmem>> -> memref<4x128xi32, #tpu.memory_space<vmem>>
        %dma_wait3A_193 = arith.constant 0 : i32
        %dma_wait3A_194 = tpu.memref_slice %arg3[%mul3A_2, %dma_wait3A_193] : memref<2048x128xi32, #tpu.memory_space<hbm>> -> memref<4x128xi32, #tpu.memory_space<hbm>>
        tpu.wait_dma2 semaphore(%dma_wait3A_190 : memref<!tpu.dma_semaphore, #tpu.memory_space<semaphore_mem>>) src(%dma_wait3A_194 : memref<4x128xi32, #tpu.memory_space<hbm>>) dst(%dma_wait3A_192 : memref<4x128xi32, #tpu.memory_space<vmem>>)
        %mul3A_195 = arith.constant 4 : i32
        %mul3A_196 = arith.muli %sub3A_136, %mul3A_195 : i32
        %add3A_197 = arith.constant 0 : i32
        %add3A_198 = arith.addi %mul3A_196, %add3A_197 : i32
        %mul3A_199 = arith.constant 4 : i32
        %mul3A_200 = arith.muli %sub3A_136, %mul3A_199 : i32
        %add3A_201 = arith.constant 0 : i32
        %add3A_202 = arith.addi %mul3A_200, %add3A_201 : i32
        %mul3A_203 = arith.constant 128 : i32
        %mul3A_204 = arith.muli %add3A_202, %mul3A_203 : i32
        %dma_start3A_205 = arith.constant 0 : i32
        %dma_start3A_206 = tpu.memref_slice %arg6[%mul3A_204, %dma_start3A_205] : memref<1024x64xf32, #tpu.memory_space<vmem>> -> memref<128x64xf32, #tpu.memory_space<vmem>>
        %dma_start3A_207 = arith.constant 0 : i32
        %dma_start3A_208 = tpu.memref_slice %arg5[%add3A_198, %dma_start3A_207] : memref<8x128xi32, #tpu.memory_space<vmem>> -> memref<1x128xi32, #tpu.memory_space<vmem>>
        %dma_start3A_209 = tpu.memref_squeeze %dma_start3A_208 : memref<1x128xi32, #tpu.memory_space<vmem>> -> memref<128xi32, #tpu.memory_space<vmem>>
        %dma_start3A_210 = arith.constant 0 : i32
        %dma_start3A_211 = arith.constant 0 : i32
        %dma_start3A_212 = tpu.memref_slice %arg2[%dma_start3A_210, %dma_start3A_211] : memref<100000x64xf32, #tpu.memory_space<hbm>> -> memref<100000x64xf32, #tpu.memory_space<hbm>>
        %dma_start3A_213 = tpu.memref_slice %arg8[%sub3A_136] : memref<2x!tpu.dma_semaphore, #tpu.memory_space<semaphore_mem>> -> memref<1x!tpu.dma_semaphore, #tpu.memory_space<semaphore_mem>>
        %dma_start3A_214 = tpu.memref_squeeze %dma_start3A_213 : memref<1x!tpu.dma_semaphore, #tpu.memory_space<semaphore_mem>> -> memref<!tpu.dma_semaphore, #tpu.memory_space<semaphore_mem>>
        tpu.enqueue_indirect_dma source(%dma_start3A_212 : memref<100000x64xf32, #tpu.memory_space<hbm>>) target(%dma_start3A_206 : memref<128x64xf32, #tpu.memory_space<vmem>>) offsets(%dma_start3A_209 : memref<128xi32, #tpu.memory_space<vmem>>) semaphore(%dma_start3A_214 : memref<!tpu.dma_semaphore, #tpu.memory_space<semaphore_mem>>)
        %mul3A_215 = arith.constant 4 : i32
        %mul3A_216 = arith.muli %sub3A_136, %mul3A_215 : i32
        %add3A_217 = arith.constant 1 : i32
        %add3A_218 = arith.addi %mul3A_216, %add3A_217 : i32
        %mul3A_219 = arith.constant 4 : i32
        %mul3A_220 = arith.muli %sub3A_136, %mul3A_219 : i32
        %add3A_221 = arith.constant 1 : i32
        %add3A_222 = arith.addi %mul3A_220, %add3A_221 : i32
        %mul3A_223 = arith.constant 128 : i32
        %mul3A_224 = arith.muli %add3A_222, %mul3A_223 : i32
        %dma_start3A_225 = arith.constant 0 : i32
        %dma_start3A_226 = tpu.memref_slice %arg6[%mul3A_224, %dma_start3A_225] : memref<1024x64xf32, #tpu.memory_space<vmem>> -> memref<128x64xf32, #tpu.memory_space<vmem>>
        %dma_start3A_227 = arith.constant 0 : i32
        %dma_start3A_228 = tpu.memref_slice %arg5[%add3A_218, %dma_start3A_227] : memref<8x128xi32, #tpu.memory_space<vmem>> -> memref<1x128xi32, #tpu.memory_space<vmem>>
        %dma_start3A_229 = tpu.memref_squeeze %dma_start3A_228 : memref<1x128xi32, #tpu.memory_space<vmem>> -> memref<128xi32, #tpu.memory_space<vmem>>
        %dma_start3A_230 = arith.constant 0 : i32
        %dma_start3A_231 = arith.constant 0 : i32
        %dma_start3A_232 = tpu.memref_slice %arg2[%dma_start3A_230, %dma_start3A_231] : memref<100000x64xf32, #tpu.memory_space<hbm>> -> memref<100000x64xf32, #tpu.memory_space<hbm>>
        %dma_start3A_233 = tpu.memref_slice %arg8[%sub3A_136] : memref<2x!tpu.dma_semaphore, #tpu.memory_space<semaphore_mem>> -> memref<1x!tpu.dma_semaphore, #tpu.memory_space<semaphore_mem>>
        %dma_start3A_234 = tpu.memref_squeeze %dma_start3A_233 : memref<1x!tpu.dma_semaphore, #tpu.memory_space<semaphore_mem>> -> memref<!tpu.dma_semaphore, #tpu.memory_space<semaphore_mem>>
        tpu.enqueue_indirect_dma source(%dma_start3A_232 : memref<100000x64xf32, #tpu.memory_space<hbm>>) target(%dma_start3A_226 : memref<128x64xf32, #tpu.memory_space<vmem>>) offsets(%dma_start3A_229 : memref<128xi32, #tpu.memory_space<vmem>>) semaphore(%dma_start3A_234 : memref<!tpu.dma_semaphore, #tpu.memory_space<semaphore_mem>>)
        %mul3A_235 = arith.constant 4 : i32
        %mul3A_236 = arith.muli %sub3A_136, %mul3A_235 : i32
        %add3A_237 = arith.constant 2 : i32
        %add3A_238 = arith.addi %mul3A_236, %add3A_237 : i32
        %mul3A_239 = arith.constant 4 : i32
        %mul3A_240 = arith.muli %sub3A_136, %mul3A_239 : i32
        %add3A_241 = arith.constant 2 : i32
        %add3A_242 = arith.addi %mul3A_240, %add3A_241 : i32
        %mul3A_243 = arith.constant 128 : i32
        %mul3A_244 = arith.muli %add3A_242, %mul3A_243 : i32
        %dma_start3A_245 = arith.constant 0 : i32
        %dma_start3A_246 = tpu.memref_slice %arg6[%mul3A_244, %dma_start3A_245] : memref<1024x64xf32, #tpu.memory_space<vmem>> -> memref<128x64xf32, #tpu.memory_space<vmem>>
        %dma_start3A_247 = arith.constant 0 : i32
        %dma_start3A_248 = tpu.memref_slice %arg5[%add3A_238, %dma_start3A_247] : memref<8x128xi32, #tpu.memory_space<vmem>> -> memref<1x128xi32, #tpu.memory_space<vmem>>
        %dma_start3A_249 = tpu.memref_squeeze %dma_start3A_248 : memref<1x128xi32, #tpu.memory_space<vmem>> -> memref<128xi32, #tpu.memory_space<vmem>>
        %dma_start3A_250 = arith.constant 0 : i32
        %dma_start3A_251 = arith.constant 0 : i32
        %dma_start3A_252 = tpu.memref_slice %arg2[%dma_start3A_250, %dma_start3A_251] : memref<100000x64xf32, #tpu.memory_space<hbm>> -> memref<100000x64xf32, #tpu.memory_space<hbm>>
        %dma_start3A_253 = tpu.memref_slice %arg8[%sub3A_136] : memref<2x!tpu.dma_semaphore, #tpu.memory_space<semaphore_mem>> -> memref<1x!tpu.dma_semaphore, #tpu.memory_space<semaphore_mem>>
        %dma_start3A_254 = tpu.memref_squeeze %dma_start3A_253 : memref<1x!tpu.dma_semaphore, #tpu.memory_space<semaphore_mem>> -> memref<!tpu.dma_semaphore, #tpu.memory_space<semaphore_mem>>
        tpu.enqueue_indirect_dma source(%dma_start3A_252 : memref<100000x64xf32, #tpu.memory_space<hbm>>) target(%dma_start3A_246 : memref<128x64xf32, #tpu.memory_space<vmem>>) offsets(%dma_start3A_249 : memref<128xi32, #tpu.memory_space<vmem>>) semaphore(%dma_start3A_254 : memref<!tpu.dma_semaphore, #tpu.memory_space<semaphore_mem>>)
        %mul3A_255 = arith.constant 4 : i32
        %mul3A_256 = arith.muli %sub3A_136, %mul3A_255 : i32
        %add3A_257 = arith.constant 3 : i32
        %add3A_258 = arith.addi %mul3A_256, %add3A_257 : i32
        %mul3A_259 = arith.constant 4 : i32
        %mul3A_260 = arith.muli %sub3A_136, %mul3A_259 : i32
        %add3A_261 = arith.constant 3 : i32
        %add3A_262 = arith.addi %mul3A_260, %add3A_261 : i32
        %mul3A_263 = arith.constant 128 : i32
        %mul3A_264 = arith.muli %add3A_262, %mul3A_263 : i32
        %dma_start3A_265 = arith.constant 0 : i32
        %dma_start3A_266 = tpu.memref_slice %arg6[%mul3A_264, %dma_start3A_265] : memref<1024x64xf32, #tpu.memory_space<vmem>> -> memref<128x64xf32, #tpu.memory_space<vmem>>
        %dma_start3A_267 = arith.constant 0 : i32
        %dma_start3A_268 = tpu.memref_slice %arg5[%add3A_258, %dma_start3A_267] : memref<8x128xi32, #tpu.memory_space<vmem>> -> memref<1x128xi32, #tpu.memory_space<vmem>>
        %dma_start3A_269 = tpu.memref_squeeze %dma_start3A_268 : memref<1x128xi32, #tpu.memory_space<vmem>> -> memref<128xi32, #tpu.memory_space<vmem>>
        %dma_start3A_270 = arith.constant 0 : i32
        %dma_start3A_271 = arith.constant 0 : i32
        %dma_start3A_272 = tpu.memref_slice %arg2[%dma_start3A_270, %dma_start3A_271] : memref<100000x64xf32, #tpu.memory_space<hbm>> -> memref<100000x64xf32, #tpu.memory_space<hbm>>
        %dma_start3A_273 = tpu.memref_slice %arg8[%sub3A_136] : memref<2x!tpu.dma_semaphore, #tpu.memory_space<semaphore_mem>> -> memref<1x!tpu.dma_semaphore, #tpu.memory_space<semaphore_mem>>
        %dma_start3A_274 = tpu.memref_squeeze %dma_start3A_273 : memref<1x!tpu.dma_semaphore, #tpu.memory_space<semaphore_mem>> -> memref<!tpu.dma_semaphore, #tpu.memory_space<semaphore_mem>>
        tpu.enqueue_indirect_dma source(%dma_start3A_272 : memref<100000x64xf32, #tpu.memory_space<hbm>>) target(%dma_start3A_266 : memref<128x64xf32, #tpu.memory_space<vmem>>) offsets(%dma_start3A_269 : memref<128xi32, #tpu.memory_space<vmem>>) semaphore(%dma_start3A_274 : memref<!tpu.dma_semaphore, #tpu.memory_space<semaphore_mem>>)
      } else {
      }
      %mul3A_141 = arith.constant 512 : i32
      %mul3A_142 = arith.muli %rem3A_135, %mul3A_141 : i32
      %dma_wait3A_143 = arith.constant 0 : i32
      %dma_wait3A_144 = tpu.memref_slice %arg6[%mul3A_142, %dma_wait3A_143] : memref<1024x64xf32, #tpu.memory_space<vmem>> -> memref<512x64xf32, #tpu.memory_space<vmem>>
      %dma_wait3A_145 = arith.constant 0 : i32
      %dma_wait3A_146 = arith.constant 0 : i32
      %dma_wait3A_147 = tpu.memref_slice %arg4[%dma_wait3A_145, %dma_wait3A_146] : memref<262144x64xf32, #tpu.memory_space<hbm>> -> memref<512x64xf32, #tpu.memory_space<hbm>>
      %dma_wait3A_148 = tpu.memref_slice %arg8[%rem3A_135] : memref<2x!tpu.dma_semaphore, #tpu.memory_space<semaphore_mem>> -> memref<1x!tpu.dma_semaphore, #tpu.memory_space<semaphore_mem>>
      %dma_wait3A_149 = tpu.memref_squeeze %dma_wait3A_148 : memref<1x!tpu.dma_semaphore, #tpu.memory_space<semaphore_mem>> -> memref<!tpu.dma_semaphore, #tpu.memory_space<semaphore_mem>>
      %dma_wait3A_150 = arith.constant 0 : i32
      %dma_wait3A_151 = tpu.memref_slice %arg6[%mul3A_142, %dma_wait3A_150] : memref<1024x64xf32, #tpu.memory_space<vmem>> -> memref<512x64xf32, #tpu.memory_space<vmem>>
      %dma_wait3A_152 = arith.constant 0 : i32
      %dma_wait3A_153 = arith.constant 0 : i32
      %dma_wait3A_154 = tpu.memref_slice %arg4[%dma_wait3A_152, %dma_wait3A_153] : memref<262144x64xf32, #tpu.memory_space<hbm>> -> memref<512x64xf32, #tpu.memory_space<hbm>>
      tpu.wait_dma2 semaphore(%dma_wait3A_149 : memref<!tpu.dma_semaphore, #tpu.memory_space<semaphore_mem>>) src(%dma_wait3A_154 : memref<512x64xf32, #tpu.memory_space<hbm>>) dst(%dma_wait3A_151 : memref<512x64xf32, #tpu.memory_space<vmem>>)
      %add3A_155 = arith.constant 2 : i32
      %add3A_156 = arith.addi %add3A_134, %add3A_155 : i32
      %lt3A_157 = arith.constant 16 : i32
      %lt3A_158 = arith.cmpi slt, %add3A_156, %lt3A_157 : i32
      %convert_element_type3A_159 = arith.extui %lt3A_158 : i1 to i32
      %cond3A_160 = arith.constant 0 : i32
      %cond3A_161 = arith.cmpi ne, %convert_element_type3A_159, %cond3A_160 : i32
      scf.if %cond3A_161 {
        %add3A_179 = arith.constant 2 : i32
        %add3A_180 = arith.addi %add3A_134, %add3A_179 : i32
        %mul3A_181 = arith.constant 4 : i32
        %mul3A_182 = arith.muli %add3A_180, %mul3A_181 : i32
        %add3A_183 = arith.addi %mul3A_2, %mul3A_182 : i32
        %mul3A_184 = arith.constant 4 : i32
        %mul3A_185 = arith.muli %rem3A_135, %mul3A_184 : i32
        %dma_start3A_186 = arith.constant 0 : i32
        %dma_start3A_187 = tpu.memref_slice %arg5[%mul3A_185, %dma_start3A_186] : memref<8x128xi32, #tpu.memory_space<vmem>> -> memref<4x128xi32, #tpu.memory_space<vmem>>
        %dma_start3A_188 = arith.constant 0 : i32
        %dma_start3A_189 = tpu.memref_slice %arg3[%add3A_183, %dma_start3A_188] : memref<2048x128xi32, #tpu.memory_space<hbm>> -> memref<4x128xi32, #tpu.memory_space<hbm>>
        %dma_start3A_190 = tpu.memref_slice %arg7[%rem3A_135] : memref<2x!tpu.dma_semaphore, #tpu.memory_space<semaphore_mem>> -> memref<1x!tpu.dma_semaphore, #tpu.memory_space<semaphore_mem>>
        %dma_start3A_191 = tpu.memref_squeeze %dma_start3A_190 : memref<1x!tpu.dma_semaphore, #tpu.memory_space<semaphore_mem>> -> memref<!tpu.dma_semaphore, #tpu.memory_space<semaphore_mem>>
        %dma_start3A_192 = arith.constant 0 : i32
        %dma_start3A_193 = tpu.memref_slice %arg5[%mul3A_185, %dma_start3A_192] : memref<8x128xi32, #tpu.memory_space<vmem>> -> memref<4x128xi32, #tpu.memory_space<vmem>>
        %dma_start3A_194 = arith.constant 0 : i32
        %dma_start3A_195 = tpu.memref_slice %arg3[%add3A_183, %dma_start3A_194] : memref<2048x128xi32, #tpu.memory_space<hbm>> -> memref<4x128xi32, #tpu.memory_space<hbm>>
        tpu.enqueue_dma source(%dma_start3A_195 : memref<4x128xi32, #tpu.memory_space<hbm>>) target(%dma_start3A_193 : memref<4x128xi32, #tpu.memory_space<vmem>>) target_semaphore(%dma_start3A_191 : memref<!tpu.dma_semaphore, #tpu.memory_space<semaphore_mem>>)
      } else {
      }
      %mul3A_162 = arith.constant 512 : i32
      %mul3A_163 = arith.muli %rem3A_135, %mul3A_162 : i32
      %mul3A_164 = arith.constant 4 : i32
      %mul3A_165 = arith.muli %add3A_134, %mul3A_164 : i32
      %add3A_166 = arith.addi %mul3A_2, %mul3A_165 : i32
      %mul3A_167 = arith.constant 128 : i32
      %mul3A_168 = arith.muli %add3A_166, %mul3A_167 : i32
      %dma_start3A_169 = arith.constant 0 : i32
      %dma_start3A_170 = tpu.memref_slice %arg6[%mul3A_163, %dma_start3A_169] : memref<1024x64xf32, #tpu.memory_space<vmem>> -> memref<512x64xf32, #tpu.memory_space<vmem>>
      %dma_start3A_171 = arith.constant 0 : i32
      %dma_start3A_172 = tpu.memref_slice %arg4[%mul3A_168, %dma_start3A_171] : memref<262144x64xf32, #tpu.memory_space<hbm>> -> memref<512x64xf32, #tpu.memory_space<hbm>>
      %dma_start3A_173 = tpu.memref_slice %arg9[%rem3A_135] : memref<2x!tpu.dma_semaphore, #tpu.memory_space<semaphore_mem>> -> memref<1x!tpu.dma_semaphore, #tpu.memory_space<semaphore_mem>>
      %dma_start3A_174 = tpu.memref_squeeze %dma_start3A_173 : memref<1x!tpu.dma_semaphore, #tpu.memory_space<semaphore_mem>> -> memref<!tpu.dma_semaphore, #tpu.memory_space<semaphore_mem>>
      %dma_start3A_175 = arith.constant 0 : i32
      %dma_start3A_176 = tpu.memref_slice %arg4[%mul3A_168, %dma_start3A_175] : memref<262144x64xf32, #tpu.memory_space<hbm>> -> memref<512x64xf32, #tpu.memory_space<hbm>>
      %dma_start3A_177 = arith.constant 0 : i32
      %dma_start3A_178 = tpu.memref_slice %arg6[%mul3A_163, %dma_start3A_177] : memref<1024x64xf32, #tpu.memory_space<vmem>> -> memref<512x64xf32, #tpu.memory_space<vmem>>
      tpu.enqueue_dma source(%dma_start3A_178 : memref<512x64xf32, #tpu.memory_space<vmem>>) target(%dma_start3A_176 : memref<512x64xf32, #tpu.memory_space<hbm>>) target_semaphore(%dma_start3A_174 : memref<!tpu.dma_semaphore, #tpu.memory_space<semaphore_mem>>)
    }
    %scan3A_99 = arith.constant 16 : i32
    %dma_wait3A_100 = arith.constant 0 : i32
    %dma_wait3A_101 = arith.constant 0 : i32
    %dma_wait3A_102 = arith.constant 0 : i32
    %dma_wait3A_103 = tpu.memref_slice %arg6[%dma_wait3A_101, %dma_wait3A_102] : memref<1024x64xf32, #tpu.memory_space<vmem>> -> memref<512x64xf32, #tpu.memory_space<vmem>>
    %dma_wait3A_104 = arith.constant 0 : i32
    %dma_wait3A_105 = arith.constant 0 : i32
    %dma_wait3A_106 = tpu.memref_slice %arg4[%dma_wait3A_104, %dma_wait3A_105] : memref<262144x64xf32, #tpu.memory_space<hbm>> -> memref<512x64xf32, #tpu.memory_space<hbm>>
    %dma_wait3A_107 = tpu.memref_slice %arg9[%dma_wait3A_100] : memref<2x!tpu.dma_semaphore, #tpu.memory_space<semaphore_mem>> -> memref<1x!tpu.dma_semaphore, #tpu.memory_space<semaphore_mem>>
    %dma_wait3A_108 = tpu.memref_squeeze %dma_wait3A_107 : memref<1x!tpu.dma_semaphore, #tpu.memory_space<semaphore_mem>> -> memref<!tpu.dma_semaphore, #tpu.memory_space<semaphore_mem>>
    %dma_wait3A_109 = arith.constant 0 : i32
    %dma_wait3A_110 = arith.constant 0 : i32
    %dma_wait3A_111 = tpu.memref_slice %arg4[%dma_wait3A_109, %dma_wait3A_110] : memref<262144x64xf32, #tpu.memory_space<hbm>> -> memref<512x64xf32, #tpu.memory_space<hbm>>
    %dma_wait3A_112 = arith.constant 0 : i32
    %dma_wait3A_113 = arith.constant 0 : i32
    %dma_wait3A_114 = tpu.memref_slice %arg6[%dma_wait3A_112, %dma_wait3A_113] : memref<1024x64xf32, #tpu.memory_space<vmem>> -> memref<512x64xf32, #tpu.memory_space<vmem>>
    tpu.wait_dma2 semaphore(%dma_wait3A_108 : memref<!tpu.dma_semaphore, #tpu.memory_space<semaphore_mem>>) src(%dma_wait3A_114 : memref<512x64xf32, #tpu.memory_space<vmem>>) dst(%dma_wait3A_111 : memref<512x64xf32, #tpu.memory_space<hbm>>)
    %dma_wait3A_115 = arith.constant 1 : i32
    %dma_wait3A_116 = arith.constant 512 : i32
    %dma_wait3A_117 = arith.constant 0 : i32
    %dma_wait3A_118 = tpu.memref_slice %arg6[%dma_wait3A_116, %dma_wait3A_117] : memref<1024x64xf32, #tpu.memory_space<vmem>> -> memref<512x64xf32, #tpu.memory_space<vmem>>
    %dma_wait3A_119 = arith.constant 0 : i32
    %dma_wait3A_120 = arith.constant 0 : i32
    %dma_wait3A_121 = tpu.memref_slice %arg4[%dma_wait3A_119, %dma_wait3A_120] : memref<262144x64xf32, #tpu.memory_space<hbm>> -> memref<512x64xf32, #tpu.memory_space<hbm>>
    %dma_wait3A_122 = tpu.memref_slice %arg9[%dma_wait3A_115] : memref<2x!tpu.dma_semaphore, #tpu.memory_space<semaphore_mem>> -> memref<1x!tpu.dma_semaphore, #tpu.memory_space<semaphore_mem>>
    %dma_wait3A_123 = tpu.memref_squeeze %dma_wait3A_122 : memref<1x!tpu.dma_semaphore, #tpu.memory_space<semaphore_mem>> -> memref<!tpu.dma_semaphore, #tpu.memory_space<semaphore_mem>>
    %dma_wait3A_124 = arith.constant 0 : i32
    %dma_wait3A_125 = arith.constant 0 : i32
    %dma_wait3A_126 = tpu.memref_slice %arg4[%dma_wait3A_124, %dma_wait3A_125] : memref<262144x64xf32, #tpu.memory_space<hbm>> -> memref<512x64xf32, #tpu.memory_space<hbm>>
    %dma_wait3A_127 = arith.constant 512 : i32
    %dma_wait3A_128 = arith.constant 0 : i32
    %dma_wait3A_129 = tpu.memref_slice %arg6[%dma_wait3A_127, %dma_wait3A_128] : memref<1024x64xf32, #tpu.memory_space<vmem>> -> memref<512x64xf32, #tpu.memory_space<vmem>>
    tpu.wait_dma2 semaphore(%dma_wait3A_123 : memref<!tpu.dma_semaphore, #tpu.memory_space<semaphore_mem>>) src(%dma_wait3A_129 : memref<512x64xf32, #tpu.memory_space<vmem>>) dst(%dma_wait3A_126 : memref<512x64xf32, #tpu.memory_space<hbm>>)
    return
  }
}

module attributes {stable_mosaic.version = 14 : i64} {
  func.func @_project_kernel(%arg0: i32, %arg1: memref<2000x128xf32, #tpu.memory_space<vmem>>, %arg2: memref<128x128xf32, #tpu.memory_space<vmem>>, %arg3: memref<1x128xf32, #tpu.memory_space<vmem>>, %arg4: memref<2000x128xf32, #tpu.memory_space<vmem>>) attributes {dimension_semantics = [#tpu.dimension_semantics<arbitrary>], iteration_bounds = array<i64: 25>, scalar_prefetch = 0 : i64, scratch_operands = 0 : i64, tpu.core_type = #tpu.core_type<tc>, window_params = [{transform_indices = @transform_0, window_bounds = array<i64: 2000, 128>}, {pipeline_mode = #tpu.pipeline_mode<synchronous>, transform_indices = @transform_1, window_bounds = array<i64: 128, 128>}, {pipeline_mode = #tpu.pipeline_mode<synchronous>, transform_indices = @transform_2, window_bounds = array<i64: 1, 128>}, {transform_indices = @transform_3, window_bounds = array<i64: 2000, 128>}]} {
    %get3A = arith.constant 0 : index
    %get3A_0 = arith.constant 0 : index
    %get3A_1 = vector.load %arg1[%get3A, %get3A_0] : memref<2000x128xf32, #tpu.memory_space<vmem>>, vector<2000x128xf32>
    %get3A_2 = arith.constant 0 : index
    %get3A_3 = arith.constant 0 : index
    %get3A_4 = vector.load %arg2[%get3A_2, %get3A_3] : memref<128x128xf32, #tpu.memory_space<vmem>>, vector<128x128xf32>
    %dot_general3A = arith.constant dense<0.000000e+00> : vector<2000x128xf32>
    %dot_general3A_5 = tpu.matmul %get3A_1, %get3A_4, %dot_general3A {dimension_numbers = #tpu.dot_dimension_numbers<[1], [0], [0], [1], [0, 0, 1, 1], [], []>, transpose_lhs_hint = false} : vector<2000x128xf32>, vector<128x128xf32>, vector<2000x128xf32> -> vector<2000x128xf32>
    %get3A_6 = arith.constant 0 : index
    %get3A_7 = arith.constant 0 : index
    %get3A_8 = vector.load %arg3[%get3A_6, %get3A_7] : memref<1x128xf32, #tpu.memory_space<vmem>>, vector<1x128xf32>
    %add3A = vector.broadcast %get3A_8 : vector<1x128xf32> to vector<2000x128xf32>
    %add3A_9 = arith.addf %dot_general3A_5, %add3A : vector<2000x128xf32>
    %swap3A = arith.constant 0 : index
    %swap3A_10 = arith.constant 0 : index
    %swap3A_11 = vector.load %arg4[%swap3A, %swap3A_10] : memref<2000x128xf32, #tpu.memory_space<vmem>>, vector<2000x128xf32>
    tpu.vector_store %arg4[%swap3A, %swap3A_10], %add3A_9 {strides = array<i32>} : memref<2000x128xf32, #tpu.memory_space<vmem>>, vector<2000x128xf32>,
    return
  }
  func.func @transform_0(%arg0: i32) -> (i32, i32) {
    %c0_i32 = arith.constant 0 : i32
    %c0_i32_0 = arith.constant 0 : i32
    return %arg0, %c0_i32 : i32, i32
  }
  func.func @transform_1(%arg0: i32) -> (i32, i32) {
    %c0_i32 = arith.constant 0 : i32
    %c0_i32_0 = arith.constant 0 : i32
    %c0_i32_1 = arith.constant 0 : i32
    return %c0_i32, %c0_i32_0 : i32, i32
  }
  func.func @transform_2(%arg0: i32) -> (i32, i32) {
    %c0_i32 = arith.constant 0 : i32
    %c0_i32_0 = arith.constant 0 : i32
    %c0_i32_1 = arith.constant 0 : i32
    return %c0_i32, %c0_i32_0 : i32, i32
  }
  func.func @transform_3(%arg0: i32) -> (i32, i32) {
    %c0_i32 = arith.constant 0 : i32
    %c0_i32_0 = arith.constant 0 : i32
    return %arg0, %c0_i32 : i32, i32
  }
}

module attributes {stable_mosaic.version = 14 : i64} {
  func.func @_scan_seg_kernel(%arg0: i32, %arg1: memref<2048x128xf32, #tpu.memory_space<vmem>>, %arg2: memref<128x128xf32, #tpu.memory_space<vmem>>, %arg3: memref<1x128xf32, #tpu.memory_space<vmem>>, %arg4: memref<2048x128xf32, #tpu.memory_space<vmem>>, %arg5: memref<2048x128xf32, #tpu.memory_space<vmem>>, %arg6: memref<2048x128xf32, #tpu.memory_space<vmem>>) attributes {dimension_semantics = [#tpu.dimension_semantics<arbitrary>], iteration_bounds = array<i64: 8>, scalar_prefetch = 0 : i64, scratch_operands = 1 : i64, tpu.core_type = #tpu.core_type<tc>, window_params = [{transform_indices = @transform_0, window_bounds = array<i64: 2048, 128>}, {pipeline_mode = #tpu.pipeline_mode<synchronous>, transform_indices = @transform_1, window_bounds = array<i64: 128, 128>}, {pipeline_mode = #tpu.pipeline_mode<synchronous>, transform_indices = @transform_2, window_bounds = array<i64: 1, 128>}, {pipeline_mode = #tpu.pipeline_mode<synchronous>, transform_indices = @transform_3, window_bounds = array<i64: 2048, 128>}, {pipeline_mode = #tpu.pipeline_mode<synchronous>, transform_indices = @transform_4, window_bounds = array<i64: 2048, 128>}]} {
    %eq3A = arith.constant 0 : i32
    %eq3A_0 = arith.cmpi eq, %arg0, %eq3A : i32
    %convert_element_type3A = arith.extui %eq3A_0 : i1 to i32
    %cond3A = arith.constant 0 : i32
    %cond3A_1 = arith.cmpi ne, %convert_element_type3A, %cond3A : i32
    scf.if %cond3A_1 {
      %get3A_23 = arith.constant 0 : index
      %get3A_24 = arith.constant 0 : index
      %get3A_25 = vector.load %arg4[%get3A_23, %get3A_24] : memref<2048x128xf32, #tpu.memory_space<vmem>>, vector<2048x128xf32>
      %swap3A_26 = arith.constant 0 : index
      %swap3A_27 = arith.constant 0 : index
      %swap3A_28 = vector.load %arg6[%swap3A_26, %swap3A_27] : memref<2048x128xf32, #tpu.memory_space<vmem>>, vector<2048x128xf32>
      tpu.vector_store %arg6[%swap3A_26, %swap3A_27], %get3A_25 {strides = array<i32>} : memref<2048x128xf32, #tpu.memory_space<vmem>>, vector<2048x128xf32>,
    } else {
    }
    %get3A = arith.constant 0 : index
    %get3A_2 = arith.constant 0 : index
    %get3A_3 = vector.load %arg1[%get3A, %get3A_2] : memref<2048x128xf32, #tpu.memory_space<vmem>>, vector<2048x128xf32>
    %get3A_4 = arith.constant 0 : index
    %get3A_5 = arith.constant 0 : index
    %get3A_6 = vector.load %arg6[%get3A_4, %get3A_5] : memref<2048x128xf32, #tpu.memory_space<vmem>>, vector<2048x128xf32>
    %get3A_7 = arith.constant 0 : index
    %get3A_8 = arith.constant 0 : index
    %get3A_9 = vector.load %arg2[%get3A_7, %get3A_8] : memref<128x128xf32, #tpu.memory_space<vmem>>, vector<128x128xf32>
    %dot_general3A = arith.constant dense<0.000000e+00> : vector<2048x128xf32>
    %dot_general3A_10 = tpu.matmul %get3A_6, %get3A_9, %dot_general3A {dimension_numbers = #tpu.dot_dimension_numbers<[1], [0], [0], [1], [0, 0, 1, 1], [], []>, transpose_lhs_hint = false} : vector<2048x128xf32>, vector<128x128xf32>, vector<2048x128xf32> -> vector<2048x128xf32>
    %add3A = arith.addf %get3A_3, %dot_general3A_10 : vector<2048x128xf32>
    %get3A_11 = arith.constant 0 : index
    %get3A_12 = arith.constant 0 : index
    %get3A_13 = vector.load %arg3[%get3A_11, %get3A_12] : memref<1x128xf32, #tpu.memory_space<vmem>>, vector<1x128xf32>
    %add3A_14 = vector.broadcast %get3A_13 : vector<1x128xf32> to vector<2048x128xf32>
    %add3A_15 = arith.addf %add3A, %add3A_14 : vector<2048x128xf32>
    %tanh3A = math.tanh %add3A_15 : vector<2048x128xf32>
    %swap3A = arith.constant 0 : index
    %swap3A_16 = arith.constant 0 : index
    %swap3A_17 = vector.load %arg6[%swap3A, %swap3A_16] : memref<2048x128xf32, #tpu.memory_space<vmem>>, vector<2048x128xf32>
    tpu.vector_store %arg6[%swap3A, %swap3A_16], %tanh3A {strides = array<i32>} : memref<2048x128xf32, #tpu.memory_space<vmem>>, vector<2048x128xf32>,
    %eq3A_18 = arith.constant 7 : i32
    %eq3A_19 = arith.cmpi eq, %arg0, %eq3A_18 : i32
    %convert_element_type3A_20 = arith.extui %eq3A_19 : i1 to i32
    %cond3A_21 = arith.constant 0 : i32
    %cond3A_22 = arith.cmpi ne, %convert_element_type3A_20, %cond3A_21 : i32
    scf.if %cond3A_22 {
      %swap3A_23 = arith.constant 0 : index
      %swap3A_24 = arith.constant 0 : index
      %swap3A_25 = vector.load %arg5[%swap3A_23, %swap3A_24] : memref<2048x128xf32, #tpu.memory_space<vmem>>, vector<2048x128xf32>
      tpu.vector_store %arg5[%swap3A_23, %swap3A_24], %tanh3A {strides = array<i32>} : memref<2048x128xf32, #tpu.memory_space<vmem>>, vector<2048x128xf32>,
    } else {
    }
    return
  }
  func.func @transform_0(%arg0: i32) -> (i32, i32) {
    %c0_i32 = arith.constant 0 : i32
    %c0_i32_0 = arith.constant 0 : i32
    return %arg0, %c0_i32 : i32, i32
  }
  func.func @transform_1(%arg0: i32) -> (i32, i32) {
    %c0_i32 = arith.constant 0 : i32
    %c0_i32_0 = arith.constant 0 : i32
    %c0_i32_1 = arith.constant 0 : i32
    return %c0_i32, %c0_i32_0 : i32, i32
  }
  func.func @transform_2(%arg0: i32) -> (i32, i32) {
    %c0_i32 = arith.constant 0 : i32
    %c0_i32_0 = arith.constant 0 : i32
    %c0_i32_1 = arith.constant 0 : i32
    return %c0_i32, %c0_i32_0 : i32, i32
  }
  func.func @transform_3(%arg0: i32) -> (i32, i32) {
    %c0_i32 = arith.constant 0 : i32
    %c0_i32_0 = arith.constant 0 : i32
    %c0_i32_1 = arith.constant 0 : i32
    return %c0_i32, %c0_i32_0 : i32, i32
  }
  func.func @transform_4(%arg0: i32) -> (i32, i32) {
    %c0_i32 = arith.constant 0 : i32
    %c0_i32_0 = arith.constant 0 : i32
    %c0_i32_1 = arith.constant 0 : i32
    return %c0_i32, %c0_i32_0 : i32, i32
  }
}

module attributes {stable_mosaic.version = 14 : i64} {
  func.func @_scan_seg_kernel(%arg0: i32, %arg1: memref<2048x128xf32, #tpu.memory_space<vmem>>, %arg2: memref<128x128xf32, #tpu.memory_space<vmem>>, %arg3: memref<1x128xf32, #tpu.memory_space<vmem>>, %arg4: memref<2048x128xf32, #tpu.memory_space<vmem>>, %arg5: memref<2048x128xf32, #tpu.memory_space<vmem>>, %arg6: memref<2048x128xf32, #tpu.memory_space<vmem>>) attributes {dimension_semantics = [#tpu.dimension_semantics<arbitrary>], iteration_bounds = array<i64: 16>, scalar_prefetch = 0 : i64, scratch_operands = 1 : i64, tpu.core_type = #tpu.core_type<tc>, window_params = [{transform_indices = @transform_0, window_bounds = array<i64: 2048, 128>}, {pipeline_mode = #tpu.pipeline_mode<synchronous>, transform_indices = @transform_1, window_bounds = array<i64: 128, 128>}, {pipeline_mode = #tpu.pipeline_mode<synchronous>, transform_indices = @transform_2, window_bounds = array<i64: 1, 128>}, {pipeline_mode = #tpu.pipeline_mode<synchronous>, transform_indices = @transform_3, window_bounds = array<i64: 2048, 128>}, {pipeline_mode = #tpu.pipeline_mode<synchronous>, transform_indices = @transform_4, window_bounds = array<i64: 2048, 128>}]} {
    %eq3A = arith.constant 0 : i32
    %eq3A_0 = arith.cmpi eq, %arg0, %eq3A : i32
    %convert_element_type3A = arith.extui %eq3A_0 : i1 to i32
    %cond3A = arith.constant 0 : i32
    %cond3A_1 = arith.cmpi ne, %convert_element_type3A, %cond3A : i32
    scf.if %cond3A_1 {
      %get3A_23 = arith.constant 0 : index
      %get3A_24 = arith.constant 0 : index
      %get3A_25 = vector.load %arg4[%get3A_23, %get3A_24] : memref<2048x128xf32, #tpu.memory_space<vmem>>, vector<2048x128xf32>
      %swap3A_26 = arith.constant 0 : index
      %swap3A_27 = arith.constant 0 : index
      %swap3A_28 = vector.load %arg6[%swap3A_26, %swap3A_27] : memref<2048x128xf32, #tpu.memory_space<vmem>>, vector<2048x128xf32>
      tpu.vector_store %arg6[%swap3A_26, %swap3A_27], %get3A_25 {strides = array<i32>} : memref<2048x128xf32, #tpu.memory_space<vmem>>, vector<2048x128xf32>,
    } else {
    }
    %get3A = arith.constant 0 : index
    %get3A_2 = arith.constant 0 : index
    %get3A_3 = vector.load %arg1[%get3A, %get3A_2] : memref<2048x128xf32, #tpu.memory_space<vmem>>, vector<2048x128xf32>
    %get3A_4 = arith.constant 0 : index
    %get3A_5 = arith.constant 0 : index
    %get3A_6 = vector.load %arg6[%get3A_4, %get3A_5] : memref<2048x128xf32, #tpu.memory_space<vmem>>, vector<2048x128xf32>
    %get3A_7 = arith.constant 0 : index
    %get3A_8 = arith.constant 0 : index
    %get3A_9 = vector.load %arg2[%get3A_7, %get3A_8] : memref<128x128xf32, #tpu.memory_space<vmem>>, vector<128x128xf32>
    %dot_general3A = arith.constant dense<0.000000e+00> : vector<2048x128xf32>
    %dot_general3A_10 = tpu.matmul %get3A_6, %get3A_9, %dot_general3A {dimension_numbers = #tpu.dot_dimension_numbers<[1], [0], [0], [1], [0, 0, 1, 1], [], []>, transpose_lhs_hint = false} : vector<2048x128xf32>, vector<128x128xf32>, vector<2048x128xf32> -> vector<2048x128xf32>
    %add3A = arith.addf %get3A_3, %dot_general3A_10 : vector<2048x128xf32>
    %get3A_11 = arith.constant 0 : index
    %get3A_12 = arith.constant 0 : index
    %get3A_13 = vector.load %arg3[%get3A_11, %get3A_12] : memref<1x128xf32, #tpu.memory_space<vmem>>, vector<1x128xf32>
    %add3A_14 = vector.broadcast %get3A_13 : vector<1x128xf32> to vector<2048x128xf32>
    %add3A_15 = arith.addf %add3A, %add3A_14 : vector<2048x128xf32>
    %tanh3A = math.tanh %add3A_15 : vector<2048x128xf32>
    %swap3A = arith.constant 0 : index
    %swap3A_16 = arith.constant 0 : index
    %swap3A_17 = vector.load %arg6[%swap3A, %swap3A_16] : memref<2048x128xf32, #tpu.memory_space<vmem>>, vector<2048x128xf32>
    tpu.vector_store %arg6[%swap3A, %swap3A_16], %tanh3A {strides = array<i32>} : memref<2048x128xf32, #tpu.memory_space<vmem>>, vector<2048x128xf32>,
    %eq3A_18 = arith.constant 15 : i32
    %eq3A_19 = arith.cmpi eq, %arg0, %eq3A_18 : i32
    %convert_element_type3A_20 = arith.extui %eq3A_19 : i1 to i32
    %cond3A_21 = arith.constant 0 : i32
    %cond3A_22 = arith.cmpi ne, %convert_element_type3A_20, %cond3A_21 : i32
    scf.if %cond3A_22 {
      %swap3A_23 = arith.constant 0 : index
      %swap3A_24 = arith.constant 0 : index
      %swap3A_25 = vector.load %arg5[%swap3A_23, %swap3A_24] : memref<2048x128xf32, #tpu.memory_space<vmem>>, vector<2048x128xf32>
      tpu.vector_store %arg5[%swap3A_23, %swap3A_24], %tanh3A {strides = array<i32>} : memref<2048x128xf32, #tpu.memory_space<vmem>>, vector<2048x128xf32>,
    } else {
    }
    return
  }
  func.func @transform_0(%arg0: i32) -> (i32, i32) {
    %c0_i32 = arith.constant 0 : i32
    %c0_i32_0 = arith.constant 0 : i32
    return %arg0, %c0_i32 : i32, i32
  }
  func.func @transform_1(%arg0: i32) -> (i32, i32) {
    %c0_i32 = arith.constant 0 : i32
    %c0_i32_0 = arith.constant 0 : i32
    %c0_i32_1 = arith.constant 0 : i32
    return %c0_i32, %c0_i32_0 : i32, i32
  }
  func.func @transform_2(%arg0: i32) -> (i32, i32) {
    %c0_i32 = arith.constant 0 : i32
    %c0_i32_0 = arith.constant 0 : i32
    %c0_i32_1 = arith.constant 0 : i32
    return %c0_i32, %c0_i32_0 : i32, i32
  }
  func.func @transform_3(%arg0: i32) -> (i32, i32) {
    %c0_i32 = arith.constant 0 : i32
    %c0_i32_0 = arith.constant 0 : i32
    %c0_i32_1 = arith.constant 0 : i32
    return %c0_i32, %c0_i32_0 : i32, i32
  }
  func.func @transform_4(%arg0: i32) -> (i32, i32) {
    %c0_i32 = arith.constant 0 : i32
    %c0_i32_0 = arith.constant 0 : i32
    %c0_i32_1 = arith.constant 0 : i32
    return %c0_i32, %c0_i32_0 : i32, i32
  }
}

module attributes {stable_mosaic.version = 14 : i64} {
  func.func @_scan_seg_kernel(%arg0: i32, %arg1: memref<2048x128xf32, #tpu.memory_space<vmem>>, %arg2: memref<128x128xf32, #tpu.memory_space<vmem>>, %arg3: memref<1x128xf32, #tpu.memory_space<vmem>>, %arg4: memref<2048x128xf32, #tpu.memory_space<vmem>>, %arg5: memref<2048x128xf32, #tpu.memory_space<vmem>>, %arg6: memref<2048x128xf32, #tpu.memory_space<vmem>>) attributes {dimension_semantics = [#tpu.dimension_semantics<arbitrary>], iteration_bounds = array<i64: 24>, scalar_prefetch = 0 : i64, scratch_operands = 1 : i64, tpu.core_type = #tpu.core_type<tc>, window_params = [{transform_indices = @transform_0, window_bounds = array<i64: 2048, 128>}, {pipeline_mode = #tpu.pipeline_mode<synchronous>, transform_indices = @transform_1, window_bounds = array<i64: 128, 128>}, {pipeline_mode = #tpu.pipeline_mode<synchronous>, transform_indices = @transform_2, window_bounds = array<i64: 1, 128>}, {pipeline_mode = #tpu.pipeline_mode<synchronous>, transform_indices = @transform_3, window_bounds = array<i64: 2048, 128>}, {pipeline_mode = #tpu.pipeline_mode<synchronous>, transform_indices = @transform_4, window_bounds = array<i64: 2048, 128>}]} {
    %eq3A = arith.constant 0 : i32
    %eq3A_0 = arith.cmpi eq, %arg0, %eq3A : i32
    %convert_element_type3A = arith.extui %eq3A_0 : i1 to i32
    %cond3A = arith.constant 0 : i32
    %cond3A_1 = arith.cmpi ne, %convert_element_type3A, %cond3A : i32
    scf.if %cond3A_1 {
      %get3A_23 = arith.constant 0 : index
      %get3A_24 = arith.constant 0 : index
      %get3A_25 = vector.load %arg4[%get3A_23, %get3A_24] : memref<2048x128xf32, #tpu.memory_space<vmem>>, vector<2048x128xf32>
      %swap3A_26 = arith.constant 0 : index
      %swap3A_27 = arith.constant 0 : index
      %swap3A_28 = vector.load %arg6[%swap3A_26, %swap3A_27] : memref<2048x128xf32, #tpu.memory_space<vmem>>, vector<2048x128xf32>
      tpu.vector_store %arg6[%swap3A_26, %swap3A_27], %get3A_25 {strides = array<i32>} : memref<2048x128xf32, #tpu.memory_space<vmem>>, vector<2048x128xf32>,
    } else {
    }
    %get3A = arith.constant 0 : index
    %get3A_2 = arith.constant 0 : index
    %get3A_3 = vector.load %arg1[%get3A, %get3A_2] : memref<2048x128xf32, #tpu.memory_space<vmem>>, vector<2048x128xf32>
    %get3A_4 = arith.constant 0 : index
    %get3A_5 = arith.constant 0 : index
    %get3A_6 = vector.load %arg6[%get3A_4, %get3A_5] : memref<2048x128xf32, #tpu.memory_space<vmem>>, vector<2048x128xf32>
    %get3A_7 = arith.constant 0 : index
    %get3A_8 = arith.constant 0 : index
    %get3A_9 = vector.load %arg2[%get3A_7, %get3A_8] : memref<128x128xf32, #tpu.memory_space<vmem>>, vector<128x128xf32>
    %dot_general3A = arith.constant dense<0.000000e+00> : vector<2048x128xf32>
    %dot_general3A_10 = tpu.matmul %get3A_6, %get3A_9, %dot_general3A {dimension_numbers = #tpu.dot_dimension_numbers<[1], [0], [0], [1], [0, 0, 1, 1], [], []>, transpose_lhs_hint = false} : vector<2048x128xf32>, vector<128x128xf32>, vector<2048x128xf32> -> vector<2048x128xf32>
    %add3A = arith.addf %get3A_3, %dot_general3A_10 : vector<2048x128xf32>
    %get3A_11 = arith.constant 0 : index
    %get3A_12 = arith.constant 0 : index
    %get3A_13 = vector.load %arg3[%get3A_11, %get3A_12] : memref<1x128xf32, #tpu.memory_space<vmem>>, vector<1x128xf32>
    %add3A_14 = vector.broadcast %get3A_13 : vector<1x128xf32> to vector<2048x128xf32>
    %add3A_15 = arith.addf %add3A, %add3A_14 : vector<2048x128xf32>
    %tanh3A = math.tanh %add3A_15 : vector<2048x128xf32>
    %swap3A = arith.constant 0 : index
    %swap3A_16 = arith.constant 0 : index
    %swap3A_17 = vector.load %arg6[%swap3A, %swap3A_16] : memref<2048x128xf32, #tpu.memory_space<vmem>>, vector<2048x128xf32>
    tpu.vector_store %arg6[%swap3A, %swap3A_16], %tanh3A {strides = array<i32>} : memref<2048x128xf32, #tpu.memory_space<vmem>>, vector<2048x128xf32>,
    %eq3A_18 = arith.constant 23 : i32
    %eq3A_19 = arith.cmpi eq, %arg0, %eq3A_18 : i32
    %convert_element_type3A_20 = arith.extui %eq3A_19 : i1 to i32
    %cond3A_21 = arith.constant 0 : i32
    %cond3A_22 = arith.cmpi ne, %convert_element_type3A_20, %cond3A_21 : i32
    scf.if %cond3A_22 {
      %swap3A_23 = arith.constant 0 : index
      %swap3A_24 = arith.constant 0 : index
      %swap3A_25 = vector.load %arg5[%swap3A_23, %swap3A_24] : memref<2048x128xf32, #tpu.memory_space<vmem>>, vector<2048x128xf32>
      tpu.vector_store %arg5[%swap3A_23, %swap3A_24], %tanh3A {strides = array<i32>} : memref<2048x128xf32, #tpu.memory_space<vmem>>, vector<2048x128xf32>,
    } else {
    }
    return
  }
  func.func @transform_0(%arg0: i32) -> (i32, i32) {
    %c0_i32 = arith.constant 0 : i32
    %c0_i32_0 = arith.constant 0 : i32
    return %arg0, %c0_i32 : i32, i32
  }
  func.func @transform_1(%arg0: i32) -> (i32, i32) {
    %c0_i32 = arith.constant 0 : i32
    %c0_i32_0 = arith.constant 0 : i32
    %c0_i32_1 = arith.constant 0 : i32
    return %c0_i32, %c0_i32_0 : i32, i32
  }
  func.func @transform_2(%arg0: i32) -> (i32, i32) {
    %c0_i32 = arith.constant 0 : i32
    %c0_i32_0 = arith.constant 0 : i32
    %c0_i32_1 = arith.constant 0 : i32
    return %c0_i32, %c0_i32_0 : i32, i32
  }
  func.func @transform_3(%arg0: i32) -> (i32, i32) {
    %c0_i32 = arith.constant 0 : i32
    %c0_i32_0 = arith.constant 0 : i32
    %c0_i32_1 = arith.constant 0 : i32
    return %c0_i32, %c0_i32_0 : i32, i32
  }
  func.func @transform_4(%arg0: i32) -> (i32, i32) {
    %c0_i32 = arith.constant 0 : i32
    %c0_i32_0 = arith.constant 0 : i32
    %c0_i32_1 = arith.constant 0 : i32
    return %c0_i32, %c0_i32_0 : i32, i32
  }
}

module attributes {stable_mosaic.version = 14 : i64} {
  func.func @_scan_seg_kernel(%arg0: i32, %arg1: memref<2048x128xf32, #tpu.memory_space<vmem>>, %arg2: memref<128x128xf32, #tpu.memory_space<vmem>>, %arg3: memref<1x128xf32, #tpu.memory_space<vmem>>, %arg4: memref<2048x128xf32, #tpu.memory_space<vmem>>, %arg5: memref<2048x128xf32, #tpu.memory_space<vmem>>, %arg6: memref<2048x128xf32, #tpu.memory_space<vmem>>) attributes {dimension_semantics = [#tpu.dimension_semantics<arbitrary>], iteration_bounds = array<i64: 36>, scalar_prefetch = 0 : i64, scratch_operands = 1 : i64, tpu.core_type = #tpu.core_type<tc>, window_params = [{transform_indices = @transform_0, window_bounds = array<i64: 2048, 128>}, {pipeline_mode = #tpu.pipeline_mode<synchronous>, transform_indices = @transform_1, window_bounds = array<i64: 128, 128>}, {pipeline_mode = #tpu.pipeline_mode<synchronous>, transform_indices = @transform_2, window_bounds = array<i64: 1, 128>}, {pipeline_mode = #tpu.pipeline_mode<synchronous>, transform_indices = @transform_3, window_bounds = array<i64: 2048, 128>}, {pipeline_mode = #tpu.pipeline_mode<synchronous>, transform_indices = @transform_4, window_bounds = array<i64: 2048, 128>}]} {
    %eq3A = arith.constant 0 : i32
    %eq3A_0 = arith.cmpi eq, %arg0, %eq3A : i32
    %convert_element_type3A = arith.extui %eq3A_0 : i1 to i32
    %cond3A = arith.constant 0 : i32
    %cond3A_1 = arith.cmpi ne, %convert_element_type3A, %cond3A : i32
    scf.if %cond3A_1 {
      %get3A_23 = arith.constant 0 : index
      %get3A_24 = arith.constant 0 : index
      %get3A_25 = vector.load %arg4[%get3A_23, %get3A_24] : memref<2048x128xf32, #tpu.memory_space<vmem>>, vector<2048x128xf32>
      %swap3A_26 = arith.constant 0 : index
      %swap3A_27 = arith.constant 0 : index
      %swap3A_28 = vector.load %arg6[%swap3A_26, %swap3A_27] : memref<2048x128xf32, #tpu.memory_space<vmem>>, vector<2048x128xf32>
      tpu.vector_store %arg6[%swap3A_26, %swap3A_27], %get3A_25 {strides = array<i32>} : memref<2048x128xf32, #tpu.memory_space<vmem>>, vector<2048x128xf32>,
    } else {
    }
    %get3A = arith.constant 0 : index
    %get3A_2 = arith.constant 0 : index
    %get3A_3 = vector.load %arg1[%get3A, %get3A_2] : memref<2048x128xf32, #tpu.memory_space<vmem>>, vector<2048x128xf32>
    %get3A_4 = arith.constant 0 : index
    %get3A_5 = arith.constant 0 : index
    %get3A_6 = vector.load %arg6[%get3A_4, %get3A_5] : memref<2048x128xf32, #tpu.memory_space<vmem>>, vector<2048x128xf32>
    %get3A_7 = arith.constant 0 : index
    %get3A_8 = arith.constant 0 : index
    %get3A_9 = vector.load %arg2[%get3A_7, %get3A_8] : memref<128x128xf32, #tpu.memory_space<vmem>>, vector<128x128xf32>
    %dot_general3A = arith.constant dense<0.000000e+00> : vector<2048x128xf32>
    %dot_general3A_10 = tpu.matmul %get3A_6, %get3A_9, %dot_general3A {dimension_numbers = #tpu.dot_dimension_numbers<[1], [0], [0], [1], [0, 0, 1, 1], [], []>, transpose_lhs_hint = false} : vector<2048x128xf32>, vector<128x128xf32>, vector<2048x128xf32> -> vector<2048x128xf32>
    %add3A = arith.addf %get3A_3, %dot_general3A_10 : vector<2048x128xf32>
    %get3A_11 = arith.constant 0 : index
    %get3A_12 = arith.constant 0 : index
    %get3A_13 = vector.load %arg3[%get3A_11, %get3A_12] : memref<1x128xf32, #tpu.memory_space<vmem>>, vector<1x128xf32>
    %add3A_14 = vector.broadcast %get3A_13 : vector<1x128xf32> to vector<2048x128xf32>
    %add3A_15 = arith.addf %add3A, %add3A_14 : vector<2048x128xf32>
    %tanh3A = math.tanh %add3A_15 : vector<2048x128xf32>
    %swap3A = arith.constant 0 : index
    %swap3A_16 = arith.constant 0 : index
    %swap3A_17 = vector.load %arg6[%swap3A, %swap3A_16] : memref<2048x128xf32, #tpu.memory_space<vmem>>, vector<2048x128xf32>
    tpu.vector_store %arg6[%swap3A, %swap3A_16], %tanh3A {strides = array<i32>} : memref<2048x128xf32, #tpu.memory_space<vmem>>, vector<2048x128xf32>,
    %eq3A_18 = arith.constant 35 : i32
    %eq3A_19 = arith.cmpi eq, %arg0, %eq3A_18 : i32
    %convert_element_type3A_20 = arith.extui %eq3A_19 : i1 to i32
    %cond3A_21 = arith.constant 0 : i32
    %cond3A_22 = arith.cmpi ne, %convert_element_type3A_20, %cond3A_21 : i32
    scf.if %cond3A_22 {
      %swap3A_23 = arith.constant 0 : index
      %swap3A_24 = arith.constant 0 : index
      %swap3A_25 = vector.load %arg5[%swap3A_23, %swap3A_24] : memref<2048x128xf32, #tpu.memory_space<vmem>>, vector<2048x128xf32>
      tpu.vector_store %arg5[%swap3A_23, %swap3A_24], %tanh3A {strides = array<i32>} : memref<2048x128xf32, #tpu.memory_space<vmem>>, vector<2048x128xf32>,
    } else {
    }
    return
  }
  func.func @transform_0(%arg0: i32) -> (i32, i32) {
    %c0_i32 = arith.constant 0 : i32
    %c0_i32_0 = arith.constant 0 : i32
    return %arg0, %c0_i32 : i32, i32
  }
  func.func @transform_1(%arg0: i32) -> (i32, i32) {
    %c0_i32 = arith.constant 0 : i32
    %c0_i32_0 = arith.constant 0 : i32
    %c0_i32_1 = arith.constant 0 : i32
    return %c0_i32, %c0_i32_0 : i32, i32
  }
  func.func @transform_2(%arg0: i32) -> (i32, i32) {
    %c0_i32 = arith.constant 0 : i32
    %c0_i32_0 = arith.constant 0 : i32
    %c0_i32_1 = arith.constant 0 : i32
    return %c0_i32, %c0_i32_0 : i32, i32
  }
  func.func @transform_3(%arg0: i32) -> (i32, i32) {
    %c0_i32 = arith.constant 0 : i32
    %c0_i32_0 = arith.constant 0 : i32
    %c0_i32_1 = arith.constant 0 : i32
    return %c0_i32, %c0_i32_0 : i32, i32
  }
  func.func @transform_4(%arg0: i32) -> (i32, i32) {
    %c0_i32 = arith.constant 0 : i32
    %c0_i32_0 = arith.constant 0 : i32
    %c0_i32_1 = arith.constant 0 : i32
    return %c0_i32, %c0_i32_0 : i32, i32
  }
}

module attributes {stable_mosaic.version = 14 : i64} {
  func.func @_scan_seg_kernel(%arg0: i32, %arg1: memref<2048x128xf32, #tpu.memory_space<vmem>>, %arg2: memref<128x128xf32, #tpu.memory_space<vmem>>, %arg3: memref<1x128xf32, #tpu.memory_space<vmem>>, %arg4: memref<2048x128xf32, #tpu.memory_space<vmem>>, %arg5: memref<2048x128xf32, #tpu.memory_space<vmem>>, %arg6: memref<2048x128xf32, #tpu.memory_space<vmem>>) attributes {dimension_semantics = [#tpu.dimension_semantics<arbitrary>], iteration_bounds = array<i64: 52>, scalar_prefetch = 0 : i64, scratch_operands = 1 : i64, tpu.core_type = #tpu.core_type<tc>, window_params = [{transform_indices = @transform_0, window_bounds = array<i64: 2048, 128>}, {pipeline_mode = #tpu.pipeline_mode<synchronous>, transform_indices = @transform_1, window_bounds = array<i64: 128, 128>}, {pipeline_mode = #tpu.pipeline_mode<synchronous>, transform_indices = @transform_2, window_bounds = array<i64: 1, 128>}, {pipeline_mode = #tpu.pipeline_mode<synchronous>, transform_indices = @transform_3, window_bounds = array<i64: 2048, 128>}, {pipeline_mode = #tpu.pipeline_mode<synchronous>, transform_indices = @transform_4, window_bounds = array<i64: 2048, 128>}]} {
    %eq3A = arith.constant 0 : i32
    %eq3A_0 = arith.cmpi eq, %arg0, %eq3A : i32
    %convert_element_type3A = arith.extui %eq3A_0 : i1 to i32
    %cond3A = arith.constant 0 : i32
    %cond3A_1 = arith.cmpi ne, %convert_element_type3A, %cond3A : i32
    scf.if %cond3A_1 {
      %get3A_23 = arith.constant 0 : index
      %get3A_24 = arith.constant 0 : index
      %get3A_25 = vector.load %arg4[%get3A_23, %get3A_24] : memref<2048x128xf32, #tpu.memory_space<vmem>>, vector<2048x128xf32>
      %swap3A_26 = arith.constant 0 : index
      %swap3A_27 = arith.constant 0 : index
      %swap3A_28 = vector.load %arg6[%swap3A_26, %swap3A_27] : memref<2048x128xf32, #tpu.memory_space<vmem>>, vector<2048x128xf32>
      tpu.vector_store %arg6[%swap3A_26, %swap3A_27], %get3A_25 {strides = array<i32>} : memref<2048x128xf32, #tpu.memory_space<vmem>>, vector<2048x128xf32>,
    } else {
    }
    %get3A = arith.constant 0 : index
    %get3A_2 = arith.constant 0 : index
    %get3A_3 = vector.load %arg1[%get3A, %get3A_2] : memref<2048x128xf32, #tpu.memory_space<vmem>>, vector<2048x128xf32>
    %get3A_4 = arith.constant 0 : index
    %get3A_5 = arith.constant 0 : index
    %get3A_6 = vector.load %arg6[%get3A_4, %get3A_5] : memref<2048x128xf32, #tpu.memory_space<vmem>>, vector<2048x128xf32>
    %get3A_7 = arith.constant 0 : index
    %get3A_8 = arith.constant 0 : index
    %get3A_9 = vector.load %arg2[%get3A_7, %get3A_8] : memref<128x128xf32, #tpu.memory_space<vmem>>, vector<128x128xf32>
    %dot_general3A = arith.constant dense<0.000000e+00> : vector<2048x128xf32>
    %dot_general3A_10 = tpu.matmul %get3A_6, %get3A_9, %dot_general3A {dimension_numbers = #tpu.dot_dimension_numbers<[1], [0], [0], [1], [0, 0, 1, 1], [], []>, transpose_lhs_hint = false} : vector<2048x128xf32>, vector<128x128xf32>, vector<2048x128xf32> -> vector<2048x128xf32>
    %add3A = arith.addf %get3A_3, %dot_general3A_10 : vector<2048x128xf32>
    %get3A_11 = arith.constant 0 : index
    %get3A_12 = arith.constant 0 : index
    %get3A_13 = vector.load %arg3[%get3A_11, %get3A_12] : memref<1x128xf32, #tpu.memory_space<vmem>>, vector<1x128xf32>
    %add3A_14 = vector.broadcast %get3A_13 : vector<1x128xf32> to vector<2048x128xf32>
    %add3A_15 = arith.addf %add3A, %add3A_14 : vector<2048x128xf32>
    %tanh3A = math.tanh %add3A_15 : vector<2048x128xf32>
    %swap3A = arith.constant 0 : index
    %swap3A_16 = arith.constant 0 : index
    %swap3A_17 = vector.load %arg6[%swap3A, %swap3A_16] : memref<2048x128xf32, #tpu.memory_space<vmem>>, vector<2048x128xf32>
    tpu.vector_store %arg6[%swap3A, %swap3A_16], %tanh3A {strides = array<i32>} : memref<2048x128xf32, #tpu.memory_space<vmem>>, vector<2048x128xf32>,
    %eq3A_18 = arith.constant 51 : i32
    %eq3A_19 = arith.cmpi eq, %arg0, %eq3A_18 : i32
    %convert_element_type3A_20 = arith.extui %eq3A_19 : i1 to i32
    %cond3A_21 = arith.constant 0 : i32
    %cond3A_22 = arith.cmpi ne, %convert_element_type3A_20, %cond3A_21 : i32
    scf.if %cond3A_22 {
      %swap3A_23 = arith.constant 0 : index
      %swap3A_24 = arith.constant 0 : index
      %swap3A_25 = vector.load %arg5[%swap3A_23, %swap3A_24] : memref<2048x128xf32, #tpu.memory_space<vmem>>, vector<2048x128xf32>
      tpu.vector_store %arg5[%swap3A_23, %swap3A_24], %tanh3A {strides = array<i32>} : memref<2048x128xf32, #tpu.memory_space<vmem>>, vector<2048x128xf32>,
    } else {
    }
    return
  }
  func.func @transform_0(%arg0: i32) -> (i32, i32) {
    %c0_i32 = arith.constant 0 : i32
    %c0_i32_0 = arith.constant 0 : i32
    return %arg0, %c0_i32 : i32, i32
  }
  func.func @transform_1(%arg0: i32) -> (i32, i32) {
    %c0_i32 = arith.constant 0 : i32
    %c0_i32_0 = arith.constant 0 : i32
    %c0_i32_1 = arith.constant 0 : i32
    return %c0_i32, %c0_i32_0 : i32, i32
  }
  func.func @transform_2(%arg0: i32) -> (i32, i32) {
    %c0_i32 = arith.constant 0 : i32
    %c0_i32_0 = arith.constant 0 : i32
    %c0_i32_1 = arith.constant 0 : i32
    return %c0_i32, %c0_i32_0 : i32, i32
  }
  func.func @transform_3(%arg0: i32) -> (i32, i32) {
    %c0_i32 = arith.constant 0 : i32
    %c0_i32_0 = arith.constant 0 : i32
    %c0_i32_1 = arith.constant 0 : i32
    return %c0_i32, %c0_i32_0 : i32, i32
  }
  func.func @transform_4(%arg0: i32) -> (i32, i32) {
    %c0_i32 = arith.constant 0 : i32
    %c0_i32_0 = arith.constant 0 : i32
    %c0_i32_1 = arith.constant 0 : i32
    return %c0_i32, %c0_i32_0 : i32, i32
  }
}

module attributes {stable_mosaic.version = 14 : i64} {
  func.func @_scan_seg_kernel(%arg0: i32, %arg1: memref<2048x128xf32, #tpu.memory_space<vmem>>, %arg2: memref<128x128xf32, #tpu.memory_space<vmem>>, %arg3: memref<1x128xf32, #tpu.memory_space<vmem>>, %arg4: memref<2048x128xf32, #tpu.memory_space<vmem>>, %arg5: memref<2048x128xf32, #tpu.memory_space<vmem>>, %arg6: memref<2048x128xf32, #tpu.memory_space<vmem>>) attributes {dimension_semantics = [#tpu.dimension_semantics<arbitrary>], iteration_bounds = array<i64: 64>, scalar_prefetch = 0 : i64, scratch_operands = 1 : i64, tpu.core_type = #tpu.core_type<tc>, window_params = [{transform_indices = @transform_0, window_bounds = array<i64: 2048, 128>}, {pipeline_mode = #tpu.pipeline_mode<synchronous>, transform_indices = @transform_1, window_bounds = array<i64: 128, 128>}, {pipeline_mode = #tpu.pipeline_mode<synchronous>, transform_indices = @transform_2, window_bounds = array<i64: 1, 128>}, {pipeline_mode = #tpu.pipeline_mode<synchronous>, transform_indices = @transform_3, window_bounds = array<i64: 2048, 128>}, {pipeline_mode = #tpu.pipeline_mode<synchronous>, transform_indices = @transform_4, window_bounds = array<i64: 2048, 128>}]} {
    %eq3A = arith.constant 0 : i32
    %eq3A_0 = arith.cmpi eq, %arg0, %eq3A : i32
    %convert_element_type3A = arith.extui %eq3A_0 : i1 to i32
    %cond3A = arith.constant 0 : i32
    %cond3A_1 = arith.cmpi ne, %convert_element_type3A, %cond3A : i32
    scf.if %cond3A_1 {
      %get3A_23 = arith.constant 0 : index
      %get3A_24 = arith.constant 0 : index
      %get3A_25 = vector.load %arg4[%get3A_23, %get3A_24] : memref<2048x128xf32, #tpu.memory_space<vmem>>, vector<2048x128xf32>
      %swap3A_26 = arith.constant 0 : index
      %swap3A_27 = arith.constant 0 : index
      %swap3A_28 = vector.load %arg6[%swap3A_26, %swap3A_27] : memref<2048x128xf32, #tpu.memory_space<vmem>>, vector<2048x128xf32>
      tpu.vector_store %arg6[%swap3A_26, %swap3A_27], %get3A_25 {strides = array<i32>} : memref<2048x128xf32, #tpu.memory_space<vmem>>, vector<2048x128xf32>,
    } else {
    }
    %get3A = arith.constant 0 : index
    %get3A_2 = arith.constant 0 : index
    %get3A_3 = vector.load %arg1[%get3A, %get3A_2] : memref<2048x128xf32, #tpu.memory_space<vmem>>, vector<2048x128xf32>
    %get3A_4 = arith.constant 0 : index
    %get3A_5 = arith.constant 0 : index
    %get3A_6 = vector.load %arg6[%get3A_4, %get3A_5] : memref<2048x128xf32, #tpu.memory_space<vmem>>, vector<2048x128xf32>
    %get3A_7 = arith.constant 0 : index
    %get3A_8 = arith.constant 0 : index
    %get3A_9 = vector.load %arg2[%get3A_7, %get3A_8] : memref<128x128xf32, #tpu.memory_space<vmem>>, vector<128x128xf32>
    %dot_general3A = arith.constant dense<0.000000e+00> : vector<2048x128xf32>
    %dot_general3A_10 = tpu.matmul %get3A_6, %get3A_9, %dot_general3A {dimension_numbers = #tpu.dot_dimension_numbers<[1], [0], [0], [1], [0, 0, 1, 1], [], []>, transpose_lhs_hint = false} : vector<2048x128xf32>, vector<128x128xf32>, vector<2048x128xf32> -> vector<2048x128xf32>
    %add3A = arith.addf %get3A_3, %dot_general3A_10 : vector<2048x128xf32>
    %get3A_11 = arith.constant 0 : index
    %get3A_12 = arith.constant 0 : index
    %get3A_13 = vector.load %arg3[%get3A_11, %get3A_12] : memref<1x128xf32, #tpu.memory_space<vmem>>, vector<1x128xf32>
    %add3A_14 = vector.broadcast %get3A_13 : vector<1x128xf32> to vector<2048x128xf32>
    %add3A_15 = arith.addf %add3A, %add3A_14 : vector<2048x128xf32>
    %tanh3A = math.tanh %add3A_15 : vector<2048x128xf32>
    %swap3A = arith.constant 0 : index
    %swap3A_16 = arith.constant 0 : index
    %swap3A_17 = vector.load %arg6[%swap3A, %swap3A_16] : memref<2048x128xf32, #tpu.memory_space<vmem>>, vector<2048x128xf32>
    tpu.vector_store %arg6[%swap3A, %swap3A_16], %tanh3A {strides = array<i32>} : memref<2048x128xf32, #tpu.memory_space<vmem>>, vector<2048x128xf32>,
    %eq3A_18 = arith.constant 63 : i32
    %eq3A_19 = arith.cmpi eq, %arg0, %eq3A_18 : i32
    %convert_element_type3A_20 = arith.extui %eq3A_19 : i1 to i32
    %cond3A_21 = arith.constant 0 : i32
    %cond3A_22 = arith.cmpi ne, %convert_element_type3A_20, %cond3A_21 : i32
    scf.if %cond3A_22 {
      %swap3A_23 = arith.constant 0 : index
      %swap3A_24 = arith.constant 0 : index
      %swap3A_25 = vector.load %arg5[%swap3A_23, %swap3A_24] : memref<2048x128xf32, #tpu.memory_space<vmem>>, vector<2048x128xf32>
      tpu.vector_store %arg5[%swap3A_23, %swap3A_24], %tanh3A {strides = array<i32>} : memref<2048x128xf32, #tpu.memory_space<vmem>>, vector<2048x128xf32>,
    } else {
    }
    return
  }
  func.func @transform_0(%arg0: i32) -> (i32, i32) {
    %c0_i32 = arith.constant 0 : i32
    %c0_i32_0 = arith.constant 0 : i32
    return %arg0, %c0_i32 : i32, i32
  }
  func.func @transform_1(%arg0: i32) -> (i32, i32) {
    %c0_i32 = arith.constant 0 : i32
    %c0_i32_0 = arith.constant 0 : i32
    %c0_i32_1 = arith.constant 0 : i32
    return %c0_i32, %c0_i32_0 : i32, i32
  }
  func.func @transform_2(%arg0: i32) -> (i32, i32) {
    %c0_i32 = arith.constant 0 : i32
    %c0_i32_0 = arith.constant 0 : i32
    %c0_i32_1 = arith.constant 0 : i32
    return %c0_i32, %c0_i32_0 : i32, i32
  }
  func.func @transform_3(%arg0: i32) -> (i32, i32) {
    %c0_i32 = arith.constant 0 : i32
    %c0_i32_0 = arith.constant 0 : i32
    %c0_i32_1 = arith.constant 0 : i32
    return %c0_i32, %c0_i32_0 : i32, i32
  }
  func.func @transform_4(%arg0: i32) -> (i32, i32) {
    %c0_i32 = arith.constant 0 : i32
    %c0_i32_0 = arith.constant 0 : i32
    %c0_i32_1 = arith.constant 0 : i32
    return %c0_i32, %c0_i32_0 : i32, i32
  }
}

module attributes {stable_mosaic.version = 14 : i64} {
  func.func @_classifier_kernel(%arg0: i32, %arg1: memref<2048x128xf32, #tpu.memory_space<vmem>>, %arg2: memref<1x128xf32, #tpu.memory_space<vmem>>, %arg3: memref<1x128xf32, #tpu.memory_space<vmem>>, %arg4: memref<1x2xf32, #tpu.memory_space<vmem>>, %arg5: memref<2048x2xf32, #tpu.memory_space<vmem>>) attributes {dimension_semantics = [#tpu.dimension_semantics<arbitrary>], iteration_bounds = array<i64: 1>, scalar_prefetch = 0 : i64, scratch_operands = 0 : i64, tpu.core_type = #tpu.core_type<tc>, window_params = [{pipeline_mode = #tpu.pipeline_mode<synchronous>, transform_indices = @transform_0, window_bounds = array<i64: 2048, 128>}, {pipeline_mode = #tpu.pipeline_mode<synchronous>, transform_indices = @transform_1, window_bounds = array<i64: 1, 128>}, {pipeline_mode = #tpu.pipeline_mode<synchronous>, transform_indices = @transform_2, window_bounds = array<i64: 1, 128>}, {pipeline_mode = #tpu.pipeline_mode<synchronous>, transform_indices = @transform_3, window_bounds = array<i64: 1, 2>}, {pipeline_mode = #tpu.pipeline_mode<synchronous>, transform_indices = @transform_4, window_bounds = array<i64: 2048, 2>}]} {
    %get3A = arith.constant 0 : index
    %get3A_0 = arith.constant 0 : index
    %get3A_1 = vector.load %arg1[%get3A, %get3A_0] : memref<2048x128xf32, #tpu.memory_space<vmem>>, vector<2048x128xf32>
    %get3A_2 = arith.constant 0 : index
    %get3A_3 = arith.constant 0 : index
    %get3A_4 = vector.load %arg2[%get3A_2, %get3A_3] : memref<1x128xf32, #tpu.memory_space<vmem>>, vector<1x128xf32>
    %mul3A = vector.broadcast %get3A_4 : vector<1x128xf32> to vector<2048x128xf32>
    %mul3A_5 = arith.mulf %get3A_1, %mul3A : vector<2048x128xf32>
    %reduce_sum3A = arith.constant dense<0.000000e+00> : vector<2048xf32>
    %reduce_sum3A_6 = vector.multi_reduction <add>, %mul3A_5, %reduce_sum3A [1] : vector<2048x128xf32> to vector<2048xf32>
    %broadcast_in_dim3A = vector.shape_cast %reduce_sum3A_6 : vector<2048xf32> to vector<2048x1xf32>
    %get3A_7 = arith.constant 0 : index
    %get3A_8 = arith.constant 0 : index
    %get3A_9 = vector.load %arg3[%get3A_7, %get3A_8] : memref<1x128xf32, #tpu.memory_space<vmem>>, vector<1x128xf32>
    %mul3A_10 = vector.broadcast %get3A_9 : vector<1x128xf32> to vector<2048x128xf32>
    %mul3A_11 = arith.mulf %get3A_1, %mul3A_10 : vector<2048x128xf32>
    %reduce_sum3A_12 = arith.constant dense<0.000000e+00> : vector<2048xf32>
    %reduce_sum3A_13 = vector.multi_reduction <add>, %mul3A_11, %reduce_sum3A_12 [1] : vector<2048x128xf32> to vector<2048xf32>
    %broadcast_in_dim3A_14 = vector.shape_cast %reduce_sum3A_13 : vector<2048xf32> to vector<2048x1xf32>
    %concatenate3A = tpu.concatenate %broadcast_in_dim3A, %broadcast_in_dim3A_14 in 1 : vector<2048x1xf32>, vector<2048x1xf32> -> vector<2048x2xf32>
    %get3A_15 = arith.constant 0 : index
    %get3A_16 = arith.constant 0 : index
    %get3A_17 = vector.load %arg4[%get3A_15, %get3A_16] : memref<1x2xf32, #tpu.memory_space<vmem>>, vector<1x2xf32>
    %add3A = vector.broadcast %get3A_17 : vector<1x2xf32> to vector<2048x2xf32>
    %add3A_18 = arith.addf %concatenate3A, %add3A : vector<2048x2xf32>
    %logistic3A = arith.negf %add3A_18 : vector<2048x2xf32>
    %logistic3A_19 = math.exp %logistic3A : vector<2048x2xf32>
    %logistic3A_20 = arith.constant 1.000000e+00 : f32
    %logistic3A_21 = vector.broadcast %logistic3A_20 : f32 to vector<2048x2xf32>
    %logistic3A_22 = arith.addf %logistic3A_21, %logistic3A_19 : vector<2048x2xf32>
    %logistic3A_23 = arith.divf %logistic3A_21, %logistic3A_22 : vector<2048x2xf32>
    %swap3A = arith.constant 0 : index
    %swap3A_24 = arith.constant 0 : index
    %swap3A_25 = vector.load %arg5[%swap3A, %swap3A_24] : memref<2048x2xf32, #tpu.memory_space<vmem>>, vector<2048x2xf32>
    tpu.vector_store %arg5[%swap3A, %swap3A_24], %logistic3A_23 {strides = array<i32>} : memref<2048x2xf32, #tpu.memory_space<vmem>>, vector<2048x2xf32>,
    return
  }
  func.func @transform_0(%arg0: i32) -> (i32, i32) {
    %c0_i32 = arith.constant 0 : i32
    %c0_i32_0 = arith.constant 0 : i32
    %c0_i32_1 = arith.constant 0 : i32
    return %c0_i32, %c0_i32_0 : i32, i32
  }
  func.func @transform_1(%arg0: i32) -> (i32, i32) {
    %c0_i32 = arith.constant 0 : i32
    %c0_i32_0 = arith.constant 0 : i32
    %c0_i32_1 = arith.constant 0 : i32
    return %c0_i32, %c0_i32_0 : i32, i32
  }
  func.func @transform_2(%arg0: i32) -> (i32, i32) {
    %c0_i32 = arith.constant 0 : i32
    %c0_i32_0 = arith.constant 0 : i32
    %c0_i32_1 = arith.constant 0 : i32
    return %c0_i32, %c0_i32_0 : i32, i32
  }
  func.func @transform_3(%arg0: i32) -> (i32, i32) {
    %c0_i32 = arith.constant 0 : i32
    %c0_i32_0 = arith.constant 0 : i32
    %c0_i32_1 = arith.constant 0 : i32
    return %c0_i32, %c0_i32_0 : i32, i32
  }
  func.func @transform_4(%arg0: i32) -> (i32, i32) {
    %c0_i32 = arith.constant 0 : i32
    %c0_i32_0 = arith.constant 0 : i32
    %c0_i32_1 = arith.constant 0 : i32
    return %c0_i32, %c0_i32_0 : i32, i32
  }
}

</mosaic_0001>

<sc_bundles>
// kernel: kernel.16.cloned.1.call-start
scs
__scs_entry_jumppad:
0x0: {  	(pc) =	sbr.rel $0x88, $3  }
0x1: {  	(tag) =	ssettag $0x0;
	lr =	simm.s32 $0x1  }
0x2: {  	[smem:$0x3F99] =	sst lr;
	_ =	strace $0xD0000000  }
0x3: {  	_ = 	snop  }
0x4: {  	_ = 	snop  }
0x5: {  	_ = 	snop  }
0x6: {  	_ = 	snop  }
0x7: {  	_ = 	snop  }
__scs_overlays_trampoline_lowered:
0x8: {  	[smem:$0x3FA8] =	sst s0  }
0x9: {  	[smem:$0x3FA9] =	sst s1  }
0xa: {  	[smem:$0x3FAA] =	sst s2  }
0xb: {  	[smem:$0x3FAB] =	sst s3  }
0xc: {  	[smem:$0x3FAC] =	sst s4  }
0xd: {  	[smem:$0x3FAD] =	sst s5  }
0xe: {  	[smem:$0x3FAE] =	sst s6  }
0xf: {  	[smem:$0x3FAF] =	sst s7  }
0x10: {  	[smem:$0x3FB0] =	sst s8  }
0x11: {  	[smem:$0x3FB1] =	sst s9;
	s0 =	simm.s32 @!p0 $0x0  }
0x12: {  	s1 =	sld [smem:$0x3F97];
	s0 =	simm.s32 @p0 $0x1  }
0x13: {  	[smem:$0x3FB2] =	sst s0;
	s0 =	simm.s32 @!p1 $0x0  }
0x14: {  	s2 =	sld [smem:$0x3F96];
	s0 =	simm.s32 @p1 $0x1  }
0x15: {  	[smem:$0x3FB3] =	sst s0;
	s0 =	simm.s32 @!p2 $0x0  }
0x16: {  	s3 =	sld [smem:$0x3FDB];
	s0 =	simm.s32 @p2 $0x1  }
0x17: {  	s4 =	simm.s32 $0x1BF5;
	[smem:$0x3FB5] =	sst s0  }
0x18: {  	s0 =	sld [smem:$0x3F98];
	_ =	swait.ge [sflag:s4], $0x0  }
0x19: {  	s7 =	sld [smem:$0x3F99]  }
0x1a: {  	s8 =	sadd.s32 $0xFFFFE003, lr  }
0x1b: {  	s9 =	sadd.s32 $0xFFFFFEF7, lr;
	s5 =	simm.s32 $0xFFFFFFFF;
	p2 =	slt.u32 s8, $0xFFFFF086  }
0x1c: {  	p1 =	slt.u32 s9, $0xF7A;
	s5 =	simm.s32 @!p2 $0x0  }
0x1d: {  	s5 =	simm.s32 @p1 $0x1;
	p0 =	seq.s32 s7, s2  }
0x1e: {  	s7 =	smul.u32 @!p0 $0xF7A, s2;
	p2 =	seq.s32 @!p0 s5, $0x0  }
0x1f: {  	s9 =	smul.u32 $0xF7A, s1;
	s8 =	simm.s32 @!p0 $0x1BF5;
	p2 =	por !p2, p0  }
0x20: {  	[sflag:s8] =	ssyncset.s32 @!p0 $0xFFFFF086;
	s6 =	sadd.s32 @!p0 s3, s7;
	s7 =	simm.s32 @!p0 $0x108  }
0x21: {  	s3 =	sadd.s32 s3, s9;
	s6 =	sadd.s32 @!p0 $0x88, s6;
	s7 =	simm.s32 @p2 $0x1082  }
0x22: {  	[simem:s7], [sflag:s8] =	dma.local @!p0 [hbm:s6], $0xF7A  }
0x23: {  	s9 =	sor.u32 $0xD0000000, s2;
	s6 =	simm.s32 $0x108;
	_ =	swait.ge @!p0 [sflag:s8], $0x0  }
0x24: {  	s3 =	sadd.s32 $0x88, s3;
	s6 =	simm.s32 @!p1 $0x1082;
	[sflag:s4] =	ssyncset.s32 $0xFFFFF086  }
0x25: {  	[simem:s6], [sflag:s4] =	dma.local [hbm:s3], $0xF7A  }
0x26: {  	[smem:$0x3F99] =	sst s1;
	(tag) =	ssettag s2;
	_ =	strace s9  }
0x27: {  	s1 =	sld [smem:$0x3FA9]  }
0x28: {  	s2 =	sld [smem:$0x3FAA]  }
0x29: {  	s4 =	sld [smem:$0x3FAC]  }
0x2a: {  	p0 =	seq.s32 s5, $0x0;
	s5 =	sld [smem:$0x3FAD]  }
0x2b: {  	s6 =	sld [smem:$0x3FAE]  }
0x2c: {  	s7 =	sld [smem:$0x3FAF]  }
0x2d: {  	s3 =	simm.s32 $0x108;
	s8 =	sld [smem:$0x3FB0]  }
0x2e: {  	s3 =	simm.s32 @!p0 $0x1082;
	s9 =	sld [smem:$0x3FB1]  }
0x2f: {  	lr =	sadd.s32 s0, s3;
	s0 =	sld [smem:$0x3FA8]  }
0x30: {  	s3 =	sld [smem:$0x3FAB]  }
0x31: {  	[smem:$0x3FB4] =	sst s10  }
0x32: {  	s10 =	sld [smem:$0x3FB2];
	_ =	sdelay $0x3  }
0x33: {  	p0 =	seq.s32 s10, $0x1;
	s10 =	sld [smem:$0x3FB4];
	_ =	sdelay $0x3  }
0x34: {  	[smem:$0x3FB4] =	sst s10  }
0x35: {  	s10 =	sld [smem:$0x3FB3];
	_ =	sdelay $0x3  }
0x36: {  	p1 =	seq.s32 s10, $0x1;
	s10 =	sld [smem:$0x3FB4];
	_ =	sdelay $0x3  }
0x37: {  	[smem:$0x3FB4] =	sst s10  }
0x38: {  	s10 =	sld [smem:$0x3FB5]  }
0x39: {  	_ = 	snop;
	(pc) =	sbr.ind lr, $3  }
0x3a: {  	_ = 	snop  }
0x3b: {  	_ = 	snop  }
0x3c: {  	p2 =	seq.s32 s10, $0x1;
	s10 =	sld [smem:$0x3FB4]  }
0x3d: {  	_ =	shalt  }
0x3e: {  	_ =	shalt  }
0x3f: {  	_ =	shalt  }
0x40: {  	_ =	shalt  }
0x41: {  	_ =	shalt  }
0x42: {  	_ =	shalt  }
0x43: {  	_ =	shalt  }
0x44: {  	_ =	shalt  }
0x45: {  	_ =	shalt  }
0x46: {  	_ =	shalt  }
0x47: {  	_ =	shalt  }
0x48: {  	_ =	shalt  }
0x49: {  	_ =	shalt  }
0x4a: {  	_ =	shalt  }
0x4b: {  	_ =	shalt  }
0x4c: {  	_ =	shalt  }
0x4d: {  	_ =	shalt  }
0x4e: {  	_ =	shalt  }
0x4f: {  	_ =	shalt  }
0x50: {  	_ =	shalt  }
0x51: {  	_ =	shalt  }
0x52: {  	_ =	shalt  }
0x53: {  	_ =	shalt  }
0x54: {  	_ =	shalt  }
0x55: {  	_ =	shalt  }
0x56: {  	_ =	shalt  }
0x57: {  	_ =	shalt  }
0x58: {  	_ =	shalt  }
0x59: {  	_ =	shalt  }
0x5a: {  	_ =	shalt  }
0x5b: {  	_ =	shalt  }
0x5c: {  	_ =	shalt  }
0x5d: {  	_ =	shalt  }
0x5e: {  	_ =	shalt  }
0x5f: {  	_ =	shalt  }
0x60: {  	_ =	shalt  }
0x61: {  	_ =	shalt  }
0x62: {  	_ =	shalt  }
0x63: {  	_ =	shalt  }
0x64: {  	_ =	shalt  }
0x65: {  	_ =	shalt  }
0x66: {  	_ =	shalt  }
0x67: {  	_ =	shalt  }
0x68: {  	_ =	shalt  }
0x69: {  	_ =	shalt  }
0x6a: {  	_ =	shalt  }
0x6b: {  	_ =	shalt  }
0x6c: {  	_ =	shalt  }
0x6d: {  	_ =	shalt  }
0x6e: {  	_ =	shalt  }
0x6f: {  	_ =	shalt  }
0x70: {  	_ =	shalt  }
0x71: {  	_ =	shalt  }
0x72: {  	_ =	shalt  }
0x73: {  	_ =	shalt  }
0x74: {  	_ =	shalt  }
0x75: {  	_ =	shalt  }
0x76: {  	_ =	shalt  }
0x77: {  	_ =	shalt  }
0x78: {  	_ =	shalt  }
0x79: {  	_ =	shalt  }
0x7a: {  	_ =	shalt  }
0x7b: {  	_ =	shalt  }
0x7c: {  	_ =	shalt  }
0x7d: {  	_ =	shalt  }
0x7e: {  	_ =	shalt  }
0x7f: {  	_ =	shalt  }
0x80: {  	_ =	shalt  }
0x81: {  	_ =	shalt  }
0x82: {  	_ =	shalt  }
0x83: {  	_ =	shalt  }
0x84: {  	_ =	shalt  }
0x85: {  	_ =	shalt  }
0x86: {  	_ =	shalt  }
0x87: {  	_ =	shalt  }
.Lfunc_end0:
.L_simem_size_0:
called_computation_lowered:
.L_overlay_start_0:
0x88: {  	s2 =	sld [smem:$0x3FD9]  }
0x89: {  	s3 =	sld [smem:$0x3FFE];
	_ =	sdelay $0x1  }
0x8a: {  	s1 =	srdreg.scid  }
0x8b: {  	s0 =	sand.u32 $0x1, s1  }
0x8c: {  	s16 =	sshll.u32 s0, $0xA;
	s2 =	sadd.s32 s3, s2  }
0x8d: {  	s2 =	sadd.s32 s2, s16  }
0x8e: {  	[smem:$0x3FC0] =	sst s2  }
0x8f: {  	_ = 	snop  }
0x90: {  	(tm) =	ssettm $0x1  }
0x91: {  	s17 =	sld [smem:$0x3FFB];
	_ =	sdelay $0x3  }
0x92: {  	_ =	strace s17  }
0x93: {  	s2 =	sld [smem:$0x3FFC];
	_ =	sdelay $0x3  }
0x94: {  	_ =	strace s2  }
0x95: {  	s2 =	sld [smem:$0x3FFD];
	_ =	sdelay $0x3  }
0x96: {  	_ =	strace s2  }
0x97: {  	_ =	strace $0x8FFFFFFF  }
0x98: {  	s18 =	sld [smem:$0x3FDB];
	_ =	sdelay $0x1  }
0x99: {  	s19 =	simm.s32 $_scs_section_size  }
0x9a: {  	s4 =	simm.s32 $_size__tile_overlayer_lowered;
	s5 =	simm.s32 $_tile_overlayer_lowered  }
0x9b: {  	s22 =	simm.s32 $0x1BFF;
	s21 =	sshll.u32 s5, $0x1;
	s2 =	sadd.s32 s19, s18  }
0x9c: {  	s6 =	simm.s32 $0x0;
	s20 =	sshll.u32 s4, $0x1;
	s4 =	sadd.s32 s21, s2  }
0x9d: {  	[timem:s6], [sflag:s22] =	dma.local [hbm:s4], s20  }
0x9e: {  	_ =	swait.ge [sflag:s22], s20  }
0x9f: {  	s3 =	ssub.s32 $0x0, s20;
	[sflag:s22] =	ssyncset.done $0x0  }
0xa0: {  	[sflag:s22] =	ssyncadd.s32 s3;
	_ =	sdelay $0x1  }
0xa1: {  	s23 =	simm.s32 $0x1B8B  }
0xa2: {  	_ =	swait.ge [sflag:s23], $0x1  }
0xa3: {  	[sflag:s23] =	ssyncset.done $0x0  }
0xa4: {  	s25 =	simm.s32 $0x1B8E;
	s24 =	sld [smem:$0x3FFE];
	[sflag:s23] =	ssyncadd.s32 $0xFFFFFFFF  }
0xa5: {  	s26 =	simm.s32 $execute0_lowered;
	[smem:$0x3FD2] =	sst s25  }
0xa6: {  	s4 =	sshll.u32 s26, $0x1;
	_ =	strace $0x80000046;
	[dreg:$0x1] =	wrdreg $0xFFFFFFFF  }
0xa7: {  	s28 =	simm.s32 $_size_execute0_lowered;
	s2 =	sadd.s32 s2, s4;
	[dreg:$0x0] =	wrdreg $0x0  }
0xa8: {  	s4 =	sshll.u32 s28, $0x1;
	[dreg:$0x2] =	wrdreg s2  }
0xa9: {  	[dreg:$0x3] =	wrdreg s4  }
0xaa: {  	[dreg:$0x4] =	wrdreg $0xC0  }
0xab: {  	_ =	task [dreg:s6], $0x5FFFF  }
0xac: {  	[dreg:$0x1] =	wrdreg $0xFFFFFFFF  }
0xad: {  	[dreg:$0x0] =	wrdreg $0x60  }
0xae: {  	[dreg:$0x2] =	wrdreg s24  }
0xaf: {  	[dreg:$0x3] =	wrdreg $0x9  }
0xb0: {  	_ =	task.clear_ibuf [dreg:s6], $0x4FFFF;
	_ =	strace $0x90000046  }
0xb1: {  	s29 =	simm.s32 $0x9;
	_ =	strace $0x80000048  }
0xb2: {  	_ =	swait.ge [sflag:s29], $0x1  }
0xb3: {  	[sflag:s29] =	ssyncadd.s32 $0xFFFFFFFF  }
0xb4: {  	_ =	strace $0x90000048  }
0xb5: {  	_ =	sfence  }
0xb6: {  	s30 =	sld [smem:$0x0];
	_ =	sdelay $0x2  }
0xb7: {  	s31 =	sshll.u32 s1, $0xD;
	s1 =	sshrl.u32 s1, $0x2  }
0xb8: {  	s3 =	sand.u32 $0x4000, s31;
	s1 =	sadd.s32 s1, s30  }
0xb9: {  	s0 =	sor.u32 s3, s0;
	s1 =	sshll.u32 s1, $0x11  }
0xba: {  	s0 =	sor.u32 s1, s0  }
0xbb: {  	s0 =	sadd.s32 $0x8F2B, s0  }
0xbc: {  	[sflag:s0] =	ssyncadd.remote.s32 $0x1  }
0xbd: {  	_ =	sfence.sel $0xFFFF  }
0xbe: {  	[dreg:$0x0] =	wrdreg $0xFFFFFFFF;
	(pc) =	sbr.abs _section_cstart, $3  }
0xbf: {  	[dreg:$0x1] =	wrdreg $0xFFFFFFFF  }
0xc0: {  	_ =	task.clear_ibuf [dreg:s6], $0x2FFFF;
	_ =	strace $0x9FFFFFFF  }
0xc1: {  	(tm) =	ssettm $0x7FFFFFFF  }
tec
execute0_lowered:
.L_overlay_start_1:
0x0: {  	(tag) =	ssettag $0x1  }
0x1: {  	s1 =	srdreg.scid  }
0x2: {  	s0 =	stileid.u32;
	s28 =	sand.u32 $0x1, s1  }
0x3: {  	s31 =	sshll.u32 s0, $0x4;
	s2 =	sshll.u32 s28, $0x3  }
0x4: {  	s25 =	sor.u32 s2, s31  }
0x5: {  	s24 =	rddreg [dreg:$0x0];
	s2 =	simm.s32 $0x0;
	s3 =	sshll.u32 s25, $0x4  }
0x6: {  	[smem:$0x7FF] =	sst s2;
	s4 =	sadd.s32 s3, s24  }
0x7: {  	s1 =	rddreg [dreg:$0x1];
	_ =	strace $0x80000047;
	s3 =	sadd.s32 $0x2A00, s4  }
0x8: {  	[tilespmem:s2], [sflag:$0x1] =	stream.linear.gather [hbm4b:s3+s2], $0x200, $0x38;
	[tilespmem:$0x10400] =	vst v63  }
0x9: {  	s5 =	simm.s32 $0x200;
	s6 =	simm.s32 $0x1;
	s4 =	sadd.s32 $0x2A40, s4  }
0xa: {  	[tilespmem:s5], [sflag:$0x2] =	stream.linear.gather [hbm4b:s4+s2], $0x200, $0x38;
	[tilespmem:$0x10400] =	vst v63  }
0xb: {  	_ =	swait.ge [sflag:s6], $0x200  }
0xc: {  	s8 =	simm.s32 $0x80;
	[sflag:s6] =	ssyncset.done $0x0  }
0xd: {  	s9 =	simm.s32 $0x400;
	s7 =	sadd.s32 $0x3A00, s24;
	[sflag:s6] =	ssyncadd.s32 $0xFFFFFE00  }
0xe: {  	[tilespmem:s9], [sflag:$0x3] =	stream.indirect.gather [hbm4b:s7+s8], $0x40, s2, s8, $0xb8;
	[tilespmem:$0x10400] =	vst v63  }
0xf: {  	s10 =	simm.s32 $0x2400  }
0x10: {  	[tilespmem:s10], [sflag:$0x3] =	stream.indirect.gather [hbm4b:s7+s8], $0x40, s8, s8, $0xb8;
	[tilespmem:$0x10400] =	vst v63  }
0x11: {  	s11 =	simm.s32 $0x100;
	s12 =	simm.s32 $0x4400  }
0x12: {  	[tilespmem:s12], [sflag:$0x3] =	stream.indirect.gather [hbm4b:s7+s8], $0x40, s11, s8, $0xb8;
	[tilespmem:$0x10400] =	vst v63  }
0x13: {  	s13 =	simm.s32 $0x180;
	s14 =	simm.s32 $0x6400;
	s15 =	simm.s32 $0x2  }
0x14: {  	[tilespmem:s14], [sflag:$0x3] =	stream.indirect.gather [hbm4b:s7+s8], $0x40, s13, s8, $0xb8;
	[tilespmem:$0x10400] =	vst v63  }
0x15: {  	_ =	swait.ge [sflag:s15], $0x200  }
0x16: {  	[sflag:s15] =	ssyncset.done $0x0  }
0x17: {  	s16 =	simm.s32 $0x8400;
	[sflag:s15] =	ssyncadd.s32 $0xFFFFFE00  }
0x18: {  	[tilespmem:s16], [sflag:$0x4] =	stream.indirect.gather [hbm4b:s7+s8], $0x40, s5, s8, $0xb8;
	[tilespmem:$0x10400] =	vst v63  }
0x19: {  	s17 =	simm.s32 $0x280;
	s18 =	simm.s32 $0xA400  }
0x1a: {  	[tilespmem:s18], [sflag:$0x4] =	stream.indirect.gather [hbm4b:s7+s8], $0x40, s17, s8, $0xb8;
	[tilespmem:$0x10400] =	vst v63  }
0x1b: {  	s19 =	simm.s32 $0x300;
	s20 =	simm.s32 $0xC400  }
0x1c: {  	[tilespmem:s20], [sflag:$0x4] =	stream.indirect.gather [hbm4b:s7+s8], $0x40, s19, s8, $0xb8;
	[tilespmem:$0x10400] =	vst v63  }
0x1d: {  	s21 =	simm.s32 $0x380;
	s22 =	simm.s32 $0xE400;
	s23 =	simm.s32 $0x3  }
0x1e: {  	[tilespmem:s22], [sflag:$0x4] =	stream.indirect.gather [hbm4b:s7+s8], $0x40, s21, s8, $0xb8;
	[tilespmem:$0x10400] =	vst v63  }
0x1f: {  	s29 =	ssub.s32 $0x2, s28;
	s25 =	sshll.u32 s25, $0xA;
	_ =	swait.ge [sflag:s23], $0x8000  }
0x20: {  	s30 =	sshrl.u32 s29, $0x1;
	s26 =	sadd.s32 s25, s24;
	[sflag:s23] =	ssyncset.done $0x0  }
0x21: {  	s25 =	simm.s32 $0x4;
	s24 =	sadd.s32 $0xC7000, s26;
	[sflag:s23] =	ssyncadd.s32 $0xFFFF8000  }
0x22: {  	[hbm4b:s24+s2] =	stream.linear.scatter [tilespmem:s9], [sflag:$0x5], $0x8000, $0x38;
	[tilespmem:$0x10400] =	vst v63  }
0x23: {  	s29 =	ssub.s32 s29, s30;
	_ =	swait.ge [sflag:s25], $0x8000  }
0x24: {  	s28 =	simm.s32 $0x5;
	s30 =	smax.u32 s29, $0x1;
	[sflag:s25] =	ssyncset.done $0x0  }
0x25: {  	s26 =	sadd.s32 $0xC8000, s26;
	p0 =	sne.s32 s30, $0x1;
	[sflag:s25] =	ssyncadd.s32 $0xFFFF8000  }
0x26: {  	[hbm4b:s26+s2] =	stream.linear.scatter [tilespmem:s16], [sflag:$0x6], $0x8000, $0x38;
	[tilespmem:$0x10400] =	vst v63  }
.Ltmp0:
0x27: {  	_ =	swait.ge [sflag:s28], $0x8000;
	(pc) =	sbr.rel @!p0 .LBB2_2-.Ltmp0, $4  }
0x28: {  	[sflag:s28] =	ssyncset.done $0x0  }
0x29: {  	s29 =	simm.s32 $0x6;
	[sflag:s28] =	ssyncadd.s32 $0xFFFF8000  }
0x2a: {  	_ =	swait.ge [sflag:s29], $0x8000  }
0x2b: {  	s30 =	sadd.s32 $0xFFFFFFFF, s30;
	[sflag:s29] =	ssyncset.done $0x0  }
.LBB2_1:
0x2c: {  	p0 =	sne.s32 s30, $0x1;
	s30 =	sadd.s32 $0xFFFFFFFF, s30;
	[sflag:s29] =	ssyncadd.s32 $0xFFFF8000  }
0x2d: {  	[tilespmem:s2], [sflag:$0x1] =	stream.linear.gather [hbm4b:s3+s2], $0x200, $0x38;
	[tilespmem:$0x10400] =	vst v63  }
0x2e: {  	_ = 	snop  }
0x2f: {  	[tilespmem:s5], [sflag:$0x2] =	stream.linear.gather [hbm4b:s4+s2], $0x200, $0x38;
	[tilespmem:$0x10400] =	vst v63  }
0x30: {  	_ =	swait.ge [sflag:s6], $0x200  }
0x31: {  	[sflag:s6] =	ssyncset.done $0x0  }
0x32: {  	[sflag:s6] =	ssyncadd.s32 $0xFFFFFE00  }
0x33: {  	[tilespmem:s9], [sflag:$0x3] =	stream.indirect.gather [hbm4b:s7+s8], $0x40, s2, s8, $0xb8;
	[tilespmem:$0x10400] =	vst v63  }
0x34: {  	_ = 	snop  }
0x35: {  	[tilespmem:s10], [sflag:$0x3] =	stream.indirect.gather [hbm4b:s7+s8], $0x40, s8, s8, $0xb8;
	[tilespmem:$0x10400] =	vst v63  }
0x36: {  	_ = 	snop  }
0x37: {  	[tilespmem:s12], [sflag:$0x3] =	stream.indirect.gather [hbm4b:s7+s8], $0x40, s11, s8, $0xb8;
	[tilespmem:$0x10400] =	vst v63  }
0x38: {  	_ = 	snop  }
0x39: {  	[tilespmem:s14], [sflag:$0x3] =	stream.indirect.gather [hbm4b:s7+s8], $0x40, s13, s8, $0xb8;
	[tilespmem:$0x10400] =	vst v63  }
0x3a: {  	_ =	swait.ge [sflag:s15], $0x200  }
0x3b: {  	[sflag:s15] =	ssyncset.done $0x0  }
0x3c: {  	[sflag:s15] =	ssyncadd.s32 $0xFFFFFE00  }
0x3d: {  	[tilespmem:s16], [sflag:$0x4] =	stream.indirect.gather [hbm4b:s7+s8], $0x40, s5, s8, $0xb8;
	[tilespmem:$0x10400] =	vst v63  }
0x3e: {  	_ = 	snop  }
0x3f: {  	[tilespmem:s18], [sflag:$0x4] =	stream.indirect.gather [hbm4b:s7+s8], $0x40, s17, s8, $0xb8;
	[tilespmem:$0x10400] =	vst v63  }
0x40: {  	_ = 	snop  }
0x41: {  	[tilespmem:s20], [sflag:$0x4] =	stream.indirect.gather [hbm4b:s7+s8], $0x40, s19, s8, $0xb8;
	[tilespmem:$0x10400] =	vst v63  }
0x42: {  	_ = 	snop  }
0x43: {  	[tilespmem:s22], [sflag:$0x4] =	stream.indirect.gather [hbm4b:s7+s8], $0x40, s21, s8, $0xb8;
	[tilespmem:$0x10400] =	vst v63  }
0x44: {  	_ =	swait.ge [sflag:s23], $0x8000  }
0x45: {  	[sflag:s23] =	ssyncset.done $0x0  }
0x46: {  	[sflag:s23] =	ssyncadd.s32 $0xFFFF8000  }
0x47: {  	[hbm4b:s24+s2] =	stream.linear.scatter [tilespmem:s9], [sflag:$0x5], $0x8000, $0x38;
	[tilespmem:$0x10400] =	vst v63  }
0x48: {  	_ =	swait.ge [sflag:s25], $0x8000  }
0x49: {  	[sflag:s25] =	ssyncset.done $0x0  }
0x4a: {  	[sflag:s25] =	ssyncadd.s32 $0xFFFF8000  }
0x4b: {  	[hbm4b:s26+s2] =	stream.linear.scatter [tilespmem:s16], [sflag:$0x6], $0x8000, $0x38;
	[tilespmem:$0x10400] =	vst v63  }
.Ltmp1:
0x4c: {  	_ =	swait.ge [sflag:s28], $0x8000;
	(pc) =	sbr.rel @p0 .LBB2_1-.Ltmp1, $4  }
0x4d: {  	[sflag:s28] =	ssyncset.done $0x0  }
0x4e: {  	[sflag:s28] =	ssyncadd.s32 $0xFFFF8000  }
0x4f: {  	_ =	swait.ge [sflag:s29], $0x8000  }
0x50: {  	[sflag:s29] =	ssyncset.done $0x0  }
.LBB2_2:
0x51: {  	[sflag:s29] =	ssyncadd.s32 $0xFFFF8000  }
0x52: {  	_ =	sfence.sel $0x180000  }
0x53: {  	[bflag:$0x0] =	sbarrier.arrive $0xFFFF  }
0x54: {  	p0 =	sne.s32 s0, $0x0;
	_ =	strace $0x90000047  }
0x55: {  	s0 =	sadd.s32 @!p0 $0x100000, s1;
	[bflag:$0x2] =	sbarrier.arrive $0xFFFF  }
0x56: {  	[sflag:s0] =	ssyncadd.tile.s32 @!p0 $0x1;
	_ =	shalt  }
.Lfunc_end2:
_tile_overlayer_lowered:
.L_overlay_start_2:
0x57: {  	(tag) =	ssettag $0x2  }
0x58: {  	s0 =	rddreg [dreg:$0x0];
	s2 =	stileid.u32  }
0x59: {  	s1 =	rddreg [dreg:$0x1];
	p0 =	sne.s32 s2, $0x0  }
0x5a: {  	s3 =	rddreg [dreg:$0x2];
	[bflag:$0x3] =	sbarrier.arrive $0xFFFF;
	s2 =	simm.s32 @!p0 $0x1C07  }
0x5b: {  	[timem:s3], [sflag:s2] =	dma.local @!p0 [hbm:s0], s1  }
0x5c: {  	s0 =	simm.s32 @!p0 $0x7  }
0x5d: {  	_ =	swait.ge @!p0 [sflag:s0], s1  }
0x5e: {  	s1 =	ssub.s32 @!p0 $0x0, s1;
	[sflag:s0] =	ssyncset.done @!p0 $0x0  }
0x5f: {  	[sflag:s0] =	ssyncadd.s32 @!p0 s1  }
0x60: {  	[bflag:$0x3] =	sbarrier.arrive $0xFFFF  }
0x61: {  	_ =	shalt  }

// kernel: kernel.19.cloned.1.call-start
scs
__scs_entry_jumppad:
0x0: {  	(pc) =	sbr.rel $0x88, $3  }
0x1: {  	(tag) =	ssettag $0x0;
	lr =	simm.s32 $0x1  }
0x2: {  	[smem:$0x3F99] =	sst lr;
	_ =	strace $0xD0000000  }
0x3: {  	_ = 	snop  }
0x4: {  	_ = 	snop  }
0x5: {  	_ = 	snop  }
0x6: {  	_ = 	snop  }
0x7: {  	_ = 	snop  }
__scs_overlays_trampoline_lowered:
0x8: {  	[smem:$0x3FA8] =	sst s0  }
0x9: {  	[smem:$0x3FA9] =	sst s1  }
0xa: {  	[smem:$0x3FAA] =	sst s2  }
0xb: {  	[smem:$0x3FAB] =	sst s3  }
0xc: {  	[smem:$0x3FAC] =	sst s4  }
0xd: {  	[smem:$0x3FAD] =	sst s5  }
0xe: {  	[smem:$0x3FAE] =	sst s6  }
0xf: {  	[smem:$0x3FAF] =	sst s7  }
0x10: {  	[smem:$0x3FB0] =	sst s8  }
0x11: {  	[smem:$0x3FB1] =	sst s9;
	s0 =	simm.s32 @!p0 $0x0  }
0x12: {  	s1 =	sld [smem:$0x3F97];
	s0 =	simm.s32 @p0 $0x1  }
0x13: {  	[smem:$0x3FB2] =	sst s0;
	s0 =	simm.s32 @!p1 $0x0  }
0x14: {  	s2 =	sld [smem:$0x3F96];
	s0 =	simm.s32 @p1 $0x1  }
0x15: {  	[smem:$0x3FB3] =	sst s0;
	s0 =	simm.s32 @!p2 $0x0  }
0x16: {  	s3 =	sld [smem:$0x3FDB];
	s0 =	simm.s32 @p2 $0x1  }
0x17: {  	s4 =	simm.s32 $0x1BF5;
	[smem:$0x3FB5] =	sst s0  }
0x18: {  	s0 =	sld [smem:$0x3F98];
	_ =	swait.ge [sflag:s4], $0x0  }
0x19: {  	s7 =	sld [smem:$0x3F99]  }
0x1a: {  	s8 =	sadd.s32 $0xFFFFE003, lr  }
0x1b: {  	s9 =	sadd.s32 $0xFFFFFEF7, lr;
	s5 =	simm.s32 $0xFFFFFFFF;
	p2 =	slt.u32 s8, $0xFFFFF086  }
0x1c: {  	p1 =	slt.u32 s9, $0xF7A;
	s5 =	simm.s32 @!p2 $0x0  }
0x1d: {  	s5 =	simm.s32 @p1 $0x1;
	p0 =	seq.s32 s7, s2  }
0x1e: {  	s7 =	smul.u32 @!p0 $0xF7A, s2;
	p2 =	seq.s32 @!p0 s5, $0x0  }
0x1f: {  	s9 =	smul.u32 $0xF7A, s1;
	s8 =	simm.s32 @!p0 $0x1BF5;
	p2 =	por !p2, p0  }
0x20: {  	[sflag:s8] =	ssyncset.s32 @!p0 $0xFFFFF086;
	s6 =	sadd.s32 @!p0 s3, s7;
	s7 =	simm.s32 @!p0 $0x108  }
0x21: {  	s3 =	sadd.s32 s3, s9;
	s6 =	sadd.s32 @!p0 $0x88, s6;
	s7 =	simm.s32 @p2 $0x1082  }
0x22: {  	[simem:s7], [sflag:s8] =	dma.local @!p0 [hbm:s6], $0xF7A  }
0x23: {  	s9 =	sor.u32 $0xD0000000, s2;
	s6 =	simm.s32 $0x108;
	_ =	swait.ge @!p0 [sflag:s8], $0x0  }
0x24: {  	s3 =	sadd.s32 $0x88, s3;
	s6 =	simm.s32 @!p1 $0x1082;
	[sflag:s4] =	ssyncset.s32 $0xFFFFF086  }
0x25: {  	[simem:s6], [sflag:s4] =	dma.local [hbm:s3], $0xF7A  }
0x26: {  	[smem:$0x3F99] =	sst s1;
	(tag) =	ssettag s2;
	_ =	strace s9  }
0x27: {  	s1 =	sld [smem:$0x3FA9]  }
0x28: {  	s2 =	sld [smem:$0x3FAA]  }
0x29: {  	s4 =	sld [smem:$0x3FAC]  }
0x2a: {  	p0 =	seq.s32 s5, $0x0;
	s5 =	sld [smem:$0x3FAD]  }
0x2b: {  	s6 =	sld [smem:$0x3FAE]  }
0x2c: {  	s7 =	sld [smem:$0x3FAF]  }
0x2d: {  	s3 =	simm.s32 $0x108;
	s8 =	sld [smem:$0x3FB0]  }
0x2e: {  	s3 =	simm.s32 @!p0 $0x1082;
	s9 =	sld [smem:$0x3FB1]  }
0x2f: {  	lr =	sadd.s32 s0, s3;
	s0 =	sld [smem:$0x3FA8]  }
0x30: {  	s3 =	sld [smem:$0x3FAB]  }
0x31: {  	[smem:$0x3FB4] =	sst s10  }
0x32: {  	s10 =	sld [smem:$0x3FB2];
	_ =	sdelay $0x3  }
0x33: {  	p0 =	seq.s32 s10, $0x1;
	s10 =	sld [smem:$0x3FB4];
	_ =	sdelay $0x3  }
0x34: {  	[smem:$0x3FB4] =	sst s10  }
0x35: {  	s10 =	sld [smem:$0x3FB3];
	_ =	sdelay $0x3  }
0x36: {  	p1 =	seq.s32 s10, $0x1;
	s10 =	sld [smem:$0x3FB4];
	_ =	sdelay $0x3  }
0x37: {  	[smem:$0x3FB4] =	sst s10  }
0x38: {  	s10 =	sld [smem:$0x3FB5]  }
0x39: {  	_ = 	snop;
	(pc) =	sbr.ind lr, $3  }
0x3a: {  	_ = 	snop  }
0x3b: {  	_ = 	snop  }
0x3c: {  	p2 =	seq.s32 s10, $0x1;
	s10 =	sld [smem:$0x3FB4]  }
0x3d: {  	_ =	shalt  }
0x3e: {  	_ =	shalt  }
0x3f: {  	_ =	shalt  }
0x40: {  	_ =	shalt  }
0x41: {  	_ =	shalt  }
0x42: {  	_ =	shalt  }
0x43: {  	_ =	shalt  }
0x44: {  	_ =	shalt  }
0x45: {  	_ =	shalt  }
0x46: {  	_ =	shalt  }
0x47: {  	_ =	shalt  }
0x48: {  	_ =	shalt  }
0x49: {  	_ =	shalt  }
0x4a: {  	_ =	shalt  }
0x4b: {  	_ =	shalt  }
0x4c: {  	_ =	shalt  }
0x4d: {  	_ =	shalt  }
0x4e: {  	_ =	shalt  }
0x4f: {  	_ =	shalt  }
0x50: {  	_ =	shalt  }
0x51: {  	_ =	shalt  }
0x52: {  	_ =	shalt  }
0x53: {  	_ =	shalt  }
0x54: {  	_ =	shalt  }
0x55: {  	_ =	shalt  }
0x56: {  	_ =	shalt  }
0x57: {  	_ =	shalt  }
0x58: {  	_ =	shalt  }
0x59: {  	_ =	shalt  }
0x5a: {  	_ =	shalt  }
0x5b: {  	_ =	shalt  }
0x5c: {  	_ =	shalt  }
0x5d: {  	_ =	shalt  }
0x5e: {  	_ =	shalt  }
0x5f: {  	_ =	shalt  }
0x60: {  	_ =	shalt  }
0x61: {  	_ =	shalt  }
0x62: {  	_ =	shalt  }
0x63: {  	_ =	shalt  }
0x64: {  	_ =	shalt  }
0x65: {  	_ =	shalt  }
0x66: {  	_ =	shalt  }
0x67: {  	_ =	shalt  }
0x68: {  	_ =	shalt  }
0x69: {  	_ =	shalt  }
0x6a: {  	_ =	shalt  }
0x6b: {  	_ =	shalt  }
0x6c: {  	_ =	shalt  }
0x6d: {  	_ =	shalt  }
0x6e: {  	_ =	shalt  }
0x6f: {  	_ =	shalt  }
0x70: {  	_ =	shalt  }
0x71: {  	_ =	shalt  }
0x72: {  	_ =	shalt  }
0x73: {  	_ =	shalt  }
0x74: {  	_ =	shalt  }
0x75: {  	_ =	shalt  }
0x76: {  	_ =	shalt  }
0x77: {  	_ =	shalt  }
0x78: {  	_ =	shalt  }
0x79: {  	_ =	shalt  }
0x7a: {  	_ =	shalt  }
0x7b: {  	_ =	shalt  }
0x7c: {  	_ =	shalt  }
0x7d: {  	_ =	shalt  }
0x7e: {  	_ =	shalt  }
0x7f: {  	_ =	shalt  }
0x80: {  	_ =	shalt  }
0x81: {  	_ =	shalt  }
0x82: {  	_ =	shalt  }
0x83: {  	_ =	shalt  }
0x84: {  	_ =	shalt  }
0x85: {  	_ =	shalt  }
0x86: {  	_ =	shalt  }
0x87: {  	_ =	shalt  }
.Lfunc_end0:
.L_simem_size_0:
called_computation.1_lowered:
.L_overlay_start_0:
0x88: {  	s2 =	sld [smem:$0x3FD9]  }
0x89: {  	s3 =	sld [smem:$0x3FFE];
	_ =	sdelay $0x1  }
0x8a: {  	s1 =	srdreg.scid  }
0x8b: {  	s0 =	sand.u32 $0x1, s1  }
0x8c: {  	s17 =	sshll.u32 s0, $0xA;
	s2 =	sadd.s32 s3, s2  }
0x8d: {  	s2 =	sadd.s32 s2, s17  }
0x8e: {  	[smem:$0x3FC0] =	sst s2  }
0x8f: {  	_ = 	snop  }
0x90: {  	(tm) =	ssettm $0x1  }
0x91: {  	s18 =	sld [smem:$0x3FFB];
	_ =	sdelay $0x3  }
0x92: {  	_ =	strace s18  }
0x93: {  	s2 =	sld [smem:$0x3FFC];
	_ =	sdelay $0x3  }
0x94: {  	_ =	strace s2  }
0x95: {  	s2 =	sld [smem:$0x3FFD];
	_ =	sdelay $0x3  }
0x96: {  	_ =	strace s2  }
0x97: {  	_ =	strace $0x8FFFFFFF  }
0x98: {  	s19 =	sld [smem:$0x3FDB];
	_ =	sdelay $0x1  }
0x99: {  	s20 =	simm.s32 $_scs_section_size  }
0x9a: {  	s4 =	simm.s32 $_size__tile_overlayer_lowered;
	s5 =	simm.s32 $_tile_overlayer_lowered  }
0x9b: {  	s6 =	simm.s32 $0x1BFF;
	s21 =	sshll.u32 s5, $0x1;
	s3 =	sadd.s32 s20, s19  }
0x9c: {  	s22 =	simm.s32 $0x0;
	s4 =	sshll.u32 s4, $0x1;
	s5 =	sadd.s32 s21, s3  }
0x9d: {  	[timem:s22], [sflag:s6] =	dma.local [hbm:s5], s4  }
0x9e: {  	_ =	swait.ge [sflag:s6], s4  }
0x9f: {  	s4 =	ssub.s32 $0x0, s4;
	[sflag:s6] =	ssyncset.done $0x0  }
0xa0: {  	[sflag:s6] =	ssyncadd.s32 s4;
	_ =	sdelay $0x1  }
0xa1: {  	s23 =	simm.s32 $0x1B8B  }
0xa2: {  	_ =	swait.ge [sflag:s23], $0x1  }
0xa3: {  	[sflag:s23] =	ssyncset.done $0x0  }
0xa4: {  	[sflag:s23] =	ssyncadd.s32 $0xFFFFFFFF  }
0xa5: {  	s4 =	sld [smem:$0x0]  }
0xa6: {  	s5 =	sand.u32 $0xFFFFFFFE, s1  }
0xa7: {  	p0 =	sne.s32 s1, s5  }
0xa8: {  	s5 =	sshll.u32 @p0 s5, $0xE  }
0xa9: {  	s5 =	sadd.s32 @p0 $0x11B8D, s5;
	s6 =	sshll.u32 @p0 s4, $0x11  }
0xaa: {  	s5 =	sor.u32 @p0 s6, s5  }
0xab: {  	[sflag:s5] =	ssyncadd.remote.s32 @p0 $0x1;
	_ =	sdelay $0x1  }
0xac: {  	s5 =	simm.s32 @p0 $0x1B8D  }
0xad: {  	_ =	swait.eq @p0 [sflag:s5], $0x1  }
0xae: {  	[sflag:s5] =	ssyncadd.s32 @p0 $0xFFFFFFFF  }
0xaf: {  	s6 =	sshll.u32 @!p0 s1, $0xE  }
0xb0: {  	s6 =	sor.u32 @!p0 $0x4000, s6;
	s5 =	simm.s32 @!p0 $0x1B8D  }
0xb1: {  	s4 =	sshll.u32 @!p0 s4, $0x11;
	s6 =	sadd.s32 @!p0 $0x11B8D, s6;
	_ =	swait.eq @!p0 [sflag:s5], $0x1  }
0xb2: {  	s4 =	sor.u32 @!p0 s4, s6;
	[sflag:s5] =	ssyncadd.s32 @!p0 $0xFFFFFFFF  }
0xb3: {  	s25 =	simm.s32 $0x1B8E;
	s24 =	sld [smem:$0x3FFE];
	[sflag:s4] =	ssyncadd.remote.s32 @!p0 $0x1  }
0xb4: {  	s26 =	simm.s32 $execute0_lowered;
	[smem:$0x3FD2] =	sst s25  }
0xb5: {  	s5 =	sshll.u32 s26, $0x1;
	_ =	strace $0x80000049;
	[dreg:$0x1] =	wrdreg $0xFFFFFFFF  }
0xb6: {  	s28 =	simm.s32 $_size_execute0_lowered;
	s3 =	sadd.s32 s3, s5;
	[dreg:$0x0] =	wrdreg $0x0  }
0xb7: {  	s5 =	sshll.u32 s28, $0x1;
	[dreg:$0x2] =	wrdreg s3  }
0xb8: {  	[dreg:$0x3] =	wrdreg s5  }
0xb9: {  	[dreg:$0x4] =	wrdreg $0xC0  }
0xba: {  	_ =	task [dreg:s22], $0x5FFFF  }
0xbb: {  	[dreg:$0x1] =	wrdreg $0xFFFFFFFF  }
0xbc: {  	[dreg:$0x0] =	wrdreg $0x60  }
0xbd: {  	[dreg:$0x2] =	wrdreg s24  }
0xbe: {  	[dreg:$0x3] =	wrdreg $0xA  }
0xbf: {  	_ =	task.clear_ibuf [dreg:s22], $0x4FFFF;
	_ =	strace $0x90000049  }
0xc0: {  	s29 =	simm.s32 $0xA;
	_ =	strace $0x8000004B  }
0xc1: {  	_ =	swait.ge [sflag:s29], $0x1  }
0xc2: {  	[sflag:s29] =	ssyncadd.s32 $0xFFFFFFFF  }
0xc3: {  	_ =	strace $0x9000004B  }
0xc4: {  	_ =	sfence  }
0xc5: {  	s30 =	sld [smem:$0x0];
	_ =	sdelay $0x2  }
0xc6: {  	s31 =	sshll.u32 s1, $0xD;
	s1 =	sshrl.u32 s1, $0x2  }
0xc7: {  	s4 =	sand.u32 $0x4000, s31;
	s1 =	sadd.s32 s1, s30  }
0xc8: {  	s0 =	sor.u32 s4, s0;
	s1 =	sshll.u32 s1, $0x11  }
0xc9: {  	s0 =	sor.u32 s1, s0  }
0xca: {  	s0 =	sadd.s32 $0x8F2B, s0  }
0xcb: {  	[sflag:s0] =	ssyncadd.remote.s32 $0x1  }
0xcc: {  	_ =	sfence.sel $0xFFFF  }
0xcd: {  	[dreg:$0x0] =	wrdreg $0xFFFFFFFF;
	(pc) =	sbr.abs _section_cstart, $3  }
0xce: {  	[dreg:$0x1] =	wrdreg $0xFFFFFFFF  }
0xcf: {  	_ =	task.clear_ibuf [dreg:s22], $0x2FFFF;
	_ =	strace $0x9FFFFFFF  }
0xd0: {  	(tm) =	ssettm $0x7FFFFFFF  }
0xd1: {  	_ =	shalt  }
tec
execute0_lowered:
.L_overlay_start_1:
0x0: {  	(tag) =	ssettag $0x1  }
0x1: {  	s0 =	rddreg [dreg:$0x0]  }
0x2: {  	s1 =	srdreg.scid;
	s3 =	stileid.u32;
	s2 =	simm.s32 $0x0  }
0x3: {  	s9 =	simm.s32 $0x200;
	s7 =	simm.s32 $0x80;
	s28 =	simm.s32 $0x100  }
0x4: {  	s29 =	simm.s32 $0x4400;
	s30 =	simm.s32 $0x180;
	s31 =	simm.s32 $0x6400  }
0x5: {  	s14 =	simm.s32 $0x2;
	s8 =	simm.s32 $0x8400;
	s15 =	simm.s32 $0x280  }
0x6: {  	s16 =	simm.s32 $0xA400;
	s17 =	simm.s32 $0x300;
	s18 =	simm.s32 $0xC400  }
0x7: {  	p0 =	por $0x0, $0x0;
	s21 =	simm.s32 $0x380;
	s24 =	simm.s32 $0xE400  }
0x8: {  	s20 =	simm.s32 $0x3;
	s13 =	simm.s32 $0x5;
	s19 =	simm.s32 $0x4  }
0x9: {  	s12 =	simm.s32 $0x6;
	s1 =	sand.u32 $0x1, s1;
	s3 =	sshll.u32 s3, $0x5  }
0xa: {  	[smem:$0x7FF] =	sst s2;
	s4 =	sshll.u32 s1, $0x4;
	s1 =	ssub.s32 $0x2, s1  }
0xb: {  	_ =	strace $0x8000004A;
	s4 =	sor.u32 s4, s3;
	s25 =	sshrl.u32 s1, $0x1  }
0xc: {  	s3 =	sadd.s32 $0x3A00, s0;
	s5 =	sshll.u32 s4, $0x4;
	s1 =	ssub.s32 s1, s25  }
0xd: {  	s4 =	sshll.u32 s4, $0xA;
	s5 =	sadd.s32 s5, s0;
	s1 =	smax.u32 s1, $0x1  }
0xe: {  	s25 =	simm.s32 $0x1;
	s26 =	sadd.s32 $0x107040, s5;
	p1 =	sne.s32 s1, $0x1  }
.Ltmp0:
0xf: {  	s0 =	sadd.s32 s4, s0;
	s22 =	sadd.s32 $0x107080, s5;
	(pc) =	sbr.rel @!p1 .LBB2_3-.Ltmp0, $4  }
0x10: {  	s6 =	sadd.s32 $0x107000, s5;
	s23 =	sadd.s32 $0x109000, s0;
	s10 =	sadd.s32 $0x1070C0, s5  }
0x11: {  	s11 =	sadd.s32 $0x10A000, s0;
	s5 =	sadd.s32 $0x10B000, s0;
	[dreg:$0x2] =	wrdreg s6  }
0x12: {  	s4 =	sadd.s32 $0x10C000, s0;
	s0 =	sadd.s32 $0xFFFFFFFF, s1;
	[dreg:$0x3] =	wrdreg s26  }
0x13: {  	s6 =	simm.s32 $0x400;
	s26 =	simm.s32 $0x2400;
	s1 =	rddreg [dreg:$0x2]  }
0x14: {  	[dreg:$0x4] =	wrdreg s0  }
0x15: {  	[tilespmem:s2], [sflag:$0x1] =	stream.linear.gather [hbm4b:s1+s2], $0x200, $0x38;
	[tilespmem:$0x10400] =	vst v63  }
0x16: {  	s0 =	rddreg [dreg:$0x3]  }
0x17: {  	[tilespmem:s9], [sflag:$0x2] =	stream.linear.gather [hbm4b:s0+s2], $0x200, $0x38;
	[tilespmem:$0x10400] =	vst v63  }
0x18: {  	_ =	swait.ge [sflag:s25], $0x200  }
0x19: {  	[sflag:s25] =	ssyncset.done $0x0  }
0x1a: {  	[sflag:s25] =	ssyncadd.s32 $0xFFFFFE00  }
0x1b: {  	[tilespmem:s6], [sflag:$0x3] =	stream.indirect.gather [hbm4b:s3+s7], $0x40, s2, s7, $0xb8;
	[tilespmem:$0x10400] =	vst v63  }
0x1c: {  	_ = 	snop  }
0x1d: {  	[tilespmem:s26], [sflag:$0x3] =	stream.indirect.gather [hbm4b:s3+s7], $0x40, s7, s7, $0xb8;
	[tilespmem:$0x10400] =	vst v63  }
0x1e: {  	_ = 	snop  }
0x1f: {  	[tilespmem:s29], [sflag:$0x3] =	stream.indirect.gather [hbm4b:s3+s7], $0x40, s28, s7, $0xb8;
	[tilespmem:$0x10400] =	vst v63  }
0x20: {  	_ = 	snop  }
0x21: {  	[tilespmem:s31], [sflag:$0x3] =	stream.indirect.gather [hbm4b:s3+s7], $0x40, s30, s7, $0xb8;
	[tilespmem:$0x10400] =	vst v63  }
0x22: {  	_ =	swait.ge [sflag:s14], $0x200  }
0x23: {  	[sflag:s14] =	ssyncset.done $0x0  }
0x24: {  	[sflag:s14] =	ssyncadd.s32 $0xFFFFFE00  }
0x25: {  	[tilespmem:s8], [sflag:$0x4] =	stream.indirect.gather [hbm4b:s3+s7], $0x40, s9, s7, $0xb8;
	[tilespmem:$0x10400] =	vst v63  }
0x26: {  	_ = 	snop  }
0x27: {  	[tilespmem:s16], [sflag:$0x4] =	stream.indirect.gather [hbm4b:s3+s7], $0x40, s15, s7, $0xb8;
	[tilespmem:$0x10400] =	vst v63  }
0x28: {  	_ = 	snop  }
0x29: {  	[tilespmem:s18], [sflag:$0x4] =	stream.indirect.gather [hbm4b:s3+s7], $0x40, s17, s7, $0xb8;
	[tilespmem:$0x10400] =	vst v63  }
0x2a: {  	_ = 	snop  }
0x2b: {  	[tilespmem:s24], [sflag:$0x4] =	stream.indirect.gather [hbm4b:s3+s7], $0x40, s21, s7, $0xb8;
	[tilespmem:$0x10400] =	vst v63  }
0x2c: {  	_ =	swait.ge [sflag:s20], $0x8000  }
0x2d: {  	[sflag:s20] =	ssyncset.done $0x0  }
0x2e: {  	[sflag:s20] =	ssyncadd.s32 $0xFFFF8000  }
0x2f: {  	[tilespmem:s2], [sflag:$0x1] =	stream.linear.gather [hbm4b:s22+s2], $0x200, $0x38;
	[tilespmem:$0x10400] =	vst v63  }
0x30: {  	_ = 	snop  }
0x31: {  	[hbm4b:s23+s2] =	stream.linear.scatter [tilespmem:s6], [sflag:$0x5], $0x8000, $0x38;
	[tilespmem:$0x10400] =	vst v63  }
0x32: {  	_ =	swait.ge [sflag:s13], $0x8000  }
0x33: {  	[sflag:s13] =	ssyncset.done $0x0  }
0x34: {  	[sflag:s13] =	ssyncadd.s32 $0xFFFF8000  }
0x35: {  	_ =	swait.ge [sflag:s25], $0x200  }
0x36: {  	[sflag:s25] =	ssyncset.done $0x0  }
0x37: {  	[sflag:s25] =	ssyncadd.s32 $0xFFFFFE00  }
0x38: {  	[tilespmem:s6], [sflag:$0x3] =	stream.indirect.gather [hbm4b:s3+s7], $0x40, s2, s7, $0xb8;
	[tilespmem:$0x10400] =	vst v63  }
0x39: {  	_ = 	snop  }
0x3a: {  	[tilespmem:s26], [sflag:$0x3] =	stream.indirect.gather [hbm4b:s3+s7], $0x40, s7, s7, $0xb8;
	[tilespmem:$0x10400] =	vst v63  }
0x3b: {  	_ = 	snop  }
0x3c: {  	[tilespmem:s29], [sflag:$0x3] =	stream.indirect.gather [hbm4b:s3+s7], $0x40, s28, s7, $0xb8;
	[tilespmem:$0x10400] =	vst v63  }
0x3d: {  	_ = 	snop  }
0x3e: {  	[tilespmem:s31], [sflag:$0x3] =	stream.indirect.gather [hbm4b:s3+s7], $0x40, s30, s7, $0xb8;
	[tilespmem:$0x10400] =	vst v63  }
0x3f: {  	_ =	swait.ge [sflag:s19], $0x8000  }
0x40: {  	[sflag:s19] =	ssyncset.done $0x0  }
0x41: {  	[sflag:s19] =	ssyncadd.s32 $0xFFFF8000  }
0x42: {  	[tilespmem:s9], [sflag:$0x2] =	stream.linear.gather [hbm4b:s10+s2], $0x200, $0x38;
	[tilespmem:$0x10400] =	vst v63  }
0x43: {  	_ = 	snop  }
0x44: {  	[hbm4b:s11+s2] =	stream.linear.scatter [tilespmem:s8], [sflag:$0x6], $0x8000, $0x38;
	[tilespmem:$0x10400] =	vst v63  }
0x45: {  	_ =	swait.ge [sflag:s12], $0x8000  }
0x46: {  	[sflag:s12] =	ssyncset.done $0x0  }
0x47: {  	[sflag:s12] =	ssyncadd.s32 $0xFFFF8000  }
0x48: {  	_ =	swait.ge [sflag:s14], $0x200  }
0x49: {  	[sflag:s14] =	ssyncset.done $0x0  }
0x4a: {  	[sflag:s14] =	ssyncadd.s32 $0xFFFFFE00  }
0x4b: {  	[tilespmem:s8], [sflag:$0x4] =	stream.indirect.gather [hbm4b:s3+s7], $0x40, s9, s7, $0xb8;
	[tilespmem:$0x10400] =	vst v63  }
0x4c: {  	_ = 	snop  }
0x4d: {  	[tilespmem:s16], [sflag:$0x4] =	stream.indirect.gather [hbm4b:s3+s7], $0x40, s15, s7, $0xb8;
	[tilespmem:$0x10400] =	vst v63  }
0x4e: {  	_ = 	snop  }
0x4f: {  	[tilespmem:s18], [sflag:$0x4] =	stream.indirect.gather [hbm4b:s3+s7], $0x40, s17, s7, $0xb8;
	[tilespmem:$0x10400] =	vst v63  }
0x50: {  	_ = 	snop  }
0x51: {  	[tilespmem:s24], [sflag:$0x4] =	stream.indirect.gather [hbm4b:s3+s7], $0x40, s21, s7, $0xb8;
	[tilespmem:$0x10400] =	vst v63  }
0x52: {  	_ =	swait.ge [sflag:s20], $0x8000  }
0x53: {  	[sflag:s20] =	ssyncset.done $0x0  }
0x54: {  	[sflag:s20] =	ssyncadd.s32 $0xFFFF8000  }
0x55: {  	[hbm4b:s5+s2] =	stream.linear.scatter [tilespmem:s6], [sflag:$0x5], $0x8000, $0x38;
	[tilespmem:$0x10400] =	vst v63  }
0x56: {  	_ =	swait.ge [sflag:s19], $0x8000  }
0x57: {  	[sflag:s19] =	ssyncset.done $0x0  }
0x58: {  	[sflag:s19] =	ssyncadd.s32 $0xFFFF8000  }
0x59: {  	[hbm4b:s4+s2] =	stream.linear.scatter [tilespmem:s8], [sflag:$0x6], $0x8000, $0x38;
	[tilespmem:$0x10400] =	vst v63  }
0x5a: {  	_ =	swait.ge [sflag:s13], $0x8000  }
0x5b: {  	s1 =	rddreg [dreg:$0x4]  }
0x5c: {  	p1 =	sne.s32 s1, $0x1  }
.Ltmp1:
0x5d: {  	_ = 	snop;
	(pc) =	sbr.rel @!p1 .LBB2_3-.Ltmp1, $4  }
0x5e: {  	[sflag:s13] =	ssyncset.done $0x0  }
0x5f: {  	[sflag:s13] =	ssyncadd.s32 $0xFFFF8000  }
0x60: {  	p0 =	por $0x1, $0x1;
	_ =	swait.ge [sflag:s12], $0x8000  }
0x61: {  	s0 =	sadd.s32 $0xFFFFFFFF, s1;
	s1 =	rddreg [dreg:$0x2];
	[sflag:s12] =	ssyncset.done $0x0  }
.LBB2_2:
0x62: {  	[sflag:s12] =	ssyncadd.s32 $0xFFFF8000;
	s15 =	smov.u32 s11;
	s11 =	smov.u32 s10  }
0x63: {  	[tilespmem:s2], [sflag:$0x1] =	stream.linear.gather [hbm4b:s1+s2], $0x200, $0x38;
	[tilespmem:$0x10400] =	vst v63  }
0x64: {  	s10 =	smov.u32 s5;
	s5 =	smov.u32 s4;
	s4 =	rddreg [dreg:$0x3]  }
0x65: {  	[tilespmem:s9], [sflag:$0x2] =	stream.linear.gather [hbm4b:s4+s2], $0x200, $0x38;
	[tilespmem:$0x10400] =	vst v63  }
0x66: {  	_ =	swait.ge [sflag:s25], $0x200  }
0x67: {  	[sflag:s25] =	ssyncset.done $0x0  }
0x68: {  	[sflag:s25] =	ssyncadd.s32 $0xFFFFFE00  }
0x69: {  	[tilespmem:s6], [sflag:$0x3] =	stream.indirect.gather [hbm4b:s3+s7], $0x40, s2, s7, $0xb8;
	[tilespmem:$0x10400] =	vst v63  }
0x6a: {  	_ = 	snop  }
0x6b: {  	[tilespmem:s26], [sflag:$0x3] =	stream.indirect.gather [hbm4b:s3+s7], $0x40, s7, s7, $0xb8;
	[tilespmem:$0x10400] =	vst v63  }
0x6c: {  	_ = 	snop  }
0x6d: {  	[tilespmem:s29], [sflag:$0x3] =	stream.indirect.gather [hbm4b:s3+s7], $0x40, s28, s7, $0xb8;
	[tilespmem:$0x10400] =	vst v63  }
0x6e: {  	_ = 	snop  }
0x6f: {  	[tilespmem:s31], [sflag:$0x3] =	stream.indirect.gather [hbm4b:s3+s7], $0x40, s30, s7, $0xb8;
	[tilespmem:$0x10400] =	vst v63  }
0x70: {  	_ =	swait.ge [sflag:s14], $0x200  }
0x71: {  	[sflag:s14] =	ssyncset.done $0x0  }
0x72: {  	s4 =	smov.u32 s5;
	s5 =	smov.u32 s10;
	[sflag:s14] =	ssyncadd.s32 $0xFFFFFE00  }
0x73: {  	[tilespmem:s8], [sflag:$0x4] =	stream.indirect.gather [hbm4b:s3+s7], $0x40, s9, s7, $0xb8;
	[tilespmem:$0x10400] =	vst v63  }
0x74: {  	s10 =	smov.u32 s11;
	s11 =	smov.u32 s15;
	s15 =	simm.s32 $0x280  }
0x75: {  	[tilespmem:s16], [sflag:$0x4] =	stream.indirect.gather [hbm4b:s3+s7], $0x40, s15, s7, $0xb8;
	[tilespmem:$0x10400] =	vst v63  }
0x76: {  	_ = 	snop  }
0x77: {  	[tilespmem:s18], [sflag:$0x4] =	stream.indirect.gather [hbm4b:s3+s7], $0x40, s17, s7, $0xb8;
	[tilespmem:$0x10400] =	vst v63  }
0x78: {  	_ = 	snop  }
0x79: {  	[tilespmem:s24], [sflag:$0x4] =	stream.indirect.gather [hbm4b:s3+s7], $0x40, s21, s7, $0xb8;
	[tilespmem:$0x10400] =	vst v63  }
0x7a: {  	_ =	swait.ge [sflag:s20], $0x8000  }
0x7b: {  	[sflag:s20] =	ssyncset.done $0x0  }
0x7c: {  	[sflag:s20] =	ssyncadd.s32 $0xFFFF8000  }
0x7d: {  	[tilespmem:s2], [sflag:$0x1] =	stream.linear.gather [hbm4b:s22+s2], $0x200, $0x38;
	[tilespmem:$0x10400] =	vst v63  }
0x7e: {  	_ = 	snop  }
0x7f: {  	[hbm4b:s23+s2] =	stream.linear.scatter [tilespmem:s6], [sflag:$0x5], $0x8000, $0x38;
	[tilespmem:$0x10400] =	vst v63  }
0x80: {  	_ =	swait.ge [sflag:s13], $0x8000  }
0x81: {  	[sflag:s13] =	ssyncset.done $0x0  }
0x82: {  	[sflag:s13] =	ssyncadd.s32 $0xFFFF8000  }
0x83: {  	_ =	swait.ge [sflag:s25], $0x200  }
0x84: {  	[sflag:s25] =	ssyncset.done $0x0  }
0x85: {  	[sflag:s25] =	ssyncadd.s32 $0xFFFFFE00  }
0x86: {  	[tilespmem:s6], [sflag:$0x3] =	stream.indirect.gather [hbm4b:s3+s7], $0x40, s2, s7, $0xb8;
	[tilespmem:$0x10400] =	vst v63  }
0x87: {  	_ = 	snop  }
0x88: {  	[tilespmem:s26], [sflag:$0x3] =	stream.indirect.gather [hbm4b:s3+s7], $0x40, s7, s7, $0xb8;
	[tilespmem:$0x10400] =	vst v63  }
0x89: {  	_ = 	snop  }
0x8a: {  	[tilespmem:s29], [sflag:$0x3] =	stream.indirect.gather [hbm4b:s3+s7], $0x40, s28, s7, $0xb8;
	[tilespmem:$0x10400] =	vst v63  }
0x8b: {  	_ = 	snop  }
0x8c: {  	[tilespmem:s31], [sflag:$0x3] =	stream.indirect.gather [hbm4b:s3+s7], $0x40, s30, s7, $0xb8;
	[tilespmem:$0x10400] =	vst v63  }
0x8d: {  	_ =	swait.ge [sflag:s19], $0x8000  }
0x8e: {  	[sflag:s19] =	ssyncset.done $0x0  }
0x8f: {  	[sflag:s19] =	ssyncadd.s32 $0xFFFF8000  }
0x90: {  	[tilespmem:s9], [sflag:$0x2] =	stream.linear.gather [hbm4b:s10+s2], $0x200, $0x38;
	[tilespmem:$0x10400] =	vst v63  }
0x91: {  	_ = 	snop  }
0x92: {  	[hbm4b:s11+s2] =	stream.linear.scatter [tilespmem:s8], [sflag:$0x6], $0x8000, $0x38;
	[tilespmem:$0x10400] =	vst v63  }
0x93: {  	_ =	swait.ge [sflag:s12], $0x8000  }
0x94: {  	[sflag:s12] =	ssyncset.done $0x0  }
0x95: {  	[sflag:s12] =	ssyncadd.s32 $0xFFFF8000  }
0x96: {  	_ =	swait.ge [sflag:s14], $0x200  }
0x97: {  	[sflag:s14] =	ssyncset.done $0x0  }
0x98: {  	[sflag:s14] =	ssyncadd.s32 $0xFFFFFE00  }
0x99: {  	[tilespmem:s8], [sflag:$0x4] =	stream.indirect.gather [hbm4b:s3+s7], $0x40, s9, s7, $0xb8;
	[tilespmem:$0x10400] =	vst v63  }
0x9a: {  	_ = 	snop  }
0x9b: {  	[tilespmem:s16], [sflag:$0x4] =	stream.indirect.gather [hbm4b:s3+s7], $0x40, s15, s7, $0xb8;
	[tilespmem:$0x10400] =	vst v63  }
0x9c: {  	_ = 	snop  }
0x9d: {  	[tilespmem:s18], [sflag:$0x4] =	stream.indirect.gather [hbm4b:s3+s7], $0x40, s17, s7, $0xb8;
	[tilespmem:$0x10400] =	vst v63  }
0x9e: {  	_ = 	snop  }
0x9f: {  	[tilespmem:s24], [sflag:$0x4] =	stream.indirect.gather [hbm4b:s3+s7], $0x40, s21, s7, $0xb8;
	[tilespmem:$0x10400] =	vst v63  }
0xa0: {  	_ =	swait.ge [sflag:s20], $0x8000  }
0xa1: {  	[sflag:s20] =	ssyncset.done $0x0  }
0xa2: {  	[sflag:s20] =	ssyncadd.s32 $0xFFFF8000  }
0xa3: {  	[hbm4b:s5+s2] =	stream.linear.scatter [tilespmem:s6], [sflag:$0x5], $0x8000, $0x38;
	[tilespmem:$0x10400] =	vst v63  }
0xa4: {  	_ =	swait.ge [sflag:s19], $0x8000  }
0xa5: {  	[sflag:s19] =	ssyncset.done $0x0  }
0xa6: {  	p1 =	sne.s32 s0, $0x1;
	[sflag:s19] =	ssyncadd.s32 $0xFFFF8000  }
0xa7: {  	[hbm4b:s4+s2] =	stream.linear.scatter [tilespmem:s8], [sflag:$0x6], $0x8000, $0x38;
	[tilespmem:$0x10400] =	vst v63  }
.Ltmp2:
0xa8: {  	_ =	swait.ge [sflag:s13], $0x8000;
	(pc) =	sbr.rel @p1 .LBB2_2-.Ltmp2, $4  }
0xa9: {  	[sflag:s13] =	ssyncset.done $0x0  }
0xaa: {  	[sflag:s13] =	ssyncadd.s32 $0xFFFF8000  }
0xab: {  	_ =	swait.ge [sflag:s12], $0x8000  }
0xac: {  	s0 =	sadd.s32 $0xFFFFFFFF, s0;
	s1 =	rddreg [dreg:$0x2];
	[sflag:s12] =	ssyncset.done $0x0  }
.LBB2_3:
0xad: {  	[sflag:s12] =	ssyncadd.s32 @p0 $0xFFFF8000  }
0xae: {  	[tilespmem:s2], [sflag:$0x1] =	stream.linear.gather [hbm4b:s1+s2], $0x200, $0x38;
	[tilespmem:$0x10400] =	vst v63  }
0xaf: {  	s0 =	rddreg [dreg:$0x3]  }
0xb0: {  	[tilespmem:s9], [sflag:$0x2] =	stream.linear.gather [hbm4b:s0+s2], $0x200, $0x38;
	[tilespmem:$0x10400] =	vst v63  }
0xb1: {  	_ =	swait.ge [sflag:s25], $0x200  }
0xb2: {  	[sflag:s25] =	ssyncset.done $0x0  }
0xb3: {  	[sflag:s25] =	ssyncadd.s32 $0xFFFFFE00  }
0xb4: {  	[tilespmem:s6], [sflag:$0x3] =	stream.indirect.gather [hbm4b:s3+s7], $0x40, s2, s7, $0xb8;
	[tilespmem:$0x10400] =	vst v63  }
0xb5: {  	_ = 	snop  }
0xb6: {  	[tilespmem:s26], [sflag:$0x3] =	stream.indirect.gather [hbm4b:s3+s7], $0x40, s7, s7, $0xb8;
	[tilespmem:$0x10400] =	vst v63  }
0xb7: {  	_ = 	snop  }
0xb8: {  	[tilespmem:s29], [sflag:$0x3] =	stream.indirect.gather [hbm4b:s3+s7], $0x40, s28, s7, $0xb8;
	[tilespmem:$0x10400] =	vst v63  }
0xb9: {  	_ = 	snop  }
0xba: {  	[tilespmem:s31], [sflag:$0x3] =	stream.indirect.gather [hbm4b:s3+s7], $0x40, s30, s7, $0xb8;
	[tilespmem:$0x10400] =	vst v63  }
0xbb: {  	_ =	swait.ge [sflag:s14], $0x200  }
0xbc: {  	[sflag:s14] =	ssyncset.done $0x0  }
0xbd: {  	[sflag:s14] =	ssyncadd.s32 $0xFFFFFE00  }
0xbe: {  	[tilespmem:s8], [sflag:$0x4] =	stream.indirect.gather [hbm4b:s3+s7], $0x40, s9, s7, $0xb8;
	[tilespmem:$0x10400] =	vst v63  }
0xbf: {  	_ = 	snop  }
0xc0: {  	[tilespmem:s16], [sflag:$0x4] =	stream.indirect.gather [hbm4b:s3+s7], $0x40, s15, s7, $0xb8;
	[tilespmem:$0x10400] =	vst v63  }
0xc1: {  	_ = 	snop  }
0xc2: {  	[tilespmem:s18], [sflag:$0x4] =	stream.indirect.gather [hbm4b:s3+s7], $0x40, s17, s7, $0xb8;
	[tilespmem:$0x10400] =	vst v63  }
0xc3: {  	_ = 	snop  }
0xc4: {  	[tilespmem:s24], [sflag:$0x4] =	stream.indirect.gather [hbm4b:s3+s7], $0x40, s21, s7, $0xb8;
	[tilespmem:$0x10400] =	vst v63  }
0xc5: {  	_ =	swait.ge [sflag:s20], $0x8000  }
0xc6: {  	[sflag:s20] =	ssyncset.done $0x0  }
0xc7: {  	[sflag:s20] =	ssyncadd.s32 $0xFFFF8000  }
0xc8: {  	[tilespmem:s2], [sflag:$0x1] =	stream.linear.gather [hbm4b:s22+s2], $0x200, $0x38;
	[tilespmem:$0x10400] =	vst v63  }
0xc9: {  	_ = 	snop  }
0xca: {  	[hbm4b:s23+s2] =	stream.linear.scatter [tilespmem:s6], [sflag:$0x5], $0x8000, $0x38;
	[tilespmem:$0x10400] =	vst v63  }
0xcb: {  	_ =	swait.ge [sflag:s13], $0x8000  }
0xcc: {  	[sflag:s13] =	ssyncset.done $0x0  }
0xcd: {  	[sflag:s13] =	ssyncadd.s32 $0xFFFF8000  }
0xce: {  	_ =	swait.ge [sflag:s25], $0x200  }
0xcf: {  	[sflag:s25] =	ssyncset.done $0x0  }
0xd0: {  	[sflag:s25] =	ssyncadd.s32 $0xFFFFFE00  }
0xd1: {  	[tilespmem:s6], [sflag:$0x3] =	stream.indirect.gather [hbm4b:s3+s7], $0x40, s2, s7, $0xb8;
	[tilespmem:$0x10400] =	vst v63  }
0xd2: {  	_ = 	snop  }
0xd3: {  	[tilespmem:s26], [sflag:$0x3] =	stream.indirect.gather [hbm4b:s3+s7], $0x40, s7, s7, $0xb8;
	[tilespmem:$0x10400] =	vst v63  }
0xd4: {  	_ = 	snop  }
0xd5: {  	[tilespmem:s29], [sflag:$0x3] =	stream.indirect.gather [hbm4b:s3+s7], $0x40, s28, s7, $0xb8;
	[tilespmem:$0x10400] =	vst v63  }
0xd6: {  	_ = 	snop  }
0xd7: {  	[tilespmem:s31], [sflag:$0x3] =	stream.indirect.gather [hbm4b:s3+s7], $0x40, s30, s7, $0xb8;
	[tilespmem:$0x10400] =	vst v63  }
0xd8: {  	_ =	swait.ge [sflag:s19], $0x8000  }
0xd9: {  	[sflag:s19] =	ssyncset.done $0x0  }
0xda: {  	[sflag:s19] =	ssyncadd.s32 $0xFFFF8000  }
0xdb: {  	[tilespmem:s9], [sflag:$0x2] =	stream.linear.gather [hbm4b:s10+s2], $0x200, $0x38;
	[tilespmem:$0x10400] =	vst v63  }
0xdc: {  	_ = 	snop  }
0xdd: {  	[hbm4b:s11+s2] =	stream.linear.scatter [tilespmem:s8], [sflag:$0x6], $0x8000, $0x38;
	[tilespmem:$0x10400] =	vst v63  }
0xde: {  	_ =	swait.ge [sflag:s12], $0x8000  }
0xdf: {  	[sflag:s12] =	ssyncset.done $0x0  }
0xe0: {  	[sflag:s12] =	ssyncadd.s32 $0xFFFF8000  }
0xe1: {  	_ =	swait.ge [sflag:s14], $0x200  }
0xe2: {  	[sflag:s14] =	ssyncset.done $0x0  }
0xe3: {  	[sflag:s14] =	ssyncadd.s32 $0xFFFFFE00  }
0xe4: {  	[tilespmem:s8], [sflag:$0x4] =	stream.indirect.gather [hbm4b:s3+s7], $0x40, s9, s7, $0xb8;
	[tilespmem:$0x10400] =	vst v63  }
0xe5: {  	_ = 	snop  }
0xe6: {  	[tilespmem:s16], [sflag:$0x4] =	stream.indirect.gather [hbm4b:s3+s7], $0x40, s15, s7, $0xb8;
	[tilespmem:$0x10400] =	vst v63  }
0xe7: {  	_ = 	snop  }
0xe8: {  	[tilespmem:s18], [sflag:$0x4] =	stream.indirect.gather [hbm4b:s3+s7], $0x40, s17, s7, $0xb8;
	[tilespmem:$0x10400] =	vst v63  }
0xe9: {  	_ = 	snop  }
0xea: {  	[tilespmem:s24], [sflag:$0x4] =	stream.indirect.gather [hbm4b:s3+s7], $0x40, s21, s7, $0xb8;
	[tilespmem:$0x10400] =	vst v63  }
0xeb: {  	_ =	swait.ge [sflag:s20], $0x8000  }
0xec: {  	[sflag:s20] =	ssyncset.done $0x0  }
0xed: {  	[sflag:s20] =	ssyncadd.s32 $0xFFFF8000  }
0xee: {  	[hbm4b:s5+s2] =	stream.linear.scatter [tilespmem:s6], [sflag:$0x5], $0x8000, $0x38;
	[tilespmem:$0x10400] =	vst v63  }
0xef: {  	_ =	swait.ge [sflag:s19], $0x8000  }
0xf0: {  	[sflag:s19] =	ssyncset.done $0x0  }
0xf1: {  	[sflag:s19] =	ssyncadd.s32 $0xFFFF8000  }
0xf2: {  	[hbm4b:s4+s2] =	stream.linear.scatter [tilespmem:s8], [sflag:$0x6], $0x8000, $0x38;
	[tilespmem:$0x10400] =	vst v63  }
0xf3: {  	_ =	swait.ge [sflag:s13], $0x8000  }
0xf4: {  	[sflag:s13] =	ssyncset.done $0x0  }
0xf5: {  	[sflag:s13] =	ssyncadd.s32 $0xFFFF8000  }
0xf6: {  	_ =	swait.ge [sflag:s12], $0x8000  }
0xf7: {  	[sflag:s12] =	ssyncset.done $0x0  }
0xf8: {  	[sflag:s12] =	ssyncadd.s32 $0xFFFF8000  }
0xf9: {  	_ =	sfence.sel $0x180000  }
0xfa: {  	[bflag:$0x0] =	sbarrier.arrive $0xFFFF  }
0xfb: {  	_ =	strace $0x9000004A  }
0xfc: {  	s31 =	stileid.u32;
	[bflag:$0x2] =	sbarrier.arrive $0xFFFF  }
0xfd: {  	p0 =	sne.s32 s31, $0x0;
	s0 =	rddreg [dreg:$0x1]  }
0xfe: {  	s0 =	sadd.s32 @!p0 $0x100000, s0  }
0xff: {  	[sflag:s0] =	ssyncadd.tile.s32 @!p0 $0x1;
	_ =	shalt  }
.Lfunc_end2:
_tile_overlayer_lowered:
.L_overlay_start_2:
0x100: {  	(tag) =	ssettag $0x2  }
0x101: {  	s0 =	rddreg [dreg:$0x0];
	s2 =	stileid.u32  }
0x102: {  	s1 =	rddreg [dreg:$0x1];
	p0 =	sne.s32 s2, $0x0  }
0x103: {  	s3 =	rddreg [dreg:$0x2];
	[bflag:$0x3] =	sbarrier.arrive $0xFFFF;
	s2 =	simm.s32 @!p0 $0x1C07  }
0x104: {  	[timem:s3], [sflag:s2] =	dma.local @!p0 [hbm:s0], s1  }
0x105: {  	s0 =	simm.s32 @!p0 $0x7  }
0x106: {  	_ =	swait.ge @!p0 [sflag:s0], s1  }
0x107: {  	s1 =	ssub.s32 @!p0 $0x0, s1;
	[sflag:s0] =	ssyncset.done @!p0 $0x0  }
0x108: {  	[sflag:s0] =	ssyncadd.s32 @!p0 s1  }
0x109: {  	[bflag:$0x3] =	sbarrier.arrive $0xFFFF  }
0x10a: {  	_ =	shalt  }

// kernel: kernel.22.cloned.1.call-start
scs
__scs_entry_jumppad:
0x0: {  	(pc) =	sbr.rel $0x88, $3  }
0x1: {  	(tag) =	ssettag $0x0;
	lr =	simm.s32 $0x1  }
0x2: {  	[smem:$0x3F99] =	sst lr;
	_ =	strace $0xD0000000  }
0x3: {  	_ = 	snop  }
0x4: {  	_ = 	snop  }
0x5: {  	_ = 	snop  }
0x6: {  	_ = 	snop  }
0x7: {  	_ = 	snop  }
__scs_overlays_trampoline_lowered:
0x8: {  	[smem:$0x3FA8] =	sst s0  }
0x9: {  	[smem:$0x3FA9] =	sst s1  }
0xa: {  	[smem:$0x3FAA] =	sst s2  }
0xb: {  	[smem:$0x3FAB] =	sst s3  }
0xc: {  	[smem:$0x3FAC] =	sst s4  }
0xd: {  	[smem:$0x3FAD] =	sst s5  }
0xe: {  	[smem:$0x3FAE] =	sst s6  }
0xf: {  	[smem:$0x3FAF] =	sst s7  }
0x10: {  	[smem:$0x3FB0] =	sst s8  }
0x11: {  	[smem:$0x3FB1] =	sst s9;
	s0 =	simm.s32 @!p0 $0x0  }
0x12: {  	s1 =	sld [smem:$0x3F97];
	s0 =	simm.s32 @p0 $0x1  }
0x13: {  	[smem:$0x3FB2] =	sst s0;
	s0 =	simm.s32 @!p1 $0x0  }
0x14: {  	s2 =	sld [smem:$0x3F96];
	s0 =	simm.s32 @p1 $0x1  }
0x15: {  	[smem:$0x3FB3] =	sst s0;
	s0 =	simm.s32 @!p2 $0x0  }
0x16: {  	s3 =	sld [smem:$0x3FDB];
	s0 =	simm.s32 @p2 $0x1  }
0x17: {  	s4 =	simm.s32 $0x1BF5;
	[smem:$0x3FB5] =	sst s0  }
0x18: {  	s0 =	sld [smem:$0x3F98];
	_ =	swait.ge [sflag:s4], $0x0  }
0x19: {  	s7 =	sld [smem:$0x3F99]  }
0x1a: {  	s8 =	sadd.s32 $0xFFFFE003, lr  }
0x1b: {  	s9 =	sadd.s32 $0xFFFFFEF7, lr;
	s5 =	simm.s32 $0xFFFFFFFF;
	p2 =	slt.u32 s8, $0xFFFFF086  }
0x1c: {  	p1 =	slt.u32 s9, $0xF7A;
	s5 =	simm.s32 @!p2 $0x0  }
0x1d: {  	s5 =	simm.s32 @p1 $0x1;
	p0 =	seq.s32 s7, s2  }
0x1e: {  	s7 =	smul.u32 @!p0 $0xF7A, s2;
	p2 =	seq.s32 @!p0 s5, $0x0  }
0x1f: {  	s9 =	smul.u32 $0xF7A, s1;
	s8 =	simm.s32 @!p0 $0x1BF5;
	p2 =	por !p2, p0  }
0x20: {  	[sflag:s8] =	ssyncset.s32 @!p0 $0xFFFFF086;
	s6 =	sadd.s32 @!p0 s3, s7;
	s7 =	simm.s32 @!p0 $0x108  }
0x21: {  	s3 =	sadd.s32 s3, s9;
	s6 =	sadd.s32 @!p0 $0x88, s6;
	s7 =	simm.s32 @p2 $0x1082  }
0x22: {  	[simem:s7], [sflag:s8] =	dma.local @!p0 [hbm:s6], $0xF7A  }
0x23: {  	s9 =	sor.u32 $0xD0000000, s2;
	s6 =	simm.s32 $0x108;
	_ =	swait.ge @!p0 [sflag:s8], $0x0  }
0x24: {  	s3 =	sadd.s32 $0x88, s3;
	s6 =	simm.s32 @!p1 $0x1082;
	[sflag:s4] =	ssyncset.s32 $0xFFFFF086  }
0x25: {  	[simem:s6], [sflag:s4] =	dma.local [hbm:s3], $0xF7A  }
0x26: {  	[smem:$0x3F99] =	sst s1;
	(tag) =	ssettag s2;
	_ =	strace s9  }
0x27: {  	s1 =	sld [smem:$0x3FA9]  }
0x28: {  	s2 =	sld [smem:$0x3FAA]  }
0x29: {  	s4 =	sld [smem:$0x3FAC]  }
0x2a: {  	p0 =	seq.s32 s5, $0x0;
	s5 =	sld [smem:$0x3FAD]  }
0x2b: {  	s6 =	sld [smem:$0x3FAE]  }
0x2c: {  	s7 =	sld [smem:$0x3FAF]  }
0x2d: {  	s3 =	simm.s32 $0x108;
	s8 =	sld [smem:$0x3FB0]  }
0x2e: {  	s3 =	simm.s32 @!p0 $0x1082;
	s9 =	sld [smem:$0x3FB1]  }
0x2f: {  	lr =	sadd.s32 s0, s3;
	s0 =	sld [smem:$0x3FA8]  }
0x30: {  	s3 =	sld [smem:$0x3FAB]  }
0x31: {  	[smem:$0x3FB4] =	sst s10  }
0x32: {  	s10 =	sld [smem:$0x3FB2];
	_ =	sdelay $0x3  }
0x33: {  	p0 =	seq.s32 s10, $0x1;
	s10 =	sld [smem:$0x3FB4];
	_ =	sdelay $0x3  }
0x34: {  	[smem:$0x3FB4] =	sst s10  }
0x35: {  	s10 =	sld [smem:$0x3FB3];
	_ =	sdelay $0x3  }
0x36: {  	p1 =	seq.s32 s10, $0x1;
	s10 =	sld [smem:$0x3FB4];
	_ =	sdelay $0x3  }
0x37: {  	[smem:$0x3FB4] =	sst s10  }
0x38: {  	s10 =	sld [smem:$0x3FB5]  }
0x39: {  	_ = 	snop;
	(pc) =	sbr.ind lr, $3  }
0x3a: {  	_ = 	snop  }
0x3b: {  	_ = 	snop  }
0x3c: {  	p2 =	seq.s32 s10, $0x1;
	s10 =	sld [smem:$0x3FB4]  }
0x3d: {  	_ =	shalt  }
0x3e: {  	_ =	shalt  }
0x3f: {  	_ =	shalt  }
0x40: {  	_ =	shalt  }
0x41: {  	_ =	shalt  }
0x42: {  	_ =	shalt  }
0x43: {  	_ =	shalt  }
0x44: {  	_ =	shalt  }
0x45: {  	_ =	shalt  }
0x46: {  	_ =	shalt  }
0x47: {  	_ =	shalt  }
0x48: {  	_ =	shalt  }
0x49: {  	_ =	shalt  }
0x4a: {  	_ =	shalt  }
0x4b: {  	_ =	shalt  }
0x4c: {  	_ =	shalt  }
0x4d: {  	_ =	shalt  }
0x4e: {  	_ =	shalt  }
0x4f: {  	_ =	shalt  }
0x50: {  	_ =	shalt  }
0x51: {  	_ =	shalt  }
0x52: {  	_ =	shalt  }
0x53: {  	_ =	shalt  }
0x54: {  	_ =	shalt  }
0x55: {  	_ =	shalt  }
0x56: {  	_ =	shalt  }
0x57: {  	_ =	shalt  }
0x58: {  	_ =	shalt  }
0x59: {  	_ =	shalt  }
0x5a: {  	_ =	shalt  }
0x5b: {  	_ =	shalt  }
0x5c: {  	_ =	shalt  }
0x5d: {  	_ =	shalt  }
0x5e: {  	_ =	shalt  }
0x5f: {  	_ =	shalt  }
0x60: {  	_ =	shalt  }
0x61: {  	_ =	shalt  }
0x62: {  	_ =	shalt  }
0x63: {  	_ =	shalt  }
0x64: {  	_ =	shalt  }
0x65: {  	_ =	shalt  }
0x66: {  	_ =	shalt  }
0x67: {  	_ =	shalt  }
0x68: {  	_ =	shalt  }
0x69: {  	_ =	shalt  }
0x6a: {  	_ =	shalt  }
0x6b: {  	_ =	shalt  }
0x6c: {  	_ =	shalt  }
0x6d: {  	_ =	shalt  }
0x6e: {  	_ =	shalt  }
0x6f: {  	_ =	shalt  }
0x70: {  	_ =	shalt  }
0x71: {  	_ =	shalt  }
0x72: {  	_ =	shalt  }
0x73: {  	_ =	shalt  }
0x74: {  	_ =	shalt  }
0x75: {  	_ =	shalt  }
0x76: {  	_ =	shalt  }
0x77: {  	_ =	shalt  }
0x78: {  	_ =	shalt  }
0x79: {  	_ =	shalt  }
0x7a: {  	_ =	shalt  }
0x7b: {  	_ =	shalt  }
0x7c: {  	_ =	shalt  }
0x7d: {  	_ =	shalt  }
0x7e: {  	_ =	shalt  }
0x7f: {  	_ =	shalt  }
0x80: {  	_ =	shalt  }
0x81: {  	_ =	shalt  }
0x82: {  	_ =	shalt  }
0x83: {  	_ =	shalt  }
0x84: {  	_ =	shalt  }
0x85: {  	_ =	shalt  }
0x86: {  	_ =	shalt  }
0x87: {  	_ =	shalt  }
.Lfunc_end0:
.L_simem_size_0:
called_computation.2_lowered:
.L_overlay_start_0:
0x88: {  	s2 =	sld [smem:$0x3FD9]  }
0x89: {  	s3 =	sld [smem:$0x3FFE];
	_ =	sdelay $0x1  }
0x8a: {  	s1 =	srdreg.scid  }
0x8b: {  	s0 =	sand.u32 $0x1, s1  }
0x8c: {  	s17 =	sshll.u32 s0, $0xA;
	s2 =	sadd.s32 s3, s2  }
0x8d: {  	s2 =	sadd.s32 s2, s17  }
0x8e: {  	[smem:$0x3FC0] =	sst s2  }
0x8f: {  	_ = 	snop  }
0x90: {  	(tm) =	ssettm $0x1  }
0x91: {  	s18 =	sld [smem:$0x3FFB];
	_ =	sdelay $0x3  }
0x92: {  	_ =	strace s18  }
0x93: {  	s2 =	sld [smem:$0x3FFC];
	_ =	sdelay $0x3  }
0x94: {  	_ =	strace s2  }
0x95: {  	s2 =	sld [smem:$0x3FFD];
	_ =	sdelay $0x3  }
0x96: {  	_ =	strace s2  }
0x97: {  	_ =	strace $0x8FFFFFFF  }
0x98: {  	s19 =	sld [smem:$0x3FDB];
	_ =	sdelay $0x1  }
0x99: {  	s20 =	simm.s32 $_scs_section_size  }
0x9a: {  	s4 =	simm.s32 $_size__tile_overlayer_lowered;
	s5 =	simm.s32 $_tile_overlayer_lowered  }
0x9b: {  	s6 =	simm.s32 $0x1BFF;
	s21 =	sshll.u32 s5, $0x1;
	s3 =	sadd.s32 s20, s19  }
0x9c: {  	s22 =	simm.s32 $0x0;
	s4 =	sshll.u32 s4, $0x1;
	s5 =	sadd.s32 s21, s3  }
0x9d: {  	[timem:s22], [sflag:s6] =	dma.local [hbm:s5], s4  }
0x9e: {  	_ =	swait.ge [sflag:s6], s4  }
0x9f: {  	s4 =	ssub.s32 $0x0, s4;
	[sflag:s6] =	ssyncset.done $0x0  }
0xa0: {  	[sflag:s6] =	ssyncadd.s32 s4;
	_ =	sdelay $0x1  }
0xa1: {  	s23 =	simm.s32 $0x1B8B  }
0xa2: {  	_ =	swait.ge [sflag:s23], $0x1  }
0xa3: {  	[sflag:s23] =	ssyncset.done $0x0  }
0xa4: {  	[sflag:s23] =	ssyncadd.s32 $0xFFFFFFFF  }
0xa5: {  	s4 =	sld [smem:$0x0]  }
0xa6: {  	s5 =	sand.u32 $0xFFFFFFFE, s1  }
0xa7: {  	p0 =	sne.s32 s1, s5  }
0xa8: {  	s5 =	sshll.u32 @p0 s5, $0xE  }
0xa9: {  	s5 =	sadd.s32 @p0 $0x11B8D, s5;
	s6 =	sshll.u32 @p0 s4, $0x11  }
0xaa: {  	s5 =	sor.u32 @p0 s6, s5  }
0xab: {  	[sflag:s5] =	ssyncadd.remote.s32 @p0 $0x1;
	_ =	sdelay $0x1  }
0xac: {  	s5 =	simm.s32 @p0 $0x1B8D  }
0xad: {  	_ =	swait.eq @p0 [sflag:s5], $0x1  }
0xae: {  	[sflag:s5] =	ssyncadd.s32 @p0 $0xFFFFFFFF  }
0xaf: {  	s6 =	sshll.u32 @!p0 s1, $0xE  }
0xb0: {  	s6 =	sor.u32 @!p0 $0x4000, s6;
	s5 =	simm.s32 @!p0 $0x1B8D  }
0xb1: {  	s4 =	sshll.u32 @!p0 s4, $0x11;
	s6 =	sadd.s32 @!p0 $0x11B8D, s6;
	_ =	swait.eq @!p0 [sflag:s5], $0x1  }
0xb2: {  	s4 =	sor.u32 @!p0 s4, s6;
	[sflag:s5] =	ssyncadd.s32 @!p0 $0xFFFFFFFF  }
0xb3: {  	s25 =	simm.s32 $0x1B8E;
	s24 =	sld [smem:$0x3FFE];
	[sflag:s4] =	ssyncadd.remote.s32 @!p0 $0x1  }
0xb4: {  	s26 =	simm.s32 $execute0_lowered;
	[smem:$0x3FD2] =	sst s25  }
0xb5: {  	s5 =	sshll.u32 s26, $0x1;
	_ =	strace $0x8000004C;
	[dreg:$0x1] =	wrdreg $0xFFFFFFFF  }
0xb6: {  	s28 =	simm.s32 $_size_execute0_lowered;
	s3 =	sadd.s32 s3, s5;
	[dreg:$0x0] =	wrdreg $0x0  }
0xb7: {  	s5 =	sshll.u32 s28, $0x1;
	[dreg:$0x2] =	wrdreg s3  }
0xb8: {  	[dreg:$0x3] =	wrdreg s5  }
0xb9: {  	[dreg:$0x4] =	wrdreg $0xC0  }
0xba: {  	_ =	task [dreg:s22], $0x5FFFF  }
0xbb: {  	[dreg:$0x1] =	wrdreg $0xFFFFFFFF  }
0xbc: {  	[dreg:$0x0] =	wrdreg $0x60  }
0xbd: {  	[dreg:$0x2] =	wrdreg s24  }
0xbe: {  	[dreg:$0x3] =	wrdreg $0xB  }
0xbf: {  	_ =	task.clear_ibuf [dreg:s22], $0x4FFFF;
	_ =	strace $0x9000004C  }
0xc0: {  	s29 =	simm.s32 $0xB;
	_ =	strace $0x8000004E  }
0xc1: {  	_ =	swait.ge [sflag:s29], $0x1  }
0xc2: {  	[sflag:s29] =	ssyncadd.s32 $0xFFFFFFFF  }
0xc3: {  	_ =	strace $0x9000004E  }
0xc4: {  	_ =	sfence  }
0xc5: {  	s30 =	sld [smem:$0x0];
	_ =	sdelay $0x2  }
0xc6: {  	s31 =	sshll.u32 s1, $0xD;
	s1 =	sshrl.u32 s1, $0x2  }
0xc7: {  	s4 =	sand.u32 $0x4000, s31;
	s1 =	sadd.s32 s1, s30  }
0xc8: {  	s0 =	sor.u32 s4, s0;
	s1 =	sshll.u32 s1, $0x11  }
0xc9: {  	s0 =	sor.u32 s1, s0  }
0xca: {  	s0 =	sadd.s32 $0x8F2B, s0  }
0xcb: {  	[sflag:s0] =	ssyncadd.remote.s32 $0x1  }
0xcc: {  	_ =	sfence.sel $0xFFFF  }
0xcd: {  	[dreg:$0x0] =	wrdreg $0xFFFFFFFF;
	(pc) =	sbr.abs _section_cstart, $3  }
0xce: {  	[dreg:$0x1] =	wrdreg $0xFFFFFFFF  }
0xcf: {  	_ =	task.clear_ibuf [dreg:s22], $0x2FFFF;
	_ =	strace $0x9FFFFFFF  }
0xd0: {  	(tm) =	ssettm $0x7FFFFFFF  }
0xd1: {  	_ =	shalt  }
tec
execute0_lowered:
.L_overlay_start_1:
0x0: {  	(tag) =	ssettag $0x1  }
0x1: {  	s1 =	srdreg.scid;
	s0 =	stileid.u32  }
0x2: {  	s4 =	rddreg [dreg:$0x0];
	s9 =	simm.s32 $0x200;
	s28 =	simm.s32 $0x4400  }
0x3: {  	s29 =	simm.s32 $0x180;
	s30 =	simm.s32 $0x6400;
	s14 =	simm.s32 $0x2  }
0x4: {  	s15 =	simm.s32 $0x280;
	s16 =	simm.s32 $0xA400;
	s17 =	simm.s32 $0x300  }
0x5: {  	p0 =	por $0x0, $0x0;
	s1 =	sand.u32 $0x1, s1;
	s2 =	sshll.u32 s0, $0x1  }
0x6: {  	s13 =	simm.s32 $0x5;
	s12 =	simm.s32 $0x6;
	s3 =	sor.u32 s1, s2  }
0x7: {  	s7 =	sadd.s32 $0x189000, s4;
	s2 =	simm.s32 $0x0;
	s5 =	smul.u32 $0x180, s3  }
0x8: {  	s1 =	ssub.s32 $0x2, s1;
	[smem:$0x7FF] =	sst s2;
	s6 =	smul.u32 $0xC00, s3  }
0x9: {  	s8 =	smul.u32 $0x30000, s3;
	s3 =	sadd.s32 $0x3A00, s4;
	s23 =	sshrl.u32 s1, $0x1  }
0xa: {  	_ =	strace $0x8000004D;
	s1 =	ssub.s32 s1, s23;
	s31 =	sadd.s32 s7, s5  }
0xb: {  	s18 =	sshrl.u32 s6, $0x3;
	s19 =	sshrl.u32 s8, $0x3;
	s1 =	smax.u32 s1, $0x1  }
0xc: {  	s6 =	simm.s32 $0x400;
	s8 =	simm.s32 $0x8400;
	s20 =	sadd.s32 $0x40, s31  }
0xd: {  	s5 =	sadd.s32 s7, s18;
	s4 =	sadd.s32 s19, s4;
	s7 =	simm.s32 $0x80  }
0xe: {  	s18 =	simm.s32 $0xC400;
	p1 =	sne.s32 s1, $0x1;
	s0 =	sadd.s32 $0xFFFFFFFF, s1  }
0xf: {  	s19 =	simm.s32 $0x4;
	[dreg:$0x2] =	wrdreg s20;
	s21 =	sadd.s32 $0x80, s5  }
0x10: {  	s22 =	sadd.s32 $0x18C000, s4;
	s24 =	sadd.s32 $0xC0, s5;
	s25 =	sadd.s32 $0x18D000, s4  }
0x11: {  	s26 =	sadd.s32 $0x100, s5;
	s23 =	sadd.s32 $0x18E000, s4;
	[dreg:$0x3] =	wrdreg s21  }
.Ltmp0:
0x12: {  	s10 =	sadd.s32 $0x140, s5;
	[dreg:$0x4] =	wrdreg s22;
	(pc) =	sbr.rel @!p1 .LBB2_3-.Ltmp0, $4  }
0x13: {  	s11 =	sadd.s32 $0x18F000, s4;
	s5 =	sadd.s32 $0x190000, s4;
	[dreg:$0x5] =	wrdreg s24  }
0x14: {  	s4 =	sadd.s32 $0x191000, s4;
	s20 =	simm.s32 $0x3;
	[dreg:$0x6] =	wrdreg s25  }
0x15: {  	[dreg:$0x7] =	wrdreg s26;
	s24 =	simm.s32 $0x1;
	s25 =	simm.s32 $0x2400  }
0x16: {  	s26 =	simm.s32 $0x100;
	s21 =	simm.s32 $0x380;
	s22 =	simm.s32 $0xE400  }
0x17: {  	[dreg:$0x8] =	wrdreg s0  }
0x18: {  	[tilespmem:s2], [sflag:$0x1] =	stream.linear.gather [hbm4b:s31+s2], $0x200, $0x38;
	[tilespmem:$0x10400] =	vst v63  }
0x19: {  	s1 =	rddreg [dreg:$0x2]  }
0x1a: {  	[tilespmem:s9], [sflag:$0x2] =	stream.linear.gather [hbm4b:s1+s2], $0x200, $0x38;
	[tilespmem:$0x10400] =	vst v63  }
0x1b: {  	_ =	swait.ge [sflag:s24], $0x200  }
0x1c: {  	[sflag:s24] =	ssyncset.done $0x0  }
0x1d: {  	[sflag:s24] =	ssyncadd.s32 $0xFFFFFE00  }
0x1e: {  	[tilespmem:s6], [sflag:$0x3] =	stream.indirect.gather [hbm4b:s3+s7], $0x40, s2, s7, $0xb8;
	[tilespmem:$0x10400] =	vst v63  }
0x1f: {  	_ = 	snop  }
0x20: {  	[tilespmem:s25], [sflag:$0x3] =	stream.indirect.gather [hbm4b:s3+s7], $0x40, s7, s7, $0xb8;
	[tilespmem:$0x10400] =	vst v63  }
0x21: {  	_ = 	snop  }
0x22: {  	[tilespmem:s28], [sflag:$0x3] =	stream.indirect.gather [hbm4b:s3+s7], $0x40, s26, s7, $0xb8;
	[tilespmem:$0x10400] =	vst v63  }
0x23: {  	_ = 	snop  }
0x24: {  	[tilespmem:s30], [sflag:$0x3] =	stream.indirect.gather [hbm4b:s3+s7], $0x40, s29, s7, $0xb8;
	[tilespmem:$0x10400] =	vst v63  }
0x25: {  	_ =	swait.ge [sflag:s14], $0x200  }
0x26: {  	[sflag:s14] =	ssyncset.done $0x0  }
0x27: {  	[sflag:s14] =	ssyncadd.s32 $0xFFFFFE00  }
0x28: {  	[tilespmem:s8], [sflag:$0x4] =	stream.indirect.gather [hbm4b:s3+s7], $0x40, s9, s7, $0xb8;
	[tilespmem:$0x10400] =	vst v63  }
0x29: {  	_ = 	snop  }
0x2a: {  	[tilespmem:s16], [sflag:$0x4] =	stream.indirect.gather [hbm4b:s3+s7], $0x40, s15, s7, $0xb8;
	[tilespmem:$0x10400] =	vst v63  }
0x2b: {  	_ = 	snop  }
0x2c: {  	[tilespmem:s18], [sflag:$0x4] =	stream.indirect.gather [hbm4b:s3+s7], $0x40, s17, s7, $0xb8;
	[tilespmem:$0x10400] =	vst v63  }
0x2d: {  	_ = 	snop  }
0x2e: {  	[tilespmem:s22], [sflag:$0x4] =	stream.indirect.gather [hbm4b:s3+s7], $0x40, s21, s7, $0xb8;
	[tilespmem:$0x10400] =	vst v63  }
0x2f: {  	_ =	swait.ge [sflag:s20], $0x8000  }
0x30: {  	[sflag:s20] =	ssyncset.done $0x0  }
0x31: {  	s0 =	rddreg [dreg:$0x3];
	[sflag:s20] =	ssyncadd.s32 $0xFFFF8000  }
0x32: {  	[tilespmem:s2], [sflag:$0x1] =	stream.linear.gather [hbm4b:s0+s2], $0x200, $0x38;
	[tilespmem:$0x10400] =	vst v63  }
0x33: {  	s1 =	rddreg [dreg:$0x4]  }
0x34: {  	[hbm4b:s1+s2] =	stream.linear.scatter [tilespmem:s6], [sflag:$0x5], $0x8000, $0x38;
	[tilespmem:$0x10400] =	vst v63  }
0x35: {  	_ =	swait.ge [sflag:s13], $0x8000  }
0x36: {  	[sflag:s13] =	ssyncset.done $0x0  }
0x37: {  	[sflag:s13] =	ssyncadd.s32 $0xFFFF8000  }
0x38: {  	_ =	swait.ge [sflag:s24], $0x200  }
0x39: {  	[sflag:s24] =	ssyncset.done $0x0  }
0x3a: {  	[sflag:s24] =	ssyncadd.s32 $0xFFFFFE00  }
0x3b: {  	[tilespmem:s6], [sflag:$0x3] =	stream.indirect.gather [hbm4b:s3+s7], $0x40, s2, s7, $0xb8;
	[tilespmem:$0x10400] =	vst v63  }
0x3c: {  	_ = 	snop  }
0x3d: {  	[tilespmem:s25], [sflag:$0x3] =	stream.indirect.gather [hbm4b:s3+s7], $0x40, s7, s7, $0xb8;
	[tilespmem:$0x10400] =	vst v63  }
0x3e: {  	_ = 	snop  }
0x3f: {  	[tilespmem:s28], [sflag:$0x3] =	stream.indirect.gather [hbm4b:s3+s7], $0x40, s26, s7, $0xb8;
	[tilespmem:$0x10400] =	vst v63  }
0x40: {  	_ = 	snop  }
0x41: {  	[tilespmem:s30], [sflag:$0x3] =	stream.indirect.gather [hbm4b:s3+s7], $0x40, s29, s7, $0xb8;
	[tilespmem:$0x10400] =	vst v63  }
0x42: {  	_ =	swait.ge [sflag:s19], $0x8000  }
0x43: {  	[sflag:s19] =	ssyncset.done $0x0  }
0x44: {  	s0 =	rddreg [dreg:$0x5];
	[sflag:s19] =	ssyncadd.s32 $0xFFFF8000  }
0x45: {  	[tilespmem:s9], [sflag:$0x2] =	stream.linear.gather [hbm4b:s0+s2], $0x200, $0x38;
	[tilespmem:$0x10400] =	vst v63  }
0x46: {  	s1 =	rddreg [dreg:$0x6]  }
0x47: {  	[hbm4b:s1+s2] =	stream.linear.scatter [tilespmem:s8], [sflag:$0x6], $0x8000, $0x38;
	[tilespmem:$0x10400] =	vst v63  }
0x48: {  	_ =	swait.ge [sflag:s12], $0x8000  }
0x49: {  	[sflag:s12] =	ssyncset.done $0x0  }
0x4a: {  	[sflag:s12] =	ssyncadd.s32 $0xFFFF8000  }
0x4b: {  	_ =	swait.ge [sflag:s14], $0x200  }
0x4c: {  	[sflag:s14] =	ssyncset.done $0x0  }
0x4d: {  	[sflag:s14] =	ssyncadd.s32 $0xFFFFFE00  }
0x4e: {  	[tilespmem:s8], [sflag:$0x4] =	stream.indirect.gather [hbm4b:s3+s7], $0x40, s9, s7, $0xb8;
	[tilespmem:$0x10400] =	vst v63  }
0x4f: {  	_ = 	snop  }
0x50: {  	[tilespmem:s16], [sflag:$0x4] =	stream.indirect.gather [hbm4b:s3+s7], $0x40, s15, s7, $0xb8;
	[tilespmem:$0x10400] =	vst v63  }
0x51: {  	_ = 	snop  }
0x52: {  	[tilespmem:s18], [sflag:$0x4] =	stream.indirect.gather [hbm4b:s3+s7], $0x40, s17, s7, $0xb8;
	[tilespmem:$0x10400] =	vst v63  }
0x53: {  	_ = 	snop  }
0x54: {  	[tilespmem:s22], [sflag:$0x4] =	stream.indirect.gather [hbm4b:s3+s7], $0x40, s21, s7, $0xb8;
	[tilespmem:$0x10400] =	vst v63  }
0x55: {  	_ =	swait.ge [sflag:s20], $0x8000  }
0x56: {  	[sflag:s20] =	ssyncset.done $0x0  }
0x57: {  	s1 =	rddreg [dreg:$0x7];
	[sflag:s20] =	ssyncadd.s32 $0xFFFF8000  }
0x58: {  	[tilespmem:s2], [sflag:$0x1] =	stream.linear.gather [hbm4b:s1+s2], $0x200, $0x38;
	[tilespmem:$0x10400] =	vst v63  }
0x59: {  	_ = 	snop  }
0x5a: {  	[hbm4b:s23+s2] =	stream.linear.scatter [tilespmem:s6], [sflag:$0x5], $0x8000, $0x38;
	[tilespmem:$0x10400] =	vst v63  }
0x5b: {  	_ =	swait.ge [sflag:s13], $0x8000  }
0x5c: {  	[sflag:s13] =	ssyncset.done $0x0  }
0x5d: {  	[sflag:s13] =	ssyncadd.s32 $0xFFFF8000  }
0x5e: {  	_ =	swait.ge [sflag:s24], $0x200  }
0x5f: {  	[sflag:s24] =	ssyncset.done $0x0  }
0x60: {  	[sflag:s24] =	ssyncadd.s32 $0xFFFFFE00  }
0x61: {  	[tilespmem:s6], [sflag:$0x3] =	stream.indirect.gather [hbm4b:s3+s7], $0x40, s2, s7, $0xb8;
	[tilespmem:$0x10400] =	vst v63  }
0x62: {  	_ = 	snop  }
0x63: {  	[tilespmem:s25], [sflag:$0x3] =	stream.indirect.gather [hbm4b:s3+s7], $0x40, s7, s7, $0xb8;
	[tilespmem:$0x10400] =	vst v63  }
0x64: {  	_ = 	snop  }
0x65: {  	[tilespmem:s28], [sflag:$0x3] =	stream.indirect.gather [hbm4b:s3+s7], $0x40, s26, s7, $0xb8;
	[tilespmem:$0x10400] =	vst v63  }
0x66: {  	_ = 	snop  }
0x67: {  	[tilespmem:s30], [sflag:$0x3] =	stream.indirect.gather [hbm4b:s3+s7], $0x40, s29, s7, $0xb8;
	[tilespmem:$0x10400] =	vst v63  }
0x68: {  	_ =	swait.ge [sflag:s19], $0x8000  }
0x69: {  	[sflag:s19] =	ssyncset.done $0x0  }
0x6a: {  	[sflag:s19] =	ssyncadd.s32 $0xFFFF8000  }
0x6b: {  	[tilespmem:s9], [sflag:$0x2] =	stream.linear.gather [hbm4b:s10+s2], $0x200, $0x38;
	[tilespmem:$0x10400] =	vst v63  }
0x6c: {  	_ = 	snop  }
0x6d: {  	[hbm4b:s11+s2] =	stream.linear.scatter [tilespmem:s8], [sflag:$0x6], $0x8000, $0x38;
	[tilespmem:$0x10400] =	vst v63  }
0x6e: {  	_ =	swait.ge [sflag:s12], $0x8000  }
0x6f: {  	[sflag:s12] =	ssyncset.done $0x0  }
0x70: {  	[sflag:s12] =	ssyncadd.s32 $0xFFFF8000  }
0x71: {  	_ =	swait.ge [sflag:s14], $0x200  }
0x72: {  	[sflag:s14] =	ssyncset.done $0x0  }
0x73: {  	[sflag:s14] =	ssyncadd.s32 $0xFFFFFE00  }
0x74: {  	[tilespmem:s8], [sflag:$0x4] =	stream.indirect.gather [hbm4b:s3+s7], $0x40, s9, s7, $0xb8;
	[tilespmem:$0x10400] =	vst v63  }
0x75: {  	_ = 	snop  }
0x76: {  	[tilespmem:s16], [sflag:$0x4] =	stream.indirect.gather [hbm4b:s3+s7], $0x40, s15, s7, $0xb8;
	[tilespmem:$0x10400] =	vst v63  }
0x77: {  	_ = 	snop  }
0x78: {  	[tilespmem:s18], [sflag:$0x4] =	stream.indirect.gather [hbm4b:s3+s7], $0x40, s17, s7, $0xb8;
	[tilespmem:$0x10400] =	vst v63  }
0x79: {  	_ = 	snop  }
0x7a: {  	[tilespmem:s22], [sflag:$0x4] =	stream.indirect.gather [hbm4b:s3+s7], $0x40, s21, s7, $0xb8;
	[tilespmem:$0x10400] =	vst v63  }
0x7b: {  	_ =	swait.ge [sflag:s20], $0x8000  }
0x7c: {  	[sflag:s20] =	ssyncset.done $0x0  }
0x7d: {  	[sflag:s20] =	ssyncadd.s32 $0xFFFF8000  }
0x7e: {  	[hbm4b:s5+s2] =	stream.linear.scatter [tilespmem:s6], [sflag:$0x5], $0x8000, $0x38;
	[tilespmem:$0x10400] =	vst v63  }
0x7f: {  	_ =	swait.ge [sflag:s19], $0x8000  }
0x80: {  	[sflag:s19] =	ssyncset.done $0x0  }
0x81: {  	[sflag:s19] =	ssyncadd.s32 $0xFFFF8000  }
0x82: {  	[hbm4b:s4+s2] =	stream.linear.scatter [tilespmem:s8], [sflag:$0x6], $0x8000, $0x38;
	[tilespmem:$0x10400] =	vst v63  }
0x83: {  	_ =	swait.ge [sflag:s13], $0x8000  }
0x84: {  	s1 =	rddreg [dreg:$0x8]  }
0x85: {  	p1 =	sne.s32 s1, $0x1  }
.Ltmp1:
0x86: {  	_ = 	snop;
	(pc) =	sbr.rel @!p1 .LBB2_3-.Ltmp1, $4  }
0x87: {  	[sflag:s13] =	ssyncset.done $0x0  }
0x88: {  	[sflag:s13] =	ssyncadd.s32 $0xFFFF8000  }
0x89: {  	_ =	swait.ge [sflag:s12], $0x8000  }
0x8a: {  	p0 =	por $0x1, $0x1;
	s1 =	sadd.s32 $0xFFFFFFFF, s1;
	[sflag:s12] =	ssyncset.done $0x0  }
.LBB2_2:
0x8b: {  	[sflag:s12] =	ssyncadd.s32 $0xFFFF8000  }
0x8c: {  	[tilespmem:s2], [sflag:$0x1] =	stream.linear.gather [hbm4b:s31+s2], $0x200, $0x38;
	[tilespmem:$0x10400] =	vst v63  }
0x8d: {  	s0 =	rddreg [dreg:$0x2]  }
0x8e: {  	[tilespmem:s9], [sflag:$0x2] =	stream.linear.gather [hbm4b:s0+s2], $0x200, $0x38;
	[tilespmem:$0x10400] =	vst v63  }
0x8f: {  	_ =	swait.ge [sflag:s24], $0x200  }
0x90: {  	[sflag:s24] =	ssyncset.done $0x0  }
0x91: {  	[sflag:s24] =	ssyncadd.s32 $0xFFFFFE00  }
0x92: {  	[tilespmem:s6], [sflag:$0x3] =	stream.indirect.gather [hbm4b:s3+s7], $0x40, s2, s7, $0xb8;
	[tilespmem:$0x10400] =	vst v63  }
0x93: {  	_ = 	snop  }
0x94: {  	[tilespmem:s25], [sflag:$0x3] =	stream.indirect.gather [hbm4b:s3+s7], $0x40, s7, s7, $0xb8;
	[tilespmem:$0x10400] =	vst v63  }
0x95: {  	_ = 	snop  }
0x96: {  	[tilespmem:s28], [sflag:$0x3] =	stream.indirect.gather [hbm4b:s3+s7], $0x40, s26, s7, $0xb8;
	[tilespmem:$0x10400] =	vst v63  }
0x97: {  	_ = 	snop  }
0x98: {  	[tilespmem:s30], [sflag:$0x3] =	stream.indirect.gather [hbm4b:s3+s7], $0x40, s29, s7, $0xb8;
	[tilespmem:$0x10400] =	vst v63  }
0x99: {  	_ =	swait.ge [sflag:s14], $0x200  }
0x9a: {  	[sflag:s14] =	ssyncset.done $0x0  }
0x9b: {  	[sflag:s14] =	ssyncadd.s32 $0xFFFFFE00  }
0x9c: {  	[tilespmem:s8], [sflag:$0x4] =	stream.indirect.gather [hbm4b:s3+s7], $0x40, s9, s7, $0xb8;
	[tilespmem:$0x10400] =	vst v63  }
0x9d: {  	_ = 	snop  }
0x9e: {  	[tilespmem:s16], [sflag:$0x4] =	stream.indirect.gather [hbm4b:s3+s7], $0x40, s15, s7, $0xb8;
	[tilespmem:$0x10400] =	vst v63  }
0x9f: {  	_ = 	snop  }
0xa0: {  	[tilespmem:s18], [sflag:$0x4] =	stream.indirect.gather [hbm4b:s3+s7], $0x40, s17, s7, $0xb8;
	[tilespmem:$0x10400] =	vst v63  }
0xa1: {  	_ = 	snop  }
0xa2: {  	[tilespmem:s22], [sflag:$0x4] =	stream.indirect.gather [hbm4b:s3+s7], $0x40, s21, s7, $0xb8;
	[tilespmem:$0x10400] =	vst v63  }
0xa3: {  	s15 =	smov.u32 s31;
	_ =	swait.ge [sflag:s20], $0x8000  }
0xa4: {  	s31 =	smov.u32 s23;
	s23 =	smov.u32 s11;
	[sflag:s20] =	ssyncset.done $0x0  }
0xa5: {  	s11 =	smov.u32 s10;
	s0 =	rddreg [dreg:$0x3];
	[sflag:s20] =	ssyncadd.s32 $0xFFFF8000  }
0xa6: {  	[tilespmem:s2], [sflag:$0x1] =	stream.linear.gather [hbm4b:s0+s2], $0x200, $0x38;
	[tilespmem:$0x10400] =	vst v63  }
0xa7: {  	s10 =	smov.u32 s5;
	s5 =	smov.u32 s4;
	s4 =	rddreg [dreg:$0x4]  }
0xa8: {  	[hbm4b:s4+s2] =	stream.linear.scatter [tilespmem:s6], [sflag:$0x5], $0x8000, $0x38;
	[tilespmem:$0x10400] =	vst v63  }
0xa9: {  	_ =	swait.ge [sflag:s13], $0x8000  }
0xaa: {  	[sflag:s13] =	ssyncset.done $0x0  }
0xab: {  	[sflag:s13] =	ssyncadd.s32 $0xFFFF8000  }
0xac: {  	_ =	swait.ge [sflag:s24], $0x200  }
0xad: {  	[sflag:s24] =	ssyncset.done $0x0  }
0xae: {  	[sflag:s24] =	ssyncadd.s32 $0xFFFFFE00  }
0xaf: {  	[tilespmem:s6], [sflag:$0x3] =	stream.indirect.gather [hbm4b:s3+s7], $0x40, s2, s7, $0xb8;
	[tilespmem:$0x10400] =	vst v63  }
0xb0: {  	_ = 	snop  }
0xb1: {  	[tilespmem:s25], [sflag:$0x3] =	stream.indirect.gather [hbm4b:s3+s7], $0x40, s7, s7, $0xb8;
	[tilespmem:$0x10400] =	vst v63  }
0xb2: {  	_ = 	snop  }
0xb3: {  	[tilespmem:s28], [sflag:$0x3] =	stream.indirect.gather [hbm4b:s3+s7], $0x40, s26, s7, $0xb8;
	[tilespmem:$0x10400] =	vst v63  }
0xb4: {  	_ = 	snop  }
0xb5: {  	[tilespmem:s30], [sflag:$0x3] =	stream.indirect.gather [hbm4b:s3+s7], $0x40, s29, s7, $0xb8;
	[tilespmem:$0x10400] =	vst v63  }
0xb6: {  	_ =	swait.ge [sflag:s19], $0x8000  }
0xb7: {  	[sflag:s19] =	ssyncset.done $0x0  }
0xb8: {  	s0 =	rddreg [dreg:$0x5];
	[sflag:s19] =	ssyncadd.s32 $0xFFFF8000  }
0xb9: {  	[tilespmem:s9], [sflag:$0x2] =	stream.linear.gather [hbm4b:s0+s2], $0x200, $0x38;
	[tilespmem:$0x10400] =	vst v63  }
0xba: {  	s4 =	rddreg [dreg:$0x6]  }
0xbb: {  	[hbm4b:s4+s2] =	stream.linear.scatter [tilespmem:s8], [sflag:$0x6], $0x8000, $0x38;
	[tilespmem:$0x10400] =	vst v63  }
0xbc: {  	_ =	swait.ge [sflag:s12], $0x8000  }
0xbd: {  	[sflag:s12] =	ssyncset.done $0x0  }
0xbe: {  	[sflag:s12] =	ssyncadd.s32 $0xFFFF8000  }
0xbf: {  	_ =	swait.ge [sflag:s14], $0x200  }
0xc0: {  	s4 =	smov.u32 s5;
	s5 =	smov.u32 s10;
	[sflag:s14] =	ssyncset.done $0x0  }
0xc1: {  	s10 =	smov.u32 s11;
	s11 =	smov.u32 s23;
	[sflag:s14] =	ssyncadd.s32 $0xFFFFFE00  }
0xc2: {  	[tilespmem:s8], [sflag:$0x4] =	stream.indirect.gather [hbm4b:s3+s7], $0x40, s9, s7, $0xb8;
	[tilespmem:$0x10400] =	vst v63  }
0xc3: {  	s23 =	smov.u32 s31;
	s31 =	smov.u32 s15;
	s15 =	simm.s32 $0x280  }
0xc4: {  	[tilespmem:s16], [sflag:$0x4] =	stream.indirect.gather [hbm4b:s3+s7], $0x40, s15, s7, $0xb8;
	[tilespmem:$0x10400] =	vst v63  }
0xc5: {  	_ = 	snop  }
0xc6: {  	[tilespmem:s18], [sflag:$0x4] =	stream.indirect.gather [hbm4b:s3+s7], $0x40, s17, s7, $0xb8;
	[tilespmem:$0x10400] =	vst v63  }
0xc7: {  	_ = 	snop  }
0xc8: {  	[tilespmem:s22], [sflag:$0x4] =	stream.indirect.gather [hbm4b:s3+s7], $0x40, s21, s7, $0xb8;
	[tilespmem:$0x10400] =	vst v63  }
0xc9: {  	_ =	swait.ge [sflag:s20], $0x8000  }
0xca: {  	[sflag:s20] =	ssyncset.done $0x0  }
0xcb: {  	s0 =	rddreg [dreg:$0x7];
	[sflag:s20] =	ssyncadd.s32 $0xFFFF8000  }
0xcc: {  	[tilespmem:s2], [sflag:$0x1] =	stream.linear.gather [hbm4b:s0+s2], $0x200, $0x38;
	[tilespmem:$0x10400] =	vst v63  }
0xcd: {  	_ = 	snop  }
0xce: {  	[hbm4b:s23+s2] =	stream.linear.scatter [tilespmem:s6], [sflag:$0x5], $0x8000, $0x38;
	[tilespmem:$0x10400] =	vst v63  }
0xcf: {  	_ =	swait.ge [sflag:s13], $0x8000  }
0xd0: {  	[sflag:s13] =	ssyncset.done $0x0  }
0xd1: {  	[sflag:s13] =	ssyncadd.s32 $0xFFFF8000  }
0xd2: {  	_ =	swait.ge [sflag:s24], $0x200  }
0xd3: {  	[sflag:s24] =	ssyncset.done $0x0  }
0xd4: {  	[sflag:s24] =	ssyncadd.s32 $0xFFFFFE00  }
0xd5: {  	[tilespmem:s6], [sflag:$0x3] =	stream.indirect.gather [hbm4b:s3+s7], $0x40, s2, s7, $0xb8;
	[tilespmem:$0x10400] =	vst v63  }
0xd6: {  	_ = 	snop  }
0xd7: {  	[tilespmem:s25], [sflag:$0x3] =	stream.indirect.gather [hbm4b:s3+s7], $0x40, s7, s7, $0xb8;
	[tilespmem:$0x10400] =	vst v63  }
0xd8: {  	_ = 	snop  }
0xd9: {  	[tilespmem:s28], [sflag:$0x3] =	stream.indirect.gather [hbm4b:s3+s7], $0x40, s26, s7, $0xb8;
	[tilespmem:$0x10400] =	vst v63  }
0xda: {  	_ = 	snop  }
0xdb: {  	[tilespmem:s30], [sflag:$0x3] =	stream.indirect.gather [hbm4b:s3+s7], $0x40, s29, s7, $0xb8;
	[tilespmem:$0x10400] =	vst v63  }
0xdc: {  	_ =	swait.ge [sflag:s19], $0x8000  }
0xdd: {  	[sflag:s19] =	ssyncset.done $0x0  }
0xde: {  	[sflag:s19] =	ssyncadd.s32 $0xFFFF8000  }
0xdf: {  	[tilespmem:s9], [sflag:$0x2] =	stream.linear.gather [hbm4b:s10+s2], $0x200, $0x38;
	[tilespmem:$0x10400] =	vst v63  }
0xe0: {  	_ = 	snop  }
0xe1: {  	[hbm4b:s11+s2] =	stream.linear.scatter [tilespmem:s8], [sflag:$0x6], $0x8000, $0x38;
	[tilespmem:$0x10400] =	vst v63  }
0xe2: {  	_ =	swait.ge [sflag:s12], $0x8000  }
0xe3: {  	[sflag:s12] =	ssyncset.done $0x0  }
0xe4: {  	[sflag:s12] =	ssyncadd.s32 $0xFFFF8000  }
0xe5: {  	_ =	swait.ge [sflag:s14], $0x200  }
0xe6: {  	[sflag:s14] =	ssyncset.done $0x0  }
0xe7: {  	[sflag:s14] =	ssyncadd.s32 $0xFFFFFE00  }
0xe8: {  	[tilespmem:s8], [sflag:$0x4] =	stream.indirect.gather [hbm4b:s3+s7], $0x40, s9, s7, $0xb8;
	[tilespmem:$0x10400] =	vst v63  }
0xe9: {  	_ = 	snop  }
0xea: {  	[tilespmem:s16], [sflag:$0x4] =	stream.indirect.gather [hbm4b:s3+s7], $0x40, s15, s7, $0xb8;
	[tilespmem:$0x10400] =	vst v63  }
0xeb: {  	_ = 	snop  }
0xec: {  	[tilespmem:s18], [sflag:$0x4] =	stream.indirect.gather [hbm4b:s3+s7], $0x40, s17, s7, $0xb8;
	[tilespmem:$0x10400] =	vst v63  }
0xed: {  	_ = 	snop  }
0xee: {  	[tilespmem:s22], [sflag:$0x4] =	stream.indirect.gather [hbm4b:s3+s7], $0x40, s21, s7, $0xb8;
	[tilespmem:$0x10400] =	vst v63  }
0xef: {  	_ =	swait.ge [sflag:s20], $0x8000  }
0xf0: {  	[sflag:s20] =	ssyncset.done $0x0  }
0xf1: {  	[sflag:s20] =	ssyncadd.s32 $0xFFFF8000  }
0xf2: {  	[hbm4b:s5+s2] =	stream.linear.scatter [tilespmem:s6], [sflag:$0x5], $0x8000, $0x38;
	[tilespmem:$0x10400] =	vst v63  }
0xf3: {  	_ =	swait.ge [sflag:s19], $0x8000  }
0xf4: {  	[sflag:s19] =	ssyncset.done $0x0  }
0xf5: {  	p1 =	sne.s32 s1, $0x1;
	[sflag:s19] =	ssyncadd.s32 $0xFFFF8000  }
0xf6: {  	[hbm4b:s4+s2] =	stream.linear.scatter [tilespmem:s8], [sflag:$0x6], $0x8000, $0x38;
	[tilespmem:$0x10400] =	vst v63  }
.Ltmp2:
0xf7: {  	_ =	swait.ge [sflag:s13], $0x8000;
	(pc) =	sbr.rel @p1 .LBB2_2-.Ltmp2, $4  }
0xf8: {  	[sflag:s13] =	ssyncset.done $0x0  }
0xf9: {  	[sflag:s13] =	ssyncadd.s32 $0xFFFF8000  }
0xfa: {  	_ =	swait.ge [sflag:s12], $0x8000  }
0xfb: {  	s1 =	sadd.s32 $0xFFFFFFFF, s1;
	[sflag:s12] =	ssyncset.done $0x0  }
.LBB2_3:
0xfc: {  	[sflag:s12] =	ssyncadd.s32 @p0 $0xFFFF8000  }
0xfd: {  	[tilespmem:s2], [sflag:$0x1] =	stream.linear.gather [hbm4b:s31+s2], $0x200, $0x38;
	[tilespmem:$0x10400] =	vst v63  }
0xfe: {  	s0 =	rddreg [dreg:$0x2]  }
0xff: {  	[tilespmem:s9], [sflag:$0x2] =	stream.linear.gather [hbm4b:s0+s2], $0x200, $0x38;
	[tilespmem:$0x10400] =	vst v63  }
0x100: {  	_ =	swait.ge [sflag:s24], $0x200  }
0x101: {  	[sflag:s24] =	ssyncset.done $0x0  }
0x102: {  	[sflag:s24] =	ssyncadd.s32 $0xFFFFFE00  }
0x103: {  	[tilespmem:s6], [sflag:$0x3] =	stream.indirect.gather [hbm4b:s3+s7], $0x40, s2, s7, $0xb8;
	[tilespmem:$0x10400] =	vst v63  }
0x104: {  	_ = 	snop  }
0x105: {  	[tilespmem:s25], [sflag:$0x3] =	stream.indirect.gather [hbm4b:s3+s7], $0x40, s7, s7, $0xb8;
	[tilespmem:$0x10400] =	vst v63  }
0x106: {  	_ = 	snop  }
0x107: {  	[tilespmem:s28], [sflag:$0x3] =	stream.indirect.gather [hbm4b:s3+s7], $0x40, s26, s7, $0xb8;
	[tilespmem:$0x10400] =	vst v63  }
0x108: {  	_ = 	snop  }
0x109: {  	[tilespmem:s30], [sflag:$0x3] =	stream.indirect.gather [hbm4b:s3+s7], $0x40, s29, s7, $0xb8;
	[tilespmem:$0x10400] =	vst v63  }
0x10a: {  	_ =	swait.ge [sflag:s14], $0x200  }
0x10b: {  	[sflag:s14] =	ssyncset.done $0x0  }
0x10c: {  	[sflag:s14] =	ssyncadd.s32 $0xFFFFFE00  }
0x10d: {  	[tilespmem:s8], [sflag:$0x4] =	stream.indirect.gather [hbm4b:s3+s7], $0x40, s9, s7, $0xb8;
	[tilespmem:$0x10400] =	vst v63  }
0x10e: {  	_ = 	snop  }
0x10f: {  	[tilespmem:s16], [sflag:$0x4] =	stream.indirect.gather [hbm4b:s3+s7], $0x40, s15, s7, $0xb8;
	[tilespmem:$0x10400] =	vst v63  }
0x110: {  	_ = 	snop  }
0x111: {  	[tilespmem:s18], [sflag:$0x4] =	stream.indirect.gather [hbm4b:s3+s7], $0x40, s17, s7, $0xb8;
	[tilespmem:$0x10400] =	vst v63  }
0x112: {  	_ = 	snop  }
0x113: {  	[tilespmem:s22], [sflag:$0x4] =	stream.indirect.gather [hbm4b:s3+s7], $0x40, s21, s7, $0xb8;
	[tilespmem:$0x10400] =	vst v63  }
0x114: {  	_ =	swait.ge [sflag:s20], $0x8000  }
0x115: {  	[sflag:s20] =	ssyncset.done $0x0  }
0x116: {  	s31 =	rddreg [dreg:$0x3];
	[sflag:s20] =	ssyncadd.s32 $0xFFFF8000  }
0x117: {  	[tilespmem:s2], [sflag:$0x1] =	stream.linear.gather [hbm4b:s31+s2], $0x200, $0x38;
	[tilespmem:$0x10400] =	vst v63  }
0x118: {  	s1 =	rddreg [dreg:$0x4]  }
0x119: {  	[hbm4b:s1+s2] =	stream.linear.scatter [tilespmem:s6], [sflag:$0x5], $0x8000, $0x38;
	[tilespmem:$0x10400] =	vst v63  }
0x11a: {  	_ =	swait.ge [sflag:s13], $0x8000  }
0x11b: {  	[sflag:s13] =	ssyncset.done $0x0  }
0x11c: {  	[sflag:s13] =	ssyncadd.s32 $0xFFFF8000  }
0x11d: {  	_ =	swait.ge [sflag:s24], $0x200  }
0x11e: {  	[sflag:s24] =	ssyncset.done $0x0  }
0x11f: {  	[sflag:s24] =	ssyncadd.s32 $0xFFFFFE00  }
0x120: {  	[tilespmem:s6], [sflag:$0x3] =	stream.indirect.gather [hbm4b:s3+s7], $0x40, s2, s7, $0xb8;
	[tilespmem:$0x10400] =	vst v63  }
0x121: {  	_ = 	snop  }
0x122: {  	[tilespmem:s25], [sflag:$0x3] =	stream.indirect.gather [hbm4b:s3+s7], $0x40, s7, s7, $0xb8;
	[tilespmem:$0x10400] =	vst v63  }
0x123: {  	_ = 	snop  }
0x124: {  	[tilespmem:s28], [sflag:$0x3] =	stream.indirect.gather [hbm4b:s3+s7], $0x40, s26, s7, $0xb8;
	[tilespmem:$0x10400] =	vst v63  }
0x125: {  	_ = 	snop  }
0x126: {  	[tilespmem:s30], [sflag:$0x3] =	stream.indirect.gather [hbm4b:s3+s7], $0x40, s29, s7, $0xb8;
	[tilespmem:$0x10400] =	vst v63  }
0x127: {  	_ =	swait.ge [sflag:s19], $0x8000  }
0x128: {  	[sflag:s19] =	ssyncset.done $0x0  }
0x129: {  	s1 =	rddreg [dreg:$0x5];
	[sflag:s19] =	ssyncadd.s32 $0xFFFF8000  }
0x12a: {  	[tilespmem:s9], [sflag:$0x2] =	stream.linear.gather [hbm4b:s1+s2], $0x200, $0x38;
	[tilespmem:$0x10400] =	vst v63  }
0x12b: {  	s31 =	rddreg [dreg:$0x6]  }
0x12c: {  	[hbm4b:s31+s2] =	stream.linear.scatter [tilespmem:s8], [sflag:$0x6], $0x8000, $0x38;
	[tilespmem:$0x10400] =	vst v63  }
0x12d: {  	_ =	swait.ge [sflag:s12], $0x8000  }
0x12e: {  	[sflag:s12] =	ssyncset.done $0x0  }
0x12f: {  	[sflag:s12] =	ssyncadd.s32 $0xFFFF8000  }
0x130: {  	_ =	swait.ge [sflag:s14], $0x200  }
0x131: {  	[sflag:s14] =	ssyncset.done $0x0  }
0x132: {  	[sflag:s14] =	ssyncadd.s32 $0xFFFFFE00  }
0x133: {  	[tilespmem:s8], [sflag:$0x4] =	stream.indirect.gather [hbm4b:s3+s7], $0x40, s9, s7, $0xb8;
	[tilespmem:$0x10400] =	vst v63  }
0x134: {  	_ = 	snop  }
0x135: {  	[tilespmem:s16], [sflag:$0x4] =	stream.indirect.gather [hbm4b:s3+s7], $0x40, s15, s7, $0xb8;
	[tilespmem:$0x10400] =	vst v63  }
0x136: {  	_ = 	snop  }
0x137: {  	[tilespmem:s18], [sflag:$0x4] =	stream.indirect.gather [hbm4b:s3+s7], $0x40, s17, s7, $0xb8;
	[tilespmem:$0x10400] =	vst v63  }
0x138: {  	_ = 	snop  }
0x139: {  	[tilespmem:s22], [sflag:$0x4] =	stream.indirect.gather [hbm4b:s3+s7], $0x40, s21, s7, $0xb8;
	[tilespmem:$0x10400] =	vst v63  }
0x13a: {  	_ =	swait.ge [sflag:s20], $0x8000  }
0x13b: {  	[sflag:s20] =	ssyncset.done $0x0  }
0x13c: {  	s1 =	rddreg [dreg:$0x7];
	[sflag:s20] =	ssyncadd.s32 $0xFFFF8000  }
0x13d: {  	[tilespmem:s2], [sflag:$0x1] =	stream.linear.gather [hbm4b:s1+s2], $0x200, $0x38;
	[tilespmem:$0x10400] =	vst v63  }
0x13e: {  	_ = 	snop  }
0x13f: {  	[hbm4b:s23+s2] =	stream.linear.scatter [tilespmem:s6], [sflag:$0x5], $0x8000, $0x38;
	[tilespmem:$0x10400] =	vst v63  }
0x140: {  	_ =	swait.ge [sflag:s13], $0x8000  }
0x141: {  	[sflag:s13] =	ssyncset.done $0x0  }
0x142: {  	[sflag:s13] =	ssyncadd.s32 $0xFFFF8000  }
0x143: {  	_ =	swait.ge [sflag:s24], $0x200  }
0x144: {  	[sflag:s24] =	ssyncset.done $0x0  }
0x145: {  	[sflag:s24] =	ssyncadd.s32 $0xFFFFFE00  }
0x146: {  	[tilespmem:s6], [sflag:$0x3] =	stream.indirect.gather [hbm4b:s3+s7], $0x40, s2, s7, $0xb8;
	[tilespmem:$0x10400] =	vst v63  }
0x147: {  	_ = 	snop  }
0x148: {  	[tilespmem:s25], [sflag:$0x3] =	stream.indirect.gather [hbm4b:s3+s7], $0x40, s7, s7, $0xb8;
	[tilespmem:$0x10400] =	vst v63  }
0x149: {  	_ = 	snop  }
0x14a: {  	[tilespmem:s28], [sflag:$0x3] =	stream.indirect.gather [hbm4b:s3+s7], $0x40, s26, s7, $0xb8;
	[tilespmem:$0x10400] =	vst v63  }
0x14b: {  	_ = 	snop  }
0x14c: {  	[tilespmem:s30], [sflag:$0x3] =	stream.indirect.gather [hbm4b:s3+s7], $0x40, s29, s7, $0xb8;
	[tilespmem:$0x10400] =	vst v63  }
0x14d: {  	_ =	swait.ge [sflag:s19], $0x8000  }
0x14e: {  	[sflag:s19] =	ssyncset.done $0x0  }
0x14f: {  	[sflag:s19] =	ssyncadd.s32 $0xFFFF8000  }
0x150: {  	[tilespmem:s9], [sflag:$0x2] =	stream.linear.gather [hbm4b:s10+s2], $0x200, $0x38;
	[tilespmem:$0x10400] =	vst v63  }
0x151: {  	_ = 	snop  }
0x152: {  	[hbm4b:s11+s2] =	stream.linear.scatter [tilespmem:s8], [sflag:$0x6], $0x8000, $0x38;
	[tilespmem:$0x10400] =	vst v63  }
0x153: {  	_ =	swait.ge [sflag:s12], $0x8000  }
0x154: {  	[sflag:s12] =	ssyncset.done $0x0  }
0x155: {  	[sflag:s12] =	ssyncadd.s32 $0xFFFF8000  }
0x156: {  	_ =	swait.ge [sflag:s14], $0x200  }
0x157: {  	[sflag:s14] =	ssyncset.done $0x0  }
0x158: {  	[sflag:s14] =	ssyncadd.s32 $0xFFFFFE00  }
0x159: {  	[tilespmem:s8], [sflag:$0x4] =	stream.indirect.gather [hbm4b:s3+s7], $0x40, s9, s7, $0xb8;
	[tilespmem:$0x10400] =	vst v63  }
0x15a: {  	_ = 	snop  }
0x15b: {  	[tilespmem:s16], [sflag:$0x4] =	stream.indirect.gather [hbm4b:s3+s7], $0x40, s15, s7, $0xb8;
	[tilespmem:$0x10400] =	vst v63  }
0x15c: {  	_ = 	snop  }
0x15d: {  	[tilespmem:s18], [sflag:$0x4] =	stream.indirect.gather [hbm4b:s3+s7], $0x40, s17, s7, $0xb8;
	[tilespmem:$0x10400] =	vst v63  }
0x15e: {  	_ = 	snop  }
0x15f: {  	[tilespmem:s22], [sflag:$0x4] =	stream.indirect.gather [hbm4b:s3+s7], $0x40, s21, s7, $0xb8;
	[tilespmem:$0x10400] =	vst v63  }
0x160: {  	_ =	swait.ge [sflag:s20], $0x8000  }
0x161: {  	[sflag:s20] =	ssyncset.done $0x0  }
0x162: {  	[sflag:s20] =	ssyncadd.s32 $0xFFFF8000  }
0x163: {  	[hbm4b:s5+s2] =	stream.linear.scatter [tilespmem:s6], [sflag:$0x5], $0x8000, $0x38;
	[tilespmem:$0x10400] =	vst v63  }
0x164: {  	_ =	swait.ge [sflag:s19], $0x8000  }
0x165: {  	[sflag:s19] =	ssyncset.done $0x0  }
0x166: {  	[sflag:s19] =	ssyncadd.s32 $0xFFFF8000  }
0x167: {  	[hbm4b:s4+s2] =	stream.linear.scatter [tilespmem:s8], [sflag:$0x6], $0x8000, $0x38;
	[tilespmem:$0x10400] =	vst v63  }
0x168: {  	_ =	swait.ge [sflag:s13], $0x8000  }
0x169: {  	[sflag:s13] =	ssyncset.done $0x0  }
0x16a: {  	[sflag:s13] =	ssyncadd.s32 $0xFFFF8000  }
0x16b: {  	_ =	swait.ge [sflag:s12], $0x8000  }
0x16c: {  	[sflag:s12] =	ssyncset.done $0x0  }
0x16d: {  	[sflag:s12] =	ssyncadd.s32 $0xFFFF8000  }
0x16e: {  	_ =	sfence.sel $0x180000  }
0x16f: {  	[bflag:$0x0] =	sbarrier.arrive $0xFFFF  }
0x170: {  	_ =	strace $0x9000004D  }
0x171: {  	s31 =	stileid.u32;
	[bflag:$0x2] =	sbarrier.arrive $0xFFFF  }
0x172: {  	p0 =	sne.s32 s31, $0x0;
	s0 =	rddreg [dreg:$0x1]  }
0x173: {  	s0 =	sadd.s32 @!p0 $0x100000, s0  }
0x174: {  	[sflag:s0] =	ssyncadd.tile.s32 @!p0 $0x1;
	_ =	shalt  }
.Lfunc_end2:
_tile_overlayer_lowered:
.L_overlay_start_2:
0x175: {  	(tag) =	ssettag $0x2  }
0x176: {  	s0 =	rddreg [dreg:$0x0];
	s2 =	stileid.u32  }
0x177: {  	s1 =	rddreg [dreg:$0x1];
	p0 =	sne.s32 s2, $0x0  }
0x178: {  	s3 =	rddreg [dreg:$0x2];
	[bflag:$0x3] =	sbarrier.arrive $0xFFFF;
	s2 =	simm.s32 @!p0 $0x1C07  }
0x179: {  	[timem:s3], [sflag:s2] =	dma.local @!p0 [hbm:s0], s1  }
0x17a: {  	s0 =	simm.s32 @!p0 $0x7  }
0x17b: {  	_ =	swait.ge @!p0 [sflag:s0], s1  }
0x17c: {  	s1 =	ssub.s32 @!p0 $0x0, s1;
	[sflag:s0] =	ssyncset.done @!p0 $0x0  }
0x17d: {  	[sflag:s0] =	ssyncadd.s32 @!p0 s1  }
0x17e: {  	[bflag:$0x3] =	sbarrier.arrive $0xFFFF  }
0x17f: {  	_ =	shalt  }

// kernel: kernel.25.cloned.1.call-start
scs
__scs_entry_jumppad:
0x0: {  	(pc) =	sbr.rel $0x88, $3  }
0x1: {  	(tag) =	ssettag $0x0;
	lr =	simm.s32 $0x1  }
0x2: {  	[smem:$0x3F99] =	sst lr;
	_ =	strace $0xD0000000  }
0x3: {  	_ = 	snop  }
0x4: {  	_ = 	snop  }
0x5: {  	_ = 	snop  }
0x6: {  	_ = 	snop  }
0x7: {  	_ = 	snop  }
__scs_overlays_trampoline_lowered:
0x8: {  	[smem:$0x3FA8] =	sst s0  }
0x9: {  	[smem:$0x3FA9] =	sst s1  }
0xa: {  	[smem:$0x3FAA] =	sst s2  }
0xb: {  	[smem:$0x3FAB] =	sst s3  }
0xc: {  	[smem:$0x3FAC] =	sst s4  }
0xd: {  	[smem:$0x3FAD] =	sst s5  }
0xe: {  	[smem:$0x3FAE] =	sst s6  }
0xf: {  	[smem:$0x3FAF] =	sst s7  }
0x10: {  	[smem:$0x3FB0] =	sst s8  }
0x11: {  	[smem:$0x3FB1] =	sst s9;
	s0 =	simm.s32 @!p0 $0x0  }
0x12: {  	s1 =	sld [smem:$0x3F97];
	s0 =	simm.s32 @p0 $0x1  }
0x13: {  	[smem:$0x3FB2] =	sst s0;
	s0 =	simm.s32 @!p1 $0x0  }
0x14: {  	s2 =	sld [smem:$0x3F96];
	s0 =	simm.s32 @p1 $0x1  }
0x15: {  	[smem:$0x3FB3] =	sst s0;
	s0 =	simm.s32 @!p2 $0x0  }
0x16: {  	s3 =	sld [smem:$0x3FDB];
	s0 =	simm.s32 @p2 $0x1  }
0x17: {  	s4 =	simm.s32 $0x1BF5;
	[smem:$0x3FB5] =	sst s0  }
0x18: {  	s0 =	sld [smem:$0x3F98];
	_ =	swait.ge [sflag:s4], $0x0  }
0x19: {  	s7 =	sld [smem:$0x3F99]  }
0x1a: {  	s8 =	sadd.s32 $0xFFFFE003, lr  }
0x1b: {  	s9 =	sadd.s32 $0xFFFFFEF7, lr;
	s5 =	simm.s32 $0xFFFFFFFF;
	p2 =	slt.u32 s8, $0xFFFFF086  }
0x1c: {  	p1 =	slt.u32 s9, $0xF7A;
	s5 =	simm.s32 @!p2 $0x0  }
0x1d: {  	s5 =	simm.s32 @p1 $0x1;
	p0 =	seq.s32 s7, s2  }
0x1e: {  	s7 =	smul.u32 @!p0 $0xF7A, s2;
	p2 =	seq.s32 @!p0 s5, $0x0  }
0x1f: {  	s9 =	smul.u32 $0xF7A, s1;
	s8 =	simm.s32 @!p0 $0x1BF5;
	p2 =	por !p2, p0  }
0x20: {  	[sflag:s8] =	ssyncset.s32 @!p0 $0xFFFFF086;
	s6 =	sadd.s32 @!p0 s3, s7;
	s7 =	simm.s32 @!p0 $0x108  }
0x21: {  	s3 =	sadd.s32 s3, s9;
	s6 =	sadd.s32 @!p0 $0x88, s6;
	s7 =	simm.s32 @p2 $0x1082  }
0x22: {  	[simem:s7], [sflag:s8] =	dma.local @!p0 [hbm:s6], $0xF7A  }
0x23: {  	s9 =	sor.u32 $0xD0000000, s2;
	s6 =	simm.s32 $0x108;
	_ =	swait.ge @!p0 [sflag:s8], $0x0  }
0x24: {  	s3 =	sadd.s32 $0x88, s3;
	s6 =	simm.s32 @!p1 $0x1082;
	[sflag:s4] =	ssyncset.s32 $0xFFFFF086  }
0x25: {  	[simem:s6], [sflag:s4] =	dma.local [hbm:s3], $0xF7A  }
0x26: {  	[smem:$0x3F99] =	sst s1;
	(tag) =	ssettag s2;
	_ =	strace s9  }
0x27: {  	s1 =	sld [smem:$0x3FA9]  }
0x28: {  	s2 =	sld [smem:$0x3FAA]  }
0x29: {  	s4 =	sld [smem:$0x3FAC]  }
0x2a: {  	p0 =	seq.s32 s5, $0x0;
	s5 =	sld [smem:$0x3FAD]  }
0x2b: {  	s6 =	sld [smem:$0x3FAE]  }
0x2c: {  	s7 =	sld [smem:$0x3FAF]  }
0x2d: {  	s3 =	simm.s32 $0x108;
	s8 =	sld [smem:$0x3FB0]  }
0x2e: {  	s3 =	simm.s32 @!p0 $0x1082;
	s9 =	sld [smem:$0x3FB1]  }
0x2f: {  	lr =	sadd.s32 s0, s3;
	s0 =	sld [smem:$0x3FA8]  }
0x30: {  	s3 =	sld [smem:$0x3FAB]  }
0x31: {  	[smem:$0x3FB4] =	sst s10  }
0x32: {  	s10 =	sld [smem:$0x3FB2];
	_ =	sdelay $0x3  }
0x33: {  	p0 =	seq.s32 s10, $0x1;
	s10 =	sld [smem:$0x3FB4];
	_ =	sdelay $0x3  }
0x34: {  	[smem:$0x3FB4] =	sst s10  }
0x35: {  	s10 =	sld [smem:$0x3FB3];
	_ =	sdelay $0x3  }
0x36: {  	p1 =	seq.s32 s10, $0x1;
	s10 =	sld [smem:$0x3FB4];
	_ =	sdelay $0x3  }
0x37: {  	[smem:$0x3FB4] =	sst s10  }
0x38: {  	s10 =	sld [smem:$0x3FB5]  }
0x39: {  	_ = 	snop;
	(pc) =	sbr.ind lr, $3  }
0x3a: {  	_ = 	snop  }
0x3b: {  	_ = 	snop  }
0x3c: {  	p2 =	seq.s32 s10, $0x1;
	s10 =	sld [smem:$0x3FB4]  }
0x3d: {  	_ =	shalt  }
0x3e: {  	_ =	shalt  }
0x3f: {  	_ =	shalt  }
0x40: {  	_ =	shalt  }
0x41: {  	_ =	shalt  }
0x42: {  	_ =	shalt  }
0x43: {  	_ =	shalt  }
0x44: {  	_ =	shalt  }
0x45: {  	_ =	shalt  }
0x46: {  	_ =	shalt  }
0x47: {  	_ =	shalt  }
0x48: {  	_ =	shalt  }
0x49: {  	_ =	shalt  }
0x4a: {  	_ =	shalt  }
0x4b: {  	_ =	shalt  }
0x4c: {  	_ =	shalt  }
0x4d: {  	_ =	shalt  }
0x4e: {  	_ =	shalt  }
0x4f: {  	_ =	shalt  }
0x50: {  	_ =	shalt  }
0x51: {  	_ =	shalt  }
0x52: {  	_ =	shalt  }
0x53: {  	_ =	shalt  }
0x54: {  	_ =	shalt  }
0x55: {  	_ =	shalt  }
0x56: {  	_ =	shalt  }
0x57: {  	_ =	shalt  }
0x58: {  	_ =	shalt  }
0x59: {  	_ =	shalt  }
0x5a: {  	_ =	shalt  }
0x5b: {  	_ =	shalt  }
0x5c: {  	_ =	shalt  }
0x5d: {  	_ =	shalt  }
0x5e: {  	_ =	shalt  }
0x5f: {  	_ =	shalt  }
0x60: {  	_ =	shalt  }
0x61: {  	_ =	shalt  }
0x62: {  	_ =	shalt  }
0x63: {  	_ =	shalt  }
0x64: {  	_ =	shalt  }
0x65: {  	_ =	shalt  }
0x66: {  	_ =	shalt  }
0x67: {  	_ =	shalt  }
0x68: {  	_ =	shalt  }
0x69: {  	_ =	shalt  }
0x6a: {  	_ =	shalt  }
0x6b: {  	_ =	shalt  }
0x6c: {  	_ =	shalt  }
0x6d: {  	_ =	shalt  }
0x6e: {  	_ =	shalt  }
0x6f: {  	_ =	shalt  }
0x70: {  	_ =	shalt  }
0x71: {  	_ =	shalt  }
0x72: {  	_ =	shalt  }
0x73: {  	_ =	shalt  }
0x74: {  	_ =	shalt  }
0x75: {  	_ =	shalt  }
0x76: {  	_ =	shalt  }
0x77: {  	_ =	shalt  }
0x78: {  	_ =	shalt  }
0x79: {  	_ =	shalt  }
0x7a: {  	_ =	shalt  }
0x7b: {  	_ =	shalt  }
0x7c: {  	_ =	shalt  }
0x7d: {  	_ =	shalt  }
0x7e: {  	_ =	shalt  }
0x7f: {  	_ =	shalt  }
0x80: {  	_ =	shalt  }
0x81: {  	_ =	shalt  }
0x82: {  	_ =	shalt  }
0x83: {  	_ =	shalt  }
0x84: {  	_ =	shalt  }
0x85: {  	_ =	shalt  }
0x86: {  	_ =	shalt  }
0x87: {  	_ =	shalt  }
.Lfunc_end0:
.L_simem_size_0:
called_computation.3_lowered:
.L_overlay_start_0:
0x88: {  	s2 =	sld [smem:$0x3FD9]  }
0x89: {  	s3 =	sld [smem:$0x3FFE];
	_ =	sdelay $0x1  }
0x8a: {  	s1 =	srdreg.scid  }
0x8b: {  	s0 =	sand.u32 $0x1, s1  }
0x8c: {  	s17 =	sshll.u32 s0, $0xA;
	s2 =	sadd.s32 s3, s2  }
0x8d: {  	s2 =	sadd.s32 s2, s17  }
0x8e: {  	[smem:$0x3FC0] =	sst s2  }
0x8f: {  	_ = 	snop  }
0x90: {  	(tm) =	ssettm $0x1  }
0x91: {  	s18 =	sld [smem:$0x3FFB];
	_ =	sdelay $0x3  }
0x92: {  	_ =	strace s18  }
0x93: {  	s2 =	sld [smem:$0x3FFC];
	_ =	sdelay $0x3  }
0x94: {  	_ =	strace s2  }
0x95: {  	s2 =	sld [smem:$0x3FFD];
	_ =	sdelay $0x3  }
0x96: {  	_ =	strace s2  }
0x97: {  	_ =	strace $0x8FFFFFFF  }
0x98: {  	s19 =	sld [smem:$0x3FDB];
	_ =	sdelay $0x1  }
0x99: {  	s20 =	simm.s32 $_scs_section_size  }
0x9a: {  	s4 =	simm.s32 $_size__tile_overlayer_lowered;
	s5 =	simm.s32 $_tile_overlayer_lowered  }
0x9b: {  	s6 =	simm.s32 $0x1BFF;
	s21 =	sshll.u32 s5, $0x1;
	s3 =	sadd.s32 s20, s19  }
0x9c: {  	s22 =	simm.s32 $0x0;
	s4 =	sshll.u32 s4, $0x1;
	s5 =	sadd.s32 s21, s3  }
0x9d: {  	[timem:s22], [sflag:s6] =	dma.local [hbm:s5], s4  }
0x9e: {  	_ =	swait.ge [sflag:s6], s4  }
0x9f: {  	s4 =	ssub.s32 $0x0, s4;
	[sflag:s6] =	ssyncset.done $0x0  }
0xa0: {  	[sflag:s6] =	ssyncadd.s32 s4;
	_ =	sdelay $0x1  }
0xa1: {  	s23 =	simm.s32 $0x1B8B  }
0xa2: {  	_ =	swait.ge [sflag:s23], $0x1  }
0xa3: {  	[sflag:s23] =	ssyncset.done $0x0  }
0xa4: {  	[sflag:s23] =	ssyncadd.s32 $0xFFFFFFFF  }
0xa5: {  	s4 =	sld [smem:$0x0]  }
0xa6: {  	s5 =	sand.u32 $0xFFFFFFFE, s1  }
0xa7: {  	p0 =	sne.s32 s1, s5  }
0xa8: {  	s5 =	sshll.u32 @p0 s5, $0xE  }
0xa9: {  	s5 =	sadd.s32 @p0 $0x11B8D, s5;
	s6 =	sshll.u32 @p0 s4, $0x11  }
0xaa: {  	s5 =	sor.u32 @p0 s6, s5  }
0xab: {  	[sflag:s5] =	ssyncadd.remote.s32 @p0 $0x1;
	_ =	sdelay $0x1  }
0xac: {  	s5 =	simm.s32 @p0 $0x1B8D  }
0xad: {  	_ =	swait.eq @p0 [sflag:s5], $0x1  }
0xae: {  	[sflag:s5] =	ssyncadd.s32 @p0 $0xFFFFFFFF  }
0xaf: {  	s6 =	sshll.u32 @!p0 s1, $0xE  }
0xb0: {  	s6 =	sor.u32 @!p0 $0x4000, s6;
	s5 =	simm.s32 @!p0 $0x1B8D  }
0xb1: {  	s4 =	sshll.u32 @!p0 s4, $0x11;
	s6 =	sadd.s32 @!p0 $0x11B8D, s6;
	_ =	swait.eq @!p0 [sflag:s5], $0x1  }
0xb2: {  	s4 =	sor.u32 @!p0 s4, s6;
	[sflag:s5] =	ssyncadd.s32 @!p0 $0xFFFFFFFF  }
0xb3: {  	s25 =	simm.s32 $0x1B8E;
	s24 =	sld [smem:$0x3FFE];
	[sflag:s4] =	ssyncadd.remote.s32 @!p0 $0x1  }
0xb4: {  	s26 =	simm.s32 $execute0_lowered;
	[smem:$0x3FD2] =	sst s25  }
0xb5: {  	s5 =	sshll.u32 s26, $0x1;
	_ =	strace $0x8000004F;
	[dreg:$0x1] =	wrdreg $0xFFFFFFFF  }
0xb6: {  	s28 =	simm.s32 $_size_execute0_lowered;
	s3 =	sadd.s32 s3, s5;
	[dreg:$0x0] =	wrdreg $0x0  }
0xb7: {  	s5 =	sshll.u32 s28, $0x1;
	[dreg:$0x2] =	wrdreg s3  }
0xb8: {  	[dreg:$0x3] =	wrdreg s5  }
0xb9: {  	[dreg:$0x4] =	wrdreg $0xC0  }
0xba: {  	_ =	task [dreg:s22], $0x5FFFF  }
0xbb: {  	[dreg:$0x1] =	wrdreg $0xFFFFFFFF  }
0xbc: {  	[dreg:$0x0] =	wrdreg $0x60  }
0xbd: {  	[dreg:$0x2] =	wrdreg s24  }
0xbe: {  	[dreg:$0x3] =	wrdreg $0xC  }
0xbf: {  	_ =	task.clear_ibuf [dreg:s22], $0x4FFFF;
	_ =	strace $0x9000004F  }
0xc0: {  	s29 =	simm.s32 $0xC;
	_ =	strace $0x80000051  }
0xc1: {  	_ =	swait.ge [sflag:s29], $0x1  }
0xc2: {  	[sflag:s29] =	ssyncadd.s32 $0xFFFFFFFF  }
0xc3: {  	_ =	strace $0x90000051  }
0xc4: {  	_ =	sfence  }
0xc5: {  	s30 =	sld [smem:$0x0];
	_ =	sdelay $0x2  }
0xc6: {  	s31 =	sshll.u32 s1, $0xD;
	s1 =	sshrl.u32 s1, $0x2  }
0xc7: {  	s4 =	sand.u32 $0x4000, s31;
	s1 =	sadd.s32 s1, s30  }
0xc8: {  	s0 =	sor.u32 s4, s0;
	s1 =	sshll.u32 s1, $0x11  }
0xc9: {  	s0 =	sor.u32 s1, s0  }
0xca: {  	s0 =	sadd.s32 $0x8F2B, s0  }
0xcb: {  	[sflag:s0] =	ssyncadd.remote.s32 $0x1  }
0xcc: {  	_ =	sfence.sel $0xFFFF  }
0xcd: {  	[dreg:$0x0] =	wrdreg $0xFFFFFFFF;
	(pc) =	sbr.abs _section_cstart, $3  }
0xce: {  	[dreg:$0x1] =	wrdreg $0xFFFFFFFF  }
0xcf: {  	_ =	task.clear_ibuf [dreg:s22], $0x2FFFF;
	_ =	strace $0x9FFFFFFF  }
0xd0: {  	(tm) =	ssettm $0x7FFFFFFF  }
0xd1: {  	_ =	shalt  }
tec
execute0_lowered:
.L_overlay_start_1:
0x0: {  	(tag) =	ssettag $0x1  }
0x1: {  	s0 =	srdreg.scid  }
0x2: {  	s1 =	stileid.u32;
	s3 =	rddreg [dreg:$0x0]  }
0x3: {  	s2 =	simm.s32 $0x0;
	s8 =	simm.s32 $0x1;
	s7 =	simm.s32 $0x80  }
0x4: {  	s10 =	simm.s32 $0x2400;
	s11 =	simm.s32 $0x100;
	s13 =	simm.s32 $0x4400  }
0x5: {  	s14 =	simm.s32 $0x180;
	s12 =	simm.s32 $0x8400;
	s28 =	simm.s32 $0x300  }
0x6: {  	s29 =	simm.s32 $0xC400;
	s0 =	sand.u32 $0x1, s0;
	s1 =	sshll.u32 s1, $0x1  }
0x7: {  	p0 =	por $0x0, $0x0;
	s30 =	simm.s32 $0x380;
	s1 =	sor.u32 s0, s1  }
0x8: {  	s31 =	simm.s32 $0xE400;
	[smem:$0x7FF] =	sst s2;
	s4 =	smul.u32 $0x1200, s1  }
0x9: {  	s6 =	sadd.s32 $0x24C000, s3;
	_ =	strace $0x80000050;
	s5 =	smul.u32 $0x240, s1  }
0xa: {  	s0 =	ssub.s32 $0x2, s0;
	s1 =	smul.u32 $0x48000, s1;
	s4 =	sshrl.u32 s4, $0x3  }
0xb: {  	s21 =	sshrl.u32 s0, $0x1;
	s5 =	sadd.s32 s6, s5;
	s4 =	sadd.s32 s6, s4  }
0xc: {  	s1 =	sshrl.u32 s1, $0x3;
	[dreg:$0x2] =	wrdreg s5;
	s15 =	sadd.s32 $0x40, s4  }
0xd: {  	s1 =	sadd.s32 s1, s3;
	s16 =	sadd.s32 $0x80, s4;
	[dreg:$0x3] =	wrdreg s15  }
0xe: {  	s0 =	ssub.s32 s0, s21;
	s17 =	sadd.s32 $0x250800, s1;
	[dreg:$0x4] =	wrdreg s16  }
0xf: {  	s0 =	smax.u32 s0, $0x1;
	s18 =	sadd.s32 $0xC0, s4;
	[dreg:$0x5] =	wrdreg s17  }
0x10: {  	s3 =	sadd.s32 $0x3A00, s3;
	s19 =	sadd.s32 $0x251800, s1;
	[dreg:$0x6] =	wrdreg s18  }
0x11: {  	s6 =	simm.s32 $0x400;
	s20 =	sadd.s32 $0x100, s4;
	[dreg:$0x7] =	wrdreg s19  }
0x12: {  	p1 =	sne.s32 s0, $0x1;
	s22 =	sadd.s32 $0x252800, s1;
	[dreg:$0x8] =	wrdreg s20  }
0x13: {  	s23 =	sadd.s32 $0x140, s4;
	s24 =	sadd.s32 $0x253800, s1;
	[dreg:$0x9] =	wrdreg s22  }
0x14: {  	s25 =	sadd.s32 $0x180, s4;
	s26 =	sadd.s32 $0x254800, s1;
	[dreg:$0xa] =	wrdreg s23  }
0x15: {  	s21 =	sadd.s32 $0x1C0, s4;
	s9 =	sadd.s32 $0x256800, s1;
	[dreg:$0xb] =	wrdreg s24  }
0x16: {  	s5 =	sadd.s32 $0x257800, s1;
	[dreg:$0xc] =	wrdreg s25;
	s22 =	sadd.s32 $0x255800, s1  }
.Ltmp0:
0x17: {  	[dreg:$0xd] =	wrdreg s26;
	s16 =	sadd.s32 $0x200, s4;
	(pc) =	sbr.rel @!p1 .LBB2_3-.Ltmp0, $4  }
0x18: {  	s4 =	sadd.s32 $0x258800, s1;
	s20 =	simm.s32 $0x200;
	s15 =	simm.s32 $0x6400  }
0x19: {  	s24 =	simm.s32 $0x2;
	s25 =	simm.s32 $0x280;
	s26 =	simm.s32 $0xA400  }
0x1a: {  	s1 =	sadd.s32 $0xFFFFFFFF, s0;
	s19 =	simm.s32 $0x3;
	s18 =	simm.s32 $0x5  }
0x1b: {  	s23 =	simm.s32 $0x4;
	s17 =	simm.s32 $0x6;
	s0 =	rddreg [dreg:$0x2]  }
0x1c: {  	[dreg:$0xe] =	wrdreg s1  }
0x1d: {  	[tilespmem:s2], [sflag:$0x1] =	stream.linear.gather [hbm4b:s0+s2], $0x200, $0x38;
	[tilespmem:$0x10400] =	vst v63  }
0x1e: {  	s1 =	rddreg [dreg:$0x3]  }
0x1f: {  	[tilespmem:s20], [sflag:$0x2] =	stream.linear.gather [hbm4b:s1+s2], $0x200, $0x38;
	[tilespmem:$0x10400] =	vst v63  }
0x20: {  	_ =	swait.ge [sflag:s8], $0x200  }
0x21: {  	[sflag:s8] =	ssyncset.done $0x0  }
0x22: {  	[sflag:s8] =	ssyncadd.s32 $0xFFFFFE00  }
0x23: {  	[tilespmem:s6], [sflag:$0x3] =	stream.indirect.gather [hbm4b:s3+s7], $0x40, s2, s7, $0xb8;
	[tilespmem:$0x10400] =	vst v63  }
0x24: {  	_ = 	snop  }
0x25: {  	[tilespmem:s10], [sflag:$0x3] =	stream.indirect.gather [hbm4b:s3+s7], $0x40, s7, s7, $0xb8;
	[tilespmem:$0x10400] =	vst v63  }
0x26: {  	_ = 	snop  }
0x27: {  	[tilespmem:s13], [sflag:$0x3] =	stream.indirect.gather [hbm4b:s3+s7], $0x40, s11, s7, $0xb8;
	[tilespmem:$0x10400] =	vst v63  }
0x28: {  	_ = 	snop  }
0x29: {  	[tilespmem:s15], [sflag:$0x3] =	stream.indirect.gather [hbm4b:s3+s7], $0x40, s14, s7, $0xb8;
	[tilespmem:$0x10400] =	vst v63  }
0x2a: {  	_ =	swait.ge [sflag:s24], $0x200  }
0x2b: {  	[sflag:s24] =	ssyncset.done $0x0  }
0x2c: {  	[sflag:s24] =	ssyncadd.s32 $0xFFFFFE00  }
0x2d: {  	[tilespmem:s12], [sflag:$0x4] =	stream.indirect.gather [hbm4b:s3+s7], $0x40, s20, s7, $0xb8;
	[tilespmem:$0x10400] =	vst v63  }
0x2e: {  	_ = 	snop  }
0x2f: {  	[tilespmem:s26], [sflag:$0x4] =	stream.indirect.gather [hbm4b:s3+s7], $0x40, s25, s7, $0xb8;
	[tilespmem:$0x10400] =	vst v63  }
0x30: {  	_ = 	snop  }
0x31: {  	[tilespmem:s29], [sflag:$0x4] =	stream.indirect.gather [hbm4b:s3+s7], $0x40, s28, s7, $0xb8;
	[tilespmem:$0x10400] =	vst v63  }
0x32: {  	_ = 	snop  }
0x33: {  	[tilespmem:s31], [sflag:$0x4] =	stream.indirect.gather [hbm4b:s3+s7], $0x40, s30, s7, $0xb8;
	[tilespmem:$0x10400] =	vst v63  }
0x34: {  	_ =	swait.ge [sflag:s19], $0x8000  }
0x35: {  	[sflag:s19] =	ssyncset.done $0x0  }
0x36: {  	s0 =	rddreg [dreg:$0x4];
	[sflag:s19] =	ssyncadd.s32 $0xFFFF8000  }
0x37: {  	[tilespmem:s2], [sflag:$0x1] =	stream.linear.gather [hbm4b:s0+s2], $0x200, $0x38;
	[tilespmem:$0x10400] =	vst v63  }
0x38: {  	s1 =	rddreg [dreg:$0x5]  }
0x39: {  	[hbm4b:s1+s2] =	stream.linear.scatter [tilespmem:s6], [sflag:$0x5], $0x8000, $0x38;
	[tilespmem:$0x10400] =	vst v63  }
0x3a: {  	_ =	swait.ge [sflag:s18], $0x8000  }
0x3b: {  	[sflag:s18] =	ssyncset.done $0x0  }
0x3c: {  	[sflag:s18] =	ssyncadd.s32 $0xFFFF8000  }
0x3d: {  	_ =	swait.ge [sflag:s8], $0x200  }
0x3e: {  	[sflag:s8] =	ssyncset.done $0x0  }
0x3f: {  	[sflag:s8] =	ssyncadd.s32 $0xFFFFFE00  }
0x40: {  	[tilespmem:s6], [sflag:$0x3] =	stream.indirect.gather [hbm4b:s3+s7], $0x40, s2, s7, $0xb8;
	[tilespmem:$0x10400] =	vst v63  }
0x41: {  	_ = 	snop  }
0x42: {  	[tilespmem:s10], [sflag:$0x3] =	stream.indirect.gather [hbm4b:s3+s7], $0x40, s7, s7, $0xb8;
	[tilespmem:$0x10400] =	vst v63  }
0x43: {  	_ = 	snop  }
0x44: {  	[tilespmem:s13], [sflag:$0x3] =	stream.indirect.gather [hbm4b:s3+s7], $0x40, s11, s7, $0xb8;
	[tilespmem:$0x10400] =	vst v63  }
0x45: {  	_ = 	snop  }
0x46: {  	[tilespmem:s15], [sflag:$0x3] =	stream.indirect.gather [hbm4b:s3+s7], $0x40, s14, s7, $0xb8;
	[tilespmem:$0x10400] =	vst v63  }
0x47: {  	_ =	swait.ge [sflag:s23], $0x8000  }
0x48: {  	[sflag:s23] =	ssyncset.done $0x0  }
0x49: {  	s0 =	rddreg [dreg:$0x6];
	[sflag:s23] =	ssyncadd.s32 $0xFFFF8000  }
0x4a: {  	[tilespmem:s20], [sflag:$0x2] =	stream.linear.gather [hbm4b:s0+s2], $0x200, $0x38;
	[tilespmem:$0x10400] =	vst v63  }
0x4b: {  	s1 =	rddreg [dreg:$0x7]  }
0x4c: {  	[hbm4b:s1+s2] =	stream.linear.scatter [tilespmem:s12], [sflag:$0x6], $0x8000, $0x38;
	[tilespmem:$0x10400] =	vst v63  }
0x4d: {  	_ =	swait.ge [sflag:s17], $0x8000  }
0x4e: {  	[sflag:s17] =	ssyncset.done $0x0  }
0x4f: {  	[sflag:s17] =	ssyncadd.s32 $0xFFFF8000  }
0x50: {  	_ =	swait.ge [sflag:s24], $0x200  }
0x51: {  	[sflag:s24] =	ssyncset.done $0x0  }
0x52: {  	[sflag:s24] =	ssyncadd.s32 $0xFFFFFE00  }
0x53: {  	[tilespmem:s12], [sflag:$0x4] =	stream.indirect.gather [hbm4b:s3+s7], $0x40, s20, s7, $0xb8;
	[tilespmem:$0x10400] =	vst v63  }
0x54: {  	_ = 	snop  }
0x55: {  	[tilespmem:s26], [sflag:$0x4] =	stream.indirect.gather [hbm4b:s3+s7], $0x40, s25, s7, $0xb8;
	[tilespmem:$0x10400] =	vst v63  }
0x56: {  	_ = 	snop  }
0x57: {  	[tilespmem:s29], [sflag:$0x4] =	stream.indirect.gather [hbm4b:s3+s7], $0x40, s28, s7, $0xb8;
	[tilespmem:$0x10400] =	vst v63  }
0x58: {  	_ = 	snop  }
0x59: {  	[tilespmem:s31], [sflag:$0x4] =	stream.indirect.gather [hbm4b:s3+s7], $0x40, s30, s7, $0xb8;
	[tilespmem:$0x10400] =	vst v63  }
0x5a: {  	_ =	swait.ge [sflag:s19], $0x8000  }
0x5b: {  	[sflag:s19] =	ssyncset.done $0x0  }
0x5c: {  	s0 =	rddreg [dreg:$0x8];
	[sflag:s19] =	ssyncadd.s32 $0xFFFF8000  }
0x5d: {  	[tilespmem:s2], [sflag:$0x1] =	stream.linear.gather [hbm4b:s0+s2], $0x200, $0x38;
	[tilespmem:$0x10400] =	vst v63  }
0x5e: {  	s1 =	rddreg [dreg:$0x9]  }
0x5f: {  	[hbm4b:s1+s2] =	stream.linear.scatter [tilespmem:s6], [sflag:$0x5], $0x8000, $0x38;
	[tilespmem:$0x10400] =	vst v63  }
0x60: {  	_ =	swait.ge [sflag:s18], $0x8000  }
0x61: {  	[sflag:s18] =	ssyncset.done $0x0  }
0x62: {  	[sflag:s18] =	ssyncadd.s32 $0xFFFF8000  }
0x63: {  	_ =	swait.ge [sflag:s8], $0x200  }
0x64: {  	[sflag:s8] =	ssyncset.done $0x0  }
0x65: {  	[sflag:s8] =	ssyncadd.s32 $0xFFFFFE00  }
0x66: {  	[tilespmem:s6], [sflag:$0x3] =	stream.indirect.gather [hbm4b:s3+s7], $0x40, s2, s7, $0xb8;
	[tilespmem:$0x10400] =	vst v63  }
0x67: {  	_ = 	snop  }
0x68: {  	[tilespmem:s10], [sflag:$0x3] =	stream.indirect.gather [hbm4b:s3+s7], $0x40, s7, s7, $0xb8;
	[tilespmem:$0x10400] =	vst v63  }
0x69: {  	_ = 	snop  }
0x6a: {  	[tilespmem:s13], [sflag:$0x3] =	stream.indirect.gather [hbm4b:s3+s7], $0x40, s11, s7, $0xb8;
	[tilespmem:$0x10400] =	vst v63  }
0x6b: {  	_ = 	snop  }
0x6c: {  	[tilespmem:s15], [sflag:$0x3] =	stream.indirect.gather [hbm4b:s3+s7], $0x40, s14, s7, $0xb8;
	[tilespmem:$0x10400] =	vst v63  }
0x6d: {  	_ =	swait.ge [sflag:s23], $0x8000  }
0x6e: {  	[sflag:s23] =	ssyncset.done $0x0  }
0x6f: {  	s0 =	rddreg [dreg:$0xa];
	[sflag:s23] =	ssyncadd.s32 $0xFFFF8000  }
0x70: {  	[tilespmem:s20], [sflag:$0x2] =	stream.linear.gather [hbm4b:s0+s2], $0x200, $0x38;
	[tilespmem:$0x10400] =	vst v63  }
0x71: {  	s1 =	rddreg [dreg:$0xb]  }
0x72: {  	[hbm4b:s1+s2] =	stream.linear.scatter [tilespmem:s12], [sflag:$0x6], $0x8000, $0x38;
	[tilespmem:$0x10400] =	vst v63  }
0x73: {  	_ =	swait.ge [sflag:s17], $0x8000  }
0x74: {  	[sflag:s17] =	ssyncset.done $0x0  }
0x75: {  	[sflag:s17] =	ssyncadd.s32 $0xFFFF8000  }
0x76: {  	_ =	swait.ge [sflag:s24], $0x200  }
0x77: {  	[sflag:s24] =	ssyncset.done $0x0  }
0x78: {  	[sflag:s24] =	ssyncadd.s32 $0xFFFFFE00  }
0x79: {  	[tilespmem:s12], [sflag:$0x4] =	stream.indirect.gather [hbm4b:s3+s7], $0x40, s20, s7, $0xb8;
	[tilespmem:$0x10400] =	vst v63  }
0x7a: {  	_ = 	snop  }
0x7b: {  	[tilespmem:s26], [sflag:$0x4] =	stream.indirect.gather [hbm4b:s3+s7], $0x40, s25, s7, $0xb8;
	[tilespmem:$0x10400] =	vst v63  }
0x7c: {  	_ = 	snop  }
0x7d: {  	[tilespmem:s29], [sflag:$0x4] =	stream.indirect.gather [hbm4b:s3+s7], $0x40, s28, s7, $0xb8;
	[tilespmem:$0x10400] =	vst v63  }
0x7e: {  	_ = 	snop  }
0x7f: {  	[tilespmem:s31], [sflag:$0x4] =	stream.indirect.gather [hbm4b:s3+s7], $0x40, s30, s7, $0xb8;
	[tilespmem:$0x10400] =	vst v63  }
0x80: {  	_ =	swait.ge [sflag:s19], $0x8000  }
0x81: {  	[sflag:s19] =	ssyncset.done $0x0  }
0x82: {  	s0 =	rddreg [dreg:$0xc];
	[sflag:s19] =	ssyncadd.s32 $0xFFFF8000  }
0x83: {  	[tilespmem:s2], [sflag:$0x1] =	stream.linear.gather [hbm4b:s0+s2], $0x200, $0x38;
	[tilespmem:$0x10400] =	vst v63  }
0x84: {  	s1 =	rddreg [dreg:$0xd]  }
0x85: {  	[hbm4b:s1+s2] =	stream.linear.scatter [tilespmem:s6], [sflag:$0x5], $0x8000, $0x38;
	[tilespmem:$0x10400] =	vst v63  }
0x86: {  	_ =	swait.ge [sflag:s18], $0x8000  }
0x87: {  	[sflag:s18] =	ssyncset.done $0x0  }
0x88: {  	[sflag:s18] =	ssyncadd.s32 $0xFFFF8000  }
0x89: {  	_ =	swait.ge [sflag:s8], $0x200  }
0x8a: {  	[sflag:s8] =	ssyncset.done $0x0  }
0x8b: {  	[sflag:s8] =	ssyncadd.s32 $0xFFFFFE00  }
0x8c: {  	[tilespmem:s6], [sflag:$0x3] =	stream.indirect.gather [hbm4b:s3+s7], $0x40, s2, s7, $0xb8;
	[tilespmem:$0x10400] =	vst v63  }
0x8d: {  	_ = 	snop  }
0x8e: {  	[tilespmem:s10], [sflag:$0x3] =	stream.indirect.gather [hbm4b:s3+s7], $0x40, s7, s7, $0xb8;
	[tilespmem:$0x10400] =	vst v63  }
0x8f: {  	_ = 	snop  }
0x90: {  	[tilespmem:s13], [sflag:$0x3] =	stream.indirect.gather [hbm4b:s3+s7], $0x40, s11, s7, $0xb8;
	[tilespmem:$0x10400] =	vst v63  }
0x91: {  	_ = 	snop  }
0x92: {  	[tilespmem:s15], [sflag:$0x3] =	stream.indirect.gather [hbm4b:s3+s7], $0x40, s14, s7, $0xb8;
	[tilespmem:$0x10400] =	vst v63  }
0x93: {  	_ =	swait.ge [sflag:s23], $0x8000  }
0x94: {  	[sflag:s23] =	ssyncset.done $0x0  }
0x95: {  	[sflag:s23] =	ssyncadd.s32 $0xFFFF8000  }
0x96: {  	[tilespmem:s20], [sflag:$0x2] =	stream.linear.gather [hbm4b:s21+s2], $0x200, $0x38;
	[tilespmem:$0x10400] =	vst v63  }
0x97: {  	_ = 	snop  }
0x98: {  	[hbm4b:s22+s2] =	stream.linear.scatter [tilespmem:s12], [sflag:$0x6], $0x8000, $0x38;
	[tilespmem:$0x10400] =	vst v63  }
0x99: {  	_ =	swait.ge [sflag:s17], $0x8000  }
0x9a: {  	[sflag:s17] =	ssyncset.done $0x0  }
0x9b: {  	[sflag:s17] =	ssyncadd.s32 $0xFFFF8000  }
0x9c: {  	_ =	swait.ge [sflag:s24], $0x200  }
0x9d: {  	[sflag:s24] =	ssyncset.done $0x0  }
0x9e: {  	[sflag:s24] =	ssyncadd.s32 $0xFFFFFE00  }
0x9f: {  	[tilespmem:s12], [sflag:$0x4] =	stream.indirect.gather [hbm4b:s3+s7], $0x40, s20, s7, $0xb8;
	[tilespmem:$0x10400] =	vst v63  }
0xa0: {  	_ = 	snop  }
0xa1: {  	[tilespmem:s26], [sflag:$0x4] =	stream.indirect.gather [hbm4b:s3+s7], $0x40, s25, s7, $0xb8;
	[tilespmem:$0x10400] =	vst v63  }
0xa2: {  	_ = 	snop  }
0xa3: {  	[tilespmem:s29], [sflag:$0x4] =	stream.indirect.gather [hbm4b:s3+s7], $0x40, s28, s7, $0xb8;
	[tilespmem:$0x10400] =	vst v63  }
0xa4: {  	_ = 	snop  }
0xa5: {  	[tilespmem:s31], [sflag:$0x4] =	stream.indirect.gather [hbm4b:s3+s7], $0x40, s30, s7, $0xb8;
	[tilespmem:$0x10400] =	vst v63  }
0xa6: {  	_ =	swait.ge [sflag:s19], $0x8000  }
0xa7: {  	[sflag:s19] =	ssyncset.done $0x0  }
0xa8: {  	[sflag:s19] =	ssyncadd.s32 $0xFFFF8000  }
0xa9: {  	[tilespmem:s2], [sflag:$0x1] =	stream.linear.gather [hbm4b:s16+s2], $0x200, $0x38;
	[tilespmem:$0x10400] =	vst v63  }
0xaa: {  	_ = 	snop  }
0xab: {  	[hbm4b:s9+s2] =	stream.linear.scatter [tilespmem:s6], [sflag:$0x5], $0x8000, $0x38;
	[tilespmem:$0x10400] =	vst v63  }
0xac: {  	_ =	swait.ge [sflag:s18], $0x8000  }
0xad: {  	[sflag:s18] =	ssyncset.done $0x0  }
0xae: {  	[sflag:s18] =	ssyncadd.s32 $0xFFFF8000  }
0xaf: {  	_ =	swait.ge [sflag:s8], $0x200  }
0xb0: {  	[sflag:s8] =	ssyncset.done $0x0  }
0xb1: {  	[sflag:s8] =	ssyncadd.s32 $0xFFFFFE00  }
0xb2: {  	[tilespmem:s6], [sflag:$0x3] =	stream.indirect.gather [hbm4b:s3+s7], $0x40, s2, s7, $0xb8;
	[tilespmem:$0x10400] =	vst v63  }
0xb3: {  	_ = 	snop  }
0xb4: {  	[tilespmem:s10], [sflag:$0x3] =	stream.indirect.gather [hbm4b:s3+s7], $0x40, s7, s7, $0xb8;
	[tilespmem:$0x10400] =	vst v63  }
0xb5: {  	_ = 	snop  }
0xb6: {  	[tilespmem:s13], [sflag:$0x3] =	stream.indirect.gather [hbm4b:s3+s7], $0x40, s11, s7, $0xb8;
	[tilespmem:$0x10400] =	vst v63  }
0xb7: {  	_ = 	snop  }
0xb8: {  	[tilespmem:s15], [sflag:$0x3] =	stream.indirect.gather [hbm4b:s3+s7], $0x40, s14, s7, $0xb8;
	[tilespmem:$0x10400] =	vst v63  }
0xb9: {  	_ =	swait.ge [sflag:s23], $0x8000  }
0xba: {  	[sflag:s23] =	ssyncset.done $0x0  }
0xbb: {  	[sflag:s23] =	ssyncadd.s32 $0xFFFF8000  }
0xbc: {  	[hbm4b:s5+s2] =	stream.linear.scatter [tilespmem:s12], [sflag:$0x6], $0x8000, $0x38;
	[tilespmem:$0x10400] =	vst v63  }
0xbd: {  	_ =	swait.ge [sflag:s19], $0x8000  }
0xbe: {  	[sflag:s19] =	ssyncset.done $0x0  }
0xbf: {  	[sflag:s19] =	ssyncadd.s32 $0xFFFF8000  }
0xc0: {  	[hbm4b:s4+s2] =	stream.linear.scatter [tilespmem:s6], [sflag:$0x5], $0x8000, $0x38;
	[tilespmem:$0x10400] =	vst v63  }
0xc1: {  	_ =	swait.ge [sflag:s18], $0x8000  }
0xc2: {  	s1 =	rddreg [dreg:$0xe]  }
0xc3: {  	p1 =	sne.s32 s1, $0x1  }
.Ltmp1:
0xc4: {  	_ = 	snop;
	(pc) =	sbr.rel @!p1 .LBB2_3-.Ltmp1, $4  }
0xc5: {  	[sflag:s18] =	ssyncset.done $0x0  }
0xc6: {  	[sflag:s18] =	ssyncadd.s32 $0xFFFF8000  }
0xc7: {  	p0 =	por $0x1, $0x1;
	_ =	swait.ge [sflag:s17], $0x8000  }
0xc8: {  	s1 =	sadd.s32 $0xFFFFFFFF, s1;
	s0 =	rddreg [dreg:$0x2];
	[sflag:s17] =	ssyncset.done $0x0  }
.LBB2_2:
0xc9: {  	[sflag:s17] =	ssyncadd.s32 $0xFFFF8000;
	s25 =	smov.u32 s22  }
0xca: {  	s22 =	smov.u32 s21;
	s21 =	smov.u32 s16;
	s16 =	smov.u32 s9  }
0xcb: {  	[tilespmem:s2], [sflag:$0x1] =	stream.linear.gather [hbm4b:s0+s2], $0x200, $0x38;
	[tilespmem:$0x10400] =	vst v63  }
0xcc: {  	s9 =	smov.u32 s5;
	s5 =	smov.u32 s4;
	s4 =	rddreg [dreg:$0x3]  }
0xcd: {  	[tilespmem:s20], [sflag:$0x2] =	stream.linear.gather [hbm4b:s4+s2], $0x200, $0x38;
	[tilespmem:$0x10400] =	vst v63  }
0xce: {  	_ =	swait.ge [sflag:s8], $0x200  }
0xcf: {  	[sflag:s8] =	ssyncset.done $0x0  }
0xd0: {  	[sflag:s8] =	ssyncadd.s32 $0xFFFFFE00  }
0xd1: {  	[tilespmem:s6], [sflag:$0x3] =	stream.indirect.gather [hbm4b:s3+s7], $0x40, s2, s7, $0xb8;
	[tilespmem:$0x10400] =	vst v63  }
0xd2: {  	s11 =	simm.s32 $0x2400  }
0xd3: {  	[tilespmem:s11], [sflag:$0x3] =	stream.indirect.gather [hbm4b:s3+s7], $0x40, s7, s7, $0xb8;
	[tilespmem:$0x10400] =	vst v63  }
0xd4: {  	s11 =	simm.s32 $0x100  }
0xd5: {  	[tilespmem:s13], [sflag:$0x3] =	stream.indirect.gather [hbm4b:s3+s7], $0x40, s11, s7, $0xb8;
	[tilespmem:$0x10400] =	vst v63  }
0xd6: {  	_ = 	snop  }
0xd7: {  	[tilespmem:s15], [sflag:$0x3] =	stream.indirect.gather [hbm4b:s3+s7], $0x40, s14, s7, $0xb8;
	[tilespmem:$0x10400] =	vst v63  }
0xd8: {  	_ =	swait.ge [sflag:s24], $0x200  }
0xd9: {  	[sflag:s24] =	ssyncset.done $0x0  }
0xda: {  	[sflag:s24] =	ssyncadd.s32 $0xFFFFFE00  }
0xdb: {  	[tilespmem:s12], [sflag:$0x4] =	stream.indirect.gather [hbm4b:s3+s7], $0x40, s20, s7, $0xb8;
	[tilespmem:$0x10400] =	vst v63  }
0xdc: {  	s28 =	simm.s32 $0xA400;
	s26 =	simm.s32 $0x280  }
0xdd: {  	[tilespmem:s28], [sflag:$0x4] =	stream.indirect.gather [hbm4b:s3+s7], $0x40, s26, s7, $0xb8;
	[tilespmem:$0x10400] =	vst v63  }
0xde: {  	s30 =	simm.s32 $0xC400;
	s29 =	simm.s32 $0x300  }
0xdf: {  	[tilespmem:s30], [sflag:$0x4] =	stream.indirect.gather [hbm4b:s3+s7], $0x40, s29, s7, $0xb8;
	[tilespmem:$0x10400] =	vst v63  }
0xe0: {  	s10 =	simm.s32 $0xE400;
	s31 =	simm.s32 $0x380  }
0xe1: {  	[tilespmem:s10], [sflag:$0x4] =	stream.indirect.gather [hbm4b:s3+s7], $0x40, s31, s7, $0xb8;
	[tilespmem:$0x10400] =	vst v63  }
0xe2: {  	_ =	swait.ge [sflag:s19], $0x8000  }
0xe3: {  	[sflag:s19] =	ssyncset.done $0x0  }
0xe4: {  	s0 =	rddreg [dreg:$0x4];
	[sflag:s19] =	ssyncadd.s32 $0xFFFF8000  }
0xe5: {  	[tilespmem:s2], [sflag:$0x1] =	stream.linear.gather [hbm4b:s0+s2], $0x200, $0x38;
	[tilespmem:$0x10400] =	vst v63  }
0xe6: {  	s4 =	rddreg [dreg:$0x5]  }
0xe7: {  	[hbm4b:s4+s2] =	stream.linear.scatter [tilespmem:s6], [sflag:$0x5], $0x8000, $0x38;
	[tilespmem:$0x10400] =	vst v63  }
0xe8: {  	_ =	swait.ge [sflag:s18], $0x8000  }
0xe9: {  	[sflag:s18] =	ssyncset.done $0x0  }
0xea: {  	[sflag:s18] =	ssyncadd.s32 $0xFFFF8000  }
0xeb: {  	_ =	swait.ge [sflag:s8], $0x200  }
0xec: {  	[sflag:s8] =	ssyncset.done $0x0  }
0xed: {  	[sflag:s8] =	ssyncadd.s32 $0xFFFFFE00  }
0xee: {  	[tilespmem:s6], [sflag:$0x3] =	stream.indirect.gather [hbm4b:s3+s7], $0x40, s2, s7, $0xb8;
	[tilespmem:$0x10400] =	vst v63  }
0xef: {  	s10 =	simm.s32 $0x2400  }
0xf0: {  	[tilespmem:s10], [sflag:$0x3] =	stream.indirect.gather [hbm4b:s3+s7], $0x40, s7, s7, $0xb8;
	[tilespmem:$0x10400] =	vst v63  }
0xf1: {  	_ = 	snop  }
0xf2: {  	[tilespmem:s13], [sflag:$0x3] =	stream.indirect.gather [hbm4b:s3+s7], $0x40, s11, s7, $0xb8;
	[tilespmem:$0x10400] =	vst v63  }
0xf3: {  	_ = 	snop  }
0xf4: {  	[tilespmem:s15], [sflag:$0x3] =	stream.indirect.gather [hbm4b:s3+s7], $0x40, s14, s7, $0xb8;
	[tilespmem:$0x10400] =	vst v63  }
0xf5: {  	_ =	swait.ge [sflag:s23], $0x8000  }
0xf6: {  	[sflag:s23] =	ssyncset.done $0x0  }
0xf7: {  	s0 =	rddreg [dreg:$0x6];
	[sflag:s23] =	ssyncadd.s32 $0xFFFF8000  }
0xf8: {  	[tilespmem:s20], [sflag:$0x2] =	stream.linear.gather [hbm4b:s0+s2], $0x200, $0x38;
	[tilespmem:$0x10400] =	vst v63  }
0xf9: {  	s4 =	rddreg [dreg:$0x7]  }
0xfa: {  	[hbm4b:s4+s2] =	stream.linear.scatter [tilespmem:s12], [sflag:$0x6], $0x8000, $0x38;
	[tilespmem:$0x10400] =	vst v63  }
0xfb: {  	_ =	swait.ge [sflag:s17], $0x8000  }
0xfc: {  	[sflag:s17] =	ssyncset.done $0x0  }
0xfd: {  	[sflag:s17] =	ssyncadd.s32 $0xFFFF8000  }
0xfe: {  	_ =	swait.ge [sflag:s24], $0x200  }
0xff: {  	[sflag:s24] =	ssyncset.done $0x0  }
0x100: {  	[sflag:s24] =	ssyncadd.s32 $0xFFFFFE00  }
0x101: {  	[tilespmem:s12], [sflag:$0x4] =	stream.indirect.gather [hbm4b:s3+s7], $0x40, s20, s7, $0xb8;
	[tilespmem:$0x10400] =	vst v63  }
0x102: {  	_ = 	snop  }
0x103: {  	[tilespmem:s28], [sflag:$0x4] =	stream.indirect.gather [hbm4b:s3+s7], $0x40, s26, s7, $0xb8;
	[tilespmem:$0x10400] =	vst v63  }
0x104: {  	_ = 	snop  }
0x105: {  	[tilespmem:s30], [sflag:$0x4] =	stream.indirect.gather [hbm4b:s3+s7], $0x40, s29, s7, $0xb8;
	[tilespmem:$0x10400] =	vst v63  }
0x106: {  	s31 =	simm.s32 $0xE400;
	s30 =	simm.s32 $0x380  }
0x107: {  	[tilespmem:s31], [sflag:$0x4] =	stream.indirect.gather [hbm4b:s3+s7], $0x40, s30, s7, $0xb8;
	[tilespmem:$0x10400] =	vst v63  }
0x108: {  	_ =	swait.ge [sflag:s19], $0x8000  }
0x109: {  	[sflag:s19] =	ssyncset.done $0x0  }
0x10a: {  	s0 =	rddreg [dreg:$0x8];
	[sflag:s19] =	ssyncadd.s32 $0xFFFF8000  }
0x10b: {  	[tilespmem:s2], [sflag:$0x1] =	stream.linear.gather [hbm4b:s0+s2], $0x200, $0x38;
	[tilespmem:$0x10400] =	vst v63  }
0x10c: {  	s4 =	rddreg [dreg:$0x9]  }
0x10d: {  	[hbm4b:s4+s2] =	stream.linear.scatter [tilespmem:s6], [sflag:$0x5], $0x8000, $0x38;
	[tilespmem:$0x10400] =	vst v63  }
0x10e: {  	_ =	swait.ge [sflag:s18], $0x8000  }
0x10f: {  	[sflag:s18] =	ssyncset.done $0x0  }
0x110: {  	[sflag:s18] =	ssyncadd.s32 $0xFFFF8000  }
0x111: {  	_ =	swait.ge [sflag:s8], $0x200  }
0x112: {  	[sflag:s8] =	ssyncset.done $0x0  }
0x113: {  	[sflag:s8] =	ssyncadd.s32 $0xFFFFFE00  }
0x114: {  	[tilespmem:s6], [sflag:$0x3] =	stream.indirect.gather [hbm4b:s3+s7], $0x40, s2, s7, $0xb8;
	[tilespmem:$0x10400] =	vst v63  }
0x115: {  	_ = 	snop  }
0x116: {  	[tilespmem:s10], [sflag:$0x3] =	stream.indirect.gather [hbm4b:s3+s7], $0x40, s7, s7, $0xb8;
	[tilespmem:$0x10400] =	vst v63  }
0x117: {  	_ = 	snop  }
0x118: {  	[tilespmem:s13], [sflag:$0x3] =	stream.indirect.gather [hbm4b:s3+s7], $0x40, s11, s7, $0xb8;
	[tilespmem:$0x10400] =	vst v63  }
0x119: {  	_ = 	snop  }
0x11a: {  	[tilespmem:s15], [sflag:$0x3] =	stream.indirect.gather [hbm4b:s3+s7], $0x40, s14, s7, $0xb8;
	[tilespmem:$0x10400] =	vst v63  }
0x11b: {  	_ =	swait.ge [sflag:s23], $0x8000  }
0x11c: {  	[sflag:s23] =	ssyncset.done $0x0  }
0x11d: {  	s0 =	rddreg [dreg:$0xa];
	[sflag:s23] =	ssyncadd.s32 $0xFFFF8000  }
0x11e: {  	[tilespmem:s20], [sflag:$0x2] =	stream.linear.gather [hbm4b:s0+s2], $0x200, $0x38;
	[tilespmem:$0x10400] =	vst v63  }
0x11f: {  	s4 =	rddreg [dreg:$0xb]  }
0x120: {  	[hbm4b:s4+s2] =	stream.linear.scatter [tilespmem:s12], [sflag:$0x6], $0x8000, $0x38;
	[tilespmem:$0x10400] =	vst v63  }
0x121: {  	_ =	swait.ge [sflag:s17], $0x8000  }
0x122: {  	[sflag:s17] =	ssyncset.done $0x0  }
0x123: {  	[sflag:s17] =	ssyncadd.s32 $0xFFFF8000  }
0x124: {  	_ =	swait.ge [sflag:s24], $0x200  }
0x125: {  	[sflag:s24] =	ssyncset.done $0x0  }
0x126: {  	[sflag:s24] =	ssyncadd.s32 $0xFFFFFE00  }
0x127: {  	[tilespmem:s12], [sflag:$0x4] =	stream.indirect.gather [hbm4b:s3+s7], $0x40, s20, s7, $0xb8;
	[tilespmem:$0x10400] =	vst v63  }
0x128: {  	_ = 	snop  }
0x129: {  	[tilespmem:s28], [sflag:$0x4] =	stream.indirect.gather [hbm4b:s3+s7], $0x40, s26, s7, $0xb8;
	[tilespmem:$0x10400] =	vst v63  }
0x12a: {  	s29 =	simm.s32 $0xC400;
	s28 =	simm.s32 $0x300  }
0x12b: {  	[tilespmem:s29], [sflag:$0x4] =	stream.indirect.gather [hbm4b:s3+s7], $0x40, s28, s7, $0xb8;
	[tilespmem:$0x10400] =	vst v63  }
0x12c: {  	_ = 	snop  }
0x12d: {  	[tilespmem:s31], [sflag:$0x4] =	stream.indirect.gather [hbm4b:s3+s7], $0x40, s30, s7, $0xb8;
	[tilespmem:$0x10400] =	vst v63  }
0x12e: {  	_ =	swait.ge [sflag:s19], $0x8000  }
0x12f: {  	[sflag:s19] =	ssyncset.done $0x0  }
0x130: {  	s0 =	rddreg [dreg:$0xc];
	[sflag:s19] =	ssyncadd.s32 $0xFFFF8000  }
0x131: {  	[tilespmem:s2], [sflag:$0x1] =	stream.linear.gather [hbm4b:s0+s2], $0x200, $0x38;
	[tilespmem:$0x10400] =	vst v63  }
0x132: {  	s4 =	rddreg [dreg:$0xd]  }
0x133: {  	[hbm4b:s4+s2] =	stream.linear.scatter [tilespmem:s6], [sflag:$0x5], $0x8000, $0x38;
	[tilespmem:$0x10400] =	vst v63  }
0x134: {  	_ =	swait.ge [sflag:s18], $0x8000  }
0x135: {  	[sflag:s18] =	ssyncset.done $0x0  }
0x136: {  	[sflag:s18] =	ssyncadd.s32 $0xFFFF8000  }
0x137: {  	_ =	swait.ge [sflag:s8], $0x200  }
0x138: {  	[sflag:s8] =	ssyncset.done $0x0  }
0x139: {  	[sflag:s8] =	ssyncadd.s32 $0xFFFFFE00  }
0x13a: {  	[tilespmem:s6], [sflag:$0x3] =	stream.indirect.gather [hbm4b:s3+s7], $0x40, s2, s7, $0xb8;
	[tilespmem:$0x10400] =	vst v63  }
0x13b: {  	_ = 	snop  }
0x13c: {  	[tilespmem:s10], [sflag:$0x3] =	stream.indirect.gather [hbm4b:s3+s7], $0x40, s7, s7, $0xb8;
	[tilespmem:$0x10400] =	vst v63  }
0x13d: {  	_ = 	snop  }
0x13e: {  	[tilespmem:s13], [sflag:$0x3] =	stream.indirect.gather [hbm4b:s3+s7], $0x40, s11, s7, $0xb8;
	[tilespmem:$0x10400] =	vst v63  }
0x13f: {  	_ = 	snop  }
0x140: {  	[tilespmem:s15], [sflag:$0x3] =	stream.indirect.gather [hbm4b:s3+s7], $0x40, s14, s7, $0xb8;
	[tilespmem:$0x10400] =	vst v63  }
0x141: {  	s4 =	smov.u32 s5;
	_ =	swait.ge [sflag:s23], $0x8000  }
0x142: {  	s5 =	smov.u32 s9;
	s9 =	smov.u32 s16;
	[sflag:s23] =	ssyncset.done $0x0  }
0x143: {  	s16 =	smov.u32 s21;
	s21 =	smov.u32 s22;
	[sflag:s23] =	ssyncadd.s32 $0xFFFF8000  }
0x144: {  	[tilespmem:s20], [sflag:$0x2] =	stream.linear.gather [hbm4b:s21+s2], $0x200, $0x38;
	[tilespmem:$0x10400] =	vst v63  }
0x145: {  	s22 =	smov.u32 s25  }
0x146: {  	[hbm4b:s22+s2] =	stream.linear.scatter [tilespmem:s12], [sflag:$0x6], $0x8000, $0x38;
	[tilespmem:$0x10400] =	vst v63  }
0x147: {  	_ =	swait.ge [sflag:s17], $0x8000  }
0x148: {  	[sflag:s17] =	ssyncset.done $0x0  }
0x149: {  	[sflag:s17] =	ssyncadd.s32 $0xFFFF8000  }
0x14a: {  	_ =	swait.ge [sflag:s24], $0x200  }
0x14b: {  	[sflag:s24] =	ssyncset.done $0x0  }
0x14c: {  	[sflag:s24] =	ssyncadd.s32 $0xFFFFFE00  }
0x14d: {  	[tilespmem:s12], [sflag:$0x4] =	stream.indirect.gather [hbm4b:s3+s7], $0x40, s20, s7, $0xb8;
	[tilespmem:$0x10400] =	vst v63  }
0x14e: {  	s26 =	simm.s32 $0xA400;
	s25 =	simm.s32 $0x280  }
0x14f: {  	[tilespmem:s26], [sflag:$0x4] =	stream.indirect.gather [hbm4b:s3+s7], $0x40, s25, s7, $0xb8;
	[tilespmem:$0x10400] =	vst v63  }
0x150: {  	_ = 	snop  }
0x151: {  	[tilespmem:s29], [sflag:$0x4] =	stream.indirect.gather [hbm4b:s3+s7], $0x40, s28, s7, $0xb8;
	[tilespmem:$0x10400] =	vst v63  }
0x152: {  	_ = 	snop  }
0x153: {  	[tilespmem:s31], [sflag:$0x4] =	stream.indirect.gather [hbm4b:s3+s7], $0x40, s30, s7, $0xb8;
	[tilespmem:$0x10400] =	vst v63  }
0x154: {  	_ =	swait.ge [sflag:s19], $0x8000  }
0x155: {  	[sflag:s19] =	ssyncset.done $0x0  }
0x156: {  	[sflag:s19] =	ssyncadd.s32 $0xFFFF8000  }
0x157: {  	[tilespmem:s2], [sflag:$0x1] =	stream.linear.gather [hbm4b:s16+s2], $0x200, $0x38;
	[tilespmem:$0x10400] =	vst v63  }
0x158: {  	_ = 	snop  }
0x159: {  	[hbm4b:s9+s2] =	stream.linear.scatter [tilespmem:s6], [sflag:$0x5], $0x8000, $0x38;
	[tilespmem:$0x10400] =	vst v63  }
0x15a: {  	_ =	swait.ge [sflag:s18], $0x8000  }
0x15b: {  	[sflag:s18] =	ssyncset.done $0x0  }
0x15c: {  	[sflag:s18] =	ssyncadd.s32 $0xFFFF8000  }
0x15d: {  	_ =	swait.ge [sflag:s8], $0x200  }
0x15e: {  	[sflag:s8] =	ssyncset.done $0x0  }
0x15f: {  	[sflag:s8] =	ssyncadd.s32 $0xFFFFFE00  }
0x160: {  	[tilespmem:s6], [sflag:$0x3] =	stream.indirect.gather [hbm4b:s3+s7], $0x40, s2, s7, $0xb8;
	[tilespmem:$0x10400] =	vst v63  }
0x161: {  	_ = 	snop  }
0x162: {  	[tilespmem:s10], [sflag:$0x3] =	stream.indirect.gather [hbm4b:s3+s7], $0x40, s7, s7, $0xb8;
	[tilespmem:$0x10400] =	vst v63  }
0x163: {  	_ = 	snop  }
0x164: {  	[tilespmem:s13], [sflag:$0x3] =	stream.indirect.gather [hbm4b:s3+s7], $0x40, s11, s7, $0xb8;
	[tilespmem:$0x10400] =	vst v63  }
0x165: {  	_ = 	snop  }
0x166: {  	[tilespmem:s15], [sflag:$0x3] =	stream.indirect.gather [hbm4b:s3+s7], $0x40, s14, s7, $0xb8;
	[tilespmem:$0x10400] =	vst v63  }
0x167: {  	_ =	swait.ge [sflag:s23], $0x8000  }
0x168: {  	[sflag:s23] =	ssyncset.done $0x0  }
0x169: {  	[sflag:s23] =	ssyncadd.s32 $0xFFFF8000  }
0x16a: {  	[hbm4b:s5+s2] =	stream.linear.scatter [tilespmem:s12], [sflag:$0x6], $0x8000, $0x38;
	[tilespmem:$0x10400] =	vst v63  }
0x16b: {  	_ =	swait.ge [sflag:s19], $0x8000  }
0x16c: {  	[sflag:s19] =	ssyncset.done $0x0  }
0x16d: {  	p1 =	sne.s32 s1, $0x1;
	[sflag:s19] =	ssyncadd.s32 $0xFFFF8000  }
0x16e: {  	[hbm4b:s4+s2] =	stream.linear.scatter [tilespmem:s6], [sflag:$0x5], $0x8000, $0x38;
	[tilespmem:$0x10400] =	vst v63  }
.Ltmp2:
0x16f: {  	_ =	swait.ge [sflag:s18], $0x8000;
	(pc) =	sbr.rel @p1 .LBB2_2-.Ltmp2, $4  }
0x170: {  	[sflag:s18] =	ssyncset.done $0x0  }
0x171: {  	[sflag:s18] =	ssyncadd.s32 $0xFFFF8000  }
0x172: {  	_ =	swait.ge [sflag:s17], $0x8000  }
0x173: {  	s1 =	sadd.s32 $0xFFFFFFFF, s1;
	s0 =	rddreg [dreg:$0x2];
	[sflag:s17] =	ssyncset.done $0x0  }
.LBB2_3:
0x174: {  	[sflag:s17] =	ssyncadd.s32 @p0 $0xFFFF8000  }
0x175: {  	[tilespmem:s2], [sflag:$0x1] =	stream.linear.gather [hbm4b:s0+s2], $0x200, $0x38;
	[tilespmem:$0x10400] =	vst v63  }
0x176: {  	s1 =	rddreg [dreg:$0x3]  }
0x177: {  	[tilespmem:s20], [sflag:$0x2] =	stream.linear.gather [hbm4b:s1+s2], $0x200, $0x38;
	[tilespmem:$0x10400] =	vst v63  }
0x178: {  	_ =	swait.ge [sflag:s8], $0x200  }
0x179: {  	[sflag:s8] =	ssyncset.done $0x0  }
0x17a: {  	[sflag:s8] =	ssyncadd.s32 $0xFFFFFE00  }
0x17b: {  	[tilespmem:s6], [sflag:$0x3] =	stream.indirect.gather [hbm4b:s3+s7], $0x40, s2, s7, $0xb8;
	[tilespmem:$0x10400] =	vst v63  }
0x17c: {  	_ = 	snop  }
0x17d: {  	[tilespmem:s10], [sflag:$0x3] =	stream.indirect.gather [hbm4b:s3+s7], $0x40, s7, s7, $0xb8;
	[tilespmem:$0x10400] =	vst v63  }
0x17e: {  	_ = 	snop  }
0x17f: {  	[tilespmem:s13], [sflag:$0x3] =	stream.indirect.gather [hbm4b:s3+s7], $0x40, s11, s7, $0xb8;
	[tilespmem:$0x10400] =	vst v63  }
0x180: {  	_ = 	snop  }
0x181: {  	[tilespmem:s15], [sflag:$0x3] =	stream.indirect.gather [hbm4b:s3+s7], $0x40, s14, s7, $0xb8;
	[tilespmem:$0x10400] =	vst v63  }
0x182: {  	_ =	swait.ge [sflag:s24], $0x200  }
0x183: {  	[sflag:s24] =	ssyncset.done $0x0  }
0x184: {  	[sflag:s24] =	ssyncadd.s32 $0xFFFFFE00  }
0x185: {  	[tilespmem:s12], [sflag:$0x4] =	stream.indirect.gather [hbm4b:s3+s7], $0x40, s20, s7, $0xb8;
	[tilespmem:$0x10400] =	vst v63  }
0x186: {  	_ = 	snop  }
0x187: {  	[tilespmem:s26], [sflag:$0x4] =	stream.indirect.gather [hbm4b:s3+s7], $0x40, s25, s7, $0xb8;
	[tilespmem:$0x10400] =	vst v63  }
0x188: {  	_ = 	snop  }
0x189: {  	[tilespmem:s29], [sflag:$0x4] =	stream.indirect.gather [hbm4b:s3+s7], $0x40, s28, s7, $0xb8;
	[tilespmem:$0x10400] =	vst v63  }
0x18a: {  	_ = 	snop  }
0x18b: {  	[tilespmem:s31], [sflag:$0x4] =	stream.indirect.gather [hbm4b:s3+s7], $0x40, s30, s7, $0xb8;
	[tilespmem:$0x10400] =	vst v63  }
0x18c: {  	_ =	swait.ge [sflag:s19], $0x8000  }
0x18d: {  	[sflag:s19] =	ssyncset.done $0x0  }
0x18e: {  	s0 =	rddreg [dreg:$0x4];
	[sflag:s19] =	ssyncadd.s32 $0xFFFF8000  }
0x18f: {  	[tilespmem:s2], [sflag:$0x1] =	stream.linear.gather [hbm4b:s0+s2], $0x200, $0x38;
	[tilespmem:$0x10400] =	vst v63  }
0x190: {  	s1 =	rddreg [dreg:$0x5]  }
0x191: {  	[hbm4b:s1+s2] =	stream.linear.scatter [tilespmem:s6], [sflag:$0x5], $0x8000, $0x38;
	[tilespmem:$0x10400] =	vst v63  }
0x192: {  	_ =	swait.ge [sflag:s18], $0x8000  }
0x193: {  	[sflag:s18] =	ssyncset.done $0x0  }
0x194: {  	[sflag:s18] =	ssyncadd.s32 $0xFFFF8000  }
0x195: {  	_ =	swait.ge [sflag:s8], $0x200  }
0x196: {  	[sflag:s8] =	ssyncset.done $0x0  }
0x197: {  	[sflag:s8] =	ssyncadd.s32 $0xFFFFFE00  }
0x198: {  	[tilespmem:s6], [sflag:$0x3] =	stream.indirect.gather [hbm4b:s3+s7], $0x40, s2, s7, $0xb8;
	[tilespmem:$0x10400] =	vst v63  }
0x199: {  	_ = 	snop  }
0x19a: {  	[tilespmem:s10], [sflag:$0x3] =	stream.indirect.gather [hbm4b:s3+s7], $0x40, s7, s7, $0xb8;
	[tilespmem:$0x10400] =	vst v63  }
0x19b: {  	_ = 	snop  }
0x19c: {  	[tilespmem:s13], [sflag:$0x3] =	stream.indirect.gather [hbm4b:s3+s7], $0x40, s11, s7, $0xb8;
	[tilespmem:$0x10400] =	vst v63  }
0x19d: {  	_ = 	snop  }
0x19e: {  	[tilespmem:s15], [sflag:$0x3] =	stream.indirect.gather [hbm4b:s3+s7], $0x40, s14, s7, $0xb8;
	[tilespmem:$0x10400] =	vst v63  }
0x19f: {  	_ =	swait.ge [sflag:s23], $0x8000  }
0x1a0: {  	[sflag:s23] =	ssyncset.done $0x0  }
0x1a1: {  	s0 =	rddreg [dreg:$0x6];
	[sflag:s23] =	ssyncadd.s32 $0xFFFF8000  }
0x1a2: {  	[tilespmem:s20], [sflag:$0x2] =	stream.linear.gather [hbm4b:s0+s2], $0x200, $0x38;
	[tilespmem:$0x10400] =	vst v63  }
0x1a3: {  	s1 =	rddreg [dreg:$0x7]  }
0x1a4: {  	[hbm4b:s1+s2] =	stream.linear.scatter [tilespmem:s12], [sflag:$0x6], $0x8000, $0x38;
	[tilespmem:$0x10400] =	vst v63  }
0x1a5: {  	_ =	swait.ge [sflag:s17], $0x8000  }
0x1a6: {  	[sflag:s17] =	ssyncset.done $0x0  }
0x1a7: {  	[sflag:s17] =	ssyncadd.s32 $0xFFFF8000  }
0x1a8: {  	_ =	swait.ge [sflag:s24], $0x200  }
0x1a9: {  	[sflag:s24] =	ssyncset.done $0x0  }
0x1aa: {  	[sflag:s24] =	ssyncadd.s32 $0xFFFFFE00  }
0x1ab: {  	[tilespmem:s12], [sflag:$0x4] =	stream.indirect.gather [hbm4b:s3+s7], $0x40, s20, s7, $0xb8;
	[tilespmem:$0x10400] =	vst v63  }
0x1ac: {  	_ = 	snop  }
0x1ad: {  	[tilespmem:s26], [sflag:$0x4] =	stream.indirect.gather [hbm4b:s3+s7], $0x40, s25, s7, $0xb8;
	[tilespmem:$0x10400] =	vst v63  }
0x1ae: {  	_ = 	snop  }
0x1af: {  	[tilespmem:s29], [sflag:$0x4] =	stream.indirect.gather [hbm4b:s3+s7], $0x40, s28, s7, $0xb8;
	[tilespmem:$0x10400] =	vst v63  }
0x1b0: {  	_ = 	snop  }
0x1b1: {  	[tilespmem:s31], [sflag:$0x4] =	stream.indirect.gather [hbm4b:s3+s7], $0x40, s30, s7, $0xb8;
	[tilespmem:$0x10400] =	vst v63  }
0x1b2: {  	_ =	swait.ge [sflag:s19], $0x8000  }
0x1b3: {  	[sflag:s19] =	ssyncset.done $0x0  }
0x1b4: {  	s0 =	rddreg [dreg:$0x8];
	[sflag:s19] =	ssyncadd.s32 $0xFFFF8000  }
0x1b5: {  	[tilespmem:s2], [sflag:$0x1] =	stream.linear.gather [hbm4b:s0+s2], $0x200, $0x38;
	[tilespmem:$0x10400] =	vst v63  }
0x1b6: {  	s1 =	rddreg [dreg:$0x9]  }
0x1b7: {  	[hbm4b:s1+s2] =	stream.linear.scatter [tilespmem:s6], [sflag:$0x5], $0x8000, $0x38;
	[tilespmem:$0x10400] =	vst v63  }
0x1b8: {  	_ =	swait.ge [sflag:s18], $0x8000  }
0x1b9: {  	[sflag:s18] =	ssyncset.done $0x0  }
0x1ba: {  	[sflag:s18] =	ssyncadd.s32 $0xFFFF8000  }
0x1bb: {  	_ =	swait.ge [sflag:s8], $0x200  }
0x1bc: {  	[sflag:s8] =	ssyncset.done $0x0  }
0x1bd: {  	[sflag:s8] =	ssyncadd.s32 $0xFFFFFE00  }
0x1be: {  	[tilespmem:s6], [sflag:$0x3] =	stream.indirect.gather [hbm4b:s3+s7], $0x40, s2, s7, $0xb8;
	[tilespmem:$0x10400] =	vst v63  }
0x1bf: {  	_ = 	snop  }
0x1c0: {  	[tilespmem:s10], [sflag:$0x3] =	stream.indirect.gather [hbm4b:s3+s7], $0x40, s7, s7, $0xb8;
	[tilespmem:$0x10400] =	vst v63  }
0x1c1: {  	_ = 	snop  }
0x1c2: {  	[tilespmem:s13], [sflag:$0x3] =	stream.indirect.gather [hbm4b:s3+s7], $0x40, s11, s7, $0xb8;
	[tilespmem:$0x10400] =	vst v63  }
0x1c3: {  	_ = 	snop  }
0x1c4: {  	[tilespmem:s15], [sflag:$0x3] =	stream.indirect.gather [hbm4b:s3+s7], $0x40, s14, s7, $0xb8;
	[tilespmem:$0x10400] =	vst v63  }
0x1c5: {  	_ =	swait.ge [sflag:s23], $0x8000  }
0x1c6: {  	[sflag:s23] =	ssyncset.done $0x0  }
0x1c7: {  	s0 =	rddreg [dreg:$0xa];
	[sflag:s23] =	ssyncadd.s32 $0xFFFF8000  }
0x1c8: {  	[tilespmem:s20], [sflag:$0x2] =	stream.linear.gather [hbm4b:s0+s2], $0x200, $0x38;
	[tilespmem:$0x10400] =	vst v63  }
0x1c9: {  	s1 =	rddreg [dreg:$0xb]  }
0x1ca: {  	[hbm4b:s1+s2] =	stream.linear.scatter [tilespmem:s12], [sflag:$0x6], $0x8000, $0x38;
	[tilespmem:$0x10400] =	vst v63  }
0x1cb: {  	_ =	swait.ge [sflag:s17], $0x8000  }
0x1cc: {  	[sflag:s17] =	ssyncset.done $0x0  }
0x1cd: {  	[sflag:s17] =	ssyncadd.s32 $0xFFFF8000  }
0x1ce: {  	_ =	swait.ge [sflag:s24], $0x200  }
0x1cf: {  	[sflag:s24] =	ssyncset.done $0x0  }
0x1d0: {  	[sflag:s24] =	ssyncadd.s32 $0xFFFFFE00  }
0x1d1: {  	[tilespmem:s12], [sflag:$0x4] =	stream.indirect.gather [hbm4b:s3+s7], $0x40, s20, s7, $0xb8;
	[tilespmem:$0x10400] =	vst v63  }
0x1d2: {  	_ = 	snop  }
0x1d3: {  	[tilespmem:s26], [sflag:$0x4] =	stream.indirect.gather [hbm4b:s3+s7], $0x40, s25, s7, $0xb8;
	[tilespmem:$0x10400] =	vst v63  }
0x1d4: {  	_ = 	snop  }
0x1d5: {  	[tilespmem:s29], [sflag:$0x4] =	stream.indirect.gather [hbm4b:s3+s7], $0x40, s28, s7, $0xb8;
	[tilespmem:$0x10400] =	vst v63  }
0x1d6: {  	_ = 	snop  }
0x1d7: {  	[tilespmem:s31], [sflag:$0x4] =	stream.indirect.gather [hbm4b:s3+s7], $0x40, s30, s7, $0xb8;
	[tilespmem:$0x10400] =	vst v63  }
0x1d8: {  	_ =	swait.ge [sflag:s19], $0x8000  }
0x1d9: {  	[sflag:s19] =	ssyncset.done $0x0  }
0x1da: {  	s0 =	rddreg [dreg:$0xc];
	[sflag:s19] =	ssyncadd.s32 $0xFFFF8000  }
0x1db: {  	[tilespmem:s2], [sflag:$0x1] =	stream.linear.gather [hbm4b:s0+s2], $0x200, $0x38;
	[tilespmem:$0x10400] =	vst v63  }
0x1dc: {  	s1 =	rddreg [dreg:$0xd]  }
0x1dd: {  	[hbm4b:s1+s2] =	stream.linear.scatter [tilespmem:s6], [sflag:$0x5], $0x8000, $0x38;
	[tilespmem:$0x10400] =	vst v63  }
0x1de: {  	_ =	swait.ge [sflag:s18], $0x8000  }
0x1df: {  	[sflag:s18] =	ssyncset.done $0x0  }
0x1e0: {  	[sflag:s18] =	ssyncadd.s32 $0xFFFF8000  }
0x1e1: {  	_ =	swait.ge [sflag:s8], $0x200  }
0x1e2: {  	[sflag:s8] =	ssyncset.done $0x0  }
0x1e3: {  	[sflag:s8] =	ssyncadd.s32 $0xFFFFFE00  }
0x1e4: {  	[tilespmem:s6], [sflag:$0x3] =	stream.indirect.gather [hbm4b:s3+s7], $0x40, s2, s7, $0xb8;
	[tilespmem:$0x10400] =	vst v63  }
0x1e5: {  	_ = 	snop  }
0x1e6: {  	[tilespmem:s10], [sflag:$0x3] =	stream.indirect.gather [hbm4b:s3+s7], $0x40, s7, s7, $0xb8;
	[tilespmem:$0x10400] =	vst v63  }
0x1e7: {  	_ = 	snop  }
0x1e8: {  	[tilespmem:s13], [sflag:$0x3] =	stream.indirect.gather [hbm4b:s3+s7], $0x40, s11, s7, $0xb8;
	[tilespmem:$0x10400] =	vst v63  }
0x1e9: {  	_ = 	snop  }
0x1ea: {  	[tilespmem:s15], [sflag:$0x3] =	stream.indirect.gather [hbm4b:s3+s7], $0x40, s14, s7, $0xb8;
	[tilespmem:$0x10400] =	vst v63  }
0x1eb: {  	_ =	swait.ge [sflag:s23], $0x8000  }
0x1ec: {  	[sflag:s23] =	ssyncset.done $0x0  }
0x1ed: {  	[sflag:s23] =	ssyncadd.s32 $0xFFFF8000  }
0x1ee: {  	[tilespmem:s20], [sflag:$0x2] =	stream.linear.gather [hbm4b:s21+s2], $0x200, $0x38;
	[tilespmem:$0x10400] =	vst v63  }
0x1ef: {  	_ = 	snop  }
0x1f0: {  	[hbm4b:s22+s2] =	stream.linear.scatter [tilespmem:s12], [sflag:$0x6], $0x8000, $0x38;
	[tilespmem:$0x10400] =	vst v63  }
0x1f1: {  	_ =	swait.ge [sflag:s17], $0x8000  }
0x1f2: {  	[sflag:s17] =	ssyncset.done $0x0  }
0x1f3: {  	[sflag:s17] =	ssyncadd.s32 $0xFFFF8000  }
0x1f4: {  	_ =	swait.ge [sflag:s24], $0x200  }
0x1f5: {  	[sflag:s24] =	ssyncset.done $0x0  }
0x1f6: {  	[sflag:s24] =	ssyncadd.s32 $0xFFFFFE00  }
0x1f7: {  	[tilespmem:s12], [sflag:$0x4] =	stream.indirect.gather [hbm4b:s3+s7], $0x40, s20, s7, $0xb8;
	[tilespmem:$0x10400] =	vst v63  }
0x1f8: {  	_ = 	snop  }
0x1f9: {  	[tilespmem:s26], [sflag:$0x4] =	stream.indirect.gather [hbm4b:s3+s7], $0x40, s25, s7, $0xb8;
	[tilespmem:$0x10400] =	vst v63  }
0x1fa: {  	_ = 	snop  }
0x1fb: {  	[tilespmem:s29], [sflag:$0x4] =	stream.indirect.gather [hbm4b:s3+s7], $0x40, s28, s7, $0xb8;
	[tilespmem:$0x10400] =	vst v63  }
0x1fc: {  	_ = 	snop  }
0x1fd: {  	[tilespmem:s31], [sflag:$0x4] =	stream.indirect.gather [hbm4b:s3+s7], $0x40, s30, s7, $0xb8;
	[tilespmem:$0x10400] =	vst v63  }
0x1fe: {  	_ =	swait.ge [sflag:s19], $0x8000  }
0x1ff: {  	[sflag:s19] =	ssyncset.done $0x0  }
0x200: {  	[sflag:s19] =	ssyncadd.s32 $0xFFFF8000  }
0x201: {  	[tilespmem:s2], [sflag:$0x1] =	stream.linear.gather [hbm4b:s16+s2], $0x200, $0x38;
	[tilespmem:$0x10400] =	vst v63  }
0x202: {  	_ = 	snop  }
0x203: {  	[hbm4b:s9+s2] =	stream.linear.scatter [tilespmem:s6], [sflag:$0x5], $0x8000, $0x38;
	[tilespmem:$0x10400] =	vst v63  }
0x204: {  	_ =	swait.ge [sflag:s18], $0x8000  }
0x205: {  	[sflag:s18] =	ssyncset.done $0x0  }
0x206: {  	[sflag:s18] =	ssyncadd.s32 $0xFFFF8000  }
0x207: {  	_ =	swait.ge [sflag:s8], $0x200  }
0x208: {  	[sflag:s8] =	ssyncset.done $0x0  }
0x209: {  	[sflag:s8] =	ssyncadd.s32 $0xFFFFFE00  }
0x20a: {  	[tilespmem:s6], [sflag:$0x3] =	stream.indirect.gather [hbm4b:s3+s7], $0x40, s2, s7, $0xb8;
	[tilespmem:$0x10400] =	vst v63  }
0x20b: {  	_ = 	snop  }
0x20c: {  	[tilespmem:s10], [sflag:$0x3] =	stream.indirect.gather [hbm4b:s3+s7], $0x40, s7, s7, $0xb8;
	[tilespmem:$0x10400] =	vst v63  }
0x20d: {  	_ = 	snop  }
0x20e: {  	[tilespmem:s13], [sflag:$0x3] =	stream.indirect.gather [hbm4b:s3+s7], $0x40, s11, s7, $0xb8;
	[tilespmem:$0x10400] =	vst v63  }
0x20f: {  	_ = 	snop  }
0x210: {  	[tilespmem:s15], [sflag:$0x3] =	stream.indirect.gather [hbm4b:s3+s7], $0x40, s14, s7, $0xb8;
	[tilespmem:$0x10400] =	vst v63  }
0x211: {  	_ =	swait.ge [sflag:s23], $0x8000  }
0x212: {  	[sflag:s23] =	ssyncset.done $0x0  }
0x213: {  	[sflag:s23] =	ssyncadd.s32 $0xFFFF8000  }
0x214: {  	[hbm4b:s5+s2] =	stream.linear.scatter [tilespmem:s12], [sflag:$0x6], $0x8000, $0x38;
	[tilespmem:$0x10400] =	vst v63  }
0x215: {  	_ =	swait.ge [sflag:s19], $0x8000  }
0x216: {  	[sflag:s19] =	ssyncset.done $0x0  }
0x217: {  	[sflag:s19] =	ssyncadd.s32 $0xFFFF8000  }
0x218: {  	[hbm4b:s4+s2] =	stream.linear.scatter [tilespmem:s6], [sflag:$0x5], $0x8000, $0x38;
	[tilespmem:$0x10400] =	vst v63  }
0x219: {  	_ =	swait.ge [sflag:s18], $0x8000  }
0x21a: {  	[sflag:s18] =	ssyncset.done $0x0  }
0x21b: {  	[sflag:s18] =	ssyncadd.s32 $0xFFFF8000  }
0x21c: {  	_ =	swait.ge [sflag:s17], $0x8000  }
0x21d: {  	[sflag:s17] =	ssyncset.done $0x0  }
0x21e: {  	[sflag:s17] =	ssyncadd.s32 $0xFFFF8000  }
0x21f: {  	_ =	sfence.sel $0x180000  }
0x220: {  	[bflag:$0x0] =	sbarrier.arrive $0xFFFF  }
0x221: {  	_ =	strace $0x90000050  }
0x222: {  	s31 =	stileid.u32;
	[bflag:$0x2] =	sbarrier.arrive $0xFFFF  }
0x223: {  	p0 =	sne.s32 s31, $0x0;
	s0 =	rddreg [dreg:$0x1]  }
0x224: {  	s0 =	sadd.s32 @!p0 $0x100000, s0  }
0x225: {  	[sflag:s0] =	ssyncadd.tile.s32 @!p0 $0x1;
	_ =	shalt  }
.Lfunc_end2:
_tile_overlayer_lowered:
.L_overlay_start_2:
0x226: {  	(tag) =	ssettag $0x2  }
0x227: {  	s0 =	rddreg [dreg:$0x0];
	s2 =	stileid.u32  }
0x228: {  	s1 =	rddreg [dreg:$0x1];
	p0 =	sne.s32 s2, $0x0  }
0x229: {  	s3 =	rddreg [dreg:$0x2];
	[bflag:$0x3] =	sbarrier.arrive $0xFFFF;
	s2 =	simm.s32 @!p0 $0x1C07  }
0x22a: {  	[timem:s3], [sflag:s2] =	dma.local @!p0 [hbm:s0], s1  }
0x22b: {  	s0 =	simm.s32 @!p0 $0x7  }
0x22c: {  	_ =	swait.ge @!p0 [sflag:s0], s1  }
0x22d: {  	s1 =	ssub.s32 @!p0 $0x0, s1;
	[sflag:s0] =	ssyncset.done @!p0 $0x0  }
0x22e: {  	[sflag:s0] =	ssyncadd.s32 @!p0 s1  }
0x22f: {  	[bflag:$0x3] =	sbarrier.arrive $0xFFFF  }
0x230: {  	_ =	shalt  }

// kernel: kernel.28.cloned.1.call-start
scs
__scs_entry_jumppad:
0x0: {  	(pc) =	sbr.rel $0x88, $3  }
0x1: {  	(tag) =	ssettag $0x0;
	lr =	simm.s32 $0x1  }
0x2: {  	[smem:$0x3F99] =	sst lr;
	_ =	strace $0xD0000000  }
0x3: {  	_ = 	snop  }
0x4: {  	_ = 	snop  }
0x5: {  	_ = 	snop  }
0x6: {  	_ = 	snop  }
0x7: {  	_ = 	snop  }
__scs_overlays_trampoline_lowered:
0x8: {  	[smem:$0x3FA8] =	sst s0  }
0x9: {  	[smem:$0x3FA9] =	sst s1  }
0xa: {  	[smem:$0x3FAA] =	sst s2  }
0xb: {  	[smem:$0x3FAB] =	sst s3  }
0xc: {  	[smem:$0x3FAC] =	sst s4  }
0xd: {  	[smem:$0x3FAD] =	sst s5  }
0xe: {  	[smem:$0x3FAE] =	sst s6  }
0xf: {  	[smem:$0x3FAF] =	sst s7  }
0x10: {  	[smem:$0x3FB0] =	sst s8  }
0x11: {  	[smem:$0x3FB1] =	sst s9;
	s0 =	simm.s32 @!p0 $0x0  }
0x12: {  	s1 =	sld [smem:$0x3F97];
	s0 =	simm.s32 @p0 $0x1  }
0x13: {  	[smem:$0x3FB2] =	sst s0;
	s0 =	simm.s32 @!p1 $0x0  }
0x14: {  	s2 =	sld [smem:$0x3F96];
	s0 =	simm.s32 @p1 $0x1  }
0x15: {  	[smem:$0x3FB3] =	sst s0;
	s0 =	simm.s32 @!p2 $0x0  }
0x16: {  	s3 =	sld [smem:$0x3FDB];
	s0 =	simm.s32 @p2 $0x1  }
0x17: {  	s4 =	simm.s32 $0x1BF5;
	[smem:$0x3FB5] =	sst s0  }
0x18: {  	s0 =	sld [smem:$0x3F98];
	_ =	swait.ge [sflag:s4], $0x0  }
0x19: {  	s7 =	sld [smem:$0x3F99]  }
0x1a: {  	s8 =	sadd.s32 $0xFFFFE003, lr  }
0x1b: {  	s9 =	sadd.s32 $0xFFFFFEF7, lr;
	s5 =	simm.s32 $0xFFFFFFFF;
	p2 =	slt.u32 s8, $0xFFFFF086  }
0x1c: {  	p1 =	slt.u32 s9, $0xF7A;
	s5 =	simm.s32 @!p2 $0x0  }
0x1d: {  	s5 =	simm.s32 @p1 $0x1;
	p0 =	seq.s32 s7, s2  }
0x1e: {  	s7 =	smul.u32 @!p0 $0xF7A, s2;
	p2 =	seq.s32 @!p0 s5, $0x0  }
0x1f: {  	s9 =	smul.u32 $0xF7A, s1;
	s8 =	simm.s32 @!p0 $0x1BF5;
	p2 =	por !p2, p0  }
0x20: {  	[sflag:s8] =	ssyncset.s32 @!p0 $0xFFFFF086;
	s6 =	sadd.s32 @!p0 s3, s7;
	s7 =	simm.s32 @!p0 $0x108  }
0x21: {  	s3 =	sadd.s32 s3, s9;
	s6 =	sadd.s32 @!p0 $0x88, s6;
	s7 =	simm.s32 @p2 $0x1082  }
0x22: {  	[simem:s7], [sflag:s8] =	dma.local @!p0 [hbm:s6], $0xF7A  }
0x23: {  	s9 =	sor.u32 $0xD0000000, s2;
	s6 =	simm.s32 $0x108;
	_ =	swait.ge @!p0 [sflag:s8], $0x0  }
0x24: {  	s3 =	sadd.s32 $0x88, s3;
	s6 =	simm.s32 @!p1 $0x1082;
	[sflag:s4] =	ssyncset.s32 $0xFFFFF086  }
0x25: {  	[simem:s6], [sflag:s4] =	dma.local [hbm:s3], $0xF7A  }
0x26: {  	[smem:$0x3F99] =	sst s1;
	(tag) =	ssettag s2;
	_ =	strace s9  }
0x27: {  	s1 =	sld [smem:$0x3FA9]  }
0x28: {  	s2 =	sld [smem:$0x3FAA]  }
0x29: {  	s4 =	sld [smem:$0x3FAC]  }
0x2a: {  	p0 =	seq.s32 s5, $0x0;
	s5 =	sld [smem:$0x3FAD]  }
0x2b: {  	s6 =	sld [smem:$0x3FAE]  }
0x2c: {  	s7 =	sld [smem:$0x3FAF]  }
0x2d: {  	s3 =	simm.s32 $0x108;
	s8 =	sld [smem:$0x3FB0]  }
0x2e: {  	s3 =	simm.s32 @!p0 $0x1082;
	s9 =	sld [smem:$0x3FB1]  }
0x2f: {  	lr =	sadd.s32 s0, s3;
	s0 =	sld [smem:$0x3FA8]  }
0x30: {  	s3 =	sld [smem:$0x3FAB]  }
0x31: {  	[smem:$0x3FB4] =	sst s10  }
0x32: {  	s10 =	sld [smem:$0x3FB2];
	_ =	sdelay $0x3  }
0x33: {  	p0 =	seq.s32 s10, $0x1;
	s10 =	sld [smem:$0x3FB4];
	_ =	sdelay $0x3  }
0x34: {  	[smem:$0x3FB4] =	sst s10  }
0x35: {  	s10 =	sld [smem:$0x3FB3];
	_ =	sdelay $0x3  }
0x36: {  	p1 =	seq.s32 s10, $0x1;
	s10 =	sld [smem:$0x3FB4];
	_ =	sdelay $0x3  }
0x37: {  	[smem:$0x3FB4] =	sst s10  }
0x38: {  	s10 =	sld [smem:$0x3FB5]  }
0x39: {  	_ = 	snop;
	(pc) =	sbr.ind lr, $3  }
0x3a: {  	_ = 	snop  }
0x3b: {  	_ = 	snop  }
0x3c: {  	p2 =	seq.s32 s10, $0x1;
	s10 =	sld [smem:$0x3FB4]  }
0x3d: {  	_ =	shalt  }
0x3e: {  	_ =	shalt  }
0x3f: {  	_ =	shalt  }
0x40: {  	_ =	shalt  }
0x41: {  	_ =	shalt  }
0x42: {  	_ =	shalt  }
0x43: {  	_ =	shalt  }
0x44: {  	_ =	shalt  }
0x45: {  	_ =	shalt  }
0x46: {  	_ =	shalt  }
0x47: {  	_ =	shalt  }
0x48: {  	_ =	shalt  }
0x49: {  	_ =	shalt  }
0x4a: {  	_ =	shalt  }
0x4b: {  	_ =	shalt  }
0x4c: {  	_ =	shalt  }
0x4d: {  	_ =	shalt  }
0x4e: {  	_ =	shalt  }
0x4f: {  	_ =	shalt  }
0x50: {  	_ =	shalt  }
0x51: {  	_ =	shalt  }
0x52: {  	_ =	shalt  }
0x53: {  	_ =	shalt  }
0x54: {  	_ =	shalt  }
0x55: {  	_ =	shalt  }
0x56: {  	_ =	shalt  }
0x57: {  	_ =	shalt  }
0x58: {  	_ =	shalt  }
0x59: {  	_ =	shalt  }
0x5a: {  	_ =	shalt  }
0x5b: {  	_ =	shalt  }
0x5c: {  	_ =	shalt  }
0x5d: {  	_ =	shalt  }
0x5e: {  	_ =	shalt  }
0x5f: {  	_ =	shalt  }
0x60: {  	_ =	shalt  }
0x61: {  	_ =	shalt  }
0x62: {  	_ =	shalt  }
0x63: {  	_ =	shalt  }
0x64: {  	_ =	shalt  }
0x65: {  	_ =	shalt  }
0x66: {  	_ =	shalt  }
0x67: {  	_ =	shalt  }
0x68: {  	_ =	shalt  }
0x69: {  	_ =	shalt  }
0x6a: {  	_ =	shalt  }
0x6b: {  	_ =	shalt  }
0x6c: {  	_ =	shalt  }
0x6d: {  	_ =	shalt  }
0x6e: {  	_ =	shalt  }
0x6f: {  	_ =	shalt  }
0x70: {  	_ =	shalt  }
0x71: {  	_ =	shalt  }
0x72: {  	_ =	shalt  }
0x73: {  	_ =	shalt  }
0x74: {  	_ =	shalt  }
0x75: {  	_ =	shalt  }
0x76: {  	_ =	shalt  }
0x77: {  	_ =	shalt  }
0x78: {  	_ =	shalt  }
0x79: {  	_ =	shalt  }
0x7a: {  	_ =	shalt  }
0x7b: {  	_ =	shalt  }
0x7c: {  	_ =	shalt  }
0x7d: {  	_ =	shalt  }
0x7e: {  	_ =	shalt  }
0x7f: {  	_ =	shalt  }
0x80: {  	_ =	shalt  }
0x81: {  	_ =	shalt  }
0x82: {  	_ =	shalt  }
0x83: {  	_ =	shalt  }
0x84: {  	_ =	shalt  }
0x85: {  	_ =	shalt  }
0x86: {  	_ =	shalt  }
0x87: {  	_ =	shalt  }
.Lfunc_end0:
.L_simem_size_0:
called_computation.4_lowered:
.L_overlay_start_0:
0x88: {  	s2 =	sld [smem:$0x3FD9]  }
0x89: {  	s3 =	sld [smem:$0x3FFE];
	_ =	sdelay $0x1  }
0x8a: {  	s1 =	srdreg.scid  }
0x8b: {  	s0 =	sand.u32 $0x1, s1  }
0x8c: {  	s17 =	sshll.u32 s0, $0xA;
	s2 =	sadd.s32 s3, s2  }
0x8d: {  	s2 =	sadd.s32 s2, s17  }
0x8e: {  	[smem:$0x3FC0] =	sst s2  }
0x8f: {  	_ = 	snop  }
0x90: {  	(tm) =	ssettm $0x1  }
0x91: {  	s18 =	sld [smem:$0x3FFB];
	_ =	sdelay $0x3  }
0x92: {  	_ =	strace s18  }
0x93: {  	s2 =	sld [smem:$0x3FFC];
	_ =	sdelay $0x3  }
0x94: {  	_ =	strace s2  }
0x95: {  	s2 =	sld [smem:$0x3FFD];
	_ =	sdelay $0x3  }
0x96: {  	_ =	strace s2  }
0x97: {  	_ =	strace $0x8FFFFFFF  }
0x98: {  	s19 =	sld [smem:$0x3FDB];
	_ =	sdelay $0x1  }
0x99: {  	s20 =	simm.s32 $_scs_section_size  }
0x9a: {  	s4 =	simm.s32 $_size__tile_overlayer_lowered;
	s5 =	simm.s32 $_tile_overlayer_lowered  }
0x9b: {  	s6 =	simm.s32 $0x1BFF;
	s21 =	sshll.u32 s5, $0x1;
	s3 =	sadd.s32 s20, s19  }
0x9c: {  	s22 =	simm.s32 $0x0;
	s4 =	sshll.u32 s4, $0x1;
	s5 =	sadd.s32 s21, s3  }
0x9d: {  	[timem:s22], [sflag:s6] =	dma.local [hbm:s5], s4  }
0x9e: {  	_ =	swait.ge [sflag:s6], s4  }
0x9f: {  	s4 =	ssub.s32 $0x0, s4;
	[sflag:s6] =	ssyncset.done $0x0  }
0xa0: {  	[sflag:s6] =	ssyncadd.s32 s4;
	_ =	sdelay $0x1  }
0xa1: {  	s23 =	simm.s32 $0x1B8B  }
0xa2: {  	_ =	swait.ge [sflag:s23], $0x1  }
0xa3: {  	[sflag:s23] =	ssyncset.done $0x0  }
0xa4: {  	[sflag:s23] =	ssyncadd.s32 $0xFFFFFFFF  }
0xa5: {  	s4 =	sld [smem:$0x0]  }
0xa6: {  	s5 =	sand.u32 $0xFFFFFFFE, s1  }
0xa7: {  	p0 =	sne.s32 s1, s5  }
0xa8: {  	s5 =	sshll.u32 @p0 s5, $0xE  }
0xa9: {  	s5 =	sadd.s32 @p0 $0x11B8D, s5;
	s6 =	sshll.u32 @p0 s4, $0x11  }
0xaa: {  	s5 =	sor.u32 @p0 s6, s5  }
0xab: {  	[sflag:s5] =	ssyncadd.remote.s32 @p0 $0x1;
	_ =	sdelay $0x1  }
0xac: {  	s5 =	simm.s32 @p0 $0x1B8D  }
0xad: {  	_ =	swait.eq @p0 [sflag:s5], $0x1  }
0xae: {  	[sflag:s5] =	ssyncadd.s32 @p0 $0xFFFFFFFF  }
0xaf: {  	s6 =	sshll.u32 @!p0 s1, $0xE  }
0xb0: {  	s6 =	sor.u32 @!p0 $0x4000, s6;
	s5 =	simm.s32 @!p0 $0x1B8D  }
0xb1: {  	s4 =	sshll.u32 @!p0 s4, $0x11;
	s6 =	sadd.s32 @!p0 $0x11B8D, s6;
	_ =	swait.eq @!p0 [sflag:s5], $0x1  }
0xb2: {  	s4 =	sor.u32 @!p0 s4, s6;
	[sflag:s5] =	ssyncadd.s32 @!p0 $0xFFFFFFFF  }
0xb3: {  	s25 =	simm.s32 $0x1B8E;
	s24 =	sld [smem:$0x3FFE];
	[sflag:s4] =	ssyncadd.remote.s32 @!p0 $0x1  }
0xb4: {  	s26 =	simm.s32 $execute0_lowered;
	[smem:$0x3FD2] =	sst s25  }
0xb5: {  	s5 =	sshll.u32 s26, $0x1;
	_ =	strace $0x80000052;
	[dreg:$0x1] =	wrdreg $0xFFFFFFFF  }
0xb6: {  	s28 =	simm.s32 $_size_execute0_lowered;
	s3 =	sadd.s32 s3, s5;
	[dreg:$0x0] =	wrdreg $0x0  }
0xb7: {  	s5 =	sshll.u32 s28, $0x1;
	[dreg:$0x2] =	wrdreg s3  }
0xb8: {  	[dreg:$0x3] =	wrdreg s5  }
0xb9: {  	[dreg:$0x4] =	wrdreg $0xC0  }
0xba: {  	_ =	task [dreg:s22], $0x5FFFF  }
0xbb: {  	[dreg:$0x1] =	wrdreg $0xFFFFFFFF  }
0xbc: {  	[dreg:$0x0] =	wrdreg $0x60  }
0xbd: {  	[dreg:$0x2] =	wrdreg s24  }
0xbe: {  	[dreg:$0x3] =	wrdreg $0xD  }
0xbf: {  	_ =	task.clear_ibuf [dreg:s22], $0x4FFFF;
	_ =	strace $0x90000052  }
0xc0: {  	s29 =	simm.s32 $0xD;
	_ =	strace $0x80000054  }
0xc1: {  	_ =	swait.ge [sflag:s29], $0x1  }
0xc2: {  	[sflag:s29] =	ssyncadd.s32 $0xFFFFFFFF  }
0xc3: {  	_ =	strace $0x90000054  }
0xc4: {  	_ =	sfence  }
0xc5: {  	s30 =	sld [smem:$0x0];
	_ =	sdelay $0x2  }
0xc6: {  	s31 =	sshll.u32 s1, $0xD;
	s1 =	sshrl.u32 s1, $0x2  }
0xc7: {  	s4 =	sand.u32 $0x4000, s31;
	s1 =	sadd.s32 s1, s30  }
0xc8: {  	s0 =	sor.u32 s4, s0;
	s1 =	sshll.u32 s1, $0x11  }
0xc9: {  	s0 =	sor.u32 s1, s0  }
0xca: {  	s0 =	sadd.s32 $0x8F2B, s0  }
0xcb: {  	[sflag:s0] =	ssyncadd.remote.s32 $0x1  }
0xcc: {  	_ =	sfence.sel $0xFFFF  }
0xcd: {  	[dreg:$0x0] =	wrdreg $0xFFFFFFFF;
	(pc) =	sbr.abs _section_cstart, $3  }
0xce: {  	[dreg:$0x1] =	wrdreg $0xFFFFFFFF  }
0xcf: {  	_ =	task.clear_ibuf [dreg:s22], $0x2FFFF;
	_ =	strace $0x9FFFFFFF  }
0xd0: {  	(tm) =	ssettm $0x7FFFFFFF  }
0xd1: {  	_ =	shalt  }
tec
execute0_lowered:
.L_overlay_start_1:
0x0: {  	(tag) =	ssettag $0x1  }
0x1: {  	s4 =	rddreg [dreg:$0x0]  }
0x2: {  	s0 =	rddreg [dreg:$0x1]  }
0x3: {  	s2 =	simm.s32 $0x0;
	s3 =	srdreg.scid;
	s1 =	stileid.u32  }
0x4: {  	s13 =	simm.s32 $0x2400;
	s14 =	simm.s32 $0x100;
	s15 =	simm.s32 $0x4400  }
0x5: {  	s16 =	simm.s32 $0x180;
	s17 =	simm.s32 $0x6400;
	s18 =	simm.s32 $0x5  }
0x6: {  	s19 =	simm.s32 $0x6;
	s20 =	simm.s32 $0x0;
	s6 =	smul.u32 $0xD0000, s1  }
0x7: {  	s5 =	sand.u32 $0x1, s3;
	s23 =	sshll.u32 s1, $0x1;
	s24 =	smul.u32 $0x3400, s1  }
0x8: {  	[smem:$0x7FF] =	sst s2;
	s11 =	sadd.s32 $0x370800, s4;
	s7 =	smul.u32 $0x68000, s5  }
0x9: {  	s8 =	sor.u32 s5, s23;
	s10 =	ssub.s32 $0x2, s5;
	s5 =	smul.u32 $0x1A00, s5  }
0xa: {  	s3 =	sadd.s32 $0x3A00, s4;
	_ =	strace $0x80000053;
	s9 =	smul.u32 $0x1A00, s8  }
0xb: {  	s25 =	sshrl.u32 s10, $0x1;
	s26 =	smul.u32 $0x340, s8;
	s6 =	sadd.s32 s7, s6  }
0xc: {  	s5 =	sadd.s32 s5, s24;
	s29 =	ssub.s32 s10, s25;
	s10 =	simm.s32 $0x1  }
.Ltmp0:
0xd: {  	s6 =	sshrl.u32 s6, $0x3;
	s28 =	sshrl.u32 s9, $0x3;
	(pc) =	sbr.rel .LBB2_1-.Ltmp0, $4  }
0xe: {  	s30 =	sadd.s32 $0x400, s5;
	s9 =	simm.s32 $0x200;
	s12 =	sadd.s32 s6, s4  }
0xf: {  	s8 =	sadd.s32 s11, s28;
	s4 =	sadd.s32 s11, s26;
	s31 =	sshrl.u32 s30, $0x3  }
0x10: {  	s6 =	smax.u32 s29, $0x1;
	s5 =	sadd.s32 $0x40, s8;
	s7 =	sadd.s32 s31, s11  }
0x11: {  	s8 =	sadd.s32 $0x377000, s12;
	s11 =	simm.s32 $0x80;
	s12 =	simm.s32 $0x400  }
.LBB2_7:
0x12: {  	s20 =	sadd.s32 $0x1, s20  }
0x13: {  	_ =	swait.ge [sflag:s18], $0x8000;
	p0 =	sne.s32 s20, s6  }
.Ltmp1:
0x14: {  	[sflag:s18] =	ssyncset.done $0x0;
	(pc) =	sbr.rel @!p0 .LBB2_8-.Ltmp1, $4  }
0x15: {  	[sflag:s18] =	ssyncadd.s32 $0xFFFF8000  }
0x16: {  	_ =	swait.ge [sflag:s19], $0x8000  }
0x17: {  	[sflag:s19] =	ssyncset.done $0x0  }
0x18: {  	[sflag:s19] =	ssyncadd.s32 $0xFFFF8000  }
.LBB2_1:
0x19: {  	[tilespmem:s2], [sflag:$0x1] =	stream.linear.gather [hbm4b:s4+s2], $0x200, $0x38;
	[tilespmem:$0x10400] =	vst v63  }
0x1a: {  	_ = 	snop  }
0x1b: {  	[tilespmem:s9], [sflag:$0x2] =	stream.linear.gather [hbm4b:s5+s2], $0x200, $0x38;
	[tilespmem:$0x10400] =	vst v63  }
0x1c: {  	_ =	swait.ge [sflag:s10], $0x200  }
0x1d: {  	[sflag:s10] =	ssyncset.done $0x0  }
0x1e: {  	[sflag:s10] =	ssyncadd.s32 $0xFFFFFE00  }
0x1f: {  	[tilespmem:s12], [sflag:$0x3] =	stream.indirect.gather [hbm4b:s3+s11], $0x40, s2, s11, $0xb8;
	[tilespmem:$0x10400] =	vst v63  }
0x20: {  	_ = 	snop  }
0x21: {  	[tilespmem:s13], [sflag:$0x3] =	stream.indirect.gather [hbm4b:s3+s11], $0x40, s11, s11, $0xb8;
	[tilespmem:$0x10400] =	vst v63  }
.Ltmp2:
0x22: {  	_ = 	snop;
	(pc) =	sbr.rel .LBB2_2-.Ltmp2, $4  }
0x23: {  	_ = 	snop  }
0x24: {  	[tilespmem:s15], [sflag:$0x3] =	stream.indirect.gather [hbm4b:s3+s11], $0x40, s14, s11, $0xb8;
	[tilespmem:$0x10400] =	vst v63  }
0x25: {  	s21 =	smov.u32 s8;
	s22 =	smov.u32 s7;
	s23 =	simm.s32 $0x0  }
0x26: {  	[tilespmem:s17], [sflag:$0x3] =	stream.indirect.gather [hbm4b:s3+s11], $0x40, s16, s11, $0xb8;
	[tilespmem:$0x10400] =	vst v63  }
.LBB2_5:
0x27: {  	s26 =	sadd.s32 $0x1, s25  }
0x28: {  	s28 =	sshll.u32 s25, $0x9;
	_ =	swait.ge [sflag:s26], $0x200  }
0x29: {  	s29 =	sshll.u32 s25, $0xF;
	s25 =	sadd.s32 $0x3, s25;
	[sflag:s26] =	ssyncset.done $0x0  }
0x2a: {  	s30 =	sor.u32 $0x400, s29;
	s31 =	sor.u32 $0x80, s28;
	[sflag:s26] =	ssyncadd.s32 $0xFFFFFE00  }
0x2b: {  	[tilespmem:s30], [sflag:s25] =	stream.indirect.gather [hbm4b:s3+s11], $0x40, s28, s11, $0xb8;
	[tilespmem:$0x10400] =	vst v63  }
0x2c: {  	s30 =	sshll.u32 s31, $0x6  }
0x2d: {  	s29 =	sor.u32 $0x400, s30  }
0x2e: {  	[tilespmem:s29], [sflag:s25] =	stream.indirect.gather [hbm4b:s3+s11], $0x40, s31, s11, $0xb8;
	[tilespmem:$0x10400] =	vst v63  }
0x2f: {  	s31 =	sor.u32 $0x100, s28  }
0x30: {  	s30 =	sshll.u32 s31, $0x6  }
0x31: {  	s29 =	sor.u32 $0x400, s30  }
0x32: {  	[tilespmem:s29], [sflag:s25] =	stream.indirect.gather [hbm4b:s3+s11], $0x40, s31, s11, $0xb8;
	[tilespmem:$0x10400] =	vst v63  }
0x33: {  	s31 =	sor.u32 $0x180, s28  }
0x34: {  	s28 =	sshll.u32 s31, $0x6  }
0x35: {  	s28 =	sor.u32 $0x400, s28  }
0x36: {  	[tilespmem:s28], [sflag:s25] =	stream.indirect.gather [hbm4b:s3+s11], $0x40, s31, s11, $0xb8;
	[tilespmem:$0x10400] =	vst v63  }
.LBB2_6:
0x37: {  	s25 =	sadd.s32 $0x3, s24  }
0x38: {  	p0 =	sgt.u32 s23, $0xA;
	_ =	swait.ge [sflag:s25], $0x8000  }
0x39: {  	s23 =	sadd.s32 $0x1, s23;
	s28 =	sadd.s32 @!p0 $0x1, s24;
	[sflag:s25] =	ssyncset.done $0x0  }
0x3a: {  	s29 =	simm.s32 @!p0 $0x0;
	[sflag:s25] =	ssyncadd.s32 $0xFFFF8000;
	s25 =	sshll.u32 @!p0 s24, $0x9  }
0x3b: {  	[tilespmem:s25], [sflag:s28] =	stream.linear.gather @!p0 [hbm4b:s22+s29], $0x200, $0x38;
	[tilespmem:$0x10400] =	vst v63  }
0x3c: {  	p0 =	sne.s32 s23, $0xD  }
.Ltmp3:
0x3d: {  	_ = 	snop;
	(pc) =	sbr.rel @!p0 .LBB2_7-.Ltmp3, $4  }
0x3e: {  	s26 =	sshll.u32 s24, $0xF  }
0x3f: {  	s31 =	sadd.s32 $0x5, s24;
	s30 =	sor.u32 $0x400, s26  }
0x40: {  	[hbm4b:s21+s2] =	stream.linear.scatter [tilespmem:s30], [sflag:s31], $0x8000, $0x38;
	[tilespmem:$0x10400] =	vst v63  }
0x41: {  	s22 =	sadd.s32 $0x40, s22;
	s21 =	sadd.s32 $0x1000, s21  }
.LBB2_2:
0x42: {  	p0 =	seq.s32 s23, $0x0  }
.Ltmp4:
0x43: {  	_ = 	snop;
	(pc) =	sbr.rel @p0 .LBB2_5-.Ltmp4, $3  }
0x44: {  	_ =	sdelay $0x1  }
0x45: {  	s24 =	sand.u32 $0x1, s23  }
0x46: {  	s25 =	sxor.u32 $0x1, s24  }
0x47: {  	p0 =	seq.s32 s23, $0xC  }
.Ltmp5:
0x48: {  	_ = 	snop;
	(pc) =	sbr.rel @p0 .LBB2_6-.Ltmp5, $1  }
0x49: {  	_ =	sdelay $0x3  }
.Ltmp6:
0x4a: {  	(pc) =	sbr.rel .LBB2_5-.Ltmp6, $4  }
0x4b: {  	s26 =	sadd.s32 $0x5, s25  }
0x4c: {  	_ =	swait.ge [sflag:s26], $0x8000  }
0x4d: {  	[sflag:s26] =	ssyncset.done $0x0  }
0x4e: {  	[sflag:s26] =	ssyncadd.s32 $0xFFFF8000  }
.LBB2_8:
0x4f: {  	_ =	sfence.sel $0x180000  }
0x50: {  	[bflag:$0x0] =	sbarrier.arrive $0xFFFF  }
0x51: {  	p0 =	sne.s32 s1, $0x0;
	_ =	strace $0x90000053  }
0x52: {  	s0 =	sadd.s32 @!p0 $0x100000, s0;
	[bflag:$0x2] =	sbarrier.arrive $0xFFFF  }
0x53: {  	[sflag:s0] =	ssyncadd.tile.s32 @!p0 $0x1;
	_ =	shalt  }
.Lfunc_end2:
_tile_overlayer_lowered:
.L_overlay_start_2:
0x54: {  	(tag) =	ssettag $0x2  }
0x55: {  	s0 =	rddreg [dreg:$0x0];
	s2 =	stileid.u32  }
0x56: {  	s1 =	rddreg [dreg:$0x1];
	p0 =	sne.s32 s2, $0x0  }
0x57: {  	s3 =	rddreg [dreg:$0x2];
	[bflag:$0x3] =	sbarrier.arrive $0xFFFF;
	s2 =	simm.s32 @!p0 $0x1C07  }
0x58: {  	[timem:s3], [sflag:s2] =	dma.local @!p0 [hbm:s0], s1  }
0x59: {  	s0 =	simm.s32 @!p0 $0x7  }
0x5a: {  	_ =	swait.ge @!p0 [sflag:s0], s1  }
0x5b: {  	s1 =	ssub.s32 @!p0 $0x0, s1;
	[sflag:s0] =	ssyncset.done @!p0 $0x0  }
0x5c: {  	[sflag:s0] =	ssyncadd.s32 @!p0 s1  }
0x5d: {  	[bflag:$0x3] =	sbarrier.arrive $0xFFFF  }
0x5e: {  	_ =	shalt  }

// kernel: kernel.31.cloned.1.call-start
scs
__scs_entry_jumppad:
0x0: {  	(pc) =	sbr.rel $0x88, $3  }
0x1: {  	(tag) =	ssettag $0x0;
	lr =	simm.s32 $0x1  }
0x2: {  	[smem:$0x3F99] =	sst lr;
	_ =	strace $0xD0000000  }
0x3: {  	_ = 	snop  }
0x4: {  	_ = 	snop  }
0x5: {  	_ = 	snop  }
0x6: {  	_ = 	snop  }
0x7: {  	_ = 	snop  }
__scs_overlays_trampoline_lowered:
0x8: {  	[smem:$0x3FA8] =	sst s0  }
0x9: {  	[smem:$0x3FA9] =	sst s1  }
0xa: {  	[smem:$0x3FAA] =	sst s2  }
0xb: {  	[smem:$0x3FAB] =	sst s3  }
0xc: {  	[smem:$0x3FAC] =	sst s4  }
0xd: {  	[smem:$0x3FAD] =	sst s5  }
0xe: {  	[smem:$0x3FAE] =	sst s6  }
0xf: {  	[smem:$0x3FAF] =	sst s7  }
0x10: {  	[smem:$0x3FB0] =	sst s8  }
0x11: {  	[smem:$0x3FB1] =	sst s9;
	s0 =	simm.s32 @!p0 $0x0  }
0x12: {  	s1 =	sld [smem:$0x3F97];
	s0 =	simm.s32 @p0 $0x1  }
0x13: {  	[smem:$0x3FB2] =	sst s0;
	s0 =	simm.s32 @!p1 $0x0  }
0x14: {  	s2 =	sld [smem:$0x3F96];
	s0 =	simm.s32 @p1 $0x1  }
0x15: {  	[smem:$0x3FB3] =	sst s0;
	s0 =	simm.s32 @!p2 $0x0  }
0x16: {  	s3 =	sld [smem:$0x3FDB];
	s0 =	simm.s32 @p2 $0x1  }
0x17: {  	s4 =	simm.s32 $0x1BF5;
	[smem:$0x3FB5] =	sst s0  }
0x18: {  	s0 =	sld [smem:$0x3F98];
	_ =	swait.ge [sflag:s4], $0x0  }
0x19: {  	s7 =	sld [smem:$0x3F99]  }
0x1a: {  	s8 =	sadd.s32 $0xFFFFE003, lr  }
0x1b: {  	s9 =	sadd.s32 $0xFFFFFEF7, lr;
	s5 =	simm.s32 $0xFFFFFFFF;
	p2 =	slt.u32 s8, $0xFFFFF086  }
0x1c: {  	p1 =	slt.u32 s9, $0xF7A;
	s5 =	simm.s32 @!p2 $0x0  }
0x1d: {  	s5 =	simm.s32 @p1 $0x1;
	p0 =	seq.s32 s7, s2  }
0x1e: {  	s7 =	smul.u32 @!p0 $0xF7A, s2;
	p2 =	seq.s32 @!p0 s5, $0x0  }
0x1f: {  	s9 =	smul.u32 $0xF7A, s1;
	s8 =	simm.s32 @!p0 $0x1BF5;
	p2 =	por !p2, p0  }
0x20: {  	[sflag:s8] =	ssyncset.s32 @!p0 $0xFFFFF086;
	s6 =	sadd.s32 @!p0 s3, s7;
	s7 =	simm.s32 @!p0 $0x108  }
0x21: {  	s3 =	sadd.s32 s3, s9;
	s6 =	sadd.s32 @!p0 $0x88, s6;
	s7 =	simm.s32 @p2 $0x1082  }
0x22: {  	[simem:s7], [sflag:s8] =	dma.local @!p0 [hbm:s6], $0xF7A  }
0x23: {  	s9 =	sor.u32 $0xD0000000, s2;
	s6 =	simm.s32 $0x108;
	_ =	swait.ge @!p0 [sflag:s8], $0x0  }
0x24: {  	s3 =	sadd.s32 $0x88, s3;
	s6 =	simm.s32 @!p1 $0x1082;
	[sflag:s4] =	ssyncset.s32 $0xFFFFF086  }
0x25: {  	[simem:s6], [sflag:s4] =	dma.local [hbm:s3], $0xF7A  }
0x26: {  	[smem:$0x3F99] =	sst s1;
	(tag) =	ssettag s2;
	_ =	strace s9  }
0x27: {  	s1 =	sld [smem:$0x3FA9]  }
0x28: {  	s2 =	sld [smem:$0x3FAA]  }
0x29: {  	s4 =	sld [smem:$0x3FAC]  }
0x2a: {  	p0 =	seq.s32 s5, $0x0;
	s5 =	sld [smem:$0x3FAD]  }
0x2b: {  	s6 =	sld [smem:$0x3FAE]  }
0x2c: {  	s7 =	sld [smem:$0x3FAF]  }
0x2d: {  	s3 =	simm.s32 $0x108;
	s8 =	sld [smem:$0x3FB0]  }
0x2e: {  	s3 =	simm.s32 @!p0 $0x1082;
	s9 =	sld [smem:$0x3FB1]  }
0x2f: {  	lr =	sadd.s32 s0, s3;
	s0 =	sld [smem:$0x3FA8]  }
0x30: {  	s3 =	sld [smem:$0x3FAB]  }
0x31: {  	[smem:$0x3FB4] =	sst s10  }
0x32: {  	s10 =	sld [smem:$0x3FB2];
	_ =	sdelay $0x3  }
0x33: {  	p0 =	seq.s32 s10, $0x1;
	s10 =	sld [smem:$0x3FB4];
	_ =	sdelay $0x3  }
0x34: {  	[smem:$0x3FB4] =	sst s10  }
0x35: {  	s10 =	sld [smem:$0x3FB3];
	_ =	sdelay $0x3  }
0x36: {  	p1 =	seq.s32 s10, $0x1;
	s10 =	sld [smem:$0x3FB4];
	_ =	sdelay $0x3  }
0x37: {  	[smem:$0x3FB4] =	sst s10  }
0x38: {  	s10 =	sld [smem:$0x3FB5]  }
0x39: {  	_ = 	snop;
	(pc) =	sbr.ind lr, $3  }
0x3a: {  	_ = 	snop  }
0x3b: {  	_ = 	snop  }
0x3c: {  	p2 =	seq.s32 s10, $0x1;
	s10 =	sld [smem:$0x3FB4]  }
0x3d: {  	_ =	shalt  }
0x3e: {  	_ =	shalt  }
0x3f: {  	_ =	shalt  }
0x40: {  	_ =	shalt  }
0x41: {  	_ =	shalt  }
0x42: {  	_ =	shalt  }
0x43: {  	_ =	shalt  }
0x44: {  	_ =	shalt  }
0x45: {  	_ =	shalt  }
0x46: {  	_ =	shalt  }
0x47: {  	_ =	shalt  }
0x48: {  	_ =	shalt  }
0x49: {  	_ =	shalt  }
0x4a: {  	_ =	shalt  }
0x4b: {  	_ =	shalt  }
0x4c: {  	_ =	shalt  }
0x4d: {  	_ =	shalt  }
0x4e: {  	_ =	shalt  }
0x4f: {  	_ =	shalt  }
0x50: {  	_ =	shalt  }
0x51: {  	_ =	shalt  }
0x52: {  	_ =	shalt  }
0x53: {  	_ =	shalt  }
0x54: {  	_ =	shalt  }
0x55: {  	_ =	shalt  }
0x56: {  	_ =	shalt  }
0x57: {  	_ =	shalt  }
0x58: {  	_ =	shalt  }
0x59: {  	_ =	shalt  }
0x5a: {  	_ =	shalt  }
0x5b: {  	_ =	shalt  }
0x5c: {  	_ =	shalt  }
0x5d: {  	_ =	shalt  }
0x5e: {  	_ =	shalt  }
0x5f: {  	_ =	shalt  }
0x60: {  	_ =	shalt  }
0x61: {  	_ =	shalt  }
0x62: {  	_ =	shalt  }
0x63: {  	_ =	shalt  }
0x64: {  	_ =	shalt  }
0x65: {  	_ =	shalt  }
0x66: {  	_ =	shalt  }
0x67: {  	_ =	shalt  }
0x68: {  	_ =	shalt  }
0x69: {  	_ =	shalt  }
0x6a: {  	_ =	shalt  }
0x6b: {  	_ =	shalt  }
0x6c: {  	_ =	shalt  }
0x6d: {  	_ =	shalt  }
0x6e: {  	_ =	shalt  }
0x6f: {  	_ =	shalt  }
0x70: {  	_ =	shalt  }
0x71: {  	_ =	shalt  }
0x72: {  	_ =	shalt  }
0x73: {  	_ =	shalt  }
0x74: {  	_ =	shalt  }
0x75: {  	_ =	shalt  }
0x76: {  	_ =	shalt  }
0x77: {  	_ =	shalt  }
0x78: {  	_ =	shalt  }
0x79: {  	_ =	shalt  }
0x7a: {  	_ =	shalt  }
0x7b: {  	_ =	shalt  }
0x7c: {  	_ =	shalt  }
0x7d: {  	_ =	shalt  }
0x7e: {  	_ =	shalt  }
0x7f: {  	_ =	shalt  }
0x80: {  	_ =	shalt  }
0x81: {  	_ =	shalt  }
0x82: {  	_ =	shalt  }
0x83: {  	_ =	shalt  }
0x84: {  	_ =	shalt  }
0x85: {  	_ =	shalt  }
0x86: {  	_ =	shalt  }
0x87: {  	_ =	shalt  }
.Lfunc_end0:
.L_simem_size_0:
called_computation.5_lowered:
.L_overlay_start_0:
0x88: {  	s2 =	sld [smem:$0x3FD9]  }
0x89: {  	s3 =	sld [smem:$0x3FFE];
	_ =	sdelay $0x1  }
0x8a: {  	s1 =	srdreg.scid  }
0x8b: {  	s0 =	sand.u32 $0x1, s1  }
0x8c: {  	s17 =	sshll.u32 s0, $0xA;
	s2 =	sadd.s32 s3, s2  }
0x8d: {  	s2 =	sadd.s32 s2, s17  }
0x8e: {  	[smem:$0x3FC0] =	sst s2  }
0x8f: {  	_ = 	snop  }
0x90: {  	(tm) =	ssettm $0x1  }
0x91: {  	s18 =	sld [smem:$0x3FFB];
	_ =	sdelay $0x3  }
0x92: {  	_ =	strace s18  }
0x93: {  	s2 =	sld [smem:$0x3FFC];
	_ =	sdelay $0x3  }
0x94: {  	_ =	strace s2  }
0x95: {  	s2 =	sld [smem:$0x3FFD];
	_ =	sdelay $0x3  }
0x96: {  	_ =	strace s2  }
0x97: {  	_ =	strace $0x8FFFFFFF  }
0x98: {  	s19 =	sld [smem:$0x3FDB];
	_ =	sdelay $0x1  }
0x99: {  	s20 =	simm.s32 $_scs_section_size  }
0x9a: {  	s4 =	simm.s32 $_size__tile_overlayer_lowered;
	s5 =	simm.s32 $_tile_overlayer_lowered  }
0x9b: {  	s6 =	simm.s32 $0x1BFF;
	s21 =	sshll.u32 s5, $0x1;
	s3 =	sadd.s32 s20, s19  }
0x9c: {  	s22 =	simm.s32 $0x0;
	s4 =	sshll.u32 s4, $0x1;
	s5 =	sadd.s32 s21, s3  }
0x9d: {  	[timem:s22], [sflag:s6] =	dma.local [hbm:s5], s4  }
0x9e: {  	_ =	swait.ge [sflag:s6], s4  }
0x9f: {  	s4 =	ssub.s32 $0x0, s4;
	[sflag:s6] =	ssyncset.done $0x0  }
0xa0: {  	[sflag:s6] =	ssyncadd.s32 s4;
	_ =	sdelay $0x1  }
0xa1: {  	s23 =	simm.s32 $0x1B8B  }
0xa2: {  	_ =	swait.ge [sflag:s23], $0x1  }
0xa3: {  	[sflag:s23] =	ssyncset.done $0x0  }
0xa4: {  	[sflag:s23] =	ssyncadd.s32 $0xFFFFFFFF  }
0xa5: {  	s4 =	sld [smem:$0x0]  }
0xa6: {  	s5 =	sand.u32 $0xFFFFFFFE, s1  }
0xa7: {  	p0 =	sne.s32 s1, s5  }
0xa8: {  	s5 =	sshll.u32 @p0 s5, $0xE  }
0xa9: {  	s5 =	sadd.s32 @p0 $0x11B8D, s5;
	s6 =	sshll.u32 @p0 s4, $0x11  }
0xaa: {  	s5 =	sor.u32 @p0 s6, s5  }
0xab: {  	[sflag:s5] =	ssyncadd.remote.s32 @p0 $0x1;
	_ =	sdelay $0x1  }
0xac: {  	s5 =	simm.s32 @p0 $0x1B8D  }
0xad: {  	_ =	swait.eq @p0 [sflag:s5], $0x1  }
0xae: {  	[sflag:s5] =	ssyncadd.s32 @p0 $0xFFFFFFFF  }
0xaf: {  	s6 =	sshll.u32 @!p0 s1, $0xE  }
0xb0: {  	s6 =	sor.u32 @!p0 $0x4000, s6;
	s5 =	simm.s32 @!p0 $0x1B8D  }
0xb1: {  	s4 =	sshll.u32 @!p0 s4, $0x11;
	s6 =	sadd.s32 @!p0 $0x11B8D, s6;
	_ =	swait.eq @!p0 [sflag:s5], $0x1  }
0xb2: {  	s4 =	sor.u32 @!p0 s4, s6;
	[sflag:s5] =	ssyncadd.s32 @!p0 $0xFFFFFFFF  }
0xb3: {  	s25 =	simm.s32 $0x1B8E;
	s24 =	sld [smem:$0x3FFE];
	[sflag:s4] =	ssyncadd.remote.s32 @!p0 $0x1  }
0xb4: {  	s26 =	simm.s32 $execute0_lowered;
	[smem:$0x3FD2] =	sst s25  }
0xb5: {  	s5 =	sshll.u32 s26, $0x1;
	_ =	strace $0x80000055;
	[dreg:$0x1] =	wrdreg $0xFFFFFFFF  }
0xb6: {  	s28 =	simm.s32 $_size_execute0_lowered;
	s3 =	sadd.s32 s3, s5;
	[dreg:$0x0] =	wrdreg $0x0  }
0xb7: {  	s5 =	sshll.u32 s28, $0x1;
	[dreg:$0x2] =	wrdreg s3  }
0xb8: {  	[dreg:$0x3] =	wrdreg s5  }
0xb9: {  	[dreg:$0x4] =	wrdreg $0xC0  }
0xba: {  	_ =	task [dreg:s22], $0x5FFFF  }
0xbb: {  	[dreg:$0x1] =	wrdreg $0xFFFFFFFF  }
0xbc: {  	[dreg:$0x0] =	wrdreg $0x60  }
0xbd: {  	[dreg:$0x2] =	wrdreg s24  }
0xbe: {  	[dreg:$0x3] =	wrdreg $0xE  }
0xbf: {  	_ =	task.clear_ibuf [dreg:s22], $0x4FFFF;
	_ =	strace $0x90000055  }
0xc0: {  	s29 =	simm.s32 $0xE;
	_ =	strace $0x80000057  }
0xc1: {  	_ =	swait.ge [sflag:s29], $0x1  }
0xc2: {  	[sflag:s29] =	ssyncadd.s32 $0xFFFFFFFF  }
0xc3: {  	_ =	strace $0x90000057  }
0xc4: {  	_ =	sfence  }
0xc5: {  	s30 =	sld [smem:$0x0];
	_ =	sdelay $0x2  }
0xc6: {  	s31 =	sshll.u32 s1, $0xD;
	s1 =	sshrl.u32 s1, $0x2  }
0xc7: {  	s4 =	sand.u32 $0x4000, s31;
	s1 =	sadd.s32 s1, s30  }
0xc8: {  	s0 =	sor.u32 s4, s0;
	s1 =	sshll.u32 s1, $0x11  }
0xc9: {  	s0 =	sor.u32 s1, s0  }
0xca: {  	s0 =	sadd.s32 $0x8F2B, s0  }
0xcb: {  	[sflag:s0] =	ssyncadd.remote.s32 $0x1  }
0xcc: {  	_ =	sfence.sel $0xFFFF  }
0xcd: {  	[dreg:$0x0] =	wrdreg $0xFFFFFFFF;
	(pc) =	sbr.abs _section_cstart, $3  }
0xce: {  	[dreg:$0x1] =	wrdreg $0xFFFFFFFF  }
0xcf: {  	_ =	task.clear_ibuf [dreg:s22], $0x2FFFF;
	_ =	strace $0x9FFFFFFF  }
0xd0: {  	(tm) =	ssettm $0x7FFFFFFF  }
0xd1: {  	_ =	shalt  }
tec
execute0_lowered:
.L_overlay_start_1:
0x0: {  	(tag) =	ssettag $0x1  }
0x1: {  	s4 =	rddreg [dreg:$0x0]  }
0x2: {  	s0 =	rddreg [dreg:$0x1];
	s1 =	simm.s32 $0x0;
	s5 =	srdreg.scid  }
0x3: {  	s2 =	stileid.u32;
	s12 =	simm.s32 $0x400;
	s13 =	simm.s32 $0x2400  }
0x4: {  	s14 =	simm.s32 $0x100;
	s15 =	simm.s32 $0x4400;
	s16 =	simm.s32 $0x180  }
0x5: {  	s17 =	simm.s32 $0x6400;
	s18 =	simm.s32 $0x5;
	s19 =	simm.s32 $0x6  }
0x6: {  	s20 =	simm.s32 $0x0;
	[smem:$0x7FF] =	sst s1;
	s3 =	sadd.s32 $0x3A00, s4  }
0x7: {  	s5 =	sand.u32 $0x1, s5;
	s6 =	sadd.s32 $0x517000, s4;
	s7 =	sshll.u32 s2, $0x11  }
0x8: {  	s10 =	sshll.u32 s2, $0xB;
	_ =	strace $0x80000056;
	s8 =	ssub.s32 $0x2, s5  }
0x9: {  	s11 =	sshll.u32 s5, $0xA;
	s7 =	sadd.s32 s7, s4;
	s31 =	sshll.u32 s5, $0x10  }
.Ltmp0:
0xa: {  	s9 =	sshrl.u32 s8, $0x1;
	s30 =	sor.u32 s11, s10;
	(pc) =	sbr.rel .LBB2_1-.Ltmp0, $4  }
0xb: {  	s8 =	ssub.s32 s8, s9;
	s4 =	sadd.s32 s6, s30;
	s6 =	sadd.s32 s10, s6  }
0xc: {  	s9 =	sadd.s32 s31, s7;
	s5 =	sadd.s32 $0x40, s4;
	s10 =	sadd.s32 s11, s6  }
0xd: {  	s6 =	smax.u32 s8, $0x1;
	s8 =	sadd.s32 $0x51F000, s9;
	s9 =	simm.s32 $0x200  }
0xe: {  	s11 =	simm.s32 $0x80;
	s7 =	sadd.s32 $0x80, s10;
	s10 =	simm.s32 $0x1  }
.LBB2_7:
0xf: {  	s20 =	sadd.s32 $0x1, s20  }
0x10: {  	_ =	swait.ge [sflag:s18], $0x8000;
	p0 =	sne.s32 s20, s6  }
.Ltmp1:
0x11: {  	[sflag:s18] =	ssyncset.done $0x0;
	(pc) =	sbr.rel @!p0 .LBB2_8-.Ltmp1, $4  }
0x12: {  	[sflag:s18] =	ssyncadd.s32 $0xFFFF8000  }
0x13: {  	_ =	swait.ge [sflag:s19], $0x8000  }
0x14: {  	[sflag:s19] =	ssyncset.done $0x0  }
0x15: {  	[sflag:s19] =	ssyncadd.s32 $0xFFFF8000  }
.LBB2_1:
0x16: {  	[tilespmem:s1], [sflag:$0x1] =	stream.linear.gather [hbm4b:s4+s1], $0x200, $0x38;
	[tilespmem:$0x10400] =	vst v63  }
0x17: {  	_ = 	snop  }
0x18: {  	[tilespmem:s9], [sflag:$0x2] =	stream.linear.gather [hbm4b:s5+s1], $0x200, $0x38;
	[tilespmem:$0x10400] =	vst v63  }
0x19: {  	_ =	swait.ge [sflag:s10], $0x200  }
0x1a: {  	[sflag:s10] =	ssyncset.done $0x0  }
0x1b: {  	[sflag:s10] =	ssyncadd.s32 $0xFFFFFE00  }
0x1c: {  	[tilespmem:s12], [sflag:$0x3] =	stream.indirect.gather [hbm4b:s3+s11], $0x40, s1, s11, $0xb8;
	[tilespmem:$0x10400] =	vst v63  }
0x1d: {  	_ = 	snop  }
0x1e: {  	[tilespmem:s13], [sflag:$0x3] =	stream.indirect.gather [hbm4b:s3+s11], $0x40, s11, s11, $0xb8;
	[tilespmem:$0x10400] =	vst v63  }
.Ltmp2:
0x1f: {  	_ = 	snop;
	(pc) =	sbr.rel .LBB2_2-.Ltmp2, $4  }
0x20: {  	_ = 	snop  }
0x21: {  	[tilespmem:s15], [sflag:$0x3] =	stream.indirect.gather [hbm4b:s3+s11], $0x40, s14, s11, $0xb8;
	[tilespmem:$0x10400] =	vst v63  }
0x22: {  	s21 =	smov.u32 s8;
	s22 =	smov.u32 s7;
	s23 =	simm.s32 $0x0  }
0x23: {  	[tilespmem:s17], [sflag:$0x3] =	stream.indirect.gather [hbm4b:s3+s11], $0x40, s16, s11, $0xb8;
	[tilespmem:$0x10400] =	vst v63  }
.LBB2_5:
0x24: {  	s26 =	sadd.s32 $0x1, s25  }
0x25: {  	s28 =	sshll.u32 s25, $0x9;
	_ =	swait.ge [sflag:s26], $0x200  }
0x26: {  	s29 =	sshll.u32 s25, $0xF;
	s25 =	sadd.s32 $0x3, s25;
	[sflag:s26] =	ssyncset.done $0x0  }
0x27: {  	s30 =	sor.u32 $0x400, s29;
	s31 =	sor.u32 $0x80, s28;
	[sflag:s26] =	ssyncadd.s32 $0xFFFFFE00  }
0x28: {  	[tilespmem:s30], [sflag:s25] =	stream.indirect.gather [hbm4b:s3+s11], $0x40, s28, s11, $0xb8;
	[tilespmem:$0x10400] =	vst v63  }
0x29: {  	s30 =	sshll.u32 s31, $0x6  }
0x2a: {  	s29 =	sor.u32 $0x400, s30  }
0x2b: {  	[tilespmem:s29], [sflag:s25] =	stream.indirect.gather [hbm4b:s3+s11], $0x40, s31, s11, $0xb8;
	[tilespmem:$0x10400] =	vst v63  }
0x2c: {  	s31 =	sor.u32 $0x100, s28  }
0x2d: {  	s30 =	sshll.u32 s31, $0x6  }
0x2e: {  	s29 =	sor.u32 $0x400, s30  }
0x2f: {  	[tilespmem:s29], [sflag:s25] =	stream.indirect.gather [hbm4b:s3+s11], $0x40, s31, s11, $0xb8;
	[tilespmem:$0x10400] =	vst v63  }
0x30: {  	s31 =	sor.u32 $0x180, s28  }
0x31: {  	s28 =	sshll.u32 s31, $0x6  }
0x32: {  	s28 =	sor.u32 $0x400, s28  }
0x33: {  	[tilespmem:s28], [sflag:s25] =	stream.indirect.gather [hbm4b:s3+s11], $0x40, s31, s11, $0xb8;
	[tilespmem:$0x10400] =	vst v63  }
.LBB2_6:
0x34: {  	s25 =	sadd.s32 $0x3, s24  }
0x35: {  	p0 =	sgt.u32 s23, $0xD;
	_ =	swait.ge [sflag:s25], $0x8000  }
0x36: {  	s23 =	sadd.s32 $0x1, s23;
	s28 =	sadd.s32 @!p0 $0x1, s24;
	[sflag:s25] =	ssyncset.done $0x0  }
0x37: {  	s29 =	simm.s32 @!p0 $0x0;
	[sflag:s25] =	ssyncadd.s32 $0xFFFF8000;
	s25 =	sshll.u32 @!p0 s24, $0x9  }
0x38: {  	[tilespmem:s25], [sflag:s28] =	stream.linear.gather @!p0 [hbm4b:s22+s29], $0x200, $0x38;
	[tilespmem:$0x10400] =	vst v63  }
0x39: {  	p0 =	sne.s32 s23, $0x10  }
.Ltmp3:
0x3a: {  	_ = 	snop;
	(pc) =	sbr.rel @!p0 .LBB2_7-.Ltmp3, $4  }
0x3b: {  	s26 =	sshll.u32 s24, $0xF  }
0x3c: {  	s31 =	sadd.s32 $0x5, s24;
	s30 =	sor.u32 $0x400, s26  }
0x3d: {  	[hbm4b:s21+s1] =	stream.linear.scatter [tilespmem:s30], [sflag:s31], $0x8000, $0x38;
	[tilespmem:$0x10400] =	vst v63  }
0x3e: {  	s22 =	sadd.s32 $0x40, s22;
	s21 =	sadd.s32 $0x1000, s21  }
.LBB2_2:
0x3f: {  	p0 =	seq.s32 s23, $0x0  }
.Ltmp4:
0x40: {  	_ = 	snop;
	(pc) =	sbr.rel @p0 .LBB2_5-.Ltmp4, $3  }
0x41: {  	_ =	sdelay $0x1  }
0x42: {  	s24 =	sand.u32 $0x1, s23  }
0x43: {  	s25 =	sxor.u32 $0x1, s24  }
0x44: {  	p0 =	seq.s32 s23, $0xF  }
.Ltmp5:
0x45: {  	_ = 	snop;
	(pc) =	sbr.rel @p0 .LBB2_6-.Ltmp5, $1  }
0x46: {  	_ =	sdelay $0x3  }
.Ltmp6:
0x47: {  	(pc) =	sbr.rel .LBB2_5-.Ltmp6, $4  }
0x48: {  	s26 =	sadd.s32 $0x5, s25  }
0x49: {  	_ =	swait.ge [sflag:s26], $0x8000  }
0x4a: {  	[sflag:s26] =	ssyncset.done $0x0  }
0x4b: {  	[sflag:s26] =	ssyncadd.s32 $0xFFFF8000  }
.LBB2_8:
0x4c: {  	_ =	sfence.sel $0x180000  }
0x4d: {  	[bflag:$0x0] =	sbarrier.arrive $0xFFFF  }
0x4e: {  	p0 =	sne.s32 s2, $0x0;
	_ =	strace $0x90000056  }
0x4f: {  	s0 =	sadd.s32 @!p0 $0x100000, s0;
	[bflag:$0x2] =	sbarrier.arrive $0xFFFF  }
0x50: {  	[sflag:s0] =	ssyncadd.tile.s32 @!p0 $0x1;
	_ =	shalt  }
.Lfunc_end2:
_tile_overlayer_lowered:
.L_overlay_start_2:
0x51: {  	(tag) =	ssettag $0x2  }
0x52: {  	s0 =	rddreg [dreg:$0x0];
	s2 =	stileid.u32  }
0x53: {  	s1 =	rddreg [dreg:$0x1];
	p0 =	sne.s32 s2, $0x0  }
0x54: {  	s3 =	rddreg [dreg:$0x2];
	[bflag:$0x3] =	sbarrier.arrive $0xFFFF;
	s2 =	simm.s32 @!p0 $0x1C07  }
0x55: {  	[timem:s3], [sflag:s2] =	dma.local @!p0 [hbm:s0], s1  }
0x56: {  	s0 =	simm.s32 @!p0 $0x7  }
0x57: {  	_ =	swait.ge @!p0 [sflag:s0], s1  }
0x58: {  	s1 =	ssub.s32 @!p0 $0x0, s1;
	[sflag:s0] =	ssyncset.done @!p0 $0x0  }
0x59: {  	[sflag:s0] =	ssyncadd.s32 @!p0 s1  }
0x5a: {  	[bflag:$0x3] =	sbarrier.arrive $0xFFFF  }
0x5b: {  	_ =	shalt  }

</sc_bundles>
